<compile_context>
chip_gen: v7x
topology: tpu7x:2x2x1
jax: 0.10.2.dev20260603
libtpu: 0.0.44.dev20260713+nightly
codegen_flags: <defaults>
</compile_context>

<pallas_src>
import functools

import numpy as np
import jax
import jax.numpy as jnp
from jax import lax
from jax.experimental import pallas as pl
from jax.experimental.pallas import tpu as pltpu
from jax.experimental.pallas import tpu_sc as plsc

NODE_EMB = 64
EDGE_EMB = 64
D_MODEL = 128
WPR = NODE_EMB // 2
LANES = 128
ROWS_PER_GRP = 5
GRP = LANES * ROWS_PER_GRP
N_CHUNKS = 4
BB = 32
RB = BB * 200
_TCB = 4096
_TCB_SHIFT = _TCB.bit_length() - 1


def _pe_table(seq_len, d_model):
    pos = np.arange(seq_len, dtype=np.float32)[:, None]
    div = np.exp(np.arange(0, d_model, 2, dtype=np.float32)
                 * (-np.log(10000.0) / d_model))
    pe = np.zeros((seq_len, d_model), dtype=np.float32)
    pe[:, 0::2] = np.sin(pos * div)
    pe[:, 1::2] = np.cos(pos * div)
    return pe


def _rne_bf16(x):
    u = lax.bitcast_convert_type(x, jnp.int32)
    return lax.shift_right_logical(
        u + 0x7FFF + (lax.shift_right_logical(u, 16) & 1), 16)


def _transp_body(a0, a1, a2, a3, o_ref):
    for k, a in enumerate((a0, a1, a2, a3)):
        blk = a[...]
        word = _rne_bf16(blk[:WPR, :]) | (_rne_bf16(blk[WPR:, :]) << 16)
        o_ref[:, k * WPR:(k + 1) * WPR] = word.T


def _relayout_table(table):
    V = table.shape[0]
    grid_n = (V + 4 * _TCB - 1) // (4 * _TCB)
    max_blk = (V + _TCB - 1) // _TCB - 1
    tT = table.T
    specs = [
        pl.BlockSpec((NODE_EMB, _TCB),
                     lambda i, k=k, m=max_blk: (0, jnp.minimum(4 * i + k, m)))
        for k in range(4)
    ]
    packed = pl.pallas_call(
        _transp_body,
        grid=(grid_n,),
        in_specs=specs,
        out_specs=pl.BlockSpec((_TCB, 4 * WPR), lambda i: (i, 0)),
        out_shape=jax.ShapeDtypeStruct((grid_n * _TCB, 4 * WPR), jnp.int32),
    )(tT, tT, tT, tT)
    return packed.reshape(grid_n * 4 * _TCB, WPR)


def _remap_idx(idx):
    r = idx & (4 * _TCB - 1)
    return (idx - r) + ((r & (_TCB - 1)) << 2) + (r >> _TCB_SHIFT)


def _sc_gather(n_idx_rows, n_tokens):
    info = plsc.get_sparse_core_info()
    nc, ns = info.num_cores, info.num_subcores
    nw = nc * ns
    rows_per_w = n_idx_rows // nw
    grps = rows_per_w // ROWS_PER_GRP
    grps_half = grps // 2
    cat_per_w = rows_per_w * LANES // 2
    mesh = plsc.VectorSubcoreMesh(core_axis_name="c", subcore_axis_name="s")

    @functools.partial(
        pl.kernel, mesh=mesh,
        out_type=jax.ShapeDtypeStruct((n_tokens // 2, 4 * WPR), jnp.int32),
        scratch_types=[
            pltpu.VMEM((ROWS_PER_GRP, LANES), jnp.int32),
            pltpu.VMEM((ROWS_PER_GRP, LANES), jnp.int32),
            pltpu.VMEM((GRP, WPR), jnp.int32),
            pltpu.VMEM((GRP, WPR), jnp.int32),
            pltpu.SemaphoreType.DMA,
        ],
        compiler_params=pltpu.CompilerParams(use_tc_tiling_on_sc=False),
    )
    def gather_k(vidx_hbm, eidx_hbm, ntab_hbm, etab_hbm,
                 cat_hbm, vidx, eidx, vrows, erows, sem):
        wid = lax.axis_index("s") * nc + lax.axis_index("c")
        row0 = wid * rows_per_w
        cat0 = wid * cat_per_w

        def body(g, carry):
            r = row0 + g * ROWS_PER_GRP
            pltpu.sync_copy(vidx_hbm.at[pl.ds(r, ROWS_PER_GRP)], vidx)
            pltpu.sync_copy(eidx_hbm.at[pl.ds(r, ROWS_PER_GRP)], eidx)
            cps = []
            for j in range(ROWS_PER_GRP):
                cps.append(pltpu.async_copy(
                    ntab_hbm.at[vidx.at[j]],
                    vrows.at[pl.ds(j * LANES, LANES)], sem))
                cps.append(pltpu.async_copy(
                    etab_hbm.at[eidx.at[j]],
                    erows.at[pl.ds(j * LANES, LANES)], sem))
            for c in cps:
                c.wait()
            col0 = (g // grps_half) * (2 * WPR)
            tok = cat0 + (g % grps_half) * GRP
            pltpu.sync_copy(
                vrows, cat_hbm.at[pl.ds(tok, GRP), pl.ds(col0, WPR)])
            pltpu.sync_copy(
                erows, cat_hbm.at[pl.ds(tok, GRP), pl.ds(col0 + WPR, WPR)])
            return carry

        lax.fori_loop(0, grps, body, 0)

    return gather_k


def _unpack_dot(x, wlo_ref, whi_ref, b_ref):
    lo = lax.bitcast_convert_type(x << 16, jnp.float32)
    hi = lax.bitcast_convert_type(x & jnp.int32(-65536), jnp.float32)
    h = jnp.dot(lo, wlo_ref[...], preferred_element_type=jnp.float32)
    h = h + jnp.dot(hi, whi_ref[...], preferred_element_type=jnp.float32)
    return h + b_ref[...]


def _tc_compute(cat_ref, wlo_ref, whi_ref, b_ref, pe_ref, h_ref, hp_ref):
    x = cat_ref[...]
    rbh = x.shape[0]
    ha = _unpack_dot(x[:, 0:2 * WPR], wlo_ref, whi_ref, b_ref)
    hb = _unpack_dot(x[:, 2 * WPR:], wlo_ref, whi_ref, b_ref)
    pe = pe_ref[...]
    h_ref[0:rbh] = ha
    h_ref[rbh:] = hb
    hp_ref[0:rbh] = ha + pe
    hp_ref[rbh:] = hb + pe


def _tc_body_first(cat_ref, wlo_ref, whi_ref, b_ref, pe_ref, h_ref, hp_ref):
    _tc_compute(cat_ref, wlo_ref, whi_ref, b_ref, pe_ref, h_ref, hp_ref)


def _tc_body_next(cat_ref, wlo_ref, whi_ref, b_ref, pe_ref, hin, hpin,
                  h_ref, hp_ref):
    del hin, hpin
    _tc_compute(cat_ref, wlo_ref, whi_ref, b_ref, pe_ref, h_ref, hp_ref)


def kernel(v_list, e_list, node_table, edge_table, W, b):
    B, L = v_list.shape
    n_tokens = B * L
    n_idx_rows = n_tokens // LANES

    nt_lin = _relayout_table(node_table)
    et_lin = _relayout_table(edge_table)

    v2d = _remap_idx(v_list.reshape(n_idx_rows, LANES))
    e2d = _remap_idx(e_list.reshape(n_idx_rows, LANES))

    rows_c = n_idx_rows // N_CHUNKS
    tok_c = n_tokens // N_CHUNKS
    RBH = RB // 2
    nblk = tok_c // RB

    gk = _sc_gather(rows_c, tok_c)
    cats = [
        gk(v2d[k * rows_c:(k + 1) * rows_c],
           e2d[k * rows_c:(k + 1) * rows_c],
           nt_lin, et_lin)
        for k in range(N_CHUNKS)
    ]

    w2 = (np.sqrt(float(NODE_EMB)) * W).T
    lo_rows = np.r_[0:WPR, NODE_EMB:NODE_EMB + WPR]
    hi_rows = np.r_[WPR:NODE_EMB, NODE_EMB + WPR:2 * NODE_EMB]
    wlo = w2[lo_rows, :]
    whi = w2[hi_rows, :]
    b2 = b.reshape(1, D_MODEL)
    pe_tile = jnp.asarray(
        np.tile(_pe_table(L, D_MODEL), (RBH // L, 1)))

    out_shape = [
        jax.ShapeDtypeStruct((n_tokens, D_MODEL), jnp.float32),
        jax.ShapeDtypeStruct((n_tokens, D_MODEL), jnp.float32),
    ]
    common_specs = [
        pl.BlockSpec((NODE_EMB, D_MODEL), lambda i: (0, 0)),
        pl.BlockSpec((NODE_EMB, D_MODEL), lambda i: (0, 0)),
        pl.BlockSpec((1, D_MODEL), lambda i: (0, 0)),
        pl.BlockSpec((RBH, D_MODEL), lambda i: (0, 0)),
    ]
    alias_specs = [pl.BlockSpec(memory_space=pl.ANY),
                   pl.BlockSpec(memory_space=pl.ANY)]

    h_emb = h_pos = None
    for k in range(N_CHUNKS):
        off = k * nblk
        first = h_emb is None
        h_emb, h_pos = pl.pallas_call(
            _tc_body_first if first else _tc_body_next,
            grid=(nblk,),
            in_specs=[pl.BlockSpec((RBH, D_MODEL), lambda i: (i, 0))]
            + common_specs + ([] if first else alias_specs),
            out_specs=[
                pl.BlockSpec((RB, D_MODEL), lambda i, off=off: (i + off, 0)),
                pl.BlockSpec((RB, D_MODEL), lambda i, off=off: (i + off, 0)),
            ],
            out_shape=out_shape,
            input_output_aliases={} if first else {5: 0, 6: 1},
        )(*([cats[k], wlo, whi, b2, pe_tile]
            + ([] if first else [h_emb, h_pos])))

    return (h_emb.reshape(B, L, D_MODEL), h_pos.reshape(B, L, D_MODEL))

# --- scband reference (transcript-rebuilt; emitter-appended) ---
"""Pipeline reference for scband-tree-embedding-block-71571335020803 (READ-ONLY COPY).

The authoritative reference and input builder live on the scoring server;
editing this copy changes nothing except your own understanding.
"""

import jax, jax.numpy as jnp
import numpy as np

NODE_VOCAB = 1000000
EDGE_VOCAB = 100000
NODE_EMB = 64
EDGE_EMB = 64
D_MODEL = 128
B, L = 4096, 200


def _positional_encoding(seq_len, d_model):
    pos = jnp.arange(seq_len, dtype=jnp.float32)[:, None]
    div = jnp.exp(jnp.arange(0, d_model, 2, dtype=jnp.float32) * (-np.log(10000.0) / d_model))
    pe = jnp.zeros((seq_len, d_model), dtype=jnp.float32)
    pe = pe.at[:, 0::2].set(jnp.sin(pos * div))
    pe = pe.at[:, 1::2].set(jnp.cos(pos * div))
    return pe


def setup_inputs(seed: int = 0) -> dict:
    key = jax.random.key(seed)
    k1, k2, k3, k4, k5, k6 = jax.random.split(key, 6)
    v_list = jax.random.randint(k1, (B, L), 0, NODE_VOCAB, dtype=jnp.int64 if jax.config.jax_enable_x64 else jnp.int32).astype(jnp.int32)
    e_list = jax.random.randint(k2, (B, L), 0, EDGE_VOCAB, dtype=jnp.int32)
    node_table = jax.random.normal(k3, (NODE_VOCAB, NODE_EMB), dtype=jnp.float32)
    edge_table = jax.random.normal(k4, (EDGE_VOCAB, EDGE_EMB), dtype=jnp.float32)
    W = jax.random.normal(k5, (D_MODEL, NODE_EMB + EDGE_EMB), dtype=jnp.float32) * (1.0 / np.sqrt(NODE_EMB + EDGE_EMB))
    b = jnp.zeros((D_MODEL,), dtype=jnp.float32)
    return {"v_list": v_list, "e_list": e_list, "node_table": node_table, "edge_table": edge_table, "W": W, "b": b}


def reference(v_list, e_list, node_table, edge_table, W, b):
    # TokenEmbedding: lookup * sqrt(emb_size)
    v_emb = jnp.take(node_table, v_list, axis=0) * np.sqrt(float(NODE_EMB))
    e_emb = jnp.take(edge_table, e_list, axis=0) * np.sqrt(float(EDGE_EMB))
    # fc_ne on concatenated embeddings
    h_cat = jnp.concatenate([v_emb, e_emb], axis=-1)
    h_emb = jnp.einsum('bld,od->blo', h_cat, W) + b
    # PositionalEncoding: add sinusoidal PE along sequence dim
    pe = _positional_encoding(h_emb.shape[1], h_emb.shape[-1])
    h_pos_emb = h_emb + pe[None, :, :]
    return (h_emb, h_pos_emb)

if __name__ == "__main__":
    import jax
    _d = setup_inputs()
    print(jax.jit(kernel)(*tuple(_d.values())))

</pallas_src>

<mosaic_0001>
#map = affine_map<(d0, d1) -> (0, 0)>
module attributes {stable_mosaic.version = 14 : i64} {
  func.func @gather_k(%arg0: i32, %arg1: i32, %arg2: memref<1600x128xi32, #tpu.memory_space<hbm>>, %arg3: memref<1600x128xi32, #tpu.memory_space<hbm>>, %arg4: memref<1015808x32xi32, #tpu.memory_space<hbm>>, %arg5: memref<114688x32xi32, #tpu.memory_space<hbm>>, %arg6: memref<102400x128xi32, #tpu.memory_space<hbm>>, %arg7: memref<5x128xi32, #tpu.memory_space<vmem>>, %arg8: memref<5x128xi32, #tpu.memory_space<vmem>>, %arg9: memref<640x32xi32, #tpu.memory_space<vmem>>, %arg10: memref<640x32xi32, #tpu.memory_space<vmem>>, %arg11: memref<!tpu.dma_semaphore, #tpu.memory_space<semaphore_mem>>) attributes {dimension_semantics = [#tpu.dimension_semantics<core_parallel>, #tpu.dimension_semantics<subcore_parallel>], iteration_bounds = array<i64: 2, 16>, scalar_prefetch = 0 : i64, scratch_operands = 5 : i64, tpu.core_type = #tpu.core_type<sc_vector_subcore>, window_params = [{transform_indices = #map}, {transform_indices = #map}, {transform_indices = #map}, {transform_indices = #map}, {transform_indices = #map}]} {
    %mul3A = arith.constant 2 : i32
    %mul3A_0 = arith.muli %arg1, %mul3A : i32
    %add3A = arith.addi %mul3A_0, %arg0 : i32
    %mul3A_1 = arith.constant 50 : i32
    %mul3A_2 = arith.muli %add3A, %mul3A_1 : i32
    %mul3A_3 = arith.constant 3200 : i32
    %mul3A_4 = arith.muli %add3A, %mul3A_3 : i32
    %scan3A = arith.constant 0 : i32
    %scan3A_5 = arith.constant 0 : i32
    %scan3A_6 = arith.constant 10 : i32
    %scan3A_7 = arith.addi %scan3A_5, %scan3A_6 : i32
    %scan3A_8 = arith.constant 1 : i32
    scf.for %scan3A_10 = %scan3A_5 to %scan3A_7 step %scan3A_8  : i32 {
      %mul3A_11 = arith.constant 5 : i32
      %mul3A_12 = arith.muli %scan3A_10, %mul3A_11 : i32
      %add3A_13 = arith.addi %mul3A_2, %mul3A_12 : i32
      "tpu.region"() ({
        %run_scoped3A = tpu.sem_alloc : memref<!tpu.dma_semaphore, #tpu.memory_space<semaphore_mem>>
        %dma_start3A_249 = arith.constant 0 : i32
        %dma_start3A_250 = tpu.memref_slice %arg2[%add3A_13, %dma_start3A_249] : memref<1600x128xi32, #tpu.memory_space<hbm>> -> memref<5x128xi32, #tpu.memory_space<hbm>>
        %dma_start3A_251 = arith.constant 0 : i32
        %dma_start3A_252 = tpu.memref_slice %arg2[%add3A_13, %dma_start3A_251] : memref<1600x128xi32, #tpu.memory_space<hbm>> -> memref<5x128xi32, #tpu.memory_space<hbm>>
        tpu.enqueue_dma source(%dma_start3A_252 : memref<5x128xi32, #tpu.memory_space<hbm>>) target(%arg7 : memref<5x128xi32, #tpu.memory_space<vmem>>) target_semaphore(%run_scoped3A : memref<!tpu.dma_semaphore, #tpu.memory_space<semaphore_mem>>)
        %dma_wait3A_253 = arith.constant 0 : i32
        %dma_wait3A_254 = tpu.memref_slice %arg2[%add3A_13, %dma_wait3A_253] : memref<1600x128xi32, #tpu.memory_space<hbm>> -> memref<5x128xi32, #tpu.memory_space<hbm>>
        %dma_wait3A_255 = arith.constant 0 : i32
        %dma_wait3A_256 = tpu.memref_slice %arg2[%add3A_13, %dma_wait3A_255] : memref<1600x128xi32, #tpu.memory_space<hbm>> -> memref<5x128xi32, #tpu.memory_space<hbm>>
        tpu.wait_dma2 semaphore(%run_scoped3A : memref<!tpu.dma_semaphore, #tpu.memory_space<semaphore_mem>>) src(%dma_wait3A_256 : memref<5x128xi32, #tpu.memory_space<hbm>>) dst(%arg7 : memref<5x128xi32, #tpu.memory_space<vmem>>)
        tpu.yield
      }) : () -> ()
      "tpu.region"() ({
        %run_scoped3A = tpu.sem_alloc : memref<!tpu.dma_semaphore, #tpu.memory_space<semaphore_mem>>
        %dma_start3A_249 = arith.constant 0 : i32
        %dma_start3A_250 = tpu.memref_slice %arg3[%add3A_13, %dma_start3A_249] : memref<1600x128xi32, #tpu.memory_space<hbm>> -> memref<5x128xi32, #tpu.memory_space<hbm>>
        %dma_start3A_251 = arith.constant 0 : i32
        %dma_start3A_252 = tpu.memref_slice %arg3[%add3A_13, %dma_start3A_251] : memref<1600x128xi32, #tpu.memory_space<hbm>> -> memref<5x128xi32, #tpu.memory_space<hbm>>
        tpu.enqueue_dma source(%dma_start3A_252 : memref<5x128xi32, #tpu.memory_space<hbm>>) target(%arg8 : memref<5x128xi32, #tpu.memory_space<vmem>>) target_semaphore(%run_scoped3A : memref<!tpu.dma_semaphore, #tpu.memory_space<semaphore_mem>>)
        %dma_wait3A_253 = arith.constant 0 : i32
        %dma_wait3A_254 = tpu.memref_slice %arg3[%add3A_13, %dma_wait3A_253] : memref<1600x128xi32, #tpu.memory_space<hbm>> -> memref<5x128xi32, #tpu.memory_space<hbm>>
        %dma_wait3A_255 = arith.constant 0 : i32
        %dma_wait3A_256 = tpu.memref_slice %arg3[%add3A_13, %dma_wait3A_255] : memref<1600x128xi32, #tpu.memory_space<hbm>> -> memref<5x128xi32, #tpu.memory_space<hbm>>
        tpu.wait_dma2 semaphore(%run_scoped3A : memref<!tpu.dma_semaphore, #tpu.memory_space<semaphore_mem>>) src(%dma_wait3A_256 : memref<5x128xi32, #tpu.memory_space<hbm>>) dst(%arg8 : memref<5x128xi32, #tpu.memory_space<vmem>>)
        tpu.yield
      }) : () -> ()
      %dma_start3A = arith.constant 0 : i32
      %dma_start3A_14 = arith.constant 0 : i32
      %dma_start3A_15 = arith.constant 0 : i32
      %dma_start3A_16 = tpu.memref_slice %arg9[%dma_start3A_14, %dma_start3A_15] : memref<640x32xi32, #tpu.memory_space<vmem>> -> memref<128x32xi32, #tpu.memory_space<vmem>>
      %dma_start3A_17 = arith.constant 0 : i32
      %dma_start3A_18 = tpu.memref_slice %arg7[%dma_start3A, %dma_start3A_17] : memref<5x128xi32, #tpu.memory_space<vmem>> -> memref<1x128xi32, #tpu.memory_space<vmem>>
      %dma_start3A_19 = tpu.memref_squeeze %dma_start3A_18 : memref<1x128xi32, #tpu.memory_space<vmem>> -> memref<128xi32, #tpu.memory_space<vmem>>
      %dma_start3A_20 = arith.constant 0 : i32
      %dma_start3A_21 = arith.constant 0 : i32
      %dma_start3A_22 = tpu.memref_slice %arg4[%dma_start3A_20, %dma_start3A_21] : memref<1015808x32xi32, #tpu.memory_space<hbm>> -> memref<1015808x32xi32, #tpu.memory_space<hbm>>
      tpu.enqueue_indirect_dma source(%dma_start3A_22 : memref<1015808x32xi32, #tpu.memory_space<hbm>>) target(%dma_start3A_16 : memref<128x32xi32, #tpu.memory_space<vmem>>) offsets(%dma_start3A_19 : memref<128xi32, #tpu.memory_space<vmem>>) semaphore(%arg11 : memref<!tpu.dma_semaphore, #tpu.memory_space<semaphore_mem>>)
      %dma_start3A_23 = arith.constant 0 : i32
      %dma_start3A_24 = arith.constant 0 : i32
      %dma_start3A_25 = arith.constant 0 : i32
      %dma_start3A_26 = tpu.memref_slice %arg10[%dma_start3A_24, %dma_start3A_25] : memref<640x32xi32, #tpu.memory_space<vmem>> -> memref<128x32xi32, #tpu.memory_space<vmem>>
      %dma_start3A_27 = arith.constant 0 : i32
      %dma_start3A_28 = tpu.memref_slice %arg8[%dma_start3A_23, %dma_start3A_27] : memref<5x128xi32, #tpu.memory_space<vmem>> -> memref<1x128xi32, #tpu.memory_space<vmem>>
      %dma_start3A_29 = tpu.memref_squeeze %dma_start3A_28 : memref<1x128xi32, #tpu.memory_space<vmem>> -> memref<128xi32, #tpu.memory_space<vmem>>
      %dma_start3A_30 = arith.constant 0 : i32
      %dma_start3A_31 = arith.constant 0 : i32
      %dma_start3A_32 = tpu.memref_slice %arg5[%dma_start3A_30, %dma_start3A_31] : memref<114688x32xi32, #tpu.memory_space<hbm>> -> memref<114688x32xi32, #tpu.memory_space<hbm>>
      tpu.enqueue_indirect_dma source(%dma_start3A_32 : memref<114688x32xi32, #tpu.memory_space<hbm>>) target(%dma_start3A_26 : memref<128x32xi32, #tpu.memory_space<vmem>>) offsets(%dma_start3A_29 : memref<128xi32, #tpu.memory_space<vmem>>) semaphore(%arg11 : memref<!tpu.dma_semaphore, #tpu.memory_space<semaphore_mem>>)
      %dma_start3A_33 = arith.constant 1 : i32
      %dma_start3A_34 = arith.constant 128 : i32
      %dma_start3A_35 = arith.constant 0 : i32
      %dma_start3A_36 = tpu.memref_slice %arg9[%dma_start3A_34, %dma_start3A_35] : memref<640x32xi32, #tpu.memory_space<vmem>> -> memref<128x32xi32, #tpu.memory_space<vmem>>
      %dma_start3A_37 = arith.constant 0 : i32
      %dma_start3A_38 = tpu.memref_slice %arg7[%dma_start3A_33, %dma_start3A_37] : memref<5x128xi32, #tpu.memory_space<vmem>> -> memref<1x128xi32, #tpu.memory_space<vmem>>
      %dma_start3A_39 = tpu.memref_squeeze %dma_start3A_38 : memref<1x128xi32, #tpu.memory_space<vmem>> -> memref<128xi32, #tpu.memory_space<vmem>>
      %dma_start3A_40 = arith.constant 0 : i32
      %dma_start3A_41 = arith.constant 0 : i32
      %dma_start3A_42 = tpu.memref_slice %arg4[%dma_start3A_40, %dma_start3A_41] : memref<1015808x32xi32, #tpu.memory_space<hbm>> -> memref<1015808x32xi32, #tpu.memory_space<hbm>>
      tpu.enqueue_indirect_dma source(%dma_start3A_42 : memref<1015808x32xi32, #tpu.memory_space<hbm>>) target(%dma_start3A_36 : memref<128x32xi32, #tpu.memory_space<vmem>>) offsets(%dma_start3A_39 : memref<128xi32, #tpu.memory_space<vmem>>) semaphore(%arg11 : memref<!tpu.dma_semaphore, #tpu.memory_space<semaphore_mem>>)
      %dma_start3A_43 = arith.constant 1 : i32
      %dma_start3A_44 = arith.constant 128 : i32
      %dma_start3A_45 = arith.constant 0 : i32
      %dma_start3A_46 = tpu.memref_slice %arg10[%dma_start3A_44, %dma_start3A_45] : memref<640x32xi32, #tpu.memory_space<vmem>> -> memref<128x32xi32, #tpu.memory_space<vmem>>
      %dma_start3A_47 = arith.constant 0 : i32
      %dma_start3A_48 = tpu.memref_slice %arg8[%dma_start3A_43, %dma_start3A_47] : memref<5x128xi32, #tpu.memory_space<vmem>> -> memref<1x128xi32, #tpu.memory_space<vmem>>
      %dma_start3A_49 = tpu.memref_squeeze %dma_start3A_48 : memref<1x128xi32, #tpu.memory_space<vmem>> -> memref<128xi32, #tpu.memory_space<vmem>>
      %dma_start3A_50 = arith.constant 0 : i32
      %dma_start3A_51 = arith.constant 0 : i32
      %dma_start3A_52 = tpu.memref_slice %arg5[%dma_start3A_50, %dma_start3A_51] : memref<114688x32xi32, #tpu.memory_space<hbm>> -> memref<114688x32xi32, #tpu.memory_space<hbm>>
      tpu.enqueue_indirect_dma source(%dma_start3A_52 : memref<114688x32xi32, #tpu.memory_space<hbm>>) target(%dma_start3A_46 : memref<128x32xi32, #tpu.memory_space<vmem>>) offsets(%dma_start3A_49 : memref<128xi32, #tpu.memory_space<vmem>>) semaphore(%arg11 : memref<!tpu.dma_semaphore, #tpu.memory_space<semaphore_mem>>)
      %dma_start3A_53 = arith.constant 2 : i32
      %dma_start3A_54 = arith.constant 256 : i32
      %dma_start3A_55 = arith.constant 0 : i32
      %dma_start3A_56 = tpu.memref_slice %arg9[%dma_start3A_54, %dma_start3A_55] : memref<640x32xi32, #tpu.memory_space<vmem>> -> memref<128x32xi32, #tpu.memory_space<vmem>>
      %dma_start3A_57 = arith.constant 0 : i32
      %dma_start3A_58 = tpu.memref_slice %arg7[%dma_start3A_53, %dma_start3A_57] : memref<5x128xi32, #tpu.memory_space<vmem>> -> memref<1x128xi32, #tpu.memory_space<vmem>>
      %dma_start3A_59 = tpu.memref_squeeze %dma_start3A_58 : memref<1x128xi32, #tpu.memory_space<vmem>> -> memref<128xi32, #tpu.memory_space<vmem>>
      %dma_start3A_60 = arith.constant 0 : i32
      %dma_start3A_61 = arith.constant 0 : i32
      %dma_start3A_62 = tpu.memref_slice %arg4[%dma_start3A_60, %dma_start3A_61] : memref<1015808x32xi32, #tpu.memory_space<hbm>> -> memref<1015808x32xi32, #tpu.memory_space<hbm>>
      tpu.enqueue_indirect_dma source(%dma_start3A_62 : memref<1015808x32xi32, #tpu.memory_space<hbm>>) target(%dma_start3A_56 : memref<128x32xi32, #tpu.memory_space<vmem>>) offsets(%dma_start3A_59 : memref<128xi32, #tpu.memory_space<vmem>>) semaphore(%arg11 : memref<!tpu.dma_semaphore, #tpu.memory_space<semaphore_mem>>)
      %dma_start3A_63 = arith.constant 2 : i32
      %dma_start3A_64 = arith.constant 256 : i32
      %dma_start3A_65 = arith.constant 0 : i32
      %dma_start3A_66 = tpu.memref_slice %arg10[%dma_start3A_64, %dma_start3A_65] : memref<640x32xi32, #tpu.memory_space<vmem>> -> memref<128x32xi32, #tpu.memory_space<vmem>>
      %dma_start3A_67 = arith.constant 0 : i32
      %dma_start3A_68 = tpu.memref_slice %arg8[%dma_start3A_63, %dma_start3A_67] : memref<5x128xi32, #tpu.memory_space<vmem>> -> memref<1x128xi32, #tpu.memory_space<vmem>>
      %dma_start3A_69 = tpu.memref_squeeze %dma_start3A_68 : memref<1x128xi32, #tpu.memory_space<vmem>> -> memref<128xi32, #tpu.memory_space<vmem>>
      %dma_start3A_70 = arith.constant 0 : i32
      %dma_start3A_71 = arith.constant 0 : i32
      %dma_start3A_72 = tpu.memref_slice %arg5[%dma_start3A_70, %dma_start3A_71] : memref<114688x32xi32, #tpu.memory_space<hbm>> -> memref<114688x32xi32, #tpu.memory_space<hbm>>
      tpu.enqueue_indirect_dma source(%dma_start3A_72 : memref<114688x32xi32, #tpu.memory_space<hbm>>) target(%dma_start3A_66 : memref<128x32xi32, #tpu.memory_space<vmem>>) offsets(%dma_start3A_69 : memref<128xi32, #tpu.memory_space<vmem>>) semaphore(%arg11 : memref<!tpu.dma_semaphore, #tpu.memory_space<semaphore_mem>>)
      %dma_start3A_73 = arith.constant 3 : i32
      %dma_start3A_74 = arith.constant 384 : i32
      %dma_start3A_75 = arith.constant 0 : i32
      %dma_start3A_76 = tpu.memref_slice %arg9[%dma_start3A_74, %dma_start3A_75] : memref<640x32xi32, #tpu.memory_space<vmem>> -> memref<128x32xi32, #tpu.memory_space<vmem>>
      %dma_start3A_77 = arith.constant 0 : i32
      %dma_start3A_78 = tpu.memref_slice %arg7[%dma_start3A_73, %dma_start3A_77] : memref<5x128xi32, #tpu.memory_space<vmem>> -> memref<1x128xi32, #tpu.memory_space<vmem>>
      %dma_start3A_79 = tpu.memref_squeeze %dma_start3A_78 : memref<1x128xi32, #tpu.memory_space<vmem>> -> memref<128xi32, #tpu.memory_space<vmem>>
      %dma_start3A_80 = arith.constant 0 : i32
      %dma_start3A_81 = arith.constant 0 : i32
      %dma_start3A_82 = tpu.memref_slice %arg4[%dma_start3A_80, %dma_start3A_81] : memref<1015808x32xi32, #tpu.memory_space<hbm>> -> memref<1015808x32xi32, #tpu.memory_space<hbm>>
      tpu.enqueue_indirect_dma source(%dma_start3A_82 : memref<1015808x32xi32, #tpu.memory_space<hbm>>) target(%dma_start3A_76 : memref<128x32xi32, #tpu.memory_space<vmem>>) offsets(%dma_start3A_79 : memref<128xi32, #tpu.memory_space<vmem>>) semaphore(%arg11 : memref<!tpu.dma_semaphore, #tpu.memory_space<semaphore_mem>>)
      %dma_start3A_83 = arith.constant 3 : i32
      %dma_start3A_84 = arith.constant 384 : i32
      %dma_start3A_85 = arith.constant 0 : i32
      %dma_start3A_86 = tpu.memref_slice %arg10[%dma_start3A_84, %dma_start3A_85] : memref<640x32xi32, #tpu.memory_space<vmem>> -> memref<128x32xi32, #tpu.memory_space<vmem>>
      %dma_start3A_87 = arith.constant 0 : i32
      %dma_start3A_88 = tpu.memref_slice %arg8[%dma_start3A_83, %dma_start3A_87] : memref<5x128xi32, #tpu.memory_space<vmem>> -> memref<1x128xi32, #tpu.memory_space<vmem>>
      %dma_start3A_89 = tpu.memref_squeeze %dma_start3A_88 : memref<1x128xi32, #tpu.memory_space<vmem>> -> memref<128xi32, #tpu.memory_space<vmem>>
      %dma_start3A_90 = arith.constant 0 : i32
      %dma_start3A_91 = arith.constant 0 : i32
      %dma_start3A_92 = tpu.memref_slice %arg5[%dma_start3A_90, %dma_start3A_91] : memref<114688x32xi32, #tpu.memory_space<hbm>> -> memref<114688x32xi32, #tpu.memory_space<hbm>>
      tpu.enqueue_indirect_dma source(%dma_start3A_92 : memref<114688x32xi32, #tpu.memory_space<hbm>>) target(%dma_start3A_86 : memref<128x32xi32, #tpu.memory_space<vmem>>) offsets(%dma_start3A_89 : memref<128xi32, #tpu.memory_space<vmem>>) semaphore(%arg11 : memref<!tpu.dma_semaphore, #tpu.memory_space<semaphore_mem>>)
      %dma_start3A_93 = arith.constant 4 : i32
      %dma_start3A_94 = arith.constant 512 : i32
      %dma_start3A_95 = arith.constant 0 : i32
      %dma_start3A_96 = tpu.memref_slice %arg9[%dma_start3A_94, %dma_start3A_95] : memref<640x32xi32, #tpu.memory_space<vmem>> -> memref<128x32xi32, #tpu.memory_space<vmem>>
      %dma_start3A_97 = arith.constant 0 : i32
      %dma_start3A_98 = tpu.memref_slice %arg7[%dma_start3A_93, %dma_start3A_97] : memref<5x128xi32, #tpu.memory_space<vmem>> -> memref<1x128xi32, #tpu.memory_space<vmem>>
      %dma_start3A_99 = tpu.memref_squeeze %dma_start3A_98 : memref<1x128xi32, #tpu.memory_space<vmem>> -> memref<128xi32, #tpu.memory_space<vmem>>
      %dma_start3A_100 = arith.constant 0 : i32
      %dma_start3A_101 = arith.constant 0 : i32
      %dma_start3A_102 = tpu.memref_slice %arg4[%dma_start3A_100, %dma_start3A_101] : memref<1015808x32xi32, #tpu.memory_space<hbm>> -> memref<1015808x32xi32, #tpu.memory_space<hbm>>
      tpu.enqueue_indirect_dma source(%dma_start3A_102 : memref<1015808x32xi32, #tpu.memory_space<hbm>>) target(%dma_start3A_96 : memref<128x32xi32, #tpu.memory_space<vmem>>) offsets(%dma_start3A_99 : memref<128xi32, #tpu.memory_space<vmem>>) semaphore(%arg11 : memref<!tpu.dma_semaphore, #tpu.memory_space<semaphore_mem>>)
      %dma_start3A_103 = arith.constant 4 : i32
      %dma_start3A_104 = arith.constant 512 : i32
      %dma_start3A_105 = arith.constant 0 : i32
      %dma_start3A_106 = tpu.memref_slice %arg10[%dma_start3A_104, %dma_start3A_105] : memref<640x32xi32, #tpu.memory_space<vmem>> -> memref<128x32xi32, #tpu.memory_space<vmem>>
      %dma_start3A_107 = arith.constant 0 : i32
      %dma_start3A_108 = tpu.memref_slice %arg8[%dma_start3A_103, %dma_start3A_107] : memref<5x128xi32, #tpu.memory_space<vmem>> -> memref<1x128xi32, #tpu.memory_space<vmem>>
      %dma_start3A_109 = tpu.memref_squeeze %dma_start3A_108 : memref<1x128xi32, #tpu.memory_space<vmem>> -> memref<128xi32, #tpu.memory_space<vmem>>
      %dma_start3A_110 = arith.constant 0 : i32
      %dma_start3A_111 = arith.constant 0 : i32
      %dma_start3A_112 = tpu.memref_slice %arg5[%dma_start3A_110, %dma_start3A_111] : memref<114688x32xi32, #tpu.memory_space<hbm>> -> memref<114688x32xi32, #tpu.memory_space<hbm>>
      tpu.enqueue_indirect_dma source(%dma_start3A_112 : memref<114688x32xi32, #tpu.memory_space<hbm>>) target(%dma_start3A_106 : memref<128x32xi32, #tpu.memory_space<vmem>>) offsets(%dma_start3A_109 : memref<128xi32, #tpu.memory_space<vmem>>) semaphore(%arg11 : memref<!tpu.dma_semaphore, #tpu.memory_space<semaphore_mem>>)
      %dma_wait3A = arith.constant 0 : i32
      %dma_wait3A_113 = arith.constant 0 : i32
      %dma_wait3A_114 = arith.constant 0 : i32
      %dma_wait3A_115 = tpu.memref_slice %arg9[%dma_wait3A_113, %dma_wait3A_114] : memref<640x32xi32, #tpu.memory_space<vmem>> -> memref<128x32xi32, #tpu.memory_space<vmem>>
      %dma_wait3A_116 = arith.constant 0 : i32
      %dma_wait3A_117 = tpu.memref_slice %arg7[%dma_wait3A, %dma_wait3A_116] : memref<5x128xi32, #tpu.memory_space<vmem>> -> memref<1x128xi32, #tpu.memory_space<vmem>>
      %dma_wait3A_118 = tpu.memref_squeeze %dma_wait3A_117 : memref<1x128xi32, #tpu.memory_space<vmem>> -> memref<128xi32, #tpu.memory_space<vmem>>
      %dma_wait3A_119 = arith.constant 0 : i32
      %dma_wait3A_120 = arith.constant 0 : i32
      %dma_wait3A_121 = tpu.memref_slice %arg4[%dma_wait3A_119, %dma_wait3A_120] : memref<1015808x32xi32, #tpu.memory_space<hbm>> -> memref<1015808x32xi32, #tpu.memory_space<hbm>>
      tpu.wait_indirect_dma semaphore(%arg11 : memref<!tpu.dma_semaphore, #tpu.memory_space<semaphore_mem>>) src(%dma_wait3A_121 : memref<1015808x32xi32, #tpu.memory_space<hbm>>) dst(%dma_wait3A_115 : memref<128x32xi32, #tpu.memory_space<vmem>>)
      %dma_wait3A_122 = arith.constant 0 : i32
      %dma_wait3A_123 = arith.constant 0 : i32
      %dma_wait3A_124 = arith.constant 0 : i32
      %dma_wait3A_125 = tpu.memref_slice %arg10[%dma_wait3A_123, %dma_wait3A_124] : memref<640x32xi32, #tpu.memory_space<vmem>> -> memref<128x32xi32, #tpu.memory_space<vmem>>
      %dma_wait3A_126 = arith.constant 0 : i32
      %dma_wait3A_127 = tpu.memref_slice %arg8[%dma_wait3A_122, %dma_wait3A_126] : memref<5x128xi32, #tpu.memory_space<vmem>> -> memref<1x128xi32, #tpu.memory_space<vmem>>
      %dma_wait3A_128 = tpu.memref_squeeze %dma_wait3A_127 : memref<1x128xi32, #tpu.memory_space<vmem>> -> memref<128xi32, #tpu.memory_space<vmem>>
      %dma_wait3A_129 = arith.constant 0 : i32
      %dma_wait3A_130 = arith.constant 0 : i32
      %dma_wait3A_131 = tpu.memref_slice %arg5[%dma_wait3A_129, %dma_wait3A_130] : memref<114688x32xi32, #tpu.memory_space<hbm>> -> memref<114688x32xi32, #tpu.memory_space<hbm>>
      tpu.wait_indirect_dma semaphore(%arg11 : memref<!tpu.dma_semaphore, #tpu.memory_space<semaphore_mem>>) src(%dma_wait3A_131 : memref<114688x32xi32, #tpu.memory_space<hbm>>) dst(%dma_wait3A_125 : memref<128x32xi32, #tpu.memory_space<vmem>>)
      %dma_wait3A_132 = arith.constant 1 : i32
      %dma_wait3A_133 = arith.constant 128 : i32
      %dma_wait3A_134 = arith.constant 0 : i32
      %dma_wait3A_135 = tpu.memref_slice %arg9[%dma_wait3A_133, %dma_wait3A_134] : memref<640x32xi32, #tpu.memory_space<vmem>> -> memref<128x32xi32, #tpu.memory_space<vmem>>
      %dma_wait3A_136 = arith.constant 0 : i32
      %dma_wait3A_137 = tpu.memref_slice %arg7[%dma_wait3A_132, %dma_wait3A_136] : memref<5x128xi32, #tpu.memory_space<vmem>> -> memref<1x128xi32, #tpu.memory_space<vmem>>
      %dma_wait3A_138 = tpu.memref_squeeze %dma_wait3A_137 : memref<1x128xi32, #tpu.memory_space<vmem>> -> memref<128xi32, #tpu.memory_space<vmem>>
      %dma_wait3A_139 = arith.constant 0 : i32
      %dma_wait3A_140 = arith.constant 0 : i32
      %dma_wait3A_141 = tpu.memref_slice %arg4[%dma_wait3A_139, %dma_wait3A_140] : memref<1015808x32xi32, #tpu.memory_space<hbm>> -> memref<1015808x32xi32, #tpu.memory_space<hbm>>
      tpu.wait_indirect_dma semaphore(%arg11 : memref<!tpu.dma_semaphore, #tpu.memory_space<semaphore_mem>>) src(%dma_wait3A_141 : memref<1015808x32xi32, #tpu.memory_space<hbm>>) dst(%dma_wait3A_135 : memref<128x32xi32, #tpu.memory_space<vmem>>)
      %dma_wait3A_142 = arith.constant 1 : i32
      %dma_wait3A_143 = arith.constant 128 : i32
      %dma_wait3A_144 = arith.constant 0 : i32
      %dma_wait3A_145 = tpu.memref_slice %arg10[%dma_wait3A_143, %dma_wait3A_144] : memref<640x32xi32, #tpu.memory_space<vmem>> -> memref<128x32xi32, #tpu.memory_space<vmem>>
      %dma_wait3A_146 = arith.constant 0 : i32
      %dma_wait3A_147 = tpu.memref_slice %arg8[%dma_wait3A_142, %dma_wait3A_146] : memref<5x128xi32, #tpu.memory_space<vmem>> -> memref<1x128xi32, #tpu.memory_space<vmem>>
      %dma_wait3A_148 = tpu.memref_squeeze %dma_wait3A_147 : memref<1x128xi32, #tpu.memory_space<vmem>> -> memref<128xi32, #tpu.memory_space<vmem>>
      %dma_wait3A_149 = arith.constant 0 : i32
      %dma_wait3A_150 = arith.constant 0 : i32
      %dma_wait3A_151 = tpu.memref_slice %arg5[%dma_wait3A_149, %dma_wait3A_150] : memref<114688x32xi32, #tpu.memory_space<hbm>> -> memref<114688x32xi32, #tpu.memory_space<hbm>>
      tpu.wait_indirect_dma semaphore(%arg11 : memref<!tpu.dma_semaphore, #tpu.memory_space<semaphore_mem>>) src(%dma_wait3A_151 : memref<114688x32xi32, #tpu.memory_space<hbm>>) dst(%dma_wait3A_145 : memref<128x32xi32, #tpu.memory_space<vmem>>)
      %dma_wait3A_152 = arith.constant 2 : i32
      %dma_wait3A_153 = arith.constant 256 : i32
      %dma_wait3A_154 = arith.constant 0 : i32
      %dma_wait3A_155 = tpu.memref_slice %arg9[%dma_wait3A_153, %dma_wait3A_154] : memref<640x32xi32, #tpu.memory_space<vmem>> -> memref<128x32xi32, #tpu.memory_space<vmem>>
      %dma_wait3A_156 = arith.constant 0 : i32
      %dma_wait3A_157 = tpu.memref_slice %arg7[%dma_wait3A_152, %dma_wait3A_156] : memref<5x128xi32, #tpu.memory_space<vmem>> -> memref<1x128xi32, #tpu.memory_space<vmem>>
      %dma_wait3A_158 = tpu.memref_squeeze %dma_wait3A_157 : memref<1x128xi32, #tpu.memory_space<vmem>> -> memref<128xi32, #tpu.memory_space<vmem>>
      %dma_wait3A_159 = arith.constant 0 : i32
      %dma_wait3A_160 = arith.constant 0 : i32
      %dma_wait3A_161 = tpu.memref_slice %arg4[%dma_wait3A_159, %dma_wait3A_160] : memref<1015808x32xi32, #tpu.memory_space<hbm>> -> memref<1015808x32xi32, #tpu.memory_space<hbm>>
      tpu.wait_indirect_dma semaphore(%arg11 : memref<!tpu.dma_semaphore, #tpu.memory_space<semaphore_mem>>) src(%dma_wait3A_161 : memref<1015808x32xi32, #tpu.memory_space<hbm>>) dst(%dma_wait3A_155 : memref<128x32xi32, #tpu.memory_space<vmem>>)
      %dma_wait3A_162 = arith.constant 2 : i32
      %dma_wait3A_163 = arith.constant 256 : i32
      %dma_wait3A_164 = arith.constant 0 : i32
      %dma_wait3A_165 = tpu.memref_slice %arg10[%dma_wait3A_163, %dma_wait3A_164] : memref<640x32xi32, #tpu.memory_space<vmem>> -> memref<128x32xi32, #tpu.memory_space<vmem>>
      %dma_wait3A_166 = arith.constant 0 : i32
      %dma_wait3A_167 = tpu.memref_slice %arg8[%dma_wait3A_162, %dma_wait3A_166] : memref<5x128xi32, #tpu.memory_space<vmem>> -> memref<1x128xi32, #tpu.memory_space<vmem>>
      %dma_wait3A_168 = tpu.memref_squeeze %dma_wait3A_167 : memref<1x128xi32, #tpu.memory_space<vmem>> -> memref<128xi32, #tpu.memory_space<vmem>>
      %dma_wait3A_169 = arith.constant 0 : i32
      %dma_wait3A_170 = arith.constant 0 : i32
      %dma_wait3A_171 = tpu.memref_slice %arg5[%dma_wait3A_169, %dma_wait3A_170] : memref<114688x32xi32, #tpu.memory_space<hbm>> -> memref<114688x32xi32, #tpu.memory_space<hbm>>
      tpu.wait_indirect_dma semaphore(%arg11 : memref<!tpu.dma_semaphore, #tpu.memory_space<semaphore_mem>>) src(%dma_wait3A_171 : memref<114688x32xi32, #tpu.memory_space<hbm>>) dst(%dma_wait3A_165 : memref<128x32xi32, #tpu.memory_space<vmem>>)
      %dma_wait3A_172 = arith.constant 3 : i32
      %dma_wait3A_173 = arith.constant 384 : i32
      %dma_wait3A_174 = arith.constant 0 : i32
      %dma_wait3A_175 = tpu.memref_slice %arg9[%dma_wait3A_173, %dma_wait3A_174] : memref<640x32xi32, #tpu.memory_space<vmem>> -> memref<128x32xi32, #tpu.memory_space<vmem>>
      %dma_wait3A_176 = arith.constant 0 : i32
      %dma_wait3A_177 = tpu.memref_slice %arg7[%dma_wait3A_172, %dma_wait3A_176] : memref<5x128xi32, #tpu.memory_space<vmem>> -> memref<1x128xi32, #tpu.memory_space<vmem>>
      %dma_wait3A_178 = tpu.memref_squeeze %dma_wait3A_177 : memref<1x128xi32, #tpu.memory_space<vmem>> -> memref<128xi32, #tpu.memory_space<vmem>>
      %dma_wait3A_179 = arith.constant 0 : i32
      %dma_wait3A_180 = arith.constant 0 : i32
      %dma_wait3A_181 = tpu.memref_slice %arg4[%dma_wait3A_179, %dma_wait3A_180] : memref<1015808x32xi32, #tpu.memory_space<hbm>> -> memref<1015808x32xi32, #tpu.memory_space<hbm>>
      tpu.wait_indirect_dma semaphore(%arg11 : memref<!tpu.dma_semaphore, #tpu.memory_space<semaphore_mem>>) src(%dma_wait3A_181 : memref<1015808x32xi32, #tpu.memory_space<hbm>>) dst(%dma_wait3A_175 : memref<128x32xi32, #tpu.memory_space<vmem>>)
      %dma_wait3A_182 = arith.constant 3 : i32
      %dma_wait3A_183 = arith.constant 384 : i32
      %dma_wait3A_184 = arith.constant 0 : i32
      %dma_wait3A_185 = tpu.memref_slice %arg10[%dma_wait3A_183, %dma_wait3A_184] : memref<640x32xi32, #tpu.memory_space<vmem>> -> memref<128x32xi32, #tpu.memory_space<vmem>>
      %dma_wait3A_186 = arith.constant 0 : i32
      %dma_wait3A_187 = tpu.memref_slice %arg8[%dma_wait3A_182, %dma_wait3A_186] : memref<5x128xi32, #tpu.memory_space<vmem>> -> memref<1x128xi32, #tpu.memory_space<vmem>>
      %dma_wait3A_188 = tpu.memref_squeeze %dma_wait3A_187 : memref<1x128xi32, #tpu.memory_space<vmem>> -> memref<128xi32, #tpu.memory_space<vmem>>
      %dma_wait3A_189 = arith.constant 0 : i32
      %dma_wait3A_190 = arith.constant 0 : i32
      %dma_wait3A_191 = tpu.memref_slice %arg5[%dma_wait3A_189, %dma_wait3A_190] : memref<114688x32xi32, #tpu.memory_space<hbm>> -> memref<114688x32xi32, #tpu.memory_space<hbm>>
      tpu.wait_indirect_dma semaphore(%arg11 : memref<!tpu.dma_semaphore, #tpu.memory_space<semaphore_mem>>) src(%dma_wait3A_191 : memref<114688x32xi32, #tpu.memory_space<hbm>>) dst(%dma_wait3A_185 : memref<128x32xi32, #tpu.memory_space<vmem>>)
      %dma_wait3A_192 = arith.constant 4 : i32
      %dma_wait3A_193 = arith.constant 512 : i32
      %dma_wait3A_194 = arith.constant 0 : i32
      %dma_wait3A_195 = tpu.memref_slice %arg9[%dma_wait3A_193, %dma_wait3A_194] : memref<640x32xi32, #tpu.memory_space<vmem>> -> memref<128x32xi32, #tpu.memory_space<vmem>>
      %dma_wait3A_196 = arith.constant 0 : i32
      %dma_wait3A_197 = tpu.memref_slice %arg7[%dma_wait3A_192, %dma_wait3A_196] : memref<5x128xi32, #tpu.memory_space<vmem>> -> memref<1x128xi32, #tpu.memory_space<vmem>>
      %dma_wait3A_198 = tpu.memref_squeeze %dma_wait3A_197 : memref<1x128xi32, #tpu.memory_space<vmem>> -> memref<128xi32, #tpu.memory_space<vmem>>
      %dma_wait3A_199 = arith.constant 0 : i32
      %dma_wait3A_200 = arith.constant 0 : i32
      %dma_wait3A_201 = tpu.memref_slice %arg4[%dma_wait3A_199, %dma_wait3A_200] : memref<1015808x32xi32, #tpu.memory_space<hbm>> -> memref<1015808x32xi32, #tpu.memory_space<hbm>>
      tpu.wait_indirect_dma semaphore(%arg11 : memref<!tpu.dma_semaphore, #tpu.memory_space<semaphore_mem>>) src(%dma_wait3A_201 : memref<1015808x32xi32, #tpu.memory_space<hbm>>) dst(%dma_wait3A_195 : memref<128x32xi32, #tpu.memory_space<vmem>>)
      %dma_wait3A_202 = arith.constant 4 : i32
      %dma_wait3A_203 = arith.constant 512 : i32
      %dma_wait3A_204 = arith.constant 0 : i32
      %dma_wait3A_205 = tpu.memref_slice %arg10[%dma_wait3A_203, %dma_wait3A_204] : memref<640x32xi32, #tpu.memory_space<vmem>> -> memref<128x32xi32, #tpu.memory_space<vmem>>
      %dma_wait3A_206 = arith.constant 0 : i32
      %dma_wait3A_207 = tpu.memref_slice %arg8[%dma_wait3A_202, %dma_wait3A_206] : memref<5x128xi32, #tpu.memory_space<vmem>> -> memref<1x128xi32, #tpu.memory_space<vmem>>
      %dma_wait3A_208 = tpu.memref_squeeze %dma_wait3A_207 : memref<1x128xi32, #tpu.memory_space<vmem>> -> memref<128xi32, #tpu.memory_space<vmem>>
      %dma_wait3A_209 = arith.constant 0 : i32
      %dma_wait3A_210 = arith.constant 0 : i32
      %dma_wait3A_211 = tpu.memref_slice %arg5[%dma_wait3A_209, %dma_wait3A_210] : memref<114688x32xi32, #tpu.memory_space<hbm>> -> memref<114688x32xi32, #tpu.memory_space<hbm>>
      tpu.wait_indirect_dma semaphore(%arg11 : memref<!tpu.dma_semaphore, #tpu.memory_space<semaphore_mem>>) src(%dma_wait3A_211 : memref<114688x32xi32, #tpu.memory_space<hbm>>) dst(%dma_wait3A_205 : memref<128x32xi32, #tpu.memory_space<vmem>>)
      %jit3A = arith.constant 5 : i32
      %div3A = arith.divsi %scan3A_10, %jit3A : i32
      %sign3A = arith.constant 0 : i32
      %sign3A_212 = arith.cmpi sgt, %scan3A_10, %sign3A : i32
      %sign3A_213 = arith.extui %sign3A_212 : i1 to i32
      %sign3A_214 = arith.constant 0 : i32
      %sign3A_215 = arith.cmpi slt, %scan3A_10, %sign3A_214 : i32
      %sign3A_216 = arith.extui %sign3A_215 : i1 to i32
      %sign3A_217 = arith.subi %sign3A_213, %sign3A_216 : i32
      %sign3A_218 = arith.constant 0 : i32
      %sign3A_219 = arith.cmpi sgt, %jit3A, %sign3A_218 : i32
      %sign3A_220 = arith.extui %sign3A_219 : i1 to i32
      %sign3A_221 = arith.constant 0 : i32
      %sign3A_222 = arith.cmpi slt, %jit3A, %sign3A_221 : i32
      %sign3A_223 = arith.extui %sign3A_222 : i1 to i32
      %sign3A_224 = arith.subi %sign3A_220, %sign3A_223 : i32
      %ne3A = arith.cmpi ne, %sign3A_217, %sign3A_224 : i32
      %rem3A = arith.remsi %scan3A_10, %jit3A : i32
      %ne3A_225 = arith.constant 0 : i32
      %ne3A_226 = arith.cmpi ne, %rem3A, %ne3A_225 : i32
      %and3A = arith.andi %ne3A, %ne3A_226 : i1
      %sub3A = arith.constant 1 : i32
      %sub3A_227 = arith.subi %div3A, %sub3A : i32
      %select_n3A = arith.select %and3A, %sub3A_227, %div3A : i32
      %mul3A_228 = arith.constant 64 : i32
      %mul3A_229 = arith.muli %select_n3A, %mul3A_228 : i32
      %jit3A_230 = arith.constant 5 : i32
      %eq3A = arith.constant 0 : i32
      %eq3A_231 = arith.cmpi eq, %jit3A_230, %eq3A : i32
      %jit3A_232 = arith.constant 1 : i32
      %select_n3A_233 = arith.select %eq3A_231, %jit3A_232, %jit3A_230 : i32
      %rem3A_234 = arith.remsi %scan3A_10, %select_n3A_233 : i32
      %ne3A_235 = arith.constant 0 : i32
      %ne3A_236 = arith.cmpi ne, %rem3A_234, %ne3A_235 : i32
      %lt3A = arith.constant 0 : i32
      %lt3A_237 = arith.cmpi slt, %rem3A_234, %lt3A : i32
      %lt3A_238 = arith.constant 0 : i32
      %lt3A_239 = arith.cmpi slt, %select_n3A_233, %lt3A_238 : i32
      %ne3A_240 = arith.xori %lt3A_237, %lt3A_239 : i1
      %and3A_241 = arith.andi %ne3A_240, %ne3A_236 : i1
      %add3A_242 = arith.addi %rem3A_234, %select_n3A_233 : i32
      %select_n3A_243 = arith.select %and3A_241, %add3A_242, %rem3A_234 : i32
      %mul3A_244 = arith.constant 640 : i32
      %mul3A_245 = arith.muli %select_n3A_243, %mul3A_244 : i32
      %add3A_246 = arith.addi %mul3A_4, %mul3A_245 : i32
      "tpu.region"() ({
        %run_scoped3A = tpu.sem_alloc : memref<!tpu.dma_semaphore, #tpu.memory_space<semaphore_mem>>
        %dma_start3A_249 = tpu.memref_slice %arg6[%add3A_246, %mul3A_229] : memref<102400x128xi32, #tpu.memory_space<hbm>> -> memref<640x32xi32, #tpu.memory_space<hbm>>
        %dma_start3A_250 = tpu.memref_slice %arg6[%add3A_246, %mul3A_229] : memref<102400x128xi32, #tpu.memory_space<hbm>> -> memref<640x32xi32, #tpu.memory_space<hbm>>
        tpu.enqueue_dma source(%arg9 : memref<640x32xi32, #tpu.memory_space<vmem>>) target(%dma_start3A_250 : memref<640x32xi32, #tpu.memory_space<hbm>>) target_semaphore(%run_scoped3A : memref<!tpu.dma_semaphore, #tpu.memory_space<semaphore_mem>>)
        %dma_wait3A_251 = tpu.memref_slice %arg6[%add3A_246, %mul3A_229] : memref<102400x128xi32, #tpu.memory_space<hbm>> -> memref<640x32xi32, #tpu.memory_space<hbm>>
        %dma_wait3A_252 = tpu.memref_slice %arg6[%add3A_246, %mul3A_229] : memref<102400x128xi32, #tpu.memory_space<hbm>> -> memref<640x32xi32, #tpu.memory_space<hbm>>
        tpu.wait_dma2 semaphore(%run_scoped3A : memref<!tpu.dma_semaphore, #tpu.memory_space<semaphore_mem>>) src(%arg9 : memref<640x32xi32, #tpu.memory_space<vmem>>) dst(%dma_wait3A_252 : memref<640x32xi32, #tpu.memory_space<hbm>>)
        tpu.yield
      }) : () -> ()
      %add3A_247 = arith.constant 32 : i32
      %add3A_248 = arith.addi %mul3A_229, %add3A_247 : i32
      "tpu.region"() ({
        %run_scoped3A = tpu.sem_alloc : memref<!tpu.dma_semaphore, #tpu.memory_space<semaphore_mem>>
        %dma_start3A_249 = tpu.memref_slice %arg6[%add3A_246, %add3A_248] : memref<102400x128xi32, #tpu.memory_space<hbm>> -> memref<640x32xi32, #tpu.memory_space<hbm>>
        %dma_start3A_250 = tpu.memref_slice %arg6[%add3A_246, %add3A_248] : memref<102400x128xi32, #tpu.memory_space<hbm>> -> memref<640x32xi32, #tpu.memory_space<hbm>>
        tpu.enqueue_dma source(%arg10 : memref<640x32xi32, #tpu.memory_space<vmem>>) target(%dma_start3A_250 : memref<640x32xi32, #tpu.memory_space<hbm>>) target_semaphore(%run_scoped3A : memref<!tpu.dma_semaphore, #tpu.memory_space<semaphore_mem>>)
        %dma_wait3A_251 = tpu.memref_slice %arg6[%add3A_246, %add3A_248] : memref<102400x128xi32, #tpu.memory_space<hbm>> -> memref<640x32xi32, #tpu.memory_space<hbm>>
        %dma_wait3A_252 = tpu.memref_slice %arg6[%add3A_246, %add3A_248] : memref<102400x128xi32, #tpu.memory_space<hbm>> -> memref<640x32xi32, #tpu.memory_space<hbm>>
        tpu.wait_dma2 semaphore(%run_scoped3A : memref<!tpu.dma_semaphore, #tpu.memory_space<semaphore_mem>>) src(%arg10 : memref<640x32xi32, #tpu.memory_space<vmem>>) dst(%dma_wait3A_252 : memref<640x32xi32, #tpu.memory_space<hbm>>)
        tpu.yield
      }) : () -> ()
    }
    %scan3A_9 = arith.constant 10 : i32
    return
  }
}

#map = affine_map<(d0, d1) -> (0, 0)>
module attributes {stable_mosaic.version = 14 : i64} {
  func.func @gather_k(%arg0: i32, %arg1: i32, %arg2: memref<1600x128xi32, #tpu.memory_space<hbm>>, %arg3: memref<1600x128xi32, #tpu.memory_space<hbm>>, %arg4: memref<1015808x32xi32, #tpu.memory_space<hbm>>, %arg5: memref<114688x32xi32, #tpu.memory_space<hbm>>, %arg6: memref<102400x128xi32, #tpu.memory_space<hbm>>, %arg7: memref<5x128xi32, #tpu.memory_space<vmem>>, %arg8: memref<5x128xi32, #tpu.memory_space<vmem>>, %arg9: memref<640x32xi32, #tpu.memory_space<vmem>>, %arg10: memref<640x32xi32, #tpu.memory_space<vmem>>, %arg11: memref<!tpu.dma_semaphore, #tpu.memory_space<semaphore_mem>>) attributes {dimension_semantics = [#tpu.dimension_semantics<core_parallel>, #tpu.dimension_semantics<subcore_parallel>], iteration_bounds = array<i64: 2, 16>, scalar_prefetch = 0 : i64, scratch_operands = 5 : i64, tpu.core_type = #tpu.core_type<sc_vector_subcore>, window_params = [{transform_indices = #map}, {transform_indices = #map}, {transform_indices = #map}, {transform_indices = #map}, {transform_indices = #map}]} {
    %mul3A = arith.constant 2 : i32
    %mul3A_0 = arith.muli %arg1, %mul3A : i32
    %add3A = arith.addi %mul3A_0, %arg0 : i32
    %mul3A_1 = arith.constant 50 : i32
    %mul3A_2 = arith.muli %add3A, %mul3A_1 : i32
    %mul3A_3 = arith.constant 3200 : i32
    %mul3A_4 = arith.muli %add3A, %mul3A_3 : i32
    %scan3A = arith.constant 0 : i32
    %scan3A_5 = arith.constant 0 : i32
    %scan3A_6 = arith.constant 10 : i32
    %scan3A_7 = arith.addi %scan3A_5, %scan3A_6 : i32
    %scan3A_8 = arith.constant 1 : i32
    scf.for %scan3A_10 = %scan3A_5 to %scan3A_7 step %scan3A_8  : i32 {
      %mul3A_11 = arith.constant 5 : i32
      %mul3A_12 = arith.muli %scan3A_10, %mul3A_11 : i32
      %add3A_13 = arith.addi %mul3A_2, %mul3A_12 : i32
      "tpu.region"() ({
        %run_scoped3A = tpu.sem_alloc : memref<!tpu.dma_semaphore, #tpu.memory_space<semaphore_mem>>
        %dma_start3A_249 = arith.constant 0 : i32
        %dma_start3A_250 = tpu.memref_slice %arg2[%add3A_13, %dma_start3A_249] : memref<1600x128xi32, #tpu.memory_space<hbm>> -> memref<5x128xi32, #tpu.memory_space<hbm>>
        %dma_start3A_251 = arith.constant 0 : i32
        %dma_start3A_252 = tpu.memref_slice %arg2[%add3A_13, %dma_start3A_251] : memref<1600x128xi32, #tpu.memory_space<hbm>> -> memref<5x128xi32, #tpu.memory_space<hbm>>
        tpu.enqueue_dma source(%dma_start3A_252 : memref<5x128xi32, #tpu.memory_space<hbm>>) target(%arg7 : memref<5x128xi32, #tpu.memory_space<vmem>>) target_semaphore(%run_scoped3A : memref<!tpu.dma_semaphore, #tpu.memory_space<semaphore_mem>>)
        %dma_wait3A_253 = arith.constant 0 : i32
        %dma_wait3A_254 = tpu.memref_slice %arg2[%add3A_13, %dma_wait3A_253] : memref<1600x128xi32, #tpu.memory_space<hbm>> -> memref<5x128xi32, #tpu.memory_space<hbm>>
        %dma_wait3A_255 = arith.constant 0 : i32
        %dma_wait3A_256 = tpu.memref_slice %arg2[%add3A_13, %dma_wait3A_255] : memref<1600x128xi32, #tpu.memory_space<hbm>> -> memref<5x128xi32, #tpu.memory_space<hbm>>
        tpu.wait_dma2 semaphore(%run_scoped3A : memref<!tpu.dma_semaphore, #tpu.memory_space<semaphore_mem>>) src(%dma_wait3A_256 : memref<5x128xi32, #tpu.memory_space<hbm>>) dst(%arg7 : memref<5x128xi32, #tpu.memory_space<vmem>>)
        tpu.yield
      }) : () -> ()
      "tpu.region"() ({
        %run_scoped3A = tpu.sem_alloc : memref<!tpu.dma_semaphore, #tpu.memory_space<semaphore_mem>>
        %dma_start3A_249 = arith.constant 0 : i32
        %dma_start3A_250 = tpu.memref_slice %arg3[%add3A_13, %dma_start3A_249] : memref<1600x128xi32, #tpu.memory_space<hbm>> -> memref<5x128xi32, #tpu.memory_space<hbm>>
        %dma_start3A_251 = arith.constant 0 : i32
        %dma_start3A_252 = tpu.memref_slice %arg3[%add3A_13, %dma_start3A_251] : memref<1600x128xi32, #tpu.memory_space<hbm>> -> memref<5x128xi32, #tpu.memory_space<hbm>>
        tpu.enqueue_dma source(%dma_start3A_252 : memref<5x128xi32, #tpu.memory_space<hbm>>) target(%arg8 : memref<5x128xi32, #tpu.memory_space<vmem>>) target_semaphore(%run_scoped3A : memref<!tpu.dma_semaphore, #tpu.memory_space<semaphore_mem>>)
        %dma_wait3A_253 = arith.constant 0 : i32
        %dma_wait3A_254 = tpu.memref_slice %arg3[%add3A_13, %dma_wait3A_253] : memref<1600x128xi32, #tpu.memory_space<hbm>> -> memref<5x128xi32, #tpu.memory_space<hbm>>
        %dma_wait3A_255 = arith.constant 0 : i32
        %dma_wait3A_256 = tpu.memref_slice %arg3[%add3A_13, %dma_wait3A_255] : memref<1600x128xi32, #tpu.memory_space<hbm>> -> memref<5x128xi32, #tpu.memory_space<hbm>>
        tpu.wait_dma2 semaphore(%run_scoped3A : memref<!tpu.dma_semaphore, #tpu.memory_space<semaphore_mem>>) src(%dma_wait3A_256 : memref<5x128xi32, #tpu.memory_space<hbm>>) dst(%arg8 : memref<5x128xi32, #tpu.memory_space<vmem>>)
        tpu.yield
      }) : () -> ()
      %dma_start3A = arith.constant 0 : i32
      %dma_start3A_14 = arith.constant 0 : i32
      %dma_start3A_15 = arith.constant 0 : i32
      %dma_start3A_16 = tpu.memref_slice %arg9[%dma_start3A_14, %dma_start3A_15] : memref<640x32xi32, #tpu.memory_space<vmem>> -> memref<128x32xi32, #tpu.memory_space<vmem>>
      %dma_start3A_17 = arith.constant 0 : i32
      %dma_start3A_18 = tpu.memref_slice %arg7[%dma_start3A, %dma_start3A_17] : memref<5x128xi32, #tpu.memory_space<vmem>> -> memref<1x128xi32, #tpu.memory_space<vmem>>
      %dma_start3A_19 = tpu.memref_squeeze %dma_start3A_18 : memref<1x128xi32, #tpu.memory_space<vmem>> -> memref<128xi32, #tpu.memory_space<vmem>>
      %dma_start3A_20 = arith.constant 0 : i32
      %dma_start3A_21 = arith.constant 0 : i32
      %dma_start3A_22 = tpu.memref_slice %arg4[%dma_start3A_20, %dma_start3A_21] : memref<1015808x32xi32, #tpu.memory_space<hbm>> -> memref<1015808x32xi32, #tpu.memory_space<hbm>>
      tpu.enqueue_indirect_dma source(%dma_start3A_22 : memref<1015808x32xi32, #tpu.memory_space<hbm>>) target(%dma_start3A_16 : memref<128x32xi32, #tpu.memory_space<vmem>>) offsets(%dma_start3A_19 : memref<128xi32, #tpu.memory_space<vmem>>) semaphore(%arg11 : memref<!tpu.dma_semaphore, #tpu.memory_space<semaphore_mem>>)
      %dma_start3A_23 = arith.constant 0 : i32
      %dma_start3A_24 = arith.constant 0 : i32
      %dma_start3A_25 = arith.constant 0 : i32
      %dma_start3A_26 = tpu.memref_slice %arg10[%dma_start3A_24, %dma_start3A_25] : memref<640x32xi32, #tpu.memory_space<vmem>> -> memref<128x32xi32, #tpu.memory_space<vmem>>
      %dma_start3A_27 = arith.constant 0 : i32
      %dma_start3A_28 = tpu.memref_slice %arg8[%dma_start3A_23, %dma_start3A_27] : memref<5x128xi32, #tpu.memory_space<vmem>> -> memref<1x128xi32, #tpu.memory_space<vmem>>
      %dma_start3A_29 = tpu.memref_squeeze %dma_start3A_28 : memref<1x128xi32, #tpu.memory_space<vmem>> -> memref<128xi32, #tpu.memory_space<vmem>>
      %dma_start3A_30 = arith.constant 0 : i32
      %dma_start3A_31 = arith.constant 0 : i32
      %dma_start3A_32 = tpu.memref_slice %arg5[%dma_start3A_30, %dma_start3A_31] : memref<114688x32xi32, #tpu.memory_space<hbm>> -> memref<114688x32xi32, #tpu.memory_space<hbm>>
      tpu.enqueue_indirect_dma source(%dma_start3A_32 : memref<114688x32xi32, #tpu.memory_space<hbm>>) target(%dma_start3A_26 : memref<128x32xi32, #tpu.memory_space<vmem>>) offsets(%dma_start3A_29 : memref<128xi32, #tpu.memory_space<vmem>>) semaphore(%arg11 : memref<!tpu.dma_semaphore, #tpu.memory_space<semaphore_mem>>)
      %dma_start3A_33 = arith.constant 1 : i32
      %dma_start3A_34 = arith.constant 128 : i32
      %dma_start3A_35 = arith.constant 0 : i32
      %dma_start3A_36 = tpu.memref_slice %arg9[%dma_start3A_34, %dma_start3A_35] : memref<640x32xi32, #tpu.memory_space<vmem>> -> memref<128x32xi32, #tpu.memory_space<vmem>>
      %dma_start3A_37 = arith.constant 0 : i32
      %dma_start3A_38 = tpu.memref_slice %arg7[%dma_start3A_33, %dma_start3A_37] : memref<5x128xi32, #tpu.memory_space<vmem>> -> memref<1x128xi32, #tpu.memory_space<vmem>>
      %dma_start3A_39 = tpu.memref_squeeze %dma_start3A_38 : memref<1x128xi32, #tpu.memory_space<vmem>> -> memref<128xi32, #tpu.memory_space<vmem>>
      %dma_start3A_40 = arith.constant 0 : i32
      %dma_start3A_41 = arith.constant 0 : i32
      %dma_start3A_42 = tpu.memref_slice %arg4[%dma_start3A_40, %dma_start3A_41] : memref<1015808x32xi32, #tpu.memory_space<hbm>> -> memref<1015808x32xi32, #tpu.memory_space<hbm>>
      tpu.enqueue_indirect_dma source(%dma_start3A_42 : memref<1015808x32xi32, #tpu.memory_space<hbm>>) target(%dma_start3A_36 : memref<128x32xi32, #tpu.memory_space<vmem>>) offsets(%dma_start3A_39 : memref<128xi32, #tpu.memory_space<vmem>>) semaphore(%arg11 : memref<!tpu.dma_semaphore, #tpu.memory_space<semaphore_mem>>)
      %dma_start3A_43 = arith.constant 1 : i32
      %dma_start3A_44 = arith.constant 128 : i32
      %dma_start3A_45 = arith.constant 0 : i32
      %dma_start3A_46 = tpu.memref_slice %arg10[%dma_start3A_44, %dma_start3A_45] : memref<640x32xi32, #tpu.memory_space<vmem>> -> memref<128x32xi32, #tpu.memory_space<vmem>>
      %dma_start3A_47 = arith.constant 0 : i32
      %dma_start3A_48 = tpu.memref_slice %arg8[%dma_start3A_43, %dma_start3A_47] : memref<5x128xi32, #tpu.memory_space<vmem>> -> memref<1x128xi32, #tpu.memory_space<vmem>>
      %dma_start3A_49 = tpu.memref_squeeze %dma_start3A_48 : memref<1x128xi32, #tpu.memory_space<vmem>> -> memref<128xi32, #tpu.memory_space<vmem>>
      %dma_start3A_50 = arith.constant 0 : i32
      %dma_start3A_51 = arith.constant 0 : i32
      %dma_start3A_52 = tpu.memref_slice %arg5[%dma_start3A_50, %dma_start3A_51] : memref<114688x32xi32, #tpu.memory_space<hbm>> -> memref<114688x32xi32, #tpu.memory_space<hbm>>
      tpu.enqueue_indirect_dma source(%dma_start3A_52 : memref<114688x32xi32, #tpu.memory_space<hbm>>) target(%dma_start3A_46 : memref<128x32xi32, #tpu.memory_space<vmem>>) offsets(%dma_start3A_49 : memref<128xi32, #tpu.memory_space<vmem>>) semaphore(%arg11 : memref<!tpu.dma_semaphore, #tpu.memory_space<semaphore_mem>>)
      %dma_start3A_53 = arith.constant 2 : i32
      %dma_start3A_54 = arith.constant 256 : i32
      %dma_start3A_55 = arith.constant 0 : i32
      %dma_start3A_56 = tpu.memref_slice %arg9[%dma_start3A_54, %dma_start3A_55] : memref<640x32xi32, #tpu.memory_space<vmem>> -> memref<128x32xi32, #tpu.memory_space<vmem>>
      %dma_start3A_57 = arith.constant 0 : i32
      %dma_start3A_58 = tpu.memref_slice %arg7[%dma_start3A_53, %dma_start3A_57] : memref<5x128xi32, #tpu.memory_space<vmem>> -> memref<1x128xi32, #tpu.memory_space<vmem>>
      %dma_start3A_59 = tpu.memref_squeeze %dma_start3A_58 : memref<1x128xi32, #tpu.memory_space<vmem>> -> memref<128xi32, #tpu.memory_space<vmem>>
      %dma_start3A_60 = arith.constant 0 : i32
      %dma_start3A_61 = arith.constant 0 : i32
      %dma_start3A_62 = tpu.memref_slice %arg4[%dma_start3A_60, %dma_start3A_61] : memref<1015808x32xi32, #tpu.memory_space<hbm>> -> memref<1015808x32xi32, #tpu.memory_space<hbm>>
      tpu.enqueue_indirect_dma source(%dma_start3A_62 : memref<1015808x32xi32, #tpu.memory_space<hbm>>) target(%dma_start3A_56 : memref<128x32xi32, #tpu.memory_space<vmem>>) offsets(%dma_start3A_59 : memref<128xi32, #tpu.memory_space<vmem>>) semaphore(%arg11 : memref<!tpu.dma_semaphore, #tpu.memory_space<semaphore_mem>>)
      %dma_start3A_63 = arith.constant 2 : i32
      %dma_start3A_64 = arith.constant 256 : i32
      %dma_start3A_65 = arith.constant 0 : i32
      %dma_start3A_66 = tpu.memref_slice %arg10[%dma_start3A_64, %dma_start3A_65] : memref<640x32xi32, #tpu.memory_space<vmem>> -> memref<128x32xi32, #tpu.memory_space<vmem>>
      %dma_start3A_67 = arith.constant 0 : i32
      %dma_start3A_68 = tpu.memref_slice %arg8[%dma_start3A_63, %dma_start3A_67] : memref<5x128xi32, #tpu.memory_space<vmem>> -> memref<1x128xi32, #tpu.memory_space<vmem>>
      %dma_start3A_69 = tpu.memref_squeeze %dma_start3A_68 : memref<1x128xi32, #tpu.memory_space<vmem>> -> memref<128xi32, #tpu.memory_space<vmem>>
      %dma_start3A_70 = arith.constant 0 : i32
      %dma_start3A_71 = arith.constant 0 : i32
      %dma_start3A_72 = tpu.memref_slice %arg5[%dma_start3A_70, %dma_start3A_71] : memref<114688x32xi32, #tpu.memory_space<hbm>> -> memref<114688x32xi32, #tpu.memory_space<hbm>>
      tpu.enqueue_indirect_dma source(%dma_start3A_72 : memref<114688x32xi32, #tpu.memory_space<hbm>>) target(%dma_start3A_66 : memref<128x32xi32, #tpu.memory_space<vmem>>) offsets(%dma_start3A_69 : memref<128xi32, #tpu.memory_space<vmem>>) semaphore(%arg11 : memref<!tpu.dma_semaphore, #tpu.memory_space<semaphore_mem>>)
      %dma_start3A_73 = arith.constant 3 : i32
      %dma_start3A_74 = arith.constant 384 : i32
      %dma_start3A_75 = arith.constant 0 : i32
      %dma_start3A_76 = tpu.memref_slice %arg9[%dma_start3A_74, %dma_start3A_75] : memref<640x32xi32, #tpu.memory_space<vmem>> -> memref<128x32xi32, #tpu.memory_space<vmem>>
      %dma_start3A_77 = arith.constant 0 : i32
      %dma_start3A_78 = tpu.memref_slice %arg7[%dma_start3A_73, %dma_start3A_77] : memref<5x128xi32, #tpu.memory_space<vmem>> -> memref<1x128xi32, #tpu.memory_space<vmem>>
      %dma_start3A_79 = tpu.memref_squeeze %dma_start3A_78 : memref<1x128xi32, #tpu.memory_space<vmem>> -> memref<128xi32, #tpu.memory_space<vmem>>
      %dma_start3A_80 = arith.constant 0 : i32
      %dma_start3A_81 = arith.constant 0 : i32
      %dma_start3A_82 = tpu.memref_slice %arg4[%dma_start3A_80, %dma_start3A_81] : memref<1015808x32xi32, #tpu.memory_space<hbm>> -> memref<1015808x32xi32, #tpu.memory_space<hbm>>
      tpu.enqueue_indirect_dma source(%dma_start3A_82 : memref<1015808x32xi32, #tpu.memory_space<hbm>>) target(%dma_start3A_76 : memref<128x32xi32, #tpu.memory_space<vmem>>) offsets(%dma_start3A_79 : memref<128xi32, #tpu.memory_space<vmem>>) semaphore(%arg11 : memref<!tpu.dma_semaphore, #tpu.memory_space<semaphore_mem>>)
      %dma_start3A_83 = arith.constant 3 : i32
      %dma_start3A_84 = arith.constant 384 : i32
      %dma_start3A_85 = arith.constant 0 : i32
      %dma_start3A_86 = tpu.memref_slice %arg10[%dma_start3A_84, %dma_start3A_85] : memref<640x32xi32, #tpu.memory_space<vmem>> -> memref<128x32xi32, #tpu.memory_space<vmem>>
      %dma_start3A_87 = arith.constant 0 : i32
      %dma_start3A_88 = tpu.memref_slice %arg8[%dma_start3A_83, %dma_start3A_87] : memref<5x128xi32, #tpu.memory_space<vmem>> -> memref<1x128xi32, #tpu.memory_space<vmem>>
      %dma_start3A_89 = tpu.memref_squeeze %dma_start3A_88 : memref<1x128xi32, #tpu.memory_space<vmem>> -> memref<128xi32, #tpu.memory_space<vmem>>
      %dma_start3A_90 = arith.constant 0 : i32
      %dma_start3A_91 = arith.constant 0 : i32
      %dma_start3A_92 = tpu.memref_slice %arg5[%dma_start3A_90, %dma_start3A_91] : memref<114688x32xi32, #tpu.memory_space<hbm>> -> memref<114688x32xi32, #tpu.memory_space<hbm>>
      tpu.enqueue_indirect_dma source(%dma_start3A_92 : memref<114688x32xi32, #tpu.memory_space<hbm>>) target(%dma_start3A_86 : memref<128x32xi32, #tpu.memory_space<vmem>>) offsets(%dma_start3A_89 : memref<128xi32, #tpu.memory_space<vmem>>) semaphore(%arg11 : memref<!tpu.dma_semaphore, #tpu.memory_space<semaphore_mem>>)
      %dma_start3A_93 = arith.constant 4 : i32
      %dma_start3A_94 = arith.constant 512 : i32
      %dma_start3A_95 = arith.constant 0 : i32
      %dma_start3A_96 = tpu.memref_slice %arg9[%dma_start3A_94, %dma_start3A_95] : memref<640x32xi32, #tpu.memory_space<vmem>> -> memref<128x32xi32, #tpu.memory_space<vmem>>
      %dma_start3A_97 = arith.constant 0 : i32
      %dma_start3A_98 = tpu.memref_slice %arg7[%dma_start3A_93, %dma_start3A_97] : memref<5x128xi32, #tpu.memory_space<vmem>> -> memref<1x128xi32, #tpu.memory_space<vmem>>
      %dma_start3A_99 = tpu.memref_squeeze %dma_start3A_98 : memref<1x128xi32, #tpu.memory_space<vmem>> -> memref<128xi32, #tpu.memory_space<vmem>>
      %dma_start3A_100 = arith.constant 0 : i32
      %dma_start3A_101 = arith.constant 0 : i32
      %dma_start3A_102 = tpu.memref_slice %arg4[%dma_start3A_100, %dma_start3A_101] : memref<1015808x32xi32, #tpu.memory_space<hbm>> -> memref<1015808x32xi32, #tpu.memory_space<hbm>>
      tpu.enqueue_indirect_dma source(%dma_start3A_102 : memref<1015808x32xi32, #tpu.memory_space<hbm>>) target(%dma_start3A_96 : memref<128x32xi32, #tpu.memory_space<vmem>>) offsets(%dma_start3A_99 : memref<128xi32, #tpu.memory_space<vmem>>) semaphore(%arg11 : memref<!tpu.dma_semaphore, #tpu.memory_space<semaphore_mem>>)
      %dma_start3A_103 = arith.constant 4 : i32
      %dma_start3A_104 = arith.constant 512 : i32
      %dma_start3A_105 = arith.constant 0 : i32
      %dma_start3A_106 = tpu.memref_slice %arg10[%dma_start3A_104, %dma_start3A_105] : memref<640x32xi32, #tpu.memory_space<vmem>> -> memref<128x32xi32, #tpu.memory_space<vmem>>
      %dma_start3A_107 = arith.constant 0 : i32
      %dma_start3A_108 = tpu.memref_slice %arg8[%dma_start3A_103, %dma_start3A_107] : memref<5x128xi32, #tpu.memory_space<vmem>> -> memref<1x128xi32, #tpu.memory_space<vmem>>
      %dma_start3A_109 = tpu.memref_squeeze %dma_start3A_108 : memref<1x128xi32, #tpu.memory_space<vmem>> -> memref<128xi32, #tpu.memory_space<vmem>>
      %dma_start3A_110 = arith.constant 0 : i32
      %dma_start3A_111 = arith.constant 0 : i32
      %dma_start3A_112 = tpu.memref_slice %arg5[%dma_start3A_110, %dma_start3A_111] : memref<114688x32xi32, #tpu.memory_space<hbm>> -> memref<114688x32xi32, #tpu.memory_space<hbm>>
      tpu.enqueue_indirect_dma source(%dma_start3A_112 : memref<114688x32xi32, #tpu.memory_space<hbm>>) target(%dma_start3A_106 : memref<128x32xi32, #tpu.memory_space<vmem>>) offsets(%dma_start3A_109 : memref<128xi32, #tpu.memory_space<vmem>>) semaphore(%arg11 : memref<!tpu.dma_semaphore, #tpu.memory_space<semaphore_mem>>)
      %dma_wait3A = arith.constant 0 : i32
      %dma_wait3A_113 = arith.constant 0 : i32
      %dma_wait3A_114 = arith.constant 0 : i32
      %dma_wait3A_115 = tpu.memref_slice %arg9[%dma_wait3A_113, %dma_wait3A_114] : memref<640x32xi32, #tpu.memory_space<vmem>> -> memref<128x32xi32, #tpu.memory_space<vmem>>
      %dma_wait3A_116 = arith.constant 0 : i32
      %dma_wait3A_117 = tpu.memref_slice %arg7[%dma_wait3A, %dma_wait3A_116] : memref<5x128xi32, #tpu.memory_space<vmem>> -> memref<1x128xi32, #tpu.memory_space<vmem>>
      %dma_wait3A_118 = tpu.memref_squeeze %dma_wait3A_117 : memref<1x128xi32, #tpu.memory_space<vmem>> -> memref<128xi32, #tpu.memory_space<vmem>>
      %dma_wait3A_119 = arith.constant 0 : i32
      %dma_wait3A_120 = arith.constant 0 : i32
      %dma_wait3A_121 = tpu.memref_slice %arg4[%dma_wait3A_119, %dma_wait3A_120] : memref<1015808x32xi32, #tpu.memory_space<hbm>> -> memref<1015808x32xi32, #tpu.memory_space<hbm>>
      tpu.wait_indirect_dma semaphore(%arg11 : memref<!tpu.dma_semaphore, #tpu.memory_space<semaphore_mem>>) src(%dma_wait3A_121 : memref<1015808x32xi32, #tpu.memory_space<hbm>>) dst(%dma_wait3A_115 : memref<128x32xi32, #tpu.memory_space<vmem>>)
      %dma_wait3A_122 = arith.constant 0 : i32
      %dma_wait3A_123 = arith.constant 0 : i32
      %dma_wait3A_124 = arith.constant 0 : i32
      %dma_wait3A_125 = tpu.memref_slice %arg10[%dma_wait3A_123, %dma_wait3A_124] : memref<640x32xi32, #tpu.memory_space<vmem>> -> memref<128x32xi32, #tpu.memory_space<vmem>>
      %dma_wait3A_126 = arith.constant 0 : i32
      %dma_wait3A_127 = tpu.memref_slice %arg8[%dma_wait3A_122, %dma_wait3A_126] : memref<5x128xi32, #tpu.memory_space<vmem>> -> memref<1x128xi32, #tpu.memory_space<vmem>>
      %dma_wait3A_128 = tpu.memref_squeeze %dma_wait3A_127 : memref<1x128xi32, #tpu.memory_space<vmem>> -> memref<128xi32, #tpu.memory_space<vmem>>
      %dma_wait3A_129 = arith.constant 0 : i32
      %dma_wait3A_130 = arith.constant 0 : i32
      %dma_wait3A_131 = tpu.memref_slice %arg5[%dma_wait3A_129, %dma_wait3A_130] : memref<114688x32xi32, #tpu.memory_space<hbm>> -> memref<114688x32xi32, #tpu.memory_space<hbm>>
      tpu.wait_indirect_dma semaphore(%arg11 : memref<!tpu.dma_semaphore, #tpu.memory_space<semaphore_mem>>) src(%dma_wait3A_131 : memref<114688x32xi32, #tpu.memory_space<hbm>>) dst(%dma_wait3A_125 : memref<128x32xi32, #tpu.memory_space<vmem>>)
      %dma_wait3A_132 = arith.constant 1 : i32
      %dma_wait3A_133 = arith.constant 128 : i32
      %dma_wait3A_134 = arith.constant 0 : i32
      %dma_wait3A_135 = tpu.memref_slice %arg9[%dma_wait3A_133, %dma_wait3A_134] : memref<640x32xi32, #tpu.memory_space<vmem>> -> memref<128x32xi32, #tpu.memory_space<vmem>>
      %dma_wait3A_136 = arith.constant 0 : i32
      %dma_wait3A_137 = tpu.memref_slice %arg7[%dma_wait3A_132, %dma_wait3A_136] : memref<5x128xi32, #tpu.memory_space<vmem>> -> memref<1x128xi32, #tpu.memory_space<vmem>>
      %dma_wait3A_138 = tpu.memref_squeeze %dma_wait3A_137 : memref<1x128xi32, #tpu.memory_space<vmem>> -> memref<128xi32, #tpu.memory_space<vmem>>
      %dma_wait3A_139 = arith.constant 0 : i32
      %dma_wait3A_140 = arith.constant 0 : i32
      %dma_wait3A_141 = tpu.memref_slice %arg4[%dma_wait3A_139, %dma_wait3A_140] : memref<1015808x32xi32, #tpu.memory_space<hbm>> -> memref<1015808x32xi32, #tpu.memory_space<hbm>>
      tpu.wait_indirect_dma semaphore(%arg11 : memref<!tpu.dma_semaphore, #tpu.memory_space<semaphore_mem>>) src(%dma_wait3A_141 : memref<1015808x32xi32, #tpu.memory_space<hbm>>) dst(%dma_wait3A_135 : memref<128x32xi32, #tpu.memory_space<vmem>>)
      %dma_wait3A_142 = arith.constant 1 : i32
      %dma_wait3A_143 = arith.constant 128 : i32
      %dma_wait3A_144 = arith.constant 0 : i32
      %dma_wait3A_145 = tpu.memref_slice %arg10[%dma_wait3A_143, %dma_wait3A_144] : memref<640x32xi32, #tpu.memory_space<vmem>> -> memref<128x32xi32, #tpu.memory_space<vmem>>
      %dma_wait3A_146 = arith.constant 0 : i32
      %dma_wait3A_147 = tpu.memref_slice %arg8[%dma_wait3A_142, %dma_wait3A_146] : memref<5x128xi32, #tpu.memory_space<vmem>> -> memref<1x128xi32, #tpu.memory_space<vmem>>
      %dma_wait3A_148 = tpu.memref_squeeze %dma_wait3A_147 : memref<1x128xi32, #tpu.memory_space<vmem>> -> memref<128xi32, #tpu.memory_space<vmem>>
      %dma_wait3A_149 = arith.constant 0 : i32
      %dma_wait3A_150 = arith.constant 0 : i32
      %dma_wait3A_151 = tpu.memref_slice %arg5[%dma_wait3A_149, %dma_wait3A_150] : memref<114688x32xi32, #tpu.memory_space<hbm>> -> memref<114688x32xi32, #tpu.memory_space<hbm>>
      tpu.wait_indirect_dma semaphore(%arg11 : memref<!tpu.dma_semaphore, #tpu.memory_space<semaphore_mem>>) src(%dma_wait3A_151 : memref<114688x32xi32, #tpu.memory_space<hbm>>) dst(%dma_wait3A_145 : memref<128x32xi32, #tpu.memory_space<vmem>>)
      %dma_wait3A_152 = arith.constant 2 : i32
      %dma_wait3A_153 = arith.constant 256 : i32
      %dma_wait3A_154 = arith.constant 0 : i32
      %dma_wait3A_155 = tpu.memref_slice %arg9[%dma_wait3A_153, %dma_wait3A_154] : memref<640x32xi32, #tpu.memory_space<vmem>> -> memref<128x32xi32, #tpu.memory_space<vmem>>
      %dma_wait3A_156 = arith.constant 0 : i32
      %dma_wait3A_157 = tpu.memref_slice %arg7[%dma_wait3A_152, %dma_wait3A_156] : memref<5x128xi32, #tpu.memory_space<vmem>> -> memref<1x128xi32, #tpu.memory_space<vmem>>
      %dma_wait3A_158 = tpu.memref_squeeze %dma_wait3A_157 : memref<1x128xi32, #tpu.memory_space<vmem>> -> memref<128xi32, #tpu.memory_space<vmem>>
      %dma_wait3A_159 = arith.constant 0 : i32
      %dma_wait3A_160 = arith.constant 0 : i32
      %dma_wait3A_161 = tpu.memref_slice %arg4[%dma_wait3A_159, %dma_wait3A_160] : memref<1015808x32xi32, #tpu.memory_space<hbm>> -> memref<1015808x32xi32, #tpu.memory_space<hbm>>
      tpu.wait_indirect_dma semaphore(%arg11 : memref<!tpu.dma_semaphore, #tpu.memory_space<semaphore_mem>>) src(%dma_wait3A_161 : memref<1015808x32xi32, #tpu.memory_space<hbm>>) dst(%dma_wait3A_155 : memref<128x32xi32, #tpu.memory_space<vmem>>)
      %dma_wait3A_162 = arith.constant 2 : i32
      %dma_wait3A_163 = arith.constant 256 : i32
      %dma_wait3A_164 = arith.constant 0 : i32
      %dma_wait3A_165 = tpu.memref_slice %arg10[%dma_wait3A_163, %dma_wait3A_164] : memref<640x32xi32, #tpu.memory_space<vmem>> -> memref<128x32xi32, #tpu.memory_space<vmem>>
      %dma_wait3A_166 = arith.constant 0 : i32
      %dma_wait3A_167 = tpu.memref_slice %arg8[%dma_wait3A_162, %dma_wait3A_166] : memref<5x128xi32, #tpu.memory_space<vmem>> -> memref<1x128xi32, #tpu.memory_space<vmem>>
      %dma_wait3A_168 = tpu.memref_squeeze %dma_wait3A_167 : memref<1x128xi32, #tpu.memory_space<vmem>> -> memref<128xi32, #tpu.memory_space<vmem>>
      %dma_wait3A_169 = arith.constant 0 : i32
      %dma_wait3A_170 = arith.constant 0 : i32
      %dma_wait3A_171 = tpu.memref_slice %arg5[%dma_wait3A_169, %dma_wait3A_170] : memref<114688x32xi32, #tpu.memory_space<hbm>> -> memref<114688x32xi32, #tpu.memory_space<hbm>>
      tpu.wait_indirect_dma semaphore(%arg11 : memref<!tpu.dma_semaphore, #tpu.memory_space<semaphore_mem>>) src(%dma_wait3A_171 : memref<114688x32xi32, #tpu.memory_space<hbm>>) dst(%dma_wait3A_165 : memref<128x32xi32, #tpu.memory_space<vmem>>)
      %dma_wait3A_172 = arith.constant 3 : i32
      %dma_wait3A_173 = arith.constant 384 : i32
      %dma_wait3A_174 = arith.constant 0 : i32
      %dma_wait3A_175 = tpu.memref_slice %arg9[%dma_wait3A_173, %dma_wait3A_174] : memref<640x32xi32, #tpu.memory_space<vmem>> -> memref<128x32xi32, #tpu.memory_space<vmem>>
      %dma_wait3A_176 = arith.constant 0 : i32
      %dma_wait3A_177 = tpu.memref_slice %arg7[%dma_wait3A_172, %dma_wait3A_176] : memref<5x128xi32, #tpu.memory_space<vmem>> -> memref<1x128xi32, #tpu.memory_space<vmem>>
      %dma_wait3A_178 = tpu.memref_squeeze %dma_wait3A_177 : memref<1x128xi32, #tpu.memory_space<vmem>> -> memref<128xi32, #tpu.memory_space<vmem>>
      %dma_wait3A_179 = arith.constant 0 : i32
      %dma_wait3A_180 = arith.constant 0 : i32
      %dma_wait3A_181 = tpu.memref_slice %arg4[%dma_wait3A_179, %dma_wait3A_180] : memref<1015808x32xi32, #tpu.memory_space<hbm>> -> memref<1015808x32xi32, #tpu.memory_space<hbm>>
      tpu.wait_indirect_dma semaphore(%arg11 : memref<!tpu.dma_semaphore, #tpu.memory_space<semaphore_mem>>) src(%dma_wait3A_181 : memref<1015808x32xi32, #tpu.memory_space<hbm>>) dst(%dma_wait3A_175 : memref<128x32xi32, #tpu.memory_space<vmem>>)
      %dma_wait3A_182 = arith.constant 3 : i32
      %dma_wait3A_183 = arith.constant 384 : i32
      %dma_wait3A_184 = arith.constant 0 : i32
      %dma_wait3A_185 = tpu.memref_slice %arg10[%dma_wait3A_183, %dma_wait3A_184] : memref<640x32xi32, #tpu.memory_space<vmem>> -> memref<128x32xi32, #tpu.memory_space<vmem>>
      %dma_wait3A_186 = arith.constant 0 : i32
      %dma_wait3A_187 = tpu.memref_slice %arg8[%dma_wait3A_182, %dma_wait3A_186] : memref<5x128xi32, #tpu.memory_space<vmem>> -> memref<1x128xi32, #tpu.memory_space<vmem>>
      %dma_wait3A_188 = tpu.memref_squeeze %dma_wait3A_187 : memref<1x128xi32, #tpu.memory_space<vmem>> -> memref<128xi32, #tpu.memory_space<vmem>>
      %dma_wait3A_189 = arith.constant 0 : i32
      %dma_wait3A_190 = arith.constant 0 : i32
      %dma_wait3A_191 = tpu.memref_slice %arg5[%dma_wait3A_189, %dma_wait3A_190] : memref<114688x32xi32, #tpu.memory_space<hbm>> -> memref<114688x32xi32, #tpu.memory_space<hbm>>
      tpu.wait_indirect_dma semaphore(%arg11 : memref<!tpu.dma_semaphore, #tpu.memory_space<semaphore_mem>>) src(%dma_wait3A_191 : memref<114688x32xi32, #tpu.memory_space<hbm>>) dst(%dma_wait3A_185 : memref<128x32xi32, #tpu.memory_space<vmem>>)
      %dma_wait3A_192 = arith.constant 4 : i32
      %dma_wait3A_193 = arith.constant 512 : i32
      %dma_wait3A_194 = arith.constant 0 : i32
      %dma_wait3A_195 = tpu.memref_slice %arg9[%dma_wait3A_193, %dma_wait3A_194] : memref<640x32xi32, #tpu.memory_space<vmem>> -> memref<128x32xi32, #tpu.memory_space<vmem>>
      %dma_wait3A_196 = arith.constant 0 : i32
      %dma_wait3A_197 = tpu.memref_slice %arg7[%dma_wait3A_192, %dma_wait3A_196] : memref<5x128xi32, #tpu.memory_space<vmem>> -> memref<1x128xi32, #tpu.memory_space<vmem>>
      %dma_wait3A_198 = tpu.memref_squeeze %dma_wait3A_197 : memref<1x128xi32, #tpu.memory_space<vmem>> -> memref<128xi32, #tpu.memory_space<vmem>>
      %dma_wait3A_199 = arith.constant 0 : i32
      %dma_wait3A_200 = arith.constant 0 : i32
      %dma_wait3A_201 = tpu.memref_slice %arg4[%dma_wait3A_199, %dma_wait3A_200] : memref<1015808x32xi32, #tpu.memory_space<hbm>> -> memref<1015808x32xi32, #tpu.memory_space<hbm>>
      tpu.wait_indirect_dma semaphore(%arg11 : memref<!tpu.dma_semaphore, #tpu.memory_space<semaphore_mem>>) src(%dma_wait3A_201 : memref<1015808x32xi32, #tpu.memory_space<hbm>>) dst(%dma_wait3A_195 : memref<128x32xi32, #tpu.memory_space<vmem>>)
      %dma_wait3A_202 = arith.constant 4 : i32
      %dma_wait3A_203 = arith.constant 512 : i32
      %dma_wait3A_204 = arith.constant 0 : i32
      %dma_wait3A_205 = tpu.memref_slice %arg10[%dma_wait3A_203, %dma_wait3A_204] : memref<640x32xi32, #tpu.memory_space<vmem>> -> memref<128x32xi32, #tpu.memory_space<vmem>>
      %dma_wait3A_206 = arith.constant 0 : i32
      %dma_wait3A_207 = tpu.memref_slice %arg8[%dma_wait3A_202, %dma_wait3A_206] : memref<5x128xi32, #tpu.memory_space<vmem>> -> memref<1x128xi32, #tpu.memory_space<vmem>>
      %dma_wait3A_208 = tpu.memref_squeeze %dma_wait3A_207 : memref<1x128xi32, #tpu.memory_space<vmem>> -> memref<128xi32, #tpu.memory_space<vmem>>
      %dma_wait3A_209 = arith.constant 0 : i32
      %dma_wait3A_210 = arith.constant 0 : i32
      %dma_wait3A_211 = tpu.memref_slice %arg5[%dma_wait3A_209, %dma_wait3A_210] : memref<114688x32xi32, #tpu.memory_space<hbm>> -> memref<114688x32xi32, #tpu.memory_space<hbm>>
      tpu.wait_indirect_dma semaphore(%arg11 : memref<!tpu.dma_semaphore, #tpu.memory_space<semaphore_mem>>) src(%dma_wait3A_211 : memref<114688x32xi32, #tpu.memory_space<hbm>>) dst(%dma_wait3A_205 : memref<128x32xi32, #tpu.memory_space<vmem>>)
      %jit3A = arith.constant 5 : i32
      %div3A = arith.divsi %scan3A_10, %jit3A : i32
      %sign3A = arith.constant 0 : i32
      %sign3A_212 = arith.cmpi sgt, %scan3A_10, %sign3A : i32
      %sign3A_213 = arith.extui %sign3A_212 : i1 to i32
      %sign3A_214 = arith.constant 0 : i32
      %sign3A_215 = arith.cmpi slt, %scan3A_10, %sign3A_214 : i32
      %sign3A_216 = arith.extui %sign3A_215 : i1 to i32
      %sign3A_217 = arith.subi %sign3A_213, %sign3A_216 : i32
      %sign3A_218 = arith.constant 0 : i32
      %sign3A_219 = arith.cmpi sgt, %jit3A, %sign3A_218 : i32
      %sign3A_220 = arith.extui %sign3A_219 : i1 to i32
      %sign3A_221 = arith.constant 0 : i32
      %sign3A_222 = arith.cmpi slt, %jit3A, %sign3A_221 : i32
      %sign3A_223 = arith.extui %sign3A_222 : i1 to i32
      %sign3A_224 = arith.subi %sign3A_220, %sign3A_223 : i32
      %ne3A = arith.cmpi ne, %sign3A_217, %sign3A_224 : i32
      %rem3A = arith.remsi %scan3A_10, %jit3A : i32
      %ne3A_225 = arith.constant 0 : i32
      %ne3A_226 = arith.cmpi ne, %rem3A, %ne3A_225 : i32
      %and3A = arith.andi %ne3A, %ne3A_226 : i1
      %sub3A = arith.constant 1 : i32
      %sub3A_227 = arith.subi %div3A, %sub3A : i32
      %select_n3A = arith.select %and3A, %sub3A_227, %div3A : i32
      %mul3A_228 = arith.constant 64 : i32
      %mul3A_229 = arith.muli %select_n3A, %mul3A_228 : i32
      %jit3A_230 = arith.constant 5 : i32
      %eq3A = arith.constant 0 : i32
      %eq3A_231 = arith.cmpi eq, %jit3A_230, %eq3A : i32
      %jit3A_232 = arith.constant 1 : i32
      %select_n3A_233 = arith.select %eq3A_231, %jit3A_232, %jit3A_230 : i32
      %rem3A_234 = arith.remsi %scan3A_10, %select_n3A_233 : i32
      %ne3A_235 = arith.constant 0 : i32
      %ne3A_236 = arith.cmpi ne, %rem3A_234, %ne3A_235 : i32
      %lt3A = arith.constant 0 : i32
      %lt3A_237 = arith.cmpi slt, %rem3A_234, %lt3A : i32
      %lt3A_238 = arith.constant 0 : i32
      %lt3A_239 = arith.cmpi slt, %select_n3A_233, %lt3A_238 : i32
      %ne3A_240 = arith.xori %lt3A_237, %lt3A_239 : i1
      %and3A_241 = arith.andi %ne3A_240, %ne3A_236 : i1
      %add3A_242 = arith.addi %rem3A_234, %select_n3A_233 : i32
      %select_n3A_243 = arith.select %and3A_241, %add3A_242, %rem3A_234 : i32
      %mul3A_244 = arith.constant 640 : i32
      %mul3A_245 = arith.muli %select_n3A_243, %mul3A_244 : i32
      %add3A_246 = arith.addi %mul3A_4, %mul3A_245 : i32
      "tpu.region"() ({
        %run_scoped3A = tpu.sem_alloc : memref<!tpu.dma_semaphore, #tpu.memory_space<semaphore_mem>>
        %dma_start3A_249 = tpu.memref_slice %arg6[%add3A_246, %mul3A_229] : memref<102400x128xi32, #tpu.memory_space<hbm>> -> memref<640x32xi32, #tpu.memory_space<hbm>>
        %dma_start3A_250 = tpu.memref_slice %arg6[%add3A_246, %mul3A_229] : memref<102400x128xi32, #tpu.memory_space<hbm>> -> memref<640x32xi32, #tpu.memory_space<hbm>>
        tpu.enqueue_dma source(%arg9 : memref<640x32xi32, #tpu.memory_space<vmem>>) target(%dma_start3A_250 : memref<640x32xi32, #tpu.memory_space<hbm>>) target_semaphore(%run_scoped3A : memref<!tpu.dma_semaphore, #tpu.memory_space<semaphore_mem>>)
        %dma_wait3A_251 = tpu.memref_slice %arg6[%add3A_246, %mul3A_229] : memref<102400x128xi32, #tpu.memory_space<hbm>> -> memref<640x32xi32, #tpu.memory_space<hbm>>
        %dma_wait3A_252 = tpu.memref_slice %arg6[%add3A_246, %mul3A_229] : memref<102400x128xi32, #tpu.memory_space<hbm>> -> memref<640x32xi32, #tpu.memory_space<hbm>>
        tpu.wait_dma2 semaphore(%run_scoped3A : memref<!tpu.dma_semaphore, #tpu.memory_space<semaphore_mem>>) src(%arg9 : memref<640x32xi32, #tpu.memory_space<vmem>>) dst(%dma_wait3A_252 : memref<640x32xi32, #tpu.memory_space<hbm>>)
        tpu.yield
      }) : () -> ()
      %add3A_247 = arith.constant 32 : i32
      %add3A_248 = arith.addi %mul3A_229, %add3A_247 : i32
      "tpu.region"() ({
        %run_scoped3A = tpu.sem_alloc : memref<!tpu.dma_semaphore, #tpu.memory_space<semaphore_mem>>
        %dma_start3A_249 = tpu.memref_slice %arg6[%add3A_246, %add3A_248] : memref<102400x128xi32, #tpu.memory_space<hbm>> -> memref<640x32xi32, #tpu.memory_space<hbm>>
        %dma_start3A_250 = tpu.memref_slice %arg6[%add3A_246, %add3A_248] : memref<102400x128xi32, #tpu.memory_space<hbm>> -> memref<640x32xi32, #tpu.memory_space<hbm>>
        tpu.enqueue_dma source(%arg10 : memref<640x32xi32, #tpu.memory_space<vmem>>) target(%dma_start3A_250 : memref<640x32xi32, #tpu.memory_space<hbm>>) target_semaphore(%run_scoped3A : memref<!tpu.dma_semaphore, #tpu.memory_space<semaphore_mem>>)
        %dma_wait3A_251 = tpu.memref_slice %arg6[%add3A_246, %add3A_248] : memref<102400x128xi32, #tpu.memory_space<hbm>> -> memref<640x32xi32, #tpu.memory_space<hbm>>
        %dma_wait3A_252 = tpu.memref_slice %arg6[%add3A_246, %add3A_248] : memref<102400x128xi32, #tpu.memory_space<hbm>> -> memref<640x32xi32, #tpu.memory_space<hbm>>
        tpu.wait_dma2 semaphore(%run_scoped3A : memref<!tpu.dma_semaphore, #tpu.memory_space<semaphore_mem>>) src(%arg10 : memref<640x32xi32, #tpu.memory_space<vmem>>) dst(%dma_wait3A_252 : memref<640x32xi32, #tpu.memory_space<hbm>>)
        tpu.yield
      }) : () -> ()
    }
    %scan3A_9 = arith.constant 10 : i32
    return
  }
}

#map = affine_map<(d0, d1) -> (0, 0)>
module attributes {stable_mosaic.version = 14 : i64} {
  func.func @gather_k(%arg0: i32, %arg1: i32, %arg2: memref<1600x128xi32, #tpu.memory_space<hbm>>, %arg3: memref<1600x128xi32, #tpu.memory_space<hbm>>, %arg4: memref<1015808x32xi32, #tpu.memory_space<hbm>>, %arg5: memref<114688x32xi32, #tpu.memory_space<hbm>>, %arg6: memref<102400x128xi32, #tpu.memory_space<hbm>>, %arg7: memref<5x128xi32, #tpu.memory_space<vmem>>, %arg8: memref<5x128xi32, #tpu.memory_space<vmem>>, %arg9: memref<640x32xi32, #tpu.memory_space<vmem>>, %arg10: memref<640x32xi32, #tpu.memory_space<vmem>>, %arg11: memref<!tpu.dma_semaphore, #tpu.memory_space<semaphore_mem>>) attributes {dimension_semantics = [#tpu.dimension_semantics<core_parallel>, #tpu.dimension_semantics<subcore_parallel>], iteration_bounds = array<i64: 2, 16>, scalar_prefetch = 0 : i64, scratch_operands = 5 : i64, tpu.core_type = #tpu.core_type<sc_vector_subcore>, window_params = [{transform_indices = #map}, {transform_indices = #map}, {transform_indices = #map}, {transform_indices = #map}, {transform_indices = #map}]} {
    %mul3A = arith.constant 2 : i32
    %mul3A_0 = arith.muli %arg1, %mul3A : i32
    %add3A = arith.addi %mul3A_0, %arg0 : i32
    %mul3A_1 = arith.constant 50 : i32
    %mul3A_2 = arith.muli %add3A, %mul3A_1 : i32
    %mul3A_3 = arith.constant 3200 : i32
    %mul3A_4 = arith.muli %add3A, %mul3A_3 : i32
    %scan3A = arith.constant 0 : i32
    %scan3A_5 = arith.constant 0 : i32
    %scan3A_6 = arith.constant 10 : i32
    %scan3A_7 = arith.addi %scan3A_5, %scan3A_6 : i32
    %scan3A_8 = arith.constant 1 : i32
    scf.for %scan3A_10 = %scan3A_5 to %scan3A_7 step %scan3A_8  : i32 {
      %mul3A_11 = arith.constant 5 : i32
      %mul3A_12 = arith.muli %scan3A_10, %mul3A_11 : i32
      %add3A_13 = arith.addi %mul3A_2, %mul3A_12 : i32
      "tpu.region"() ({
        %run_scoped3A = tpu.sem_alloc : memref<!tpu.dma_semaphore, #tpu.memory_space<semaphore_mem>>
        %dma_start3A_249 = arith.constant 0 : i32
        %dma_start3A_250 = tpu.memref_slice %arg2[%add3A_13, %dma_start3A_249] : memref<1600x128xi32, #tpu.memory_space<hbm>> -> memref<5x128xi32, #tpu.memory_space<hbm>>
        %dma_start3A_251 = arith.constant 0 : i32
        %dma_start3A_252 = tpu.memref_slice %arg2[%add3A_13, %dma_start3A_251] : memref<1600x128xi32, #tpu.memory_space<hbm>> -> memref<5x128xi32, #tpu.memory_space<hbm>>
        tpu.enqueue_dma source(%dma_start3A_252 : memref<5x128xi32, #tpu.memory_space<hbm>>) target(%arg7 : memref<5x128xi32, #tpu.memory_space<vmem>>) target_semaphore(%run_scoped3A : memref<!tpu.dma_semaphore, #tpu.memory_space<semaphore_mem>>)
        %dma_wait3A_253 = arith.constant 0 : i32
        %dma_wait3A_254 = tpu.memref_slice %arg2[%add3A_13, %dma_wait3A_253] : memref<1600x128xi32, #tpu.memory_space<hbm>> -> memref<5x128xi32, #tpu.memory_space<hbm>>
        %dma_wait3A_255 = arith.constant 0 : i32
        %dma_wait3A_256 = tpu.memref_slice %arg2[%add3A_13, %dma_wait3A_255] : memref<1600x128xi32, #tpu.memory_space<hbm>> -> memref<5x128xi32, #tpu.memory_space<hbm>>
        tpu.wait_dma2 semaphore(%run_scoped3A : memref<!tpu.dma_semaphore, #tpu.memory_space<semaphore_mem>>) src(%dma_wait3A_256 : memref<5x128xi32, #tpu.memory_space<hbm>>) dst(%arg7 : memref<5x128xi32, #tpu.memory_space<vmem>>)
        tpu.yield
      }) : () -> ()
      "tpu.region"() ({
        %run_scoped3A = tpu.sem_alloc : memref<!tpu.dma_semaphore, #tpu.memory_space<semaphore_mem>>
        %dma_start3A_249 = arith.constant 0 : i32
        %dma_start3A_250 = tpu.memref_slice %arg3[%add3A_13, %dma_start3A_249] : memref<1600x128xi32, #tpu.memory_space<hbm>> -> memref<5x128xi32, #tpu.memory_space<hbm>>
        %dma_start3A_251 = arith.constant 0 : i32
        %dma_start3A_252 = tpu.memref_slice %arg3[%add3A_13, %dma_start3A_251] : memref<1600x128xi32, #tpu.memory_space<hbm>> -> memref<5x128xi32, #tpu.memory_space<hbm>>
        tpu.enqueue_dma source(%dma_start3A_252 : memref<5x128xi32, #tpu.memory_space<hbm>>) target(%arg8 : memref<5x128xi32, #tpu.memory_space<vmem>>) target_semaphore(%run_scoped3A : memref<!tpu.dma_semaphore, #tpu.memory_space<semaphore_mem>>)
        %dma_wait3A_253 = arith.constant 0 : i32
        %dma_wait3A_254 = tpu.memref_slice %arg3[%add3A_13, %dma_wait3A_253] : memref<1600x128xi32, #tpu.memory_space<hbm>> -> memref<5x128xi32, #tpu.memory_space<hbm>>
        %dma_wait3A_255 = arith.constant 0 : i32
        %dma_wait3A_256 = tpu.memref_slice %arg3[%add3A_13, %dma_wait3A_255] : memref<1600x128xi32, #tpu.memory_space<hbm>> -> memref<5x128xi32, #tpu.memory_space<hbm>>
        tpu.wait_dma2 semaphore(%run_scoped3A : memref<!tpu.dma_semaphore, #tpu.memory_space<semaphore_mem>>) src(%dma_wait3A_256 : memref<5x128xi32, #tpu.memory_space<hbm>>) dst(%arg8 : memref<5x128xi32, #tpu.memory_space<vmem>>)
        tpu.yield
      }) : () -> ()
      %dma_start3A = arith.constant 0 : i32
      %dma_start3A_14 = arith.constant 0 : i32
      %dma_start3A_15 = arith.constant 0 : i32
      %dma_start3A_16 = tpu.memref_slice %arg9[%dma_start3A_14, %dma_start3A_15] : memref<640x32xi32, #tpu.memory_space<vmem>> -> memref<128x32xi32, #tpu.memory_space<vmem>>
      %dma_start3A_17 = arith.constant 0 : i32
      %dma_start3A_18 = tpu.memref_slice %arg7[%dma_start3A, %dma_start3A_17] : memref<5x128xi32, #tpu.memory_space<vmem>> -> memref<1x128xi32, #tpu.memory_space<vmem>>
      %dma_start3A_19 = tpu.memref_squeeze %dma_start3A_18 : memref<1x128xi32, #tpu.memory_space<vmem>> -> memref<128xi32, #tpu.memory_space<vmem>>
      %dma_start3A_20 = arith.constant 0 : i32
      %dma_start3A_21 = arith.constant 0 : i32
      %dma_start3A_22 = tpu.memref_slice %arg4[%dma_start3A_20, %dma_start3A_21] : memref<1015808x32xi32, #tpu.memory_space<hbm>> -> memref<1015808x32xi32, #tpu.memory_space<hbm>>
      tpu.enqueue_indirect_dma source(%dma_start3A_22 : memref<1015808x32xi32, #tpu.memory_space<hbm>>) target(%dma_start3A_16 : memref<128x32xi32, #tpu.memory_space<vmem>>) offsets(%dma_start3A_19 : memref<128xi32, #tpu.memory_space<vmem>>) semaphore(%arg11 : memref<!tpu.dma_semaphore, #tpu.memory_space<semaphore_mem>>)
      %dma_start3A_23 = arith.constant 0 : i32
      %dma_start3A_24 = arith.constant 0 : i32
      %dma_start3A_25 = arith.constant 0 : i32
      %dma_start3A_26 = tpu.memref_slice %arg10[%dma_start3A_24, %dma_start3A_25] : memref<640x32xi32, #tpu.memory_space<vmem>> -> memref<128x32xi32, #tpu.memory_space<vmem>>
      %dma_start3A_27 = arith.constant 0 : i32
      %dma_start3A_28 = tpu.memref_slice %arg8[%dma_start3A_23, %dma_start3A_27] : memref<5x128xi32, #tpu.memory_space<vmem>> -> memref<1x128xi32, #tpu.memory_space<vmem>>
      %dma_start3A_29 = tpu.memref_squeeze %dma_start3A_28 : memref<1x128xi32, #tpu.memory_space<vmem>> -> memref<128xi32, #tpu.memory_space<vmem>>
      %dma_start3A_30 = arith.constant 0 : i32
      %dma_start3A_31 = arith.constant 0 : i32
      %dma_start3A_32 = tpu.memref_slice %arg5[%dma_start3A_30, %dma_start3A_31] : memref<114688x32xi32, #tpu.memory_space<hbm>> -> memref<114688x32xi32, #tpu.memory_space<hbm>>
      tpu.enqueue_indirect_dma source(%dma_start3A_32 : memref<114688x32xi32, #tpu.memory_space<hbm>>) target(%dma_start3A_26 : memref<128x32xi32, #tpu.memory_space<vmem>>) offsets(%dma_start3A_29 : memref<128xi32, #tpu.memory_space<vmem>>) semaphore(%arg11 : memref<!tpu.dma_semaphore, #tpu.memory_space<semaphore_mem>>)
      %dma_start3A_33 = arith.constant 1 : i32
      %dma_start3A_34 = arith.constant 128 : i32
      %dma_start3A_35 = arith.constant 0 : i32
      %dma_start3A_36 = tpu.memref_slice %arg9[%dma_start3A_34, %dma_start3A_35] : memref<640x32xi32, #tpu.memory_space<vmem>> -> memref<128x32xi32, #tpu.memory_space<vmem>>
      %dma_start3A_37 = arith.constant 0 : i32
      %dma_start3A_38 = tpu.memref_slice %arg7[%dma_start3A_33, %dma_start3A_37] : memref<5x128xi32, #tpu.memory_space<vmem>> -> memref<1x128xi32, #tpu.memory_space<vmem>>
      %dma_start3A_39 = tpu.memref_squeeze %dma_start3A_38 : memref<1x128xi32, #tpu.memory_space<vmem>> -> memref<128xi32, #tpu.memory_space<vmem>>
      %dma_start3A_40 = arith.constant 0 : i32
      %dma_start3A_41 = arith.constant 0 : i32
      %dma_start3A_42 = tpu.memref_slice %arg4[%dma_start3A_40, %dma_start3A_41] : memref<1015808x32xi32, #tpu.memory_space<hbm>> -> memref<1015808x32xi32, #tpu.memory_space<hbm>>
      tpu.enqueue_indirect_dma source(%dma_start3A_42 : memref<1015808x32xi32, #tpu.memory_space<hbm>>) target(%dma_start3A_36 : memref<128x32xi32, #tpu.memory_space<vmem>>) offsets(%dma_start3A_39 : memref<128xi32, #tpu.memory_space<vmem>>) semaphore(%arg11 : memref<!tpu.dma_semaphore, #tpu.memory_space<semaphore_mem>>)
      %dma_start3A_43 = arith.constant 1 : i32
      %dma_start3A_44 = arith.constant 128 : i32
      %dma_start3A_45 = arith.constant 0 : i32
      %dma_start3A_46 = tpu.memref_slice %arg10[%dma_start3A_44, %dma_start3A_45] : memref<640x32xi32, #tpu.memory_space<vmem>> -> memref<128x32xi32, #tpu.memory_space<vmem>>
      %dma_start3A_47 = arith.constant 0 : i32
      %dma_start3A_48 = tpu.memref_slice %arg8[%dma_start3A_43, %dma_start3A_47] : memref<5x128xi32, #tpu.memory_space<vmem>> -> memref<1x128xi32, #tpu.memory_space<vmem>>
      %dma_start3A_49 = tpu.memref_squeeze %dma_start3A_48 : memref<1x128xi32, #tpu.memory_space<vmem>> -> memref<128xi32, #tpu.memory_space<vmem>>
      %dma_start3A_50 = arith.constant 0 : i32
      %dma_start3A_51 = arith.constant 0 : i32
      %dma_start3A_52 = tpu.memref_slice %arg5[%dma_start3A_50, %dma_start3A_51] : memref<114688x32xi32, #tpu.memory_space<hbm>> -> memref<114688x32xi32, #tpu.memory_space<hbm>>
      tpu.enqueue_indirect_dma source(%dma_start3A_52 : memref<114688x32xi32, #tpu.memory_space<hbm>>) target(%dma_start3A_46 : memref<128x32xi32, #tpu.memory_space<vmem>>) offsets(%dma_start3A_49 : memref<128xi32, #tpu.memory_space<vmem>>) semaphore(%arg11 : memref<!tpu.dma_semaphore, #tpu.memory_space<semaphore_mem>>)
      %dma_start3A_53 = arith.constant 2 : i32
      %dma_start3A_54 = arith.constant 256 : i32
      %dma_start3A_55 = arith.constant 0 : i32
      %dma_start3A_56 = tpu.memref_slice %arg9[%dma_start3A_54, %dma_start3A_55] : memref<640x32xi32, #tpu.memory_space<vmem>> -> memref<128x32xi32, #tpu.memory_space<vmem>>
      %dma_start3A_57 = arith.constant 0 : i32
      %dma_start3A_58 = tpu.memref_slice %arg7[%dma_start3A_53, %dma_start3A_57] : memref<5x128xi32, #tpu.memory_space<vmem>> -> memref<1x128xi32, #tpu.memory_space<vmem>>
      %dma_start3A_59 = tpu.memref_squeeze %dma_start3A_58 : memref<1x128xi32, #tpu.memory_space<vmem>> -> memref<128xi32, #tpu.memory_space<vmem>>
      %dma_start3A_60 = arith.constant 0 : i32
      %dma_start3A_61 = arith.constant 0 : i32
      %dma_start3A_62 = tpu.memref_slice %arg4[%dma_start3A_60, %dma_start3A_61] : memref<1015808x32xi32, #tpu.memory_space<hbm>> -> memref<1015808x32xi32, #tpu.memory_space<hbm>>
      tpu.enqueue_indirect_dma source(%dma_start3A_62 : memref<1015808x32xi32, #tpu.memory_space<hbm>>) target(%dma_start3A_56 : memref<128x32xi32, #tpu.memory_space<vmem>>) offsets(%dma_start3A_59 : memref<128xi32, #tpu.memory_space<vmem>>) semaphore(%arg11 : memref<!tpu.dma_semaphore, #tpu.memory_space<semaphore_mem>>)
      %dma_start3A_63 = arith.constant 2 : i32
      %dma_start3A_64 = arith.constant 256 : i32
      %dma_start3A_65 = arith.constant 0 : i32
      %dma_start3A_66 = tpu.memref_slice %arg10[%dma_start3A_64, %dma_start3A_65] : memref<640x32xi32, #tpu.memory_space<vmem>> -> memref<128x32xi32, #tpu.memory_space<vmem>>
      %dma_start3A_67 = arith.constant 0 : i32
      %dma_start3A_68 = tpu.memref_slice %arg8[%dma_start3A_63, %dma_start3A_67] : memref<5x128xi32, #tpu.memory_space<vmem>> -> memref<1x128xi32, #tpu.memory_space<vmem>>
      %dma_start3A_69 = tpu.memref_squeeze %dma_start3A_68 : memref<1x128xi32, #tpu.memory_space<vmem>> -> memref<128xi32, #tpu.memory_space<vmem>>
      %dma_start3A_70 = arith.constant 0 : i32
      %dma_start3A_71 = arith.constant 0 : i32
      %dma_start3A_72 = tpu.memref_slice %arg5[%dma_start3A_70, %dma_start3A_71] : memref<114688x32xi32, #tpu.memory_space<hbm>> -> memref<114688x32xi32, #tpu.memory_space<hbm>>
      tpu.enqueue_indirect_dma source(%dma_start3A_72 : memref<114688x32xi32, #tpu.memory_space<hbm>>) target(%dma_start3A_66 : memref<128x32xi32, #tpu.memory_space<vmem>>) offsets(%dma_start3A_69 : memref<128xi32, #tpu.memory_space<vmem>>) semaphore(%arg11 : memref<!tpu.dma_semaphore, #tpu.memory_space<semaphore_mem>>)
      %dma_start3A_73 = arith.constant 3 : i32
      %dma_start3A_74 = arith.constant 384 : i32
      %dma_start3A_75 = arith.constant 0 : i32
      %dma_start3A_76 = tpu.memref_slice %arg9[%dma_start3A_74, %dma_start3A_75] : memref<640x32xi32, #tpu.memory_space<vmem>> -> memref<128x32xi32, #tpu.memory_space<vmem>>
      %dma_start3A_77 = arith.constant 0 : i32
      %dma_start3A_78 = tpu.memref_slice %arg7[%dma_start3A_73, %dma_start3A_77] : memref<5x128xi32, #tpu.memory_space<vmem>> -> memref<1x128xi32, #tpu.memory_space<vmem>>
      %dma_start3A_79 = tpu.memref_squeeze %dma_start3A_78 : memref<1x128xi32, #tpu.memory_space<vmem>> -> memref<128xi32, #tpu.memory_space<vmem>>
      %dma_start3A_80 = arith.constant 0 : i32
      %dma_start3A_81 = arith.constant 0 : i32
      %dma_start3A_82 = tpu.memref_slice %arg4[%dma_start3A_80, %dma_start3A_81] : memref<1015808x32xi32, #tpu.memory_space<hbm>> -> memref<1015808x32xi32, #tpu.memory_space<hbm>>
      tpu.enqueue_indirect_dma source(%dma_start3A_82 : memref<1015808x32xi32, #tpu.memory_space<hbm>>) target(%dma_start3A_76 : memref<128x32xi32, #tpu.memory_space<vmem>>) offsets(%dma_start3A_79 : memref<128xi32, #tpu.memory_space<vmem>>) semaphore(%arg11 : memref<!tpu.dma_semaphore, #tpu.memory_space<semaphore_mem>>)
      %dma_start3A_83 = arith.constant 3 : i32
      %dma_start3A_84 = arith.constant 384 : i32
      %dma_start3A_85 = arith.constant 0 : i32
      %dma_start3A_86 = tpu.memref_slice %arg10[%dma_start3A_84, %dma_start3A_85] : memref<640x32xi32, #tpu.memory_space<vmem>> -> memref<128x32xi32, #tpu.memory_space<vmem>>
      %dma_start3A_87 = arith.constant 0 : i32
      %dma_start3A_88 = tpu.memref_slice %arg8[%dma_start3A_83, %dma_start3A_87] : memref<5x128xi32, #tpu.memory_space<vmem>> -> memref<1x128xi32, #tpu.memory_space<vmem>>
      %dma_start3A_89 = tpu.memref_squeeze %dma_start3A_88 : memref<1x128xi32, #tpu.memory_space<vmem>> -> memref<128xi32, #tpu.memory_space<vmem>>
      %dma_start3A_90 = arith.constant 0 : i32
      %dma_start3A_91 = arith.constant 0 : i32
      %dma_start3A_92 = tpu.memref_slice %arg5[%dma_start3A_90, %dma_start3A_91] : memref<114688x32xi32, #tpu.memory_space<hbm>> -> memref<114688x32xi32, #tpu.memory_space<hbm>>
      tpu.enqueue_indirect_dma source(%dma_start3A_92 : memref<114688x32xi32, #tpu.memory_space<hbm>>) target(%dma_start3A_86 : memref<128x32xi32, #tpu.memory_space<vmem>>) offsets(%dma_start3A_89 : memref<128xi32, #tpu.memory_space<vmem>>) semaphore(%arg11 : memref<!tpu.dma_semaphore, #tpu.memory_space<semaphore_mem>>)
      %dma_start3A_93 = arith.constant 4 : i32
      %dma_start3A_94 = arith.constant 512 : i32
      %dma_start3A_95 = arith.constant 0 : i32
      %dma_start3A_96 = tpu.memref_slice %arg9[%dma_start3A_94, %dma_start3A_95] : memref<640x32xi32, #tpu.memory_space<vmem>> -> memref<128x32xi32, #tpu.memory_space<vmem>>
      %dma_start3A_97 = arith.constant 0 : i32
      %dma_start3A_98 = tpu.memref_slice %arg7[%dma_start3A_93, %dma_start3A_97] : memref<5x128xi32, #tpu.memory_space<vmem>> -> memref<1x128xi32, #tpu.memory_space<vmem>>
      %dma_start3A_99 = tpu.memref_squeeze %dma_start3A_98 : memref<1x128xi32, #tpu.memory_space<vmem>> -> memref<128xi32, #tpu.memory_space<vmem>>
      %dma_start3A_100 = arith.constant 0 : i32
      %dma_start3A_101 = arith.constant 0 : i32
      %dma_start3A_102 = tpu.memref_slice %arg4[%dma_start3A_100, %dma_start3A_101] : memref<1015808x32xi32, #tpu.memory_space<hbm>> -> memref<1015808x32xi32, #tpu.memory_space<hbm>>
      tpu.enqueue_indirect_dma source(%dma_start3A_102 : memref<1015808x32xi32, #tpu.memory_space<hbm>>) target(%dma_start3A_96 : memref<128x32xi32, #tpu.memory_space<vmem>>) offsets(%dma_start3A_99 : memref<128xi32, #tpu.memory_space<vmem>>) semaphore(%arg11 : memref<!tpu.dma_semaphore, #tpu.memory_space<semaphore_mem>>)
      %dma_start3A_103 = arith.constant 4 : i32
      %dma_start3A_104 = arith.constant 512 : i32
      %dma_start3A_105 = arith.constant 0 : i32
      %dma_start3A_106 = tpu.memref_slice %arg10[%dma_start3A_104, %dma_start3A_105] : memref<640x32xi32, #tpu.memory_space<vmem>> -> memref<128x32xi32, #tpu.memory_space<vmem>>
      %dma_start3A_107 = arith.constant 0 : i32
      %dma_start3A_108 = tpu.memref_slice %arg8[%dma_start3A_103, %dma_start3A_107] : memref<5x128xi32, #tpu.memory_space<vmem>> -> memref<1x128xi32, #tpu.memory_space<vmem>>
      %dma_start3A_109 = tpu.memref_squeeze %dma_start3A_108 : memref<1x128xi32, #tpu.memory_space<vmem>> -> memref<128xi32, #tpu.memory_space<vmem>>
      %dma_start3A_110 = arith.constant 0 : i32
      %dma_start3A_111 = arith.constant 0 : i32
      %dma_start3A_112 = tpu.memref_slice %arg5[%dma_start3A_110, %dma_start3A_111] : memref<114688x32xi32, #tpu.memory_space<hbm>> -> memref<114688x32xi32, #tpu.memory_space<hbm>>
      tpu.enqueue_indirect_dma source(%dma_start3A_112 : memref<114688x32xi32, #tpu.memory_space<hbm>>) target(%dma_start3A_106 : memref<128x32xi32, #tpu.memory_space<vmem>>) offsets(%dma_start3A_109 : memref<128xi32, #tpu.memory_space<vmem>>) semaphore(%arg11 : memref<!tpu.dma_semaphore, #tpu.memory_space<semaphore_mem>>)
      %dma_wait3A = arith.constant 0 : i32
      %dma_wait3A_113 = arith.constant 0 : i32
      %dma_wait3A_114 = arith.constant 0 : i32
      %dma_wait3A_115 = tpu.memref_slice %arg9[%dma_wait3A_113, %dma_wait3A_114] : memref<640x32xi32, #tpu.memory_space<vmem>> -> memref<128x32xi32, #tpu.memory_space<vmem>>
      %dma_wait3A_116 = arith.constant 0 : i32
      %dma_wait3A_117 = tpu.memref_slice %arg7[%dma_wait3A, %dma_wait3A_116] : memref<5x128xi32, #tpu.memory_space<vmem>> -> memref<1x128xi32, #tpu.memory_space<vmem>>
      %dma_wait3A_118 = tpu.memref_squeeze %dma_wait3A_117 : memref<1x128xi32, #tpu.memory_space<vmem>> -> memref<128xi32, #tpu.memory_space<vmem>>
      %dma_wait3A_119 = arith.constant 0 : i32
      %dma_wait3A_120 = arith.constant 0 : i32
      %dma_wait3A_121 = tpu.memref_slice %arg4[%dma_wait3A_119, %dma_wait3A_120] : memref<1015808x32xi32, #tpu.memory_space<hbm>> -> memref<1015808x32xi32, #tpu.memory_space<hbm>>
      tpu.wait_indirect_dma semaphore(%arg11 : memref<!tpu.dma_semaphore, #tpu.memory_space<semaphore_mem>>) src(%dma_wait3A_121 : memref<1015808x32xi32, #tpu.memory_space<hbm>>) dst(%dma_wait3A_115 : memref<128x32xi32, #tpu.memory_space<vmem>>)
      %dma_wait3A_122 = arith.constant 0 : i32
      %dma_wait3A_123 = arith.constant 0 : i32
      %dma_wait3A_124 = arith.constant 0 : i32
      %dma_wait3A_125 = tpu.memref_slice %arg10[%dma_wait3A_123, %dma_wait3A_124] : memref<640x32xi32, #tpu.memory_space<vmem>> -> memref<128x32xi32, #tpu.memory_space<vmem>>
      %dma_wait3A_126 = arith.constant 0 : i32
      %dma_wait3A_127 = tpu.memref_slice %arg8[%dma_wait3A_122, %dma_wait3A_126] : memref<5x128xi32, #tpu.memory_space<vmem>> -> memref<1x128xi32, #tpu.memory_space<vmem>>
      %dma_wait3A_128 = tpu.memref_squeeze %dma_wait3A_127 : memref<1x128xi32, #tpu.memory_space<vmem>> -> memref<128xi32, #tpu.memory_space<vmem>>
      %dma_wait3A_129 = arith.constant 0 : i32
      %dma_wait3A_130 = arith.constant 0 : i32
      %dma_wait3A_131 = tpu.memref_slice %arg5[%dma_wait3A_129, %dma_wait3A_130] : memref<114688x32xi32, #tpu.memory_space<hbm>> -> memref<114688x32xi32, #tpu.memory_space<hbm>>
      tpu.wait_indirect_dma semaphore(%arg11 : memref<!tpu.dma_semaphore, #tpu.memory_space<semaphore_mem>>) src(%dma_wait3A_131 : memref<114688x32xi32, #tpu.memory_space<hbm>>) dst(%dma_wait3A_125 : memref<128x32xi32, #tpu.memory_space<vmem>>)
      %dma_wait3A_132 = arith.constant 1 : i32
      %dma_wait3A_133 = arith.constant 128 : i32
      %dma_wait3A_134 = arith.constant 0 : i32
      %dma_wait3A_135 = tpu.memref_slice %arg9[%dma_wait3A_133, %dma_wait3A_134] : memref<640x32xi32, #tpu.memory_space<vmem>> -> memref<128x32xi32, #tpu.memory_space<vmem>>
      %dma_wait3A_136 = arith.constant 0 : i32
      %dma_wait3A_137 = tpu.memref_slice %arg7[%dma_wait3A_132, %dma_wait3A_136] : memref<5x128xi32, #tpu.memory_space<vmem>> -> memref<1x128xi32, #tpu.memory_space<vmem>>
      %dma_wait3A_138 = tpu.memref_squeeze %dma_wait3A_137 : memref<1x128xi32, #tpu.memory_space<vmem>> -> memref<128xi32, #tpu.memory_space<vmem>>
      %dma_wait3A_139 = arith.constant 0 : i32
      %dma_wait3A_140 = arith.constant 0 : i32
      %dma_wait3A_141 = tpu.memref_slice %arg4[%dma_wait3A_139, %dma_wait3A_140] : memref<1015808x32xi32, #tpu.memory_space<hbm>> -> memref<1015808x32xi32, #tpu.memory_space<hbm>>
      tpu.wait_indirect_dma semaphore(%arg11 : memref<!tpu.dma_semaphore, #tpu.memory_space<semaphore_mem>>) src(%dma_wait3A_141 : memref<1015808x32xi32, #tpu.memory_space<hbm>>) dst(%dma_wait3A_135 : memref<128x32xi32, #tpu.memory_space<vmem>>)
      %dma_wait3A_142 = arith.constant 1 : i32
      %dma_wait3A_143 = arith.constant 128 : i32
      %dma_wait3A_144 = arith.constant 0 : i32
      %dma_wait3A_145 = tpu.memref_slice %arg10[%dma_wait3A_143, %dma_wait3A_144] : memref<640x32xi32, #tpu.memory_space<vmem>> -> memref<128x32xi32, #tpu.memory_space<vmem>>
      %dma_wait3A_146 = arith.constant 0 : i32
      %dma_wait3A_147 = tpu.memref_slice %arg8[%dma_wait3A_142, %dma_wait3A_146] : memref<5x128xi32, #tpu.memory_space<vmem>> -> memref<1x128xi32, #tpu.memory_space<vmem>>
      %dma_wait3A_148 = tpu.memref_squeeze %dma_wait3A_147 : memref<1x128xi32, #tpu.memory_space<vmem>> -> memref<128xi32, #tpu.memory_space<vmem>>
      %dma_wait3A_149 = arith.constant 0 : i32
      %dma_wait3A_150 = arith.constant 0 : i32
      %dma_wait3A_151 = tpu.memref_slice %arg5[%dma_wait3A_149, %dma_wait3A_150] : memref<114688x32xi32, #tpu.memory_space<hbm>> -> memref<114688x32xi32, #tpu.memory_space<hbm>>
      tpu.wait_indirect_dma semaphore(%arg11 : memref<!tpu.dma_semaphore, #tpu.memory_space<semaphore_mem>>) src(%dma_wait3A_151 : memref<114688x32xi32, #tpu.memory_space<hbm>>) dst(%dma_wait3A_145 : memref<128x32xi32, #tpu.memory_space<vmem>>)
      %dma_wait3A_152 = arith.constant 2 : i32
      %dma_wait3A_153 = arith.constant 256 : i32
      %dma_wait3A_154 = arith.constant 0 : i32
      %dma_wait3A_155 = tpu.memref_slice %arg9[%dma_wait3A_153, %dma_wait3A_154] : memref<640x32xi32, #tpu.memory_space<vmem>> -> memref<128x32xi32, #tpu.memory_space<vmem>>
      %dma_wait3A_156 = arith.constant 0 : i32
      %dma_wait3A_157 = tpu.memref_slice %arg7[%dma_wait3A_152, %dma_wait3A_156] : memref<5x128xi32, #tpu.memory_space<vmem>> -> memref<1x128xi32, #tpu.memory_space<vmem>>
      %dma_wait3A_158 = tpu.memref_squeeze %dma_wait3A_157 : memref<1x128xi32, #tpu.memory_space<vmem>> -> memref<128xi32, #tpu.memory_space<vmem>>
      %dma_wait3A_159 = arith.constant 0 : i32
      %dma_wait3A_160 = arith.constant 0 : i32
      %dma_wait3A_161 = tpu.memref_slice %arg4[%dma_wait3A_159, %dma_wait3A_160] : memref<1015808x32xi32, #tpu.memory_space<hbm>> -> memref<1015808x32xi32, #tpu.memory_space<hbm>>
      tpu.wait_indirect_dma semaphore(%arg11 : memref<!tpu.dma_semaphore, #tpu.memory_space<semaphore_mem>>) src(%dma_wait3A_161 : memref<1015808x32xi32, #tpu.memory_space<hbm>>) dst(%dma_wait3A_155 : memref<128x32xi32, #tpu.memory_space<vmem>>)
      %dma_wait3A_162 = arith.constant 2 : i32
      %dma_wait3A_163 = arith.constant 256 : i32
      %dma_wait3A_164 = arith.constant 0 : i32
      %dma_wait3A_165 = tpu.memref_slice %arg10[%dma_wait3A_163, %dma_wait3A_164] : memref<640x32xi32, #tpu.memory_space<vmem>> -> memref<128x32xi32, #tpu.memory_space<vmem>>
      %dma_wait3A_166 = arith.constant 0 : i32
      %dma_wait3A_167 = tpu.memref_slice %arg8[%dma_wait3A_162, %dma_wait3A_166] : memref<5x128xi32, #tpu.memory_space<vmem>> -> memref<1x128xi32, #tpu.memory_space<vmem>>
      %dma_wait3A_168 = tpu.memref_squeeze %dma_wait3A_167 : memref<1x128xi32, #tpu.memory_space<vmem>> -> memref<128xi32, #tpu.memory_space<vmem>>
      %dma_wait3A_169 = arith.constant 0 : i32
      %dma_wait3A_170 = arith.constant 0 : i32
      %dma_wait3A_171 = tpu.memref_slice %arg5[%dma_wait3A_169, %dma_wait3A_170] : memref<114688x32xi32, #tpu.memory_space<hbm>> -> memref<114688x32xi32, #tpu.memory_space<hbm>>
      tpu.wait_indirect_dma semaphore(%arg11 : memref<!tpu.dma_semaphore, #tpu.memory_space<semaphore_mem>>) src(%dma_wait3A_171 : memref<114688x32xi32, #tpu.memory_space<hbm>>) dst(%dma_wait3A_165 : memref<128x32xi32, #tpu.memory_space<vmem>>)
      %dma_wait3A_172 = arith.constant 3 : i32
      %dma_wait3A_173 = arith.constant 384 : i32
      %dma_wait3A_174 = arith.constant 0 : i32
      %dma_wait3A_175 = tpu.memref_slice %arg9[%dma_wait3A_173, %dma_wait3A_174] : memref<640x32xi32, #tpu.memory_space<vmem>> -> memref<128x32xi32, #tpu.memory_space<vmem>>
      %dma_wait3A_176 = arith.constant 0 : i32
      %dma_wait3A_177 = tpu.memref_slice %arg7[%dma_wait3A_172, %dma_wait3A_176] : memref<5x128xi32, #tpu.memory_space<vmem>> -> memref<1x128xi32, #tpu.memory_space<vmem>>
      %dma_wait3A_178 = tpu.memref_squeeze %dma_wait3A_177 : memref<1x128xi32, #tpu.memory_space<vmem>> -> memref<128xi32, #tpu.memory_space<vmem>>
      %dma_wait3A_179 = arith.constant 0 : i32
      %dma_wait3A_180 = arith.constant 0 : i32
      %dma_wait3A_181 = tpu.memref_slice %arg4[%dma_wait3A_179, %dma_wait3A_180] : memref<1015808x32xi32, #tpu.memory_space<hbm>> -> memref<1015808x32xi32, #tpu.memory_space<hbm>>
      tpu.wait_indirect_dma semaphore(%arg11 : memref<!tpu.dma_semaphore, #tpu.memory_space<semaphore_mem>>) src(%dma_wait3A_181 : memref<1015808x32xi32, #tpu.memory_space<hbm>>) dst(%dma_wait3A_175 : memref<128x32xi32, #tpu.memory_space<vmem>>)
      %dma_wait3A_182 = arith.constant 3 : i32
      %dma_wait3A_183 = arith.constant 384 : i32
      %dma_wait3A_184 = arith.constant 0 : i32
      %dma_wait3A_185 = tpu.memref_slice %arg10[%dma_wait3A_183, %dma_wait3A_184] : memref<640x32xi32, #tpu.memory_space<vmem>> -> memref<128x32xi32, #tpu.memory_space<vmem>>
      %dma_wait3A_186 = arith.constant 0 : i32
      %dma_wait3A_187 = tpu.memref_slice %arg8[%dma_wait3A_182, %dma_wait3A_186] : memref<5x128xi32, #tpu.memory_space<vmem>> -> memref<1x128xi32, #tpu.memory_space<vmem>>
      %dma_wait3A_188 = tpu.memref_squeeze %dma_wait3A_187 : memref<1x128xi32, #tpu.memory_space<vmem>> -> memref<128xi32, #tpu.memory_space<vmem>>
      %dma_wait3A_189 = arith.constant 0 : i32
      %dma_wait3A_190 = arith.constant 0 : i32
      %dma_wait3A_191 = tpu.memref_slice %arg5[%dma_wait3A_189, %dma_wait3A_190] : memref<114688x32xi32, #tpu.memory_space<hbm>> -> memref<114688x32xi32, #tpu.memory_space<hbm>>
      tpu.wait_indirect_dma semaphore(%arg11 : memref<!tpu.dma_semaphore, #tpu.memory_space<semaphore_mem>>) src(%dma_wait3A_191 : memref<114688x32xi32, #tpu.memory_space<hbm>>) dst(%dma_wait3A_185 : memref<128x32xi32, #tpu.memory_space<vmem>>)
      %dma_wait3A_192 = arith.constant 4 : i32
      %dma_wait3A_193 = arith.constant 512 : i32
      %dma_wait3A_194 = arith.constant 0 : i32
      %dma_wait3A_195 = tpu.memref_slice %arg9[%dma_wait3A_193, %dma_wait3A_194] : memref<640x32xi32, #tpu.memory_space<vmem>> -> memref<128x32xi32, #tpu.memory_space<vmem>>
      %dma_wait3A_196 = arith.constant 0 : i32
      %dma_wait3A_197 = tpu.memref_slice %arg7[%dma_wait3A_192, %dma_wait3A_196] : memref<5x128xi32, #tpu.memory_space<vmem>> -> memref<1x128xi32, #tpu.memory_space<vmem>>
      %dma_wait3A_198 = tpu.memref_squeeze %dma_wait3A_197 : memref<1x128xi32, #tpu.memory_space<vmem>> -> memref<128xi32, #tpu.memory_space<vmem>>
      %dma_wait3A_199 = arith.constant 0 : i32
      %dma_wait3A_200 = arith.constant 0 : i32
      %dma_wait3A_201 = tpu.memref_slice %arg4[%dma_wait3A_199, %dma_wait3A_200] : memref<1015808x32xi32, #tpu.memory_space<hbm>> -> memref<1015808x32xi32, #tpu.memory_space<hbm>>
      tpu.wait_indirect_dma semaphore(%arg11 : memref<!tpu.dma_semaphore, #tpu.memory_space<semaphore_mem>>) src(%dma_wait3A_201 : memref<1015808x32xi32, #tpu.memory_space<hbm>>) dst(%dma_wait3A_195 : memref<128x32xi32, #tpu.memory_space<vmem>>)
      %dma_wait3A_202 = arith.constant 4 : i32
      %dma_wait3A_203 = arith.constant 512 : i32
      %dma_wait3A_204 = arith.constant 0 : i32
      %dma_wait3A_205 = tpu.memref_slice %arg10[%dma_wait3A_203, %dma_wait3A_204] : memref<640x32xi32, #tpu.memory_space<vmem>> -> memref<128x32xi32, #tpu.memory_space<vmem>>
      %dma_wait3A_206 = arith.constant 0 : i32
      %dma_wait3A_207 = tpu.memref_slice %arg8[%dma_wait3A_202, %dma_wait3A_206] : memref<5x128xi32, #tpu.memory_space<vmem>> -> memref<1x128xi32, #tpu.memory_space<vmem>>
      %dma_wait3A_208 = tpu.memref_squeeze %dma_wait3A_207 : memref<1x128xi32, #tpu.memory_space<vmem>> -> memref<128xi32, #tpu.memory_space<vmem>>
      %dma_wait3A_209 = arith.constant 0 : i32
      %dma_wait3A_210 = arith.constant 0 : i32
      %dma_wait3A_211 = tpu.memref_slice %arg5[%dma_wait3A_209, %dma_wait3A_210] : memref<114688x32xi32, #tpu.memory_space<hbm>> -> memref<114688x32xi32, #tpu.memory_space<hbm>>
      tpu.wait_indirect_dma semaphore(%arg11 : memref<!tpu.dma_semaphore, #tpu.memory_space<semaphore_mem>>) src(%dma_wait3A_211 : memref<114688x32xi32, #tpu.memory_space<hbm>>) dst(%dma_wait3A_205 : memref<128x32xi32, #tpu.memory_space<vmem>>)
      %jit3A = arith.constant 5 : i32
      %div3A = arith.divsi %scan3A_10, %jit3A : i32
      %sign3A = arith.constant 0 : i32
      %sign3A_212 = arith.cmpi sgt, %scan3A_10, %sign3A : i32
      %sign3A_213 = arith.extui %sign3A_212 : i1 to i32
      %sign3A_214 = arith.constant 0 : i32
      %sign3A_215 = arith.cmpi slt, %scan3A_10, %sign3A_214 : i32
      %sign3A_216 = arith.extui %sign3A_215 : i1 to i32
      %sign3A_217 = arith.subi %sign3A_213, %sign3A_216 : i32
      %sign3A_218 = arith.constant 0 : i32
      %sign3A_219 = arith.cmpi sgt, %jit3A, %sign3A_218 : i32
      %sign3A_220 = arith.extui %sign3A_219 : i1 to i32
      %sign3A_221 = arith.constant 0 : i32
      %sign3A_222 = arith.cmpi slt, %jit3A, %sign3A_221 : i32
      %sign3A_223 = arith.extui %sign3A_222 : i1 to i32
      %sign3A_224 = arith.subi %sign3A_220, %sign3A_223 : i32
      %ne3A = arith.cmpi ne, %sign3A_217, %sign3A_224 : i32
      %rem3A = arith.remsi %scan3A_10, %jit3A : i32
      %ne3A_225 = arith.constant 0 : i32
      %ne3A_226 = arith.cmpi ne, %rem3A, %ne3A_225 : i32
      %and3A = arith.andi %ne3A, %ne3A_226 : i1
      %sub3A = arith.constant 1 : i32
      %sub3A_227 = arith.subi %div3A, %sub3A : i32
      %select_n3A = arith.select %and3A, %sub3A_227, %div3A : i32
      %mul3A_228 = arith.constant 64 : i32
      %mul3A_229 = arith.muli %select_n3A, %mul3A_228 : i32
      %jit3A_230 = arith.constant 5 : i32
      %eq3A = arith.constant 0 : i32
      %eq3A_231 = arith.cmpi eq, %jit3A_230, %eq3A : i32
      %jit3A_232 = arith.constant 1 : i32
      %select_n3A_233 = arith.select %eq3A_231, %jit3A_232, %jit3A_230 : i32
      %rem3A_234 = arith.remsi %scan3A_10, %select_n3A_233 : i32
      %ne3A_235 = arith.constant 0 : i32
      %ne3A_236 = arith.cmpi ne, %rem3A_234, %ne3A_235 : i32
      %lt3A = arith.constant 0 : i32
      %lt3A_237 = arith.cmpi slt, %rem3A_234, %lt3A : i32
      %lt3A_238 = arith.constant 0 : i32
      %lt3A_239 = arith.cmpi slt, %select_n3A_233, %lt3A_238 : i32
      %ne3A_240 = arith.xori %lt3A_237, %lt3A_239 : i1
      %and3A_241 = arith.andi %ne3A_240, %ne3A_236 : i1
      %add3A_242 = arith.addi %rem3A_234, %select_n3A_233 : i32
      %select_n3A_243 = arith.select %and3A_241, %add3A_242, %rem3A_234 : i32
      %mul3A_244 = arith.constant 640 : i32
      %mul3A_245 = arith.muli %select_n3A_243, %mul3A_244 : i32
      %add3A_246 = arith.addi %mul3A_4, %mul3A_245 : i32
      "tpu.region"() ({
        %run_scoped3A = tpu.sem_alloc : memref<!tpu.dma_semaphore, #tpu.memory_space<semaphore_mem>>
        %dma_start3A_249 = tpu.memref_slice %arg6[%add3A_246, %mul3A_229] : memref<102400x128xi32, #tpu.memory_space<hbm>> -> memref<640x32xi32, #tpu.memory_space<hbm>>
        %dma_start3A_250 = tpu.memref_slice %arg6[%add3A_246, %mul3A_229] : memref<102400x128xi32, #tpu.memory_space<hbm>> -> memref<640x32xi32, #tpu.memory_space<hbm>>
        tpu.enqueue_dma source(%arg9 : memref<640x32xi32, #tpu.memory_space<vmem>>) target(%dma_start3A_250 : memref<640x32xi32, #tpu.memory_space<hbm>>) target_semaphore(%run_scoped3A : memref<!tpu.dma_semaphore, #tpu.memory_space<semaphore_mem>>)
        %dma_wait3A_251 = tpu.memref_slice %arg6[%add3A_246, %mul3A_229] : memref<102400x128xi32, #tpu.memory_space<hbm>> -> memref<640x32xi32, #tpu.memory_space<hbm>>
        %dma_wait3A_252 = tpu.memref_slice %arg6[%add3A_246, %mul3A_229] : memref<102400x128xi32, #tpu.memory_space<hbm>> -> memref<640x32xi32, #tpu.memory_space<hbm>>
        tpu.wait_dma2 semaphore(%run_scoped3A : memref<!tpu.dma_semaphore, #tpu.memory_space<semaphore_mem>>) src(%arg9 : memref<640x32xi32, #tpu.memory_space<vmem>>) dst(%dma_wait3A_252 : memref<640x32xi32, #tpu.memory_space<hbm>>)
        tpu.yield
      }) : () -> ()
      %add3A_247 = arith.constant 32 : i32
      %add3A_248 = arith.addi %mul3A_229, %add3A_247 : i32
      "tpu.region"() ({
        %run_scoped3A = tpu.sem_alloc : memref<!tpu.dma_semaphore, #tpu.memory_space<semaphore_mem>>
        %dma_start3A_249 = tpu.memref_slice %arg6[%add3A_246, %add3A_248] : memref<102400x128xi32, #tpu.memory_space<hbm>> -> memref<640x32xi32, #tpu.memory_space<hbm>>
        %dma_start3A_250 = tpu.memref_slice %arg6[%add3A_246, %add3A_248] : memref<102400x128xi32, #tpu.memory_space<hbm>> -> memref<640x32xi32, #tpu.memory_space<hbm>>
        tpu.enqueue_dma source(%arg10 : memref<640x32xi32, #tpu.memory_space<vmem>>) target(%dma_start3A_250 : memref<640x32xi32, #tpu.memory_space<hbm>>) target_semaphore(%run_scoped3A : memref<!tpu.dma_semaphore, #tpu.memory_space<semaphore_mem>>)
        %dma_wait3A_251 = tpu.memref_slice %arg6[%add3A_246, %add3A_248] : memref<102400x128xi32, #tpu.memory_space<hbm>> -> memref<640x32xi32, #tpu.memory_space<hbm>>
        %dma_wait3A_252 = tpu.memref_slice %arg6[%add3A_246, %add3A_248] : memref<102400x128xi32, #tpu.memory_space<hbm>> -> memref<640x32xi32, #tpu.memory_space<hbm>>
        tpu.wait_dma2 semaphore(%run_scoped3A : memref<!tpu.dma_semaphore, #tpu.memory_space<semaphore_mem>>) src(%arg10 : memref<640x32xi32, #tpu.memory_space<vmem>>) dst(%dma_wait3A_252 : memref<640x32xi32, #tpu.memory_space<hbm>>)
        tpu.yield
      }) : () -> ()
    }
    %scan3A_9 = arith.constant 10 : i32
    return
  }
}

#map = affine_map<(d0, d1) -> (0, 0)>
module attributes {stable_mosaic.version = 14 : i64} {
  func.func @gather_k(%arg0: i32, %arg1: i32, %arg2: memref<1600x128xi32, #tpu.memory_space<hbm>>, %arg3: memref<1600x128xi32, #tpu.memory_space<hbm>>, %arg4: memref<1015808x32xi32, #tpu.memory_space<hbm>>, %arg5: memref<114688x32xi32, #tpu.memory_space<hbm>>, %arg6: memref<102400x128xi32, #tpu.memory_space<hbm>>, %arg7: memref<5x128xi32, #tpu.memory_space<vmem>>, %arg8: memref<5x128xi32, #tpu.memory_space<vmem>>, %arg9: memref<640x32xi32, #tpu.memory_space<vmem>>, %arg10: memref<640x32xi32, #tpu.memory_space<vmem>>, %arg11: memref<!tpu.dma_semaphore, #tpu.memory_space<semaphore_mem>>) attributes {dimension_semantics = [#tpu.dimension_semantics<core_parallel>, #tpu.dimension_semantics<subcore_parallel>], iteration_bounds = array<i64: 2, 16>, scalar_prefetch = 0 : i64, scratch_operands = 5 : i64, tpu.core_type = #tpu.core_type<sc_vector_subcore>, window_params = [{transform_indices = #map}, {transform_indices = #map}, {transform_indices = #map}, {transform_indices = #map}, {transform_indices = #map}]} {
    %mul3A = arith.constant 2 : i32
    %mul3A_0 = arith.muli %arg1, %mul3A : i32
    %add3A = arith.addi %mul3A_0, %arg0 : i32
    %mul3A_1 = arith.constant 50 : i32
    %mul3A_2 = arith.muli %add3A, %mul3A_1 : i32
    %mul3A_3 = arith.constant 3200 : i32
    %mul3A_4 = arith.muli %add3A, %mul3A_3 : i32
    %scan3A = arith.constant 0 : i32
    %scan3A_5 = arith.constant 0 : i32
    %scan3A_6 = arith.constant 10 : i32
    %scan3A_7 = arith.addi %scan3A_5, %scan3A_6 : i32
    %scan3A_8 = arith.constant 1 : i32
    scf.for %scan3A_10 = %scan3A_5 to %scan3A_7 step %scan3A_8  : i32 {
      %mul3A_11 = arith.constant 5 : i32
      %mul3A_12 = arith.muli %scan3A_10, %mul3A_11 : i32
      %add3A_13 = arith.addi %mul3A_2, %mul3A_12 : i32
      "tpu.region"() ({
        %run_scoped3A = tpu.sem_alloc : memref<!tpu.dma_semaphore, #tpu.memory_space<semaphore_mem>>
        %dma_start3A_249 = arith.constant 0 : i32
        %dma_start3A_250 = tpu.memref_slice %arg2[%add3A_13, %dma_start3A_249] : memref<1600x128xi32, #tpu.memory_space<hbm>> -> memref<5x128xi32, #tpu.memory_space<hbm>>
        %dma_start3A_251 = arith.constant 0 : i32
        %dma_start3A_252 = tpu.memref_slice %arg2[%add3A_13, %dma_start3A_251] : memref<1600x128xi32, #tpu.memory_space<hbm>> -> memref<5x128xi32, #tpu.memory_space<hbm>>
        tpu.enqueue_dma source(%dma_start3A_252 : memref<5x128xi32, #tpu.memory_space<hbm>>) target(%arg7 : memref<5x128xi32, #tpu.memory_space<vmem>>) target_semaphore(%run_scoped3A : memref<!tpu.dma_semaphore, #tpu.memory_space<semaphore_mem>>)
        %dma_wait3A_253 = arith.constant 0 : i32
        %dma_wait3A_254 = tpu.memref_slice %arg2[%add3A_13, %dma_wait3A_253] : memref<1600x128xi32, #tpu.memory_space<hbm>> -> memref<5x128xi32, #tpu.memory_space<hbm>>
        %dma_wait3A_255 = arith.constant 0 : i32
        %dma_wait3A_256 = tpu.memref_slice %arg2[%add3A_13, %dma_wait3A_255] : memref<1600x128xi32, #tpu.memory_space<hbm>> -> memref<5x128xi32, #tpu.memory_space<hbm>>
        tpu.wait_dma2 semaphore(%run_scoped3A : memref<!tpu.dma_semaphore, #tpu.memory_space<semaphore_mem>>) src(%dma_wait3A_256 : memref<5x128xi32, #tpu.memory_space<hbm>>) dst(%arg7 : memref<5x128xi32, #tpu.memory_space<vmem>>)
        tpu.yield
      }) : () -> ()
      "tpu.region"() ({
        %run_scoped3A = tpu.sem_alloc : memref<!tpu.dma_semaphore, #tpu.memory_space<semaphore_mem>>
        %dma_start3A_249 = arith.constant 0 : i32
        %dma_start3A_250 = tpu.memref_slice %arg3[%add3A_13, %dma_start3A_249] : memref<1600x128xi32, #tpu.memory_space<hbm>> -> memref<5x128xi32, #tpu.memory_space<hbm>>
        %dma_start3A_251 = arith.constant 0 : i32
        %dma_start3A_252 = tpu.memref_slice %arg3[%add3A_13, %dma_start3A_251] : memref<1600x128xi32, #tpu.memory_space<hbm>> -> memref<5x128xi32, #tpu.memory_space<hbm>>
        tpu.enqueue_dma source(%dma_start3A_252 : memref<5x128xi32, #tpu.memory_space<hbm>>) target(%arg8 : memref<5x128xi32, #tpu.memory_space<vmem>>) target_semaphore(%run_scoped3A : memref<!tpu.dma_semaphore, #tpu.memory_space<semaphore_mem>>)
        %dma_wait3A_253 = arith.constant 0 : i32
        %dma_wait3A_254 = tpu.memref_slice %arg3[%add3A_13, %dma_wait3A_253] : memref<1600x128xi32, #tpu.memory_space<hbm>> -> memref<5x128xi32, #tpu.memory_space<hbm>>
        %dma_wait3A_255 = arith.constant 0 : i32
        %dma_wait3A_256 = tpu.memref_slice %arg3[%add3A_13, %dma_wait3A_255] : memref<1600x128xi32, #tpu.memory_space<hbm>> -> memref<5x128xi32, #tpu.memory_space<hbm>>
        tpu.wait_dma2 semaphore(%run_scoped3A : memref<!tpu.dma_semaphore, #tpu.memory_space<semaphore_mem>>) src(%dma_wait3A_256 : memref<5x128xi32, #tpu.memory_space<hbm>>) dst(%arg8 : memref<5x128xi32, #tpu.memory_space<vmem>>)
        tpu.yield
      }) : () -> ()
      %dma_start3A = arith.constant 0 : i32
      %dma_start3A_14 = arith.constant 0 : i32
      %dma_start3A_15 = arith.constant 0 : i32
      %dma_start3A_16 = tpu.memref_slice %arg9[%dma_start3A_14, %dma_start3A_15] : memref<640x32xi32, #tpu.memory_space<vmem>> -> memref<128x32xi32, #tpu.memory_space<vmem>>
      %dma_start3A_17 = arith.constant 0 : i32
      %dma_start3A_18 = tpu.memref_slice %arg7[%dma_start3A, %dma_start3A_17] : memref<5x128xi32, #tpu.memory_space<vmem>> -> memref<1x128xi32, #tpu.memory_space<vmem>>
      %dma_start3A_19 = tpu.memref_squeeze %dma_start3A_18 : memref<1x128xi32, #tpu.memory_space<vmem>> -> memref<128xi32, #tpu.memory_space<vmem>>
      %dma_start3A_20 = arith.constant 0 : i32
      %dma_start3A_21 = arith.constant 0 : i32
      %dma_start3A_22 = tpu.memref_slice %arg4[%dma_start3A_20, %dma_start3A_21] : memref<1015808x32xi32, #tpu.memory_space<hbm>> -> memref<1015808x32xi32, #tpu.memory_space<hbm>>
      tpu.enqueue_indirect_dma source(%dma_start3A_22 : memref<1015808x32xi32, #tpu.memory_space<hbm>>) target(%dma_start3A_16 : memref<128x32xi32, #tpu.memory_space<vmem>>) offsets(%dma_start3A_19 : memref<128xi32, #tpu.memory_space<vmem>>) semaphore(%arg11 : memref<!tpu.dma_semaphore, #tpu.memory_space<semaphore_mem>>)
      %dma_start3A_23 = arith.constant 0 : i32
      %dma_start3A_24 = arith.constant 0 : i32
      %dma_start3A_25 = arith.constant 0 : i32
      %dma_start3A_26 = tpu.memref_slice %arg10[%dma_start3A_24, %dma_start3A_25] : memref<640x32xi32, #tpu.memory_space<vmem>> -> memref<128x32xi32, #tpu.memory_space<vmem>>
      %dma_start3A_27 = arith.constant 0 : i32
      %dma_start3A_28 = tpu.memref_slice %arg8[%dma_start3A_23, %dma_start3A_27] : memref<5x128xi32, #tpu.memory_space<vmem>> -> memref<1x128xi32, #tpu.memory_space<vmem>>
      %dma_start3A_29 = tpu.memref_squeeze %dma_start3A_28 : memref<1x128xi32, #tpu.memory_space<vmem>> -> memref<128xi32, #tpu.memory_space<vmem>>
      %dma_start3A_30 = arith.constant 0 : i32
      %dma_start3A_31 = arith.constant 0 : i32
      %dma_start3A_32 = tpu.memref_slice %arg5[%dma_start3A_30, %dma_start3A_31] : memref<114688x32xi32, #tpu.memory_space<hbm>> -> memref<114688x32xi32, #tpu.memory_space<hbm>>
      tpu.enqueue_indirect_dma source(%dma_start3A_32 : memref<114688x32xi32, #tpu.memory_space<hbm>>) target(%dma_start3A_26 : memref<128x32xi32, #tpu.memory_space<vmem>>) offsets(%dma_start3A_29 : memref<128xi32, #tpu.memory_space<vmem>>) semaphore(%arg11 : memref<!tpu.dma_semaphore, #tpu.memory_space<semaphore_mem>>)
      %dma_start3A_33 = arith.constant 1 : i32
      %dma_start3A_34 = arith.constant 128 : i32
      %dma_start3A_35 = arith.constant 0 : i32
      %dma_start3A_36 = tpu.memref_slice %arg9[%dma_start3A_34, %dma_start3A_35] : memref<640x32xi32, #tpu.memory_space<vmem>> -> memref<128x32xi32, #tpu.memory_space<vmem>>
      %dma_start3A_37 = arith.constant 0 : i32
      %dma_start3A_38 = tpu.memref_slice %arg7[%dma_start3A_33, %dma_start3A_37] : memref<5x128xi32, #tpu.memory_space<vmem>> -> memref<1x128xi32, #tpu.memory_space<vmem>>
      %dma_start3A_39 = tpu.memref_squeeze %dma_start3A_38 : memref<1x128xi32, #tpu.memory_space<vmem>> -> memref<128xi32, #tpu.memory_space<vmem>>
      %dma_start3A_40 = arith.constant 0 : i32
      %dma_start3A_41 = arith.constant 0 : i32
      %dma_start3A_42 = tpu.memref_slice %arg4[%dma_start3A_40, %dma_start3A_41] : memref<1015808x32xi32, #tpu.memory_space<hbm>> -> memref<1015808x32xi32, #tpu.memory_space<hbm>>
      tpu.enqueue_indirect_dma source(%dma_start3A_42 : memref<1015808x32xi32, #tpu.memory_space<hbm>>) target(%dma_start3A_36 : memref<128x32xi32, #tpu.memory_space<vmem>>) offsets(%dma_start3A_39 : memref<128xi32, #tpu.memory_space<vmem>>) semaphore(%arg11 : memref<!tpu.dma_semaphore, #tpu.memory_space<semaphore_mem>>)
      %dma_start3A_43 = arith.constant 1 : i32
      %dma_start3A_44 = arith.constant 128 : i32
      %dma_start3A_45 = arith.constant 0 : i32
      %dma_start3A_46 = tpu.memref_slice %arg10[%dma_start3A_44, %dma_start3A_45] : memref<640x32xi32, #tpu.memory_space<vmem>> -> memref<128x32xi32, #tpu.memory_space<vmem>>
      %dma_start3A_47 = arith.constant 0 : i32
      %dma_start3A_48 = tpu.memref_slice %arg8[%dma_start3A_43, %dma_start3A_47] : memref<5x128xi32, #tpu.memory_space<vmem>> -> memref<1x128xi32, #tpu.memory_space<vmem>>
      %dma_start3A_49 = tpu.memref_squeeze %dma_start3A_48 : memref<1x128xi32, #tpu.memory_space<vmem>> -> memref<128xi32, #tpu.memory_space<vmem>>
      %dma_start3A_50 = arith.constant 0 : i32
      %dma_start3A_51 = arith.constant 0 : i32
      %dma_start3A_52 = tpu.memref_slice %arg5[%dma_start3A_50, %dma_start3A_51] : memref<114688x32xi32, #tpu.memory_space<hbm>> -> memref<114688x32xi32, #tpu.memory_space<hbm>>
      tpu.enqueue_indirect_dma source(%dma_start3A_52 : memref<114688x32xi32, #tpu.memory_space<hbm>>) target(%dma_start3A_46 : memref<128x32xi32, #tpu.memory_space<vmem>>) offsets(%dma_start3A_49 : memref<128xi32, #tpu.memory_space<vmem>>) semaphore(%arg11 : memref<!tpu.dma_semaphore, #tpu.memory_space<semaphore_mem>>)
      %dma_start3A_53 = arith.constant 2 : i32
      %dma_start3A_54 = arith.constant 256 : i32
      %dma_start3A_55 = arith.constant 0 : i32
      %dma_start3A_56 = tpu.memref_slice %arg9[%dma_start3A_54, %dma_start3A_55] : memref<640x32xi32, #tpu.memory_space<vmem>> -> memref<128x32xi32, #tpu.memory_space<vmem>>
      %dma_start3A_57 = arith.constant 0 : i32
      %dma_start3A_58 = tpu.memref_slice %arg7[%dma_start3A_53, %dma_start3A_57] : memref<5x128xi32, #tpu.memory_space<vmem>> -> memref<1x128xi32, #tpu.memory_space<vmem>>
      %dma_start3A_59 = tpu.memref_squeeze %dma_start3A_58 : memref<1x128xi32, #tpu.memory_space<vmem>> -> memref<128xi32, #tpu.memory_space<vmem>>
      %dma_start3A_60 = arith.constant 0 : i32
      %dma_start3A_61 = arith.constant 0 : i32
      %dma_start3A_62 = tpu.memref_slice %arg4[%dma_start3A_60, %dma_start3A_61] : memref<1015808x32xi32, #tpu.memory_space<hbm>> -> memref<1015808x32xi32, #tpu.memory_space<hbm>>
      tpu.enqueue_indirect_dma source(%dma_start3A_62 : memref<1015808x32xi32, #tpu.memory_space<hbm>>) target(%dma_start3A_56 : memref<128x32xi32, #tpu.memory_space<vmem>>) offsets(%dma_start3A_59 : memref<128xi32, #tpu.memory_space<vmem>>) semaphore(%arg11 : memref<!tpu.dma_semaphore, #tpu.memory_space<semaphore_mem>>)
      %dma_start3A_63 = arith.constant 2 : i32
      %dma_start3A_64 = arith.constant 256 : i32
      %dma_start3A_65 = arith.constant 0 : i32
      %dma_start3A_66 = tpu.memref_slice %arg10[%dma_start3A_64, %dma_start3A_65] : memref<640x32xi32, #tpu.memory_space<vmem>> -> memref<128x32xi32, #tpu.memory_space<vmem>>
      %dma_start3A_67 = arith.constant 0 : i32
      %dma_start3A_68 = tpu.memref_slice %arg8[%dma_start3A_63, %dma_start3A_67] : memref<5x128xi32, #tpu.memory_space<vmem>> -> memref<1x128xi32, #tpu.memory_space<vmem>>
      %dma_start3A_69 = tpu.memref_squeeze %dma_start3A_68 : memref<1x128xi32, #tpu.memory_space<vmem>> -> memref<128xi32, #tpu.memory_space<vmem>>
      %dma_start3A_70 = arith.constant 0 : i32
      %dma_start3A_71 = arith.constant 0 : i32
      %dma_start3A_72 = tpu.memref_slice %arg5[%dma_start3A_70, %dma_start3A_71] : memref<114688x32xi32, #tpu.memory_space<hbm>> -> memref<114688x32xi32, #tpu.memory_space<hbm>>
      tpu.enqueue_indirect_dma source(%dma_start3A_72 : memref<114688x32xi32, #tpu.memory_space<hbm>>) target(%dma_start3A_66 : memref<128x32xi32, #tpu.memory_space<vmem>>) offsets(%dma_start3A_69 : memref<128xi32, #tpu.memory_space<vmem>>) semaphore(%arg11 : memref<!tpu.dma_semaphore, #tpu.memory_space<semaphore_mem>>)
      %dma_start3A_73 = arith.constant 3 : i32
      %dma_start3A_74 = arith.constant 384 : i32
      %dma_start3A_75 = arith.constant 0 : i32
      %dma_start3A_76 = tpu.memref_slice %arg9[%dma_start3A_74, %dma_start3A_75] : memref<640x32xi32, #tpu.memory_space<vmem>> -> memref<128x32xi32, #tpu.memory_space<vmem>>
      %dma_start3A_77 = arith.constant 0 : i32
      %dma_start3A_78 = tpu.memref_slice %arg7[%dma_start3A_73, %dma_start3A_77] : memref<5x128xi32, #tpu.memory_space<vmem>> -> memref<1x128xi32, #tpu.memory_space<vmem>>
      %dma_start3A_79 = tpu.memref_squeeze %dma_start3A_78 : memref<1x128xi32, #tpu.memory_space<vmem>> -> memref<128xi32, #tpu.memory_space<vmem>>
      %dma_start3A_80 = arith.constant 0 : i32
      %dma_start3A_81 = arith.constant 0 : i32
      %dma_start3A_82 = tpu.memref_slice %arg4[%dma_start3A_80, %dma_start3A_81] : memref<1015808x32xi32, #tpu.memory_space<hbm>> -> memref<1015808x32xi32, #tpu.memory_space<hbm>>
      tpu.enqueue_indirect_dma source(%dma_start3A_82 : memref<1015808x32xi32, #tpu.memory_space<hbm>>) target(%dma_start3A_76 : memref<128x32xi32, #tpu.memory_space<vmem>>) offsets(%dma_start3A_79 : memref<128xi32, #tpu.memory_space<vmem>>) semaphore(%arg11 : memref<!tpu.dma_semaphore, #tpu.memory_space<semaphore_mem>>)
      %dma_start3A_83 = arith.constant 3 : i32
      %dma_start3A_84 = arith.constant 384 : i32
      %dma_start3A_85 = arith.constant 0 : i32
      %dma_start3A_86 = tpu.memref_slice %arg10[%dma_start3A_84, %dma_start3A_85] : memref<640x32xi32, #tpu.memory_space<vmem>> -> memref<128x32xi32, #tpu.memory_space<vmem>>
      %dma_start3A_87 = arith.constant 0 : i32
      %dma_start3A_88 = tpu.memref_slice %arg8[%dma_start3A_83, %dma_start3A_87] : memref<5x128xi32, #tpu.memory_space<vmem>> -> memref<1x128xi32, #tpu.memory_space<vmem>>
      %dma_start3A_89 = tpu.memref_squeeze %dma_start3A_88 : memref<1x128xi32, #tpu.memory_space<vmem>> -> memref<128xi32, #tpu.memory_space<vmem>>
      %dma_start3A_90 = arith.constant 0 : i32
      %dma_start3A_91 = arith.constant 0 : i32
      %dma_start3A_92 = tpu.memref_slice %arg5[%dma_start3A_90, %dma_start3A_91] : memref<114688x32xi32, #tpu.memory_space<hbm>> -> memref<114688x32xi32, #tpu.memory_space<hbm>>
      tpu.enqueue_indirect_dma source(%dma_start3A_92 : memref<114688x32xi32, #tpu.memory_space<hbm>>) target(%dma_start3A_86 : memref<128x32xi32, #tpu.memory_space<vmem>>) offsets(%dma_start3A_89 : memref<128xi32, #tpu.memory_space<vmem>>) semaphore(%arg11 : memref<!tpu.dma_semaphore, #tpu.memory_space<semaphore_mem>>)
      %dma_start3A_93 = arith.constant 4 : i32
      %dma_start3A_94 = arith.constant 512 : i32
      %dma_start3A_95 = arith.constant 0 : i32
      %dma_start3A_96 = tpu.memref_slice %arg9[%dma_start3A_94, %dma_start3A_95] : memref<640x32xi32, #tpu.memory_space<vmem>> -> memref<128x32xi32, #tpu.memory_space<vmem>>
      %dma_start3A_97 = arith.constant 0 : i32
      %dma_start3A_98 = tpu.memref_slice %arg7[%dma_start3A_93, %dma_start3A_97] : memref<5x128xi32, #tpu.memory_space<vmem>> -> memref<1x128xi32, #tpu.memory_space<vmem>>
      %dma_start3A_99 = tpu.memref_squeeze %dma_start3A_98 : memref<1x128xi32, #tpu.memory_space<vmem>> -> memref<128xi32, #tpu.memory_space<vmem>>
      %dma_start3A_100 = arith.constant 0 : i32
      %dma_start3A_101 = arith.constant 0 : i32
      %dma_start3A_102 = tpu.memref_slice %arg4[%dma_start3A_100, %dma_start3A_101] : memref<1015808x32xi32, #tpu.memory_space<hbm>> -> memref<1015808x32xi32, #tpu.memory_space<hbm>>
      tpu.enqueue_indirect_dma source(%dma_start3A_102 : memref<1015808x32xi32, #tpu.memory_space<hbm>>) target(%dma_start3A_96 : memref<128x32xi32, #tpu.memory_space<vmem>>) offsets(%dma_start3A_99 : memref<128xi32, #tpu.memory_space<vmem>>) semaphore(%arg11 : memref<!tpu.dma_semaphore, #tpu.memory_space<semaphore_mem>>)
      %dma_start3A_103 = arith.constant 4 : i32
      %dma_start3A_104 = arith.constant 512 : i32
      %dma_start3A_105 = arith.constant 0 : i32
      %dma_start3A_106 = tpu.memref_slice %arg10[%dma_start3A_104, %dma_start3A_105] : memref<640x32xi32, #tpu.memory_space<vmem>> -> memref<128x32xi32, #tpu.memory_space<vmem>>
      %dma_start3A_107 = arith.constant 0 : i32
      %dma_start3A_108 = tpu.memref_slice %arg8[%dma_start3A_103, %dma_start3A_107] : memref<5x128xi32, #tpu.memory_space<vmem>> -> memref<1x128xi32, #tpu.memory_space<vmem>>
      %dma_start3A_109 = tpu.memref_squeeze %dma_start3A_108 : memref<1x128xi32, #tpu.memory_space<vmem>> -> memref<128xi32, #tpu.memory_space<vmem>>
      %dma_start3A_110 = arith.constant 0 : i32
      %dma_start3A_111 = arith.constant 0 : i32
      %dma_start3A_112 = tpu.memref_slice %arg5[%dma_start3A_110, %dma_start3A_111] : memref<114688x32xi32, #tpu.memory_space<hbm>> -> memref<114688x32xi32, #tpu.memory_space<hbm>>
      tpu.enqueue_indirect_dma source(%dma_start3A_112 : memref<114688x32xi32, #tpu.memory_space<hbm>>) target(%dma_start3A_106 : memref<128x32xi32, #tpu.memory_space<vmem>>) offsets(%dma_start3A_109 : memref<128xi32, #tpu.memory_space<vmem>>) semaphore(%arg11 : memref<!tpu.dma_semaphore, #tpu.memory_space<semaphore_mem>>)
      %dma_wait3A = arith.constant 0 : i32
      %dma_wait3A_113 = arith.constant 0 : i32
      %dma_wait3A_114 = arith.constant 0 : i32
      %dma_wait3A_115 = tpu.memref_slice %arg9[%dma_wait3A_113, %dma_wait3A_114] : memref<640x32xi32, #tpu.memory_space<vmem>> -> memref<128x32xi32, #tpu.memory_space<vmem>>
      %dma_wait3A_116 = arith.constant 0 : i32
      %dma_wait3A_117 = tpu.memref_slice %arg7[%dma_wait3A, %dma_wait3A_116] : memref<5x128xi32, #tpu.memory_space<vmem>> -> memref<1x128xi32, #tpu.memory_space<vmem>>
      %dma_wait3A_118 = tpu.memref_squeeze %dma_wait3A_117 : memref<1x128xi32, #tpu.memory_space<vmem>> -> memref<128xi32, #tpu.memory_space<vmem>>
      %dma_wait3A_119 = arith.constant 0 : i32
      %dma_wait3A_120 = arith.constant 0 : i32
      %dma_wait3A_121 = tpu.memref_slice %arg4[%dma_wait3A_119, %dma_wait3A_120] : memref<1015808x32xi32, #tpu.memory_space<hbm>> -> memref<1015808x32xi32, #tpu.memory_space<hbm>>
      tpu.wait_indirect_dma semaphore(%arg11 : memref<!tpu.dma_semaphore, #tpu.memory_space<semaphore_mem>>) src(%dma_wait3A_121 : memref<1015808x32xi32, #tpu.memory_space<hbm>>) dst(%dma_wait3A_115 : memref<128x32xi32, #tpu.memory_space<vmem>>)
      %dma_wait3A_122 = arith.constant 0 : i32
      %dma_wait3A_123 = arith.constant 0 : i32
      %dma_wait3A_124 = arith.constant 0 : i32
      %dma_wait3A_125 = tpu.memref_slice %arg10[%dma_wait3A_123, %dma_wait3A_124] : memref<640x32xi32, #tpu.memory_space<vmem>> -> memref<128x32xi32, #tpu.memory_space<vmem>>
      %dma_wait3A_126 = arith.constant 0 : i32
      %dma_wait3A_127 = tpu.memref_slice %arg8[%dma_wait3A_122, %dma_wait3A_126] : memref<5x128xi32, #tpu.memory_space<vmem>> -> memref<1x128xi32, #tpu.memory_space<vmem>>
      %dma_wait3A_128 = tpu.memref_squeeze %dma_wait3A_127 : memref<1x128xi32, #tpu.memory_space<vmem>> -> memref<128xi32, #tpu.memory_space<vmem>>
      %dma_wait3A_129 = arith.constant 0 : i32
      %dma_wait3A_130 = arith.constant 0 : i32
      %dma_wait3A_131 = tpu.memref_slice %arg5[%dma_wait3A_129, %dma_wait3A_130] : memref<114688x32xi32, #tpu.memory_space<hbm>> -> memref<114688x32xi32, #tpu.memory_space<hbm>>
      tpu.wait_indirect_dma semaphore(%arg11 : memref<!tpu.dma_semaphore, #tpu.memory_space<semaphore_mem>>) src(%dma_wait3A_131 : memref<114688x32xi32, #tpu.memory_space<hbm>>) dst(%dma_wait3A_125 : memref<128x32xi32, #tpu.memory_space<vmem>>)
      %dma_wait3A_132 = arith.constant 1 : i32
      %dma_wait3A_133 = arith.constant 128 : i32
      %dma_wait3A_134 = arith.constant 0 : i32
      %dma_wait3A_135 = tpu.memref_slice %arg9[%dma_wait3A_133, %dma_wait3A_134] : memref<640x32xi32, #tpu.memory_space<vmem>> -> memref<128x32xi32, #tpu.memory_space<vmem>>
      %dma_wait3A_136 = arith.constant 0 : i32
      %dma_wait3A_137 = tpu.memref_slice %arg7[%dma_wait3A_132, %dma_wait3A_136] : memref<5x128xi32, #tpu.memory_space<vmem>> -> memref<1x128xi32, #tpu.memory_space<vmem>>
      %dma_wait3A_138 = tpu.memref_squeeze %dma_wait3A_137 : memref<1x128xi32, #tpu.memory_space<vmem>> -> memref<128xi32, #tpu.memory_space<vmem>>
      %dma_wait3A_139 = arith.constant 0 : i32
      %dma_wait3A_140 = arith.constant 0 : i32
      %dma_wait3A_141 = tpu.memref_slice %arg4[%dma_wait3A_139, %dma_wait3A_140] : memref<1015808x32xi32, #tpu.memory_space<hbm>> -> memref<1015808x32xi32, #tpu.memory_space<hbm>>
      tpu.wait_indirect_dma semaphore(%arg11 : memref<!tpu.dma_semaphore, #tpu.memory_space<semaphore_mem>>) src(%dma_wait3A_141 : memref<1015808x32xi32, #tpu.memory_space<hbm>>) dst(%dma_wait3A_135 : memref<128x32xi32, #tpu.memory_space<vmem>>)
      %dma_wait3A_142 = arith.constant 1 : i32
      %dma_wait3A_143 = arith.constant 128 : i32
      %dma_wait3A_144 = arith.constant 0 : i32
      %dma_wait3A_145 = tpu.memref_slice %arg10[%dma_wait3A_143, %dma_wait3A_144] : memref<640x32xi32, #tpu.memory_space<vmem>> -> memref<128x32xi32, #tpu.memory_space<vmem>>
      %dma_wait3A_146 = arith.constant 0 : i32
      %dma_wait3A_147 = tpu.memref_slice %arg8[%dma_wait3A_142, %dma_wait3A_146] : memref<5x128xi32, #tpu.memory_space<vmem>> -> memref<1x128xi32, #tpu.memory_space<vmem>>
      %dma_wait3A_148 = tpu.memref_squeeze %dma_wait3A_147 : memref<1x128xi32, #tpu.memory_space<vmem>> -> memref<128xi32, #tpu.memory_space<vmem>>
      %dma_wait3A_149 = arith.constant 0 : i32
      %dma_wait3A_150 = arith.constant 0 : i32
      %dma_wait3A_151 = tpu.memref_slice %arg5[%dma_wait3A_149, %dma_wait3A_150] : memref<114688x32xi32, #tpu.memory_space<hbm>> -> memref<114688x32xi32, #tpu.memory_space<hbm>>
      tpu.wait_indirect_dma semaphore(%arg11 : memref<!tpu.dma_semaphore, #tpu.memory_space<semaphore_mem>>) src(%dma_wait3A_151 : memref<114688x32xi32, #tpu.memory_space<hbm>>) dst(%dma_wait3A_145 : memref<128x32xi32, #tpu.memory_space<vmem>>)
      %dma_wait3A_152 = arith.constant 2 : i32
      %dma_wait3A_153 = arith.constant 256 : i32
      %dma_wait3A_154 = arith.constant 0 : i32
      %dma_wait3A_155 = tpu.memref_slice %arg9[%dma_wait3A_153, %dma_wait3A_154] : memref<640x32xi32, #tpu.memory_space<vmem>> -> memref<128x32xi32, #tpu.memory_space<vmem>>
      %dma_wait3A_156 = arith.constant 0 : i32
      %dma_wait3A_157 = tpu.memref_slice %arg7[%dma_wait3A_152, %dma_wait3A_156] : memref<5x128xi32, #tpu.memory_space<vmem>> -> memref<1x128xi32, #tpu.memory_space<vmem>>
      %dma_wait3A_158 = tpu.memref_squeeze %dma_wait3A_157 : memref<1x128xi32, #tpu.memory_space<vmem>> -> memref<128xi32, #tpu.memory_space<vmem>>
      %dma_wait3A_159 = arith.constant 0 : i32
      %dma_wait3A_160 = arith.constant 0 : i32
      %dma_wait3A_161 = tpu.memref_slice %arg4[%dma_wait3A_159, %dma_wait3A_160] : memref<1015808x32xi32, #tpu.memory_space<hbm>> -> memref<1015808x32xi32, #tpu.memory_space<hbm>>
      tpu.wait_indirect_dma semaphore(%arg11 : memref<!tpu.dma_semaphore, #tpu.memory_space<semaphore_mem>>) src(%dma_wait3A_161 : memref<1015808x32xi32, #tpu.memory_space<hbm>>) dst(%dma_wait3A_155 : memref<128x32xi32, #tpu.memory_space<vmem>>)
      %dma_wait3A_162 = arith.constant 2 : i32
      %dma_wait3A_163 = arith.constant 256 : i32
      %dma_wait3A_164 = arith.constant 0 : i32
      %dma_wait3A_165 = tpu.memref_slice %arg10[%dma_wait3A_163, %dma_wait3A_164] : memref<640x32xi32, #tpu.memory_space<vmem>> -> memref<128x32xi32, #tpu.memory_space<vmem>>
      %dma_wait3A_166 = arith.constant 0 : i32
      %dma_wait3A_167 = tpu.memref_slice %arg8[%dma_wait3A_162, %dma_wait3A_166] : memref<5x128xi32, #tpu.memory_space<vmem>> -> memref<1x128xi32, #tpu.memory_space<vmem>>
      %dma_wait3A_168 = tpu.memref_squeeze %dma_wait3A_167 : memref<1x128xi32, #tpu.memory_space<vmem>> -> memref<128xi32, #tpu.memory_space<vmem>>
      %dma_wait3A_169 = arith.constant 0 : i32
      %dma_wait3A_170 = arith.constant 0 : i32
      %dma_wait3A_171 = tpu.memref_slice %arg5[%dma_wait3A_169, %dma_wait3A_170] : memref<114688x32xi32, #tpu.memory_space<hbm>> -> memref<114688x32xi32, #tpu.memory_space<hbm>>
      tpu.wait_indirect_dma semaphore(%arg11 : memref<!tpu.dma_semaphore, #tpu.memory_space<semaphore_mem>>) src(%dma_wait3A_171 : memref<114688x32xi32, #tpu.memory_space<hbm>>) dst(%dma_wait3A_165 : memref<128x32xi32, #tpu.memory_space<vmem>>)
      %dma_wait3A_172 = arith.constant 3 : i32
      %dma_wait3A_173 = arith.constant 384 : i32
      %dma_wait3A_174 = arith.constant 0 : i32
      %dma_wait3A_175 = tpu.memref_slice %arg9[%dma_wait3A_173, %dma_wait3A_174] : memref<640x32xi32, #tpu.memory_space<vmem>> -> memref<128x32xi32, #tpu.memory_space<vmem>>
      %dma_wait3A_176 = arith.constant 0 : i32
      %dma_wait3A_177 = tpu.memref_slice %arg7[%dma_wait3A_172, %dma_wait3A_176] : memref<5x128xi32, #tpu.memory_space<vmem>> -> memref<1x128xi32, #tpu.memory_space<vmem>>
      %dma_wait3A_178 = tpu.memref_squeeze %dma_wait3A_177 : memref<1x128xi32, #tpu.memory_space<vmem>> -> memref<128xi32, #tpu.memory_space<vmem>>
      %dma_wait3A_179 = arith.constant 0 : i32
      %dma_wait3A_180 = arith.constant 0 : i32
      %dma_wait3A_181 = tpu.memref_slice %arg4[%dma_wait3A_179, %dma_wait3A_180] : memref<1015808x32xi32, #tpu.memory_space<hbm>> -> memref<1015808x32xi32, #tpu.memory_space<hbm>>
      tpu.wait_indirect_dma semaphore(%arg11 : memref<!tpu.dma_semaphore, #tpu.memory_space<semaphore_mem>>) src(%dma_wait3A_181 : memref<1015808x32xi32, #tpu.memory_space<hbm>>) dst(%dma_wait3A_175 : memref<128x32xi32, #tpu.memory_space<vmem>>)
      %dma_wait3A_182 = arith.constant 3 : i32
      %dma_wait3A_183 = arith.constant 384 : i32
      %dma_wait3A_184 = arith.constant 0 : i32
      %dma_wait3A_185 = tpu.memref_slice %arg10[%dma_wait3A_183, %dma_wait3A_184] : memref<640x32xi32, #tpu.memory_space<vmem>> -> memref<128x32xi32, #tpu.memory_space<vmem>>
      %dma_wait3A_186 = arith.constant 0 : i32
      %dma_wait3A_187 = tpu.memref_slice %arg8[%dma_wait3A_182, %dma_wait3A_186] : memref<5x128xi32, #tpu.memory_space<vmem>> -> memref<1x128xi32, #tpu.memory_space<vmem>>
      %dma_wait3A_188 = tpu.memref_squeeze %dma_wait3A_187 : memref<1x128xi32, #tpu.memory_space<vmem>> -> memref<128xi32, #tpu.memory_space<vmem>>
      %dma_wait3A_189 = arith.constant 0 : i32
      %dma_wait3A_190 = arith.constant 0 : i32
      %dma_wait3A_191 = tpu.memref_slice %arg5[%dma_wait3A_189, %dma_wait3A_190] : memref<114688x32xi32, #tpu.memory_space<hbm>> -> memref<114688x32xi32, #tpu.memory_space<hbm>>
      tpu.wait_indirect_dma semaphore(%arg11 : memref<!tpu.dma_semaphore, #tpu.memory_space<semaphore_mem>>) src(%dma_wait3A_191 : memref<114688x32xi32, #tpu.memory_space<hbm>>) dst(%dma_wait3A_185 : memref<128x32xi32, #tpu.memory_space<vmem>>)
      %dma_wait3A_192 = arith.constant 4 : i32
      %dma_wait3A_193 = arith.constant 512 : i32
      %dma_wait3A_194 = arith.constant 0 : i32
      %dma_wait3A_195 = tpu.memref_slice %arg9[%dma_wait3A_193, %dma_wait3A_194] : memref<640x32xi32, #tpu.memory_space<vmem>> -> memref<128x32xi32, #tpu.memory_space<vmem>>
      %dma_wait3A_196 = arith.constant 0 : i32
      %dma_wait3A_197 = tpu.memref_slice %arg7[%dma_wait3A_192, %dma_wait3A_196] : memref<5x128xi32, #tpu.memory_space<vmem>> -> memref<1x128xi32, #tpu.memory_space<vmem>>
      %dma_wait3A_198 = tpu.memref_squeeze %dma_wait3A_197 : memref<1x128xi32, #tpu.memory_space<vmem>> -> memref<128xi32, #tpu.memory_space<vmem>>
      %dma_wait3A_199 = arith.constant 0 : i32
      %dma_wait3A_200 = arith.constant 0 : i32
      %dma_wait3A_201 = tpu.memref_slice %arg4[%dma_wait3A_199, %dma_wait3A_200] : memref<1015808x32xi32, #tpu.memory_space<hbm>> -> memref<1015808x32xi32, #tpu.memory_space<hbm>>
      tpu.wait_indirect_dma semaphore(%arg11 : memref<!tpu.dma_semaphore, #tpu.memory_space<semaphore_mem>>) src(%dma_wait3A_201 : memref<1015808x32xi32, #tpu.memory_space<hbm>>) dst(%dma_wait3A_195 : memref<128x32xi32, #tpu.memory_space<vmem>>)
      %dma_wait3A_202 = arith.constant 4 : i32
      %dma_wait3A_203 = arith.constant 512 : i32
      %dma_wait3A_204 = arith.constant 0 : i32
      %dma_wait3A_205 = tpu.memref_slice %arg10[%dma_wait3A_203, %dma_wait3A_204] : memref<640x32xi32, #tpu.memory_space<vmem>> -> memref<128x32xi32, #tpu.memory_space<vmem>>
      %dma_wait3A_206 = arith.constant 0 : i32
      %dma_wait3A_207 = tpu.memref_slice %arg8[%dma_wait3A_202, %dma_wait3A_206] : memref<5x128xi32, #tpu.memory_space<vmem>> -> memref<1x128xi32, #tpu.memory_space<vmem>>
      %dma_wait3A_208 = tpu.memref_squeeze %dma_wait3A_207 : memref<1x128xi32, #tpu.memory_space<vmem>> -> memref<128xi32, #tpu.memory_space<vmem>>
      %dma_wait3A_209 = arith.constant 0 : i32
      %dma_wait3A_210 = arith.constant 0 : i32
      %dma_wait3A_211 = tpu.memref_slice %arg5[%dma_wait3A_209, %dma_wait3A_210] : memref<114688x32xi32, #tpu.memory_space<hbm>> -> memref<114688x32xi32, #tpu.memory_space<hbm>>
      tpu.wait_indirect_dma semaphore(%arg11 : memref<!tpu.dma_semaphore, #tpu.memory_space<semaphore_mem>>) src(%dma_wait3A_211 : memref<114688x32xi32, #tpu.memory_space<hbm>>) dst(%dma_wait3A_205 : memref<128x32xi32, #tpu.memory_space<vmem>>)
      %jit3A = arith.constant 5 : i32
      %div3A = arith.divsi %scan3A_10, %jit3A : i32
      %sign3A = arith.constant 0 : i32
      %sign3A_212 = arith.cmpi sgt, %scan3A_10, %sign3A : i32
      %sign3A_213 = arith.extui %sign3A_212 : i1 to i32
      %sign3A_214 = arith.constant 0 : i32
      %sign3A_215 = arith.cmpi slt, %scan3A_10, %sign3A_214 : i32
      %sign3A_216 = arith.extui %sign3A_215 : i1 to i32
      %sign3A_217 = arith.subi %sign3A_213, %sign3A_216 : i32
      %sign3A_218 = arith.constant 0 : i32
      %sign3A_219 = arith.cmpi sgt, %jit3A, %sign3A_218 : i32
      %sign3A_220 = arith.extui %sign3A_219 : i1 to i32
      %sign3A_221 = arith.constant 0 : i32
      %sign3A_222 = arith.cmpi slt, %jit3A, %sign3A_221 : i32
      %sign3A_223 = arith.extui %sign3A_222 : i1 to i32
      %sign3A_224 = arith.subi %sign3A_220, %sign3A_223 : i32
      %ne3A = arith.cmpi ne, %sign3A_217, %sign3A_224 : i32
      %rem3A = arith.remsi %scan3A_10, %jit3A : i32
      %ne3A_225 = arith.constant 0 : i32
      %ne3A_226 = arith.cmpi ne, %rem3A, %ne3A_225 : i32
      %and3A = arith.andi %ne3A, %ne3A_226 : i1
      %sub3A = arith.constant 1 : i32
      %sub3A_227 = arith.subi %div3A, %sub3A : i32
      %select_n3A = arith.select %and3A, %sub3A_227, %div3A : i32
      %mul3A_228 = arith.constant 64 : i32
      %mul3A_229 = arith.muli %select_n3A, %mul3A_228 : i32
      %jit3A_230 = arith.constant 5 : i32
      %eq3A = arith.constant 0 : i32
      %eq3A_231 = arith.cmpi eq, %jit3A_230, %eq3A : i32
      %jit3A_232 = arith.constant 1 : i32
      %select_n3A_233 = arith.select %eq3A_231, %jit3A_232, %jit3A_230 : i32
      %rem3A_234 = arith.remsi %scan3A_10, %select_n3A_233 : i32
      %ne3A_235 = arith.constant 0 : i32
      %ne3A_236 = arith.cmpi ne, %rem3A_234, %ne3A_235 : i32
      %lt3A = arith.constant 0 : i32
      %lt3A_237 = arith.cmpi slt, %rem3A_234, %lt3A : i32
      %lt3A_238 = arith.constant 0 : i32
      %lt3A_239 = arith.cmpi slt, %select_n3A_233, %lt3A_238 : i32
      %ne3A_240 = arith.xori %lt3A_237, %lt3A_239 : i1
      %and3A_241 = arith.andi %ne3A_240, %ne3A_236 : i1
      %add3A_242 = arith.addi %rem3A_234, %select_n3A_233 : i32
      %select_n3A_243 = arith.select %and3A_241, %add3A_242, %rem3A_234 : i32
      %mul3A_244 = arith.constant 640 : i32
      %mul3A_245 = arith.muli %select_n3A_243, %mul3A_244 : i32
      %add3A_246 = arith.addi %mul3A_4, %mul3A_245 : i32
      "tpu.region"() ({
        %run_scoped3A = tpu.sem_alloc : memref<!tpu.dma_semaphore, #tpu.memory_space<semaphore_mem>>
        %dma_start3A_249 = tpu.memref_slice %arg6[%add3A_246, %mul3A_229] : memref<102400x128xi32, #tpu.memory_space<hbm>> -> memref<640x32xi32, #tpu.memory_space<hbm>>
        %dma_start3A_250 = tpu.memref_slice %arg6[%add3A_246, %mul3A_229] : memref<102400x128xi32, #tpu.memory_space<hbm>> -> memref<640x32xi32, #tpu.memory_space<hbm>>
        tpu.enqueue_dma source(%arg9 : memref<640x32xi32, #tpu.memory_space<vmem>>) target(%dma_start3A_250 : memref<640x32xi32, #tpu.memory_space<hbm>>) target_semaphore(%run_scoped3A : memref<!tpu.dma_semaphore, #tpu.memory_space<semaphore_mem>>)
        %dma_wait3A_251 = tpu.memref_slice %arg6[%add3A_246, %mul3A_229] : memref<102400x128xi32, #tpu.memory_space<hbm>> -> memref<640x32xi32, #tpu.memory_space<hbm>>
        %dma_wait3A_252 = tpu.memref_slice %arg6[%add3A_246, %mul3A_229] : memref<102400x128xi32, #tpu.memory_space<hbm>> -> memref<640x32xi32, #tpu.memory_space<hbm>>
        tpu.wait_dma2 semaphore(%run_scoped3A : memref<!tpu.dma_semaphore, #tpu.memory_space<semaphore_mem>>) src(%arg9 : memref<640x32xi32, #tpu.memory_space<vmem>>) dst(%dma_wait3A_252 : memref<640x32xi32, #tpu.memory_space<hbm>>)
        tpu.yield
      }) : () -> ()
      %add3A_247 = arith.constant 32 : i32
      %add3A_248 = arith.addi %mul3A_229, %add3A_247 : i32
      "tpu.region"() ({
        %run_scoped3A = tpu.sem_alloc : memref<!tpu.dma_semaphore, #tpu.memory_space<semaphore_mem>>
        %dma_start3A_249 = tpu.memref_slice %arg6[%add3A_246, %add3A_248] : memref<102400x128xi32, #tpu.memory_space<hbm>> -> memref<640x32xi32, #tpu.memory_space<hbm>>
        %dma_start3A_250 = tpu.memref_slice %arg6[%add3A_246, %add3A_248] : memref<102400x128xi32, #tpu.memory_space<hbm>> -> memref<640x32xi32, #tpu.memory_space<hbm>>
        tpu.enqueue_dma source(%arg10 : memref<640x32xi32, #tpu.memory_space<vmem>>) target(%dma_start3A_250 : memref<640x32xi32, #tpu.memory_space<hbm>>) target_semaphore(%run_scoped3A : memref<!tpu.dma_semaphore, #tpu.memory_space<semaphore_mem>>)
        %dma_wait3A_251 = tpu.memref_slice %arg6[%add3A_246, %add3A_248] : memref<102400x128xi32, #tpu.memory_space<hbm>> -> memref<640x32xi32, #tpu.memory_space<hbm>>
        %dma_wait3A_252 = tpu.memref_slice %arg6[%add3A_246, %add3A_248] : memref<102400x128xi32, #tpu.memory_space<hbm>> -> memref<640x32xi32, #tpu.memory_space<hbm>>
        tpu.wait_dma2 semaphore(%run_scoped3A : memref<!tpu.dma_semaphore, #tpu.memory_space<semaphore_mem>>) src(%arg10 : memref<640x32xi32, #tpu.memory_space<vmem>>) dst(%dma_wait3A_252 : memref<640x32xi32, #tpu.memory_space<hbm>>)
        tpu.yield
      }) : () -> ()
    }
    %scan3A_9 = arith.constant 10 : i32
    return
  }
}

module attributes {stable_mosaic.version = 14 : i64} {
  func.func @_transp_body(%arg0: i32, %arg1: memref<64x4096xf32, #tpu.memory_space<vmem>>, %arg2: memref<64x4096xf32, #tpu.memory_space<vmem>>, %arg3: memref<64x4096xf32, #tpu.memory_space<vmem>>, %arg4: memref<64x4096xf32, #tpu.memory_space<vmem>>, %arg5: memref<4096x128xi32, #tpu.memory_space<vmem>>) attributes {dimension_semantics = [#tpu.dimension_semantics<arbitrary>], iteration_bounds = array<i64: 7>, scalar_prefetch = 0 : i64, scratch_operands = 0 : i64, tpu.core_type = #tpu.core_type<tc>, window_params = [{transform_indices = @transform_0, window_bounds = array<i64: 64, 4096>}, {transform_indices = @transform_1, window_bounds = array<i64: 64, 4096>}, {transform_indices = @transform_2, window_bounds = array<i64: 64, 4096>}, {transform_indices = @transform_3, window_bounds = array<i64: 64, 4096>}, {transform_indices = @transform_4, window_bounds = array<i64: 4096, 128>}]} {
    %get3A = arith.constant 0 : index
    %get3A_0 = arith.constant 0 : index
    %get3A_1 = vector.load %arg1[%get3A, %get3A_0] : memref<64x4096xf32, #tpu.memory_space<vmem>>, vector<64x4096xf32>
    %slice3A = vector.extract_strided_slice %get3A_1 {offsets = [0, 0], sizes = [32, 4096], strides = [1, 1]} : vector<64x4096xf32> to vector<32x4096xf32>
    %bitcast_convert_type3A = tpu.bitcast %slice3A : vector<32x4096xf32> -> vector<32x4096xi32>
    %add3A = arith.constant 32767 : i32
    %add3A_2 = vector.broadcast %add3A : i32 to vector<32x4096xi32>
    %add3A_3 = arith.addi %bitcast_convert_type3A, %add3A_2 : vector<32x4096xi32>
    %shift_right_logical3A = arith.constant 16 : i32
    %shift_right_logical3A_4 = vector.broadcast %shift_right_logical3A : i32 to vector<32x4096xi32>
    %shift_right_logical3A_5 = arith.shrui %bitcast_convert_type3A, %shift_right_logical3A_4 : vector<32x4096xi32>
    %and3A = arith.constant 1 : i32
    %and3A_6 = vector.broadcast %and3A : i32 to vector<32x4096xi32>
    %and3A_7 = arith.andi %shift_right_logical3A_5, %and3A_6 : vector<32x4096xi32>
    %add3A_8 = arith.addi %add3A_3, %and3A_7 : vector<32x4096xi32>
    %shift_right_logical3A_9 = arith.constant 16 : i32
    %shift_right_logical3A_10 = vector.broadcast %shift_right_logical3A_9 : i32 to vector<32x4096xi32>
    %shift_right_logical3A_11 = arith.shrui %add3A_8, %shift_right_logical3A_10 : vector<32x4096xi32>
    %slice3A_12 = vector.extract_strided_slice %get3A_1 {offsets = [32, 0], sizes = [32, 4096], strides = [1, 1]} : vector<64x4096xf32> to vector<32x4096xf32>
    %bitcast_convert_type3A_13 = tpu.bitcast %slice3A_12 : vector<32x4096xf32> -> vector<32x4096xi32>
    %add3A_14 = arith.constant 32767 : i32
    %add3A_15 = vector.broadcast %add3A_14 : i32 to vector<32x4096xi32>
    %add3A_16 = arith.addi %bitcast_convert_type3A_13, %add3A_15 : vector<32x4096xi32>
    %shift_right_logical3A_17 = arith.constant 16 : i32
    %shift_right_logical3A_18 = vector.broadcast %shift_right_logical3A_17 : i32 to vector<32x4096xi32>
    %shift_right_logical3A_19 = arith.shrui %bitcast_convert_type3A_13, %shift_right_logical3A_18 : vector<32x4096xi32>
    %and3A_20 = arith.constant 1 : i32
    %and3A_21 = vector.broadcast %and3A_20 : i32 to vector<32x4096xi32>
    %and3A_22 = arith.andi %shift_right_logical3A_19, %and3A_21 : vector<32x4096xi32>
    %add3A_23 = arith.addi %add3A_16, %and3A_22 : vector<32x4096xi32>
    %shift_right_logical3A_24 = arith.constant 16 : i32
    %shift_right_logical3A_25 = vector.broadcast %shift_right_logical3A_24 : i32 to vector<32x4096xi32>
    %shift_right_logical3A_26 = arith.shrui %add3A_23, %shift_right_logical3A_25 : vector<32x4096xi32>
    %shift_left3A = arith.constant 16 : i32
    %shift_left3A_27 = vector.broadcast %shift_left3A : i32 to vector<32x4096xi32>
    %shift_left3A_28 = arith.shli %shift_right_logical3A_26, %shift_left3A_27 : vector<32x4096xi32>
    %or3A = arith.ori %shift_right_logical3A_11, %shift_left3A_28 : vector<32x4096xi32>
    %transpose3A = tpu.transpose %or3A, [1, 0] : vector<32x4096xi32> -> vector<4096x32xi32>
    %swap3A = arith.constant 0 : index
    %swap3A_29 = arith.constant 0 : index
    %swap3A_30 = vector.load %arg5[%swap3A, %swap3A_29] : memref<4096x128xi32, #tpu.memory_space<vmem>>, vector<4096x32xi32>
    tpu.vector_store %arg5[%swap3A, %swap3A_29], %transpose3A {strides = array<i32>} : memref<4096x128xi32, #tpu.memory_space<vmem>>, vector<4096x32xi32>,
    %get3A_31 = arith.constant 0 : index
    %get3A_32 = arith.constant 0 : index
    %get3A_33 = vector.load %arg2[%get3A_31, %get3A_32] : memref<64x4096xf32, #tpu.memory_space<vmem>>, vector<64x4096xf32>
    %slice3A_34 = vector.extract_strided_slice %get3A_33 {offsets = [0, 0], sizes = [32, 4096], strides = [1, 1]} : vector<64x4096xf32> to vector<32x4096xf32>
    %bitcast_convert_type3A_35 = tpu.bitcast %slice3A_34 : vector<32x4096xf32> -> vector<32x4096xi32>
    %add3A_36 = arith.constant 32767 : i32
    %add3A_37 = vector.broadcast %add3A_36 : i32 to vector<32x4096xi32>
    %add3A_38 = arith.addi %bitcast_convert_type3A_35, %add3A_37 : vector<32x4096xi32>
    %shift_right_logical3A_39 = arith.constant 16 : i32
    %shift_right_logical3A_40 = vector.broadcast %shift_right_logical3A_39 : i32 to vector<32x4096xi32>
    %shift_right_logical3A_41 = arith.shrui %bitcast_convert_type3A_35, %shift_right_logical3A_40 : vector<32x4096xi32>
    %and3A_42 = arith.constant 1 : i32
    %and3A_43 = vector.broadcast %and3A_42 : i32 to vector<32x4096xi32>
    %and3A_44 = arith.andi %shift_right_logical3A_41, %and3A_43 : vector<32x4096xi32>
    %add3A_45 = arith.addi %add3A_38, %and3A_44 : vector<32x4096xi32>
    %shift_right_logical3A_46 = arith.constant 16 : i32
    %shift_right_logical3A_47 = vector.broadcast %shift_right_logical3A_46 : i32 to vector<32x4096xi32>
    %shift_right_logical3A_48 = arith.shrui %add3A_45, %shift_right_logical3A_47 : vector<32x4096xi32>
    %slice3A_49 = vector.extract_strided_slice %get3A_33 {offsets = [32, 0], sizes = [32, 4096], strides = [1, 1]} : vector<64x4096xf32> to vector<32x4096xf32>
    %bitcast_convert_type3A_50 = tpu.bitcast %slice3A_49 : vector<32x4096xf32> -> vector<32x4096xi32>
    %add3A_51 = arith.constant 32767 : i32
    %add3A_52 = vector.broadcast %add3A_51 : i32 to vector<32x4096xi32>
    %add3A_53 = arith.addi %bitcast_convert_type3A_50, %add3A_52 : vector<32x4096xi32>
    %shift_right_logical3A_54 = arith.constant 16 : i32
    %shift_right_logical3A_55 = vector.broadcast %shift_right_logical3A_54 : i32 to vector<32x4096xi32>
    %shift_right_logical3A_56 = arith.shrui %bitcast_convert_type3A_50, %shift_right_logical3A_55 : vector<32x4096xi32>
    %and3A_57 = arith.constant 1 : i32
    %and3A_58 = vector.broadcast %and3A_57 : i32 to vector<32x4096xi32>
    %and3A_59 = arith.andi %shift_right_logical3A_56, %and3A_58 : vector<32x4096xi32>
    %add3A_60 = arith.addi %add3A_53, %and3A_59 : vector<32x4096xi32>
    %shift_right_logical3A_61 = arith.constant 16 : i32
    %shift_right_logical3A_62 = vector.broadcast %shift_right_logical3A_61 : i32 to vector<32x4096xi32>
    %shift_right_logical3A_63 = arith.shrui %add3A_60, %shift_right_logical3A_62 : vector<32x4096xi32>
    %shift_left3A_64 = arith.constant 16 : i32
    %shift_left3A_65 = vector.broadcast %shift_left3A_64 : i32 to vector<32x4096xi32>
    %shift_left3A_66 = arith.shli %shift_right_logical3A_63, %shift_left3A_65 : vector<32x4096xi32>
    %or3A_67 = arith.ori %shift_right_logical3A_48, %shift_left3A_66 : vector<32x4096xi32>
    %transpose3A_68 = tpu.transpose %or3A_67, [1, 0] : vector<32x4096xi32> -> vector<4096x32xi32>
    %swap3A_69 = arith.constant 0 : index
    %swap3A_70 = arith.constant 32 : index
    %swap3A_71 = vector.load %arg5[%swap3A_69, %swap3A_70] : memref<4096x128xi32, #tpu.memory_space<vmem>>, vector<4096x32xi32>
    tpu.vector_store %arg5[%swap3A_69, %swap3A_70], %transpose3A_68 {strides = array<i32>} : memref<4096x128xi32, #tpu.memory_space<vmem>>, vector<4096x32xi32>,
    %get3A_72 = arith.constant 0 : index
    %get3A_73 = arith.constant 0 : index
    %get3A_74 = vector.load %arg3[%get3A_72, %get3A_73] : memref<64x4096xf32, #tpu.memory_space<vmem>>, vector<64x4096xf32>
    %slice3A_75 = vector.extract_strided_slice %get3A_74 {offsets = [0, 0], sizes = [32, 4096], strides = [1, 1]} : vector<64x4096xf32> to vector<32x4096xf32>
    %bitcast_convert_type3A_76 = tpu.bitcast %slice3A_75 : vector<32x4096xf32> -> vector<32x4096xi32>
    %add3A_77 = arith.constant 32767 : i32
    %add3A_78 = vector.broadcast %add3A_77 : i32 to vector<32x4096xi32>
    %add3A_79 = arith.addi %bitcast_convert_type3A_76, %add3A_78 : vector<32x4096xi32>
    %shift_right_logical3A_80 = arith.constant 16 : i32
    %shift_right_logical3A_81 = vector.broadcast %shift_right_logical3A_80 : i32 to vector<32x4096xi32>
    %shift_right_logical3A_82 = arith.shrui %bitcast_convert_type3A_76, %shift_right_logical3A_81 : vector<32x4096xi32>
    %and3A_83 = arith.constant 1 : i32
    %and3A_84 = vector.broadcast %and3A_83 : i32 to vector<32x4096xi32>
    %and3A_85 = arith.andi %shift_right_logical3A_82, %and3A_84 : vector<32x4096xi32>
    %add3A_86 = arith.addi %add3A_79, %and3A_85 : vector<32x4096xi32>
    %shift_right_logical3A_87 = arith.constant 16 : i32
    %shift_right_logical3A_88 = vector.broadcast %shift_right_logical3A_87 : i32 to vector<32x4096xi32>
    %shift_right_logical3A_89 = arith.shrui %add3A_86, %shift_right_logical3A_88 : vector<32x4096xi32>
    %slice3A_90 = vector.extract_strided_slice %get3A_74 {offsets = [32, 0], sizes = [32, 4096], strides = [1, 1]} : vector<64x4096xf32> to vector<32x4096xf32>
    %bitcast_convert_type3A_91 = tpu.bitcast %slice3A_90 : vector<32x4096xf32> -> vector<32x4096xi32>
    %add3A_92 = arith.constant 32767 : i32
    %add3A_93 = vector.broadcast %add3A_92 : i32 to vector<32x4096xi32>
    %add3A_94 = arith.addi %bitcast_convert_type3A_91, %add3A_93 : vector<32x4096xi32>
    %shift_right_logical3A_95 = arith.constant 16 : i32
    %shift_right_logical3A_96 = vector.broadcast %shift_right_logical3A_95 : i32 to vector<32x4096xi32>
    %shift_right_logical3A_97 = arith.shrui %bitcast_convert_type3A_91, %shift_right_logical3A_96 : vector<32x4096xi32>
    %and3A_98 = arith.constant 1 : i32
    %and3A_99 = vector.broadcast %and3A_98 : i32 to vector<32x4096xi32>
    %and3A_100 = arith.andi %shift_right_logical3A_97, %and3A_99 : vector<32x4096xi32>
    %add3A_101 = arith.addi %add3A_94, %and3A_100 : vector<32x4096xi32>
    %shift_right_logical3A_102 = arith.constant 16 : i32
    %shift_right_logical3A_103 = vector.broadcast %shift_right_logical3A_102 : i32 to vector<32x4096xi32>
    %shift_right_logical3A_104 = arith.shrui %add3A_101, %shift_right_logical3A_103 : vector<32x4096xi32>
    %shift_left3A_105 = arith.constant 16 : i32
    %shift_left3A_106 = vector.broadcast %shift_left3A_105 : i32 to vector<32x4096xi32>
    %shift_left3A_107 = arith.shli %shift_right_logical3A_104, %shift_left3A_106 : vector<32x4096xi32>
    %or3A_108 = arith.ori %shift_right_logical3A_89, %shift_left3A_107 : vector<32x4096xi32>
    %transpose3A_109 = tpu.transpose %or3A_108, [1, 0] : vector<32x4096xi32> -> vector<4096x32xi32>
    %swap3A_110 = arith.constant 0 : index
    %swap3A_111 = arith.constant 64 : index
    %swap3A_112 = vector.load %arg5[%swap3A_110, %swap3A_111] : memref<4096x128xi32, #tpu.memory_space<vmem>>, vector<4096x32xi32>
    tpu.vector_store %arg5[%swap3A_110, %swap3A_111], %transpose3A_109 {strides = array<i32>} : memref<4096x128xi32, #tpu.memory_space<vmem>>, vector<4096x32xi32>,
    %get3A_113 = arith.constant 0 : index
    %get3A_114 = arith.constant 0 : index
    %get3A_115 = vector.load %arg4[%get3A_113, %get3A_114] : memref<64x4096xf32, #tpu.memory_space<vmem>>, vector<64x4096xf32>
    %slice3A_116 = vector.extract_strided_slice %get3A_115 {offsets = [0, 0], sizes = [32, 4096], strides = [1, 1]} : vector<64x4096xf32> to vector<32x4096xf32>
    %bitcast_convert_type3A_117 = tpu.bitcast %slice3A_116 : vector<32x4096xf32> -> vector<32x4096xi32>
    %add3A_118 = arith.constant 32767 : i32
    %add3A_119 = vector.broadcast %add3A_118 : i32 to vector<32x4096xi32>
    %add3A_120 = arith.addi %bitcast_convert_type3A_117, %add3A_119 : vector<32x4096xi32>
    %shift_right_logical3A_121 = arith.constant 16 : i32
    %shift_right_logical3A_122 = vector.broadcast %shift_right_logical3A_121 : i32 to vector<32x4096xi32>
    %shift_right_logical3A_123 = arith.shrui %bitcast_convert_type3A_117, %shift_right_logical3A_122 : vector<32x4096xi32>
    %and3A_124 = arith.constant 1 : i32
    %and3A_125 = vector.broadcast %and3A_124 : i32 to vector<32x4096xi32>
    %and3A_126 = arith.andi %shift_right_logical3A_123, %and3A_125 : vector<32x4096xi32>
    %add3A_127 = arith.addi %add3A_120, %and3A_126 : vector<32x4096xi32>
    %shift_right_logical3A_128 = arith.constant 16 : i32
    %shift_right_logical3A_129 = vector.broadcast %shift_right_logical3A_128 : i32 to vector<32x4096xi32>
    %shift_right_logical3A_130 = arith.shrui %add3A_127, %shift_right_logical3A_129 : vector<32x4096xi32>
    %slice3A_131 = vector.extract_strided_slice %get3A_115 {offsets = [32, 0], sizes = [32, 4096], strides = [1, 1]} : vector<64x4096xf32> to vector<32x4096xf32>
    %bitcast_convert_type3A_132 = tpu.bitcast %slice3A_131 : vector<32x4096xf32> -> vector<32x4096xi32>
    %add3A_133 = arith.constant 32767 : i32
    %add3A_134 = vector.broadcast %add3A_133 : i32 to vector<32x4096xi32>
    %add3A_135 = arith.addi %bitcast_convert_type3A_132, %add3A_134 : vector<32x4096xi32>
    %shift_right_logical3A_136 = arith.constant 16 : i32
    %shift_right_logical3A_137 = vector.broadcast %shift_right_logical3A_136 : i32 to vector<32x4096xi32>
    %shift_right_logical3A_138 = arith.shrui %bitcast_convert_type3A_132, %shift_right_logical3A_137 : vector<32x4096xi32>
    %and3A_139 = arith.constant 1 : i32
    %and3A_140 = vector.broadcast %and3A_139 : i32 to vector<32x4096xi32>
    %and3A_141 = arith.andi %shift_right_logical3A_138, %and3A_140 : vector<32x4096xi32>
    %add3A_142 = arith.addi %add3A_135, %and3A_141 : vector<32x4096xi32>
    %shift_right_logical3A_143 = arith.constant 16 : i32
    %shift_right_logical3A_144 = vector.broadcast %shift_right_logical3A_143 : i32 to vector<32x4096xi32>
    %shift_right_logical3A_145 = arith.shrui %add3A_142, %shift_right_logical3A_144 : vector<32x4096xi32>
    %shift_left3A_146 = arith.constant 16 : i32
    %shift_left3A_147 = vector.broadcast %shift_left3A_146 : i32 to vector<32x4096xi32>
    %shift_left3A_148 = arith.shli %shift_right_logical3A_145, %shift_left3A_147 : vector<32x4096xi32>
    %or3A_149 = arith.ori %shift_right_logical3A_130, %shift_left3A_148 : vector<32x4096xi32>
    %transpose3A_150 = tpu.transpose %or3A_149, [1, 0] : vector<32x4096xi32> -> vector<4096x32xi32>
    %swap3A_151 = arith.constant 0 : index
    %swap3A_152 = arith.constant 96 : index
    %swap3A_153 = vector.load %arg5[%swap3A_151, %swap3A_152] : memref<4096x128xi32, #tpu.memory_space<vmem>>, vector<4096x32xi32>
    tpu.vector_store %arg5[%swap3A_151, %swap3A_152], %transpose3A_150 {strides = array<i32>} : memref<4096x128xi32, #tpu.memory_space<vmem>>, vector<4096x32xi32>,
    return
  }
  func.func @transform_0(%arg0: i32) -> (i32, i32) {
    %mul3A = arith.constant 4 : i32
    %mul3A_0 = arith.muli %mul3A, %arg0 : i32
    %add3A = arith.constant 0 : i32
    %add3A_1 = arith.addi %mul3A_0, %add3A : i32
    %min3A = arith.constant 24 : i32
    %min3A_2 = arith.minsi %add3A_1, %min3A : i32
    %c0_i32 = arith.constant 0 : i32
    %c0_i32_3 = arith.constant 0 : i32
    return %c0_i32, %min3A_2 : i32, i32
  }
  func.func @transform_1(%arg0: i32) -> (i32, i32) {
    %mul3A = arith.constant 4 : i32
    %mul3A_0 = arith.muli %mul3A, %arg0 : i32
    %add3A = arith.constant 1 : i32
    %add3A_1 = arith.addi %mul3A_0, %add3A : i32
    %min3A = arith.constant 24 : i32
    %min3A_2 = arith.minsi %add3A_1, %min3A : i32
    %c0_i32 = arith.constant 0 : i32
    %c0_i32_3 = arith.constant 0 : i32
    return %c0_i32, %min3A_2 : i32, i32
  }
  func.func @transform_2(%arg0: i32) -> (i32, i32) {
    %mul3A = arith.constant 4 : i32
    %mul3A_0 = arith.muli %mul3A, %arg0 : i32
    %add3A = arith.constant 2 : i32
    %add3A_1 = arith.addi %mul3A_0, %add3A : i32
    %min3A = arith.constant 24 : i32
    %min3A_2 = arith.minsi %add3A_1, %min3A : i32
    %c0_i32 = arith.constant 0 : i32
    %c0_i32_3 = arith.constant 0 : i32
    return %c0_i32, %min3A_2 : i32, i32
  }
  func.func @transform_3(%arg0: i32) -> (i32, i32) {
    %mul3A = arith.constant 4 : i32
    %mul3A_0 = arith.muli %mul3A, %arg0 : i32
    %add3A = arith.constant 3 : i32
    %add3A_1 = arith.addi %mul3A_0, %add3A : i32
    %min3A = arith.constant 24 : i32
    %min3A_2 = arith.minsi %add3A_1, %min3A : i32
    %c0_i32 = arith.constant 0 : i32
    %c0_i32_3 = arith.constant 0 : i32
    return %c0_i32, %min3A_2 : i32, i32
  }
  func.func @transform_4(%arg0: i32) -> (i32, i32) {
    %c0_i32 = arith.constant 0 : i32
    %c0_i32_0 = arith.constant 0 : i32
    return %arg0, %c0_i32 : i32, i32
  }
}

module attributes {stable_mosaic.version = 14 : i64} {
  func.func @_transp_body(%arg0: i32, %arg1: memref<64x4096xf32, #tpu.memory_space<vmem>>, %arg2: memref<64x4096xf32, #tpu.memory_space<vmem>>, %arg3: memref<64x4096xf32, #tpu.memory_space<vmem>>, %arg4: memref<64x4096xf32, #tpu.memory_space<vmem>>, %arg5: memref<4096x128xi32, #tpu.memory_space<vmem>>) attributes {dimension_semantics = [#tpu.dimension_semantics<arbitrary>], iteration_bounds = array<i64: 62>, scalar_prefetch = 0 : i64, scratch_operands = 0 : i64, tpu.core_type = #tpu.core_type<tc>, window_params = [{transform_indices = @transform_0, window_bounds = array<i64: 64, 4096>}, {transform_indices = @transform_1, window_bounds = array<i64: 64, 4096>}, {transform_indices = @transform_2, window_bounds = array<i64: 64, 4096>}, {transform_indices = @transform_3, window_bounds = array<i64: 64, 4096>}, {transform_indices = @transform_4, window_bounds = array<i64: 4096, 128>}]} {
    %get3A = arith.constant 0 : index
    %get3A_0 = arith.constant 0 : index
    %get3A_1 = vector.load %arg1[%get3A, %get3A_0] : memref<64x4096xf32, #tpu.memory_space<vmem>>, vector<64x4096xf32>
    %slice3A = vector.extract_strided_slice %get3A_1 {offsets = [0, 0], sizes = [32, 4096], strides = [1, 1]} : vector<64x4096xf32> to vector<32x4096xf32>
    %bitcast_convert_type3A = tpu.bitcast %slice3A : vector<32x4096xf32> -> vector<32x4096xi32>
    %add3A = arith.constant 32767 : i32
    %add3A_2 = vector.broadcast %add3A : i32 to vector<32x4096xi32>
    %add3A_3 = arith.addi %bitcast_convert_type3A, %add3A_2 : vector<32x4096xi32>
    %shift_right_logical3A = arith.constant 16 : i32
    %shift_right_logical3A_4 = vector.broadcast %shift_right_logical3A : i32 to vector<32x4096xi32>
    %shift_right_logical3A_5 = arith.shrui %bitcast_convert_type3A, %shift_right_logical3A_4 : vector<32x4096xi32>
    %and3A = arith.constant 1 : i32
    %and3A_6 = vector.broadcast %and3A : i32 to vector<32x4096xi32>
    %and3A_7 = arith.andi %shift_right_logical3A_5, %and3A_6 : vector<32x4096xi32>
    %add3A_8 = arith.addi %add3A_3, %and3A_7 : vector<32x4096xi32>
    %shift_right_logical3A_9 = arith.constant 16 : i32
    %shift_right_logical3A_10 = vector.broadcast %shift_right_logical3A_9 : i32 to vector<32x4096xi32>
    %shift_right_logical3A_11 = arith.shrui %add3A_8, %shift_right_logical3A_10 : vector<32x4096xi32>
    %slice3A_12 = vector.extract_strided_slice %get3A_1 {offsets = [32, 0], sizes = [32, 4096], strides = [1, 1]} : vector<64x4096xf32> to vector<32x4096xf32>
    %bitcast_convert_type3A_13 = tpu.bitcast %slice3A_12 : vector<32x4096xf32> -> vector<32x4096xi32>
    %add3A_14 = arith.constant 32767 : i32
    %add3A_15 = vector.broadcast %add3A_14 : i32 to vector<32x4096xi32>
    %add3A_16 = arith.addi %bitcast_convert_type3A_13, %add3A_15 : vector<32x4096xi32>
    %shift_right_logical3A_17 = arith.constant 16 : i32
    %shift_right_logical3A_18 = vector.broadcast %shift_right_logical3A_17 : i32 to vector<32x4096xi32>
    %shift_right_logical3A_19 = arith.shrui %bitcast_convert_type3A_13, %shift_right_logical3A_18 : vector<32x4096xi32>
    %and3A_20 = arith.constant 1 : i32
    %and3A_21 = vector.broadcast %and3A_20 : i32 to vector<32x4096xi32>
    %and3A_22 = arith.andi %shift_right_logical3A_19, %and3A_21 : vector<32x4096xi32>
    %add3A_23 = arith.addi %add3A_16, %and3A_22 : vector<32x4096xi32>
    %shift_right_logical3A_24 = arith.constant 16 : i32
    %shift_right_logical3A_25 = vector.broadcast %shift_right_logical3A_24 : i32 to vector<32x4096xi32>
    %shift_right_logical3A_26 = arith.shrui %add3A_23, %shift_right_logical3A_25 : vector<32x4096xi32>
    %shift_left3A = arith.constant 16 : i32
    %shift_left3A_27 = vector.broadcast %shift_left3A : i32 to vector<32x4096xi32>
    %shift_left3A_28 = arith.shli %shift_right_logical3A_26, %shift_left3A_27 : vector<32x4096xi32>
    %or3A = arith.ori %shift_right_logical3A_11, %shift_left3A_28 : vector<32x4096xi32>
    %transpose3A = tpu.transpose %or3A, [1, 0] : vector<32x4096xi32> -> vector<4096x32xi32>
    %swap3A = arith.constant 0 : index
    %swap3A_29 = arith.constant 0 : index
    %swap3A_30 = vector.load %arg5[%swap3A, %swap3A_29] : memref<4096x128xi32, #tpu.memory_space<vmem>>, vector<4096x32xi32>
    tpu.vector_store %arg5[%swap3A, %swap3A_29], %transpose3A {strides = array<i32>} : memref<4096x128xi32, #tpu.memory_space<vmem>>, vector<4096x32xi32>,
    %get3A_31 = arith.constant 0 : index
    %get3A_32 = arith.constant 0 : index
    %get3A_33 = vector.load %arg2[%get3A_31, %get3A_32] : memref<64x4096xf32, #tpu.memory_space<vmem>>, vector<64x4096xf32>
    %slice3A_34 = vector.extract_strided_slice %get3A_33 {offsets = [0, 0], sizes = [32, 4096], strides = [1, 1]} : vector<64x4096xf32> to vector<32x4096xf32>
    %bitcast_convert_type3A_35 = tpu.bitcast %slice3A_34 : vector<32x4096xf32> -> vector<32x4096xi32>
    %add3A_36 = arith.constant 32767 : i32
    %add3A_37 = vector.broadcast %add3A_36 : i32 to vector<32x4096xi32>
    %add3A_38 = arith.addi %bitcast_convert_type3A_35, %add3A_37 : vector<32x4096xi32>
    %shift_right_logical3A_39 = arith.constant 16 : i32
    %shift_right_logical3A_40 = vector.broadcast %shift_right_logical3A_39 : i32 to vector<32x4096xi32>
    %shift_right_logical3A_41 = arith.shrui %bitcast_convert_type3A_35, %shift_right_logical3A_40 : vector<32x4096xi32>
    %and3A_42 = arith.constant 1 : i32
    %and3A_43 = vector.broadcast %and3A_42 : i32 to vector<32x4096xi32>
    %and3A_44 = arith.andi %shift_right_logical3A_41, %and3A_43 : vector<32x4096xi32>
    %add3A_45 = arith.addi %add3A_38, %and3A_44 : vector<32x4096xi32>
    %shift_right_logical3A_46 = arith.constant 16 : i32
    %shift_right_logical3A_47 = vector.broadcast %shift_right_logical3A_46 : i32 to vector<32x4096xi32>
    %shift_right_logical3A_48 = arith.shrui %add3A_45, %shift_right_logical3A_47 : vector<32x4096xi32>
    %slice3A_49 = vector.extract_strided_slice %get3A_33 {offsets = [32, 0], sizes = [32, 4096], strides = [1, 1]} : vector<64x4096xf32> to vector<32x4096xf32>
    %bitcast_convert_type3A_50 = tpu.bitcast %slice3A_49 : vector<32x4096xf32> -> vector<32x4096xi32>
    %add3A_51 = arith.constant 32767 : i32
    %add3A_52 = vector.broadcast %add3A_51 : i32 to vector<32x4096xi32>
    %add3A_53 = arith.addi %bitcast_convert_type3A_50, %add3A_52 : vector<32x4096xi32>
    %shift_right_logical3A_54 = arith.constant 16 : i32
    %shift_right_logical3A_55 = vector.broadcast %shift_right_logical3A_54 : i32 to vector<32x4096xi32>
    %shift_right_logical3A_56 = arith.shrui %bitcast_convert_type3A_50, %shift_right_logical3A_55 : vector<32x4096xi32>
    %and3A_57 = arith.constant 1 : i32
    %and3A_58 = vector.broadcast %and3A_57 : i32 to vector<32x4096xi32>
    %and3A_59 = arith.andi %shift_right_logical3A_56, %and3A_58 : vector<32x4096xi32>
    %add3A_60 = arith.addi %add3A_53, %and3A_59 : vector<32x4096xi32>
    %shift_right_logical3A_61 = arith.constant 16 : i32
    %shift_right_logical3A_62 = vector.broadcast %shift_right_logical3A_61 : i32 to vector<32x4096xi32>
    %shift_right_logical3A_63 = arith.shrui %add3A_60, %shift_right_logical3A_62 : vector<32x4096xi32>
    %shift_left3A_64 = arith.constant 16 : i32
    %shift_left3A_65 = vector.broadcast %shift_left3A_64 : i32 to vector<32x4096xi32>
    %shift_left3A_66 = arith.shli %shift_right_logical3A_63, %shift_left3A_65 : vector<32x4096xi32>
    %or3A_67 = arith.ori %shift_right_logical3A_48, %shift_left3A_66 : vector<32x4096xi32>
    %transpose3A_68 = tpu.transpose %or3A_67, [1, 0] : vector<32x4096xi32> -> vector<4096x32xi32>
    %swap3A_69 = arith.constant 0 : index
    %swap3A_70 = arith.constant 32 : index
    %swap3A_71 = vector.load %arg5[%swap3A_69, %swap3A_70] : memref<4096x128xi32, #tpu.memory_space<vmem>>, vector<4096x32xi32>
    tpu.vector_store %arg5[%swap3A_69, %swap3A_70], %transpose3A_68 {strides = array<i32>} : memref<4096x128xi32, #tpu.memory_space<vmem>>, vector<4096x32xi32>,
    %get3A_72 = arith.constant 0 : index
    %get3A_73 = arith.constant 0 : index
    %get3A_74 = vector.load %arg3[%get3A_72, %get3A_73] : memref<64x4096xf32, #tpu.memory_space<vmem>>, vector<64x4096xf32>
    %slice3A_75 = vector.extract_strided_slice %get3A_74 {offsets = [0, 0], sizes = [32, 4096], strides = [1, 1]} : vector<64x4096xf32> to vector<32x4096xf32>
    %bitcast_convert_type3A_76 = tpu.bitcast %slice3A_75 : vector<32x4096xf32> -> vector<32x4096xi32>
    %add3A_77 = arith.constant 32767 : i32
    %add3A_78 = vector.broadcast %add3A_77 : i32 to vector<32x4096xi32>
    %add3A_79 = arith.addi %bitcast_convert_type3A_76, %add3A_78 : vector<32x4096xi32>
    %shift_right_logical3A_80 = arith.constant 16 : i32
    %shift_right_logical3A_81 = vector.broadcast %shift_right_logical3A_80 : i32 to vector<32x4096xi32>
    %shift_right_logical3A_82 = arith.shrui %bitcast_convert_type3A_76, %shift_right_logical3A_81 : vector<32x4096xi32>
    %and3A_83 = arith.constant 1 : i32
    %and3A_84 = vector.broadcast %and3A_83 : i32 to vector<32x4096xi32>
    %and3A_85 = arith.andi %shift_right_logical3A_82, %and3A_84 : vector<32x4096xi32>
    %add3A_86 = arith.addi %add3A_79, %and3A_85 : vector<32x4096xi32>
    %shift_right_logical3A_87 = arith.constant 16 : i32
    %shift_right_logical3A_88 = vector.broadcast %shift_right_logical3A_87 : i32 to vector<32x4096xi32>
    %shift_right_logical3A_89 = arith.shrui %add3A_86, %shift_right_logical3A_88 : vector<32x4096xi32>
    %slice3A_90 = vector.extract_strided_slice %get3A_74 {offsets = [32, 0], sizes = [32, 4096], strides = [1, 1]} : vector<64x4096xf32> to vector<32x4096xf32>
    %bitcast_convert_type3A_91 = tpu.bitcast %slice3A_90 : vector<32x4096xf32> -> vector<32x4096xi32>
    %add3A_92 = arith.constant 32767 : i32
    %add3A_93 = vector.broadcast %add3A_92 : i32 to vector<32x4096xi32>
    %add3A_94 = arith.addi %bitcast_convert_type3A_91, %add3A_93 : vector<32x4096xi32>
    %shift_right_logical3A_95 = arith.constant 16 : i32
    %shift_right_logical3A_96 = vector.broadcast %shift_right_logical3A_95 : i32 to vector<32x4096xi32>
    %shift_right_logical3A_97 = arith.shrui %bitcast_convert_type3A_91, %shift_right_logical3A_96 : vector<32x4096xi32>
    %and3A_98 = arith.constant 1 : i32
    %and3A_99 = vector.broadcast %and3A_98 : i32 to vector<32x4096xi32>
    %and3A_100 = arith.andi %shift_right_logical3A_97, %and3A_99 : vector<32x4096xi32>
    %add3A_101 = arith.addi %add3A_94, %and3A_100 : vector<32x4096xi32>
    %shift_right_logical3A_102 = arith.constant 16 : i32
    %shift_right_logical3A_103 = vector.broadcast %shift_right_logical3A_102 : i32 to vector<32x4096xi32>
    %shift_right_logical3A_104 = arith.shrui %add3A_101, %shift_right_logical3A_103 : vector<32x4096xi32>
    %shift_left3A_105 = arith.constant 16 : i32
    %shift_left3A_106 = vector.broadcast %shift_left3A_105 : i32 to vector<32x4096xi32>
    %shift_left3A_107 = arith.shli %shift_right_logical3A_104, %shift_left3A_106 : vector<32x4096xi32>
    %or3A_108 = arith.ori %shift_right_logical3A_89, %shift_left3A_107 : vector<32x4096xi32>
    %transpose3A_109 = tpu.transpose %or3A_108, [1, 0] : vector<32x4096xi32> -> vector<4096x32xi32>
    %swap3A_110 = arith.constant 0 : index
    %swap3A_111 = arith.constant 64 : index
    %swap3A_112 = vector.load %arg5[%swap3A_110, %swap3A_111] : memref<4096x128xi32, #tpu.memory_space<vmem>>, vector<4096x32xi32>
    tpu.vector_store %arg5[%swap3A_110, %swap3A_111], %transpose3A_109 {strides = array<i32>} : memref<4096x128xi32, #tpu.memory_space<vmem>>, vector<4096x32xi32>,
    %get3A_113 = arith.constant 0 : index
    %get3A_114 = arith.constant 0 : index
    %get3A_115 = vector.load %arg4[%get3A_113, %get3A_114] : memref<64x4096xf32, #tpu.memory_space<vmem>>, vector<64x4096xf32>
    %slice3A_116 = vector.extract_strided_slice %get3A_115 {offsets = [0, 0], sizes = [32, 4096], strides = [1, 1]} : vector<64x4096xf32> to vector<32x4096xf32>
    %bitcast_convert_type3A_117 = tpu.bitcast %slice3A_116 : vector<32x4096xf32> -> vector<32x4096xi32>
    %add3A_118 = arith.constant 32767 : i32
    %add3A_119 = vector.broadcast %add3A_118 : i32 to vector<32x4096xi32>
    %add3A_120 = arith.addi %bitcast_convert_type3A_117, %add3A_119 : vector<32x4096xi32>
    %shift_right_logical3A_121 = arith.constant 16 : i32
    %shift_right_logical3A_122 = vector.broadcast %shift_right_logical3A_121 : i32 to vector<32x4096xi32>
    %shift_right_logical3A_123 = arith.shrui %bitcast_convert_type3A_117, %shift_right_logical3A_122 : vector<32x4096xi32>
    %and3A_124 = arith.constant 1 : i32
    %and3A_125 = vector.broadcast %and3A_124 : i32 to vector<32x4096xi32>
    %and3A_126 = arith.andi %shift_right_logical3A_123, %and3A_125 : vector<32x4096xi32>
    %add3A_127 = arith.addi %add3A_120, %and3A_126 : vector<32x4096xi32>
    %shift_right_logical3A_128 = arith.constant 16 : i32
    %shift_right_logical3A_129 = vector.broadcast %shift_right_logical3A_128 : i32 to vector<32x4096xi32>
    %shift_right_logical3A_130 = arith.shrui %add3A_127, %shift_right_logical3A_129 : vector<32x4096xi32>
    %slice3A_131 = vector.extract_strided_slice %get3A_115 {offsets = [32, 0], sizes = [32, 4096], strides = [1, 1]} : vector<64x4096xf32> to vector<32x4096xf32>
    %bitcast_convert_type3A_132 = tpu.bitcast %slice3A_131 : vector<32x4096xf32> -> vector<32x4096xi32>
    %add3A_133 = arith.constant 32767 : i32
    %add3A_134 = vector.broadcast %add3A_133 : i32 to vector<32x4096xi32>
    %add3A_135 = arith.addi %bitcast_convert_type3A_132, %add3A_134 : vector<32x4096xi32>
    %shift_right_logical3A_136 = arith.constant 16 : i32
    %shift_right_logical3A_137 = vector.broadcast %shift_right_logical3A_136 : i32 to vector<32x4096xi32>
    %shift_right_logical3A_138 = arith.shrui %bitcast_convert_type3A_132, %shift_right_logical3A_137 : vector<32x4096xi32>
    %and3A_139 = arith.constant 1 : i32
    %and3A_140 = vector.broadcast %and3A_139 : i32 to vector<32x4096xi32>
    %and3A_141 = arith.andi %shift_right_logical3A_138, %and3A_140 : vector<32x4096xi32>
    %add3A_142 = arith.addi %add3A_135, %and3A_141 : vector<32x4096xi32>
    %shift_right_logical3A_143 = arith.constant 16 : i32
    %shift_right_logical3A_144 = vector.broadcast %shift_right_logical3A_143 : i32 to vector<32x4096xi32>
    %shift_right_logical3A_145 = arith.shrui %add3A_142, %shift_right_logical3A_144 : vector<32x4096xi32>
    %shift_left3A_146 = arith.constant 16 : i32
    %shift_left3A_147 = vector.broadcast %shift_left3A_146 : i32 to vector<32x4096xi32>
    %shift_left3A_148 = arith.shli %shift_right_logical3A_145, %shift_left3A_147 : vector<32x4096xi32>
    %or3A_149 = arith.ori %shift_right_logical3A_130, %shift_left3A_148 : vector<32x4096xi32>
    %transpose3A_150 = tpu.transpose %or3A_149, [1, 0] : vector<32x4096xi32> -> vector<4096x32xi32>
    %swap3A_151 = arith.constant 0 : index
    %swap3A_152 = arith.constant 96 : index
    %swap3A_153 = vector.load %arg5[%swap3A_151, %swap3A_152] : memref<4096x128xi32, #tpu.memory_space<vmem>>, vector<4096x32xi32>
    tpu.vector_store %arg5[%swap3A_151, %swap3A_152], %transpose3A_150 {strides = array<i32>} : memref<4096x128xi32, #tpu.memory_space<vmem>>, vector<4096x32xi32>,
    return
  }
  func.func @transform_0(%arg0: i32) -> (i32, i32) {
    %mul3A = arith.constant 4 : i32
    %mul3A_0 = arith.muli %mul3A, %arg0 : i32
    %add3A = arith.constant 0 : i32
    %add3A_1 = arith.addi %mul3A_0, %add3A : i32
    %min3A = arith.constant 244 : i32
    %min3A_2 = arith.minsi %add3A_1, %min3A : i32
    %c0_i32 = arith.constant 0 : i32
    %c0_i32_3 = arith.constant 0 : i32
    return %c0_i32, %min3A_2 : i32, i32
  }
  func.func @transform_1(%arg0: i32) -> (i32, i32) {
    %mul3A = arith.constant 4 : i32
    %mul3A_0 = arith.muli %mul3A, %arg0 : i32
    %add3A = arith.constant 1 : i32
    %add3A_1 = arith.addi %mul3A_0, %add3A : i32
    %min3A = arith.constant 244 : i32
    %min3A_2 = arith.minsi %add3A_1, %min3A : i32
    %c0_i32 = arith.constant 0 : i32
    %c0_i32_3 = arith.constant 0 : i32
    return %c0_i32, %min3A_2 : i32, i32
  }
  func.func @transform_2(%arg0: i32) -> (i32, i32) {
    %mul3A = arith.constant 4 : i32
    %mul3A_0 = arith.muli %mul3A, %arg0 : i32
    %add3A = arith.constant 2 : i32
    %add3A_1 = arith.addi %mul3A_0, %add3A : i32
    %min3A = arith.constant 244 : i32
    %min3A_2 = arith.minsi %add3A_1, %min3A : i32
    %c0_i32 = arith.constant 0 : i32
    %c0_i32_3 = arith.constant 0 : i32
    return %c0_i32, %min3A_2 : i32, i32
  }
  func.func @transform_3(%arg0: i32) -> (i32, i32) {
    %mul3A = arith.constant 4 : i32
    %mul3A_0 = arith.muli %mul3A, %arg0 : i32
    %add3A = arith.constant 3 : i32
    %add3A_1 = arith.addi %mul3A_0, %add3A : i32
    %min3A = arith.constant 244 : i32
    %min3A_2 = arith.minsi %add3A_1, %min3A : i32
    %c0_i32 = arith.constant 0 : i32
    %c0_i32_3 = arith.constant 0 : i32
    return %c0_i32, %min3A_2 : i32, i32
  }
  func.func @transform_4(%arg0: i32) -> (i32, i32) {
    %c0_i32 = arith.constant 0 : i32
    %c0_i32_0 = arith.constant 0 : i32
    return %arg0, %c0_i32 : i32, i32
  }
}

module attributes {stable_mosaic.version = 14 : i64} {
  func.func @_tc_body_first(%arg0: i32, %arg1: memref<3200x128xi32, #tpu.memory_space<vmem>>, %arg2: memref<64x128xf32, #tpu.memory_space<vmem>>, %arg3: memref<64x128xf32, #tpu.memory_space<vmem>>, %arg4: memref<1x128xf32, #tpu.memory_space<vmem>>, %arg5: memref<3200x128xf32, #tpu.memory_space<vmem>>, %arg6: memref<6400x128xf32, #tpu.memory_space<vmem>>, %arg7: memref<6400x128xf32, #tpu.memory_space<vmem>>) attributes {dimension_semantics = [#tpu.dimension_semantics<arbitrary>], iteration_bounds = array<i64: 32>, scalar_prefetch = 0 : i64, scratch_operands = 0 : i64, tpu.core_type = #tpu.core_type<tc>, window_params = [{transform_indices = @transform_0, window_bounds = array<i64: 3200, 128>}, {pipeline_mode = #tpu.pipeline_mode<synchronous>, transform_indices = @transform_1, window_bounds = array<i64: 64, 128>}, {pipeline_mode = #tpu.pipeline_mode<synchronous>, transform_indices = @transform_2, window_bounds = array<i64: 64, 128>}, {pipeline_mode = #tpu.pipeline_mode<synchronous>, transform_indices = @transform_3, window_bounds = array<i64: 1, 128>}, {pipeline_mode = #tpu.pipeline_mode<synchronous>, transform_indices = @transform_4, window_bounds = array<i64: 3200, 128>}, {transform_indices = @transform_5, window_bounds = array<i64: 6400, 128>}, {transform_indices = @transform_6, window_bounds = array<i64: 6400, 128>}]} {
    %get3A = arith.constant 0 : index
    %get3A_0 = arith.constant 0 : index
    %get3A_1 = vector.load %arg1[%get3A, %get3A_0] : memref<3200x128xi32, #tpu.memory_space<vmem>>, vector<3200x128xi32>
    %slice3A = vector.extract_strided_slice %get3A_1 {offsets = [0, 0], sizes = [3200, 64], strides = [1, 1]} : vector<3200x128xi32> to vector<3200x64xi32>
    %shift_left3A = arith.constant 16 : i32
    %shift_left3A_2 = vector.broadcast %shift_left3A : i32 to vector<3200x64xi32>
    %shift_left3A_3 = arith.shli %slice3A, %shift_left3A_2 : vector<3200x64xi32>
    %bitcast_convert_type3A = tpu.bitcast %shift_left3A_3 : vector<3200x64xi32> -> vector<3200x64xf32>
    %and3A = arith.constant -65536 : i32
    %and3A_4 = vector.broadcast %and3A : i32 to vector<3200x64xi32>
    %and3A_5 = arith.andi %slice3A, %and3A_4 : vector<3200x64xi32>
    %bitcast_convert_type3A_6 = tpu.bitcast %and3A_5 : vector<3200x64xi32> -> vector<3200x64xf32>
    %get3A_7 = arith.constant 0 : index
    %get3A_8 = arith.constant 0 : index
    %get3A_9 = vector.load %arg2[%get3A_7, %get3A_8] : memref<64x128xf32, #tpu.memory_space<vmem>>, vector<64x128xf32>
    %dot_general3A = arith.constant dense<0.000000e+00> : vector<3200x128xf32>
    %dot_general3A_10 = tpu.matmul %bitcast_convert_type3A, %get3A_9, %dot_general3A {dimension_numbers = #tpu.dot_dimension_numbers<[1], [0], [0], [1], [0, 0, 1, 1], [], []>, transpose_lhs_hint = false} : vector<3200x64xf32>, vector<64x128xf32>, vector<3200x128xf32> -> vector<3200x128xf32>
    %get3A_11 = arith.constant 0 : index
    %get3A_12 = arith.constant 0 : index
    %get3A_13 = vector.load %arg3[%get3A_11, %get3A_12] : memref<64x128xf32, #tpu.memory_space<vmem>>, vector<64x128xf32>
    %dot_general3A_14 = arith.constant dense<0.000000e+00> : vector<3200x128xf32>
    %dot_general3A_15 = tpu.matmul %bitcast_convert_type3A_6, %get3A_13, %dot_general3A_14 {dimension_numbers = #tpu.dot_dimension_numbers<[1], [0], [0], [1], [0, 0, 1, 1], [], []>, transpose_lhs_hint = false} : vector<3200x64xf32>, vector<64x128xf32>, vector<3200x128xf32> -> vector<3200x128xf32>
    %add3A = arith.addf %dot_general3A_10, %dot_general3A_15 : vector<3200x128xf32>
    %get3A_16 = arith.constant 0 : index
    %get3A_17 = arith.constant 0 : index
    %get3A_18 = vector.load %arg4[%get3A_16, %get3A_17] : memref<1x128xf32, #tpu.memory_space<vmem>>, vector<1x128xf32>
    %add3A_19 = vector.broadcast %get3A_18 : vector<1x128xf32> to vector<3200x128xf32>
    %add3A_20 = arith.addf %add3A, %add3A_19 : vector<3200x128xf32>
    %slice3A_21 = vector.extract_strided_slice %get3A_1 {offsets = [0, 64], sizes = [3200, 64], strides = [1, 1]} : vector<3200x128xi32> to vector<3200x64xi32>
    %shift_left3A_22 = arith.constant 16 : i32
    %shift_left3A_23 = vector.broadcast %shift_left3A_22 : i32 to vector<3200x64xi32>
    %shift_left3A_24 = arith.shli %slice3A_21, %shift_left3A_23 : vector<3200x64xi32>
    %bitcast_convert_type3A_25 = tpu.bitcast %shift_left3A_24 : vector<3200x64xi32> -> vector<3200x64xf32>
    %and3A_26 = arith.constant -65536 : i32
    %and3A_27 = vector.broadcast %and3A_26 : i32 to vector<3200x64xi32>
    %and3A_28 = arith.andi %slice3A_21, %and3A_27 : vector<3200x64xi32>
    %bitcast_convert_type3A_29 = tpu.bitcast %and3A_28 : vector<3200x64xi32> -> vector<3200x64xf32>
    %get3A_30 = arith.constant 0 : index
    %get3A_31 = arith.constant 0 : index
    %get3A_32 = vector.load %arg2[%get3A_30, %get3A_31] : memref<64x128xf32, #tpu.memory_space<vmem>>, vector<64x128xf32>
    %dot_general3A_33 = arith.constant dense<0.000000e+00> : vector<3200x128xf32>
    %dot_general3A_34 = tpu.matmul %bitcast_convert_type3A_25, %get3A_32, %dot_general3A_33 {dimension_numbers = #tpu.dot_dimension_numbers<[1], [0], [0], [1], [0, 0, 1, 1], [], []>, transpose_lhs_hint = false} : vector<3200x64xf32>, vector<64x128xf32>, vector<3200x128xf32> -> vector<3200x128xf32>
    %get3A_35 = arith.constant 0 : index
    %get3A_36 = arith.constant 0 : index
    %get3A_37 = vector.load %arg3[%get3A_35, %get3A_36] : memref<64x128xf32, #tpu.memory_space<vmem>>, vector<64x128xf32>
    %dot_general3A_38 = arith.constant dense<0.000000e+00> : vector<3200x128xf32>
    %dot_general3A_39 = tpu.matmul %bitcast_convert_type3A_29, %get3A_37, %dot_general3A_38 {dimension_numbers = #tpu.dot_dimension_numbers<[1], [0], [0], [1], [0, 0, 1, 1], [], []>, transpose_lhs_hint = false} : vector<3200x64xf32>, vector<64x128xf32>, vector<3200x128xf32> -> vector<3200x128xf32>
    %add3A_40 = arith.addf %dot_general3A_34, %dot_general3A_39 : vector<3200x128xf32>
    %get3A_41 = arith.constant 0 : index
    %get3A_42 = arith.constant 0 : index
    %get3A_43 = vector.load %arg4[%get3A_41, %get3A_42] : memref<1x128xf32, #tpu.memory_space<vmem>>, vector<1x128xf32>
    %add3A_44 = vector.broadcast %get3A_43 : vector<1x128xf32> to vector<3200x128xf32>
    %add3A_45 = arith.addf %add3A_40, %add3A_44 : vector<3200x128xf32>
    %get3A_46 = arith.constant 0 : index
    %get3A_47 = arith.constant 0 : index
    %get3A_48 = vector.load %arg5[%get3A_46, %get3A_47] : memref<3200x128xf32, #tpu.memory_space<vmem>>, vector<3200x128xf32>
    %swap3A = arith.constant 0 : index
    %swap3A_49 = arith.constant 0 : index
    %swap3A_50 = vector.load %arg6[%swap3A, %swap3A_49] : memref<6400x128xf32, #tpu.memory_space<vmem>>, vector<3200x128xf32>
    tpu.vector_store %arg6[%swap3A, %swap3A_49], %add3A_20 {strides = array<i32>} : memref<6400x128xf32, #tpu.memory_space<vmem>>, vector<3200x128xf32>,
    %swap3A_51 = arith.constant 3200 : index
    %swap3A_52 = arith.constant 0 : index
    %swap3A_53 = vector.load %arg6[%swap3A_51, %swap3A_52] : memref<6400x128xf32, #tpu.memory_space<vmem>>, vector<3200x128xf32>
    tpu.vector_store %arg6[%swap3A_51, %swap3A_52], %add3A_45 {strides = array<i32>} : memref<6400x128xf32, #tpu.memory_space<vmem>>, vector<3200x128xf32>,
    %add3A_54 = arith.addf %add3A_20, %get3A_48 : vector<3200x128xf32>
    %swap3A_55 = arith.constant 0 : index
    %swap3A_56 = arith.constant 0 : index
    %swap3A_57 = vector.load %arg7[%swap3A_55, %swap3A_56] : memref<6400x128xf32, #tpu.memory_space<vmem>>, vector<3200x128xf32>
    tpu.vector_store %arg7[%swap3A_55, %swap3A_56], %add3A_54 {strides = array<i32>} : memref<6400x128xf32, #tpu.memory_space<vmem>>, vector<3200x128xf32>,
    %add3A_58 = arith.addf %add3A_45, %get3A_48 : vector<3200x128xf32>
    %swap3A_59 = arith.constant 3200 : index
    %swap3A_60 = arith.constant 0 : index
    %swap3A_61 = vector.load %arg7[%swap3A_59, %swap3A_60] : memref<6400x128xf32, #tpu.memory_space<vmem>>, vector<3200x128xf32>
    tpu.vector_store %arg7[%swap3A_59, %swap3A_60], %add3A_58 {strides = array<i32>} : memref<6400x128xf32, #tpu.memory_space<vmem>>, vector<3200x128xf32>,
    return
  }
  func.func @transform_0(%arg0: i32) -> (i32, i32) {
    %c0_i32 = arith.constant 0 : i32
    %c0_i32_0 = arith.constant 0 : i32
    return %arg0, %c0_i32 : i32, i32
  }
  func.func @transform_1(%arg0: i32) -> (i32, i32) {
    %c0_i32 = arith.constant 0 : i32
    %c0_i32_0 = arith.constant 0 : i32
    %c0_i32_1 = arith.constant 0 : i32
    return %c0_i32, %c0_i32_0 : i32, i32
  }
  func.func @transform_2(%arg0: i32) -> (i32, i32) {
    %c0_i32 = arith.constant 0 : i32
    %c0_i32_0 = arith.constant 0 : i32
    %c0_i32_1 = arith.constant 0 : i32
    return %c0_i32, %c0_i32_0 : i32, i32
  }
  func.func @transform_3(%arg0: i32) -> (i32, i32) {
    %c0_i32 = arith.constant 0 : i32
    %c0_i32_0 = arith.constant 0 : i32
    %c0_i32_1 = arith.constant 0 : i32
    return %c0_i32, %c0_i32_0 : i32, i32
  }
  func.func @transform_4(%arg0: i32) -> (i32, i32) {
    %c0_i32 = arith.constant 0 : i32
    %c0_i32_0 = arith.constant 0 : i32
    %c0_i32_1 = arith.constant 0 : i32
    return %c0_i32, %c0_i32_0 : i32, i32
  }
  func.func @transform_5(%arg0: i32) -> (i32, i32) {
    %add3A = arith.constant 0 : i32
    %add3A_0 = arith.addi %arg0, %add3A : i32
    %c0_i32 = arith.constant 0 : i32
    %c0_i32_1 = arith.constant 0 : i32
    return %add3A_0, %c0_i32 : i32, i32
  }
  func.func @transform_6(%arg0: i32) -> (i32, i32) {
    %add3A = arith.constant 0 : i32
    %add3A_0 = arith.addi %arg0, %add3A : i32
    %c0_i32 = arith.constant 0 : i32
    %c0_i32_1 = arith.constant 0 : i32
    return %add3A_0, %c0_i32 : i32, i32
  }
}

module attributes {stable_mosaic.version = 14 : i64} {
  func.func @_tc_body_next(%arg0: i32, %arg1: memref<3200x128xi32, #tpu.memory_space<vmem>>, %arg2: memref<64x128xf32, #tpu.memory_space<vmem>>, %arg3: memref<64x128xf32, #tpu.memory_space<vmem>>, %arg4: memref<1x128xf32, #tpu.memory_space<vmem>>, %arg5: memref<3200x128xf32, #tpu.memory_space<vmem>>, %arg6: memref<819200x128xf32, #tpu.memory_space<any>>, %arg7: memref<819200x128xf32, #tpu.memory_space<any>>, %arg8: memref<6400x128xf32, #tpu.memory_space<vmem>>, %arg9: memref<6400x128xf32, #tpu.memory_space<vmem>>) attributes {dimension_semantics = [#tpu.dimension_semantics<arbitrary>], iteration_bounds = array<i64: 32>, scalar_prefetch = 0 : i64, scratch_operands = 0 : i64, tpu.core_type = #tpu.core_type<tc>, window_params = [{transform_indices = @transform_0, window_bounds = array<i64: 3200, 128>}, {pipeline_mode = #tpu.pipeline_mode<synchronous>, transform_indices = @transform_1, window_bounds = array<i64: 64, 128>}, {pipeline_mode = #tpu.pipeline_mode<synchronous>, transform_indices = @transform_2, window_bounds = array<i64: 64, 128>}, {pipeline_mode = #tpu.pipeline_mode<synchronous>, transform_indices = @transform_3, window_bounds = array<i64: 1, 128>}, {pipeline_mode = #tpu.pipeline_mode<synchronous>, transform_indices = @transform_4, window_bounds = array<i64: 3200, 128>}, {}, {}, {transform_indices = @transform_7, window_bounds = array<i64: 6400, 128>}, {transform_indices = @transform_8, window_bounds = array<i64: 6400, 128>}]} {
    %get3A = arith.constant 0 : index
    %get3A_0 = arith.constant 0 : index
    %get3A_1 = vector.load %arg1[%get3A, %get3A_0] : memref<3200x128xi32, #tpu.memory_space<vmem>>, vector<3200x128xi32>
    %slice3A = vector.extract_strided_slice %get3A_1 {offsets = [0, 0], sizes = [3200, 64], strides = [1, 1]} : vector<3200x128xi32> to vector<3200x64xi32>
    %shift_left3A = arith.constant 16 : i32
    %shift_left3A_2 = vector.broadcast %shift_left3A : i32 to vector<3200x64xi32>
    %shift_left3A_3 = arith.shli %slice3A, %shift_left3A_2 : vector<3200x64xi32>
    %bitcast_convert_type3A = tpu.bitcast %shift_left3A_3 : vector<3200x64xi32> -> vector<3200x64xf32>
    %and3A = arith.constant -65536 : i32
    %and3A_4 = vector.broadcast %and3A : i32 to vector<3200x64xi32>
    %and3A_5 = arith.andi %slice3A, %and3A_4 : vector<3200x64xi32>
    %bitcast_convert_type3A_6 = tpu.bitcast %and3A_5 : vector<3200x64xi32> -> vector<3200x64xf32>
    %get3A_7 = arith.constant 0 : index
    %get3A_8 = arith.constant 0 : index
    %get3A_9 = vector.load %arg2[%get3A_7, %get3A_8] : memref<64x128xf32, #tpu.memory_space<vmem>>, vector<64x128xf32>
    %dot_general3A = arith.constant dense<0.000000e+00> : vector<3200x128xf32>
    %dot_general3A_10 = tpu.matmul %bitcast_convert_type3A, %get3A_9, %dot_general3A {dimension_numbers = #tpu.dot_dimension_numbers<[1], [0], [0], [1], [0, 0, 1, 1], [], []>, transpose_lhs_hint = false} : vector<3200x64xf32>, vector<64x128xf32>, vector<3200x128xf32> -> vector<3200x128xf32>
    %get3A_11 = arith.constant 0 : index
    %get3A_12 = arith.constant 0 : index
    %get3A_13 = vector.load %arg3[%get3A_11, %get3A_12] : memref<64x128xf32, #tpu.memory_space<vmem>>, vector<64x128xf32>
    %dot_general3A_14 = arith.constant dense<0.000000e+00> : vector<3200x128xf32>
    %dot_general3A_15 = tpu.matmul %bitcast_convert_type3A_6, %get3A_13, %dot_general3A_14 {dimension_numbers = #tpu.dot_dimension_numbers<[1], [0], [0], [1], [0, 0, 1, 1], [], []>, transpose_lhs_hint = false} : vector<3200x64xf32>, vector<64x128xf32>, vector<3200x128xf32> -> vector<3200x128xf32>
    %add3A = arith.addf %dot_general3A_10, %dot_general3A_15 : vector<3200x128xf32>
    %get3A_16 = arith.constant 0 : index
    %get3A_17 = arith.constant 0 : index
    %get3A_18 = vector.load %arg4[%get3A_16, %get3A_17] : memref<1x128xf32, #tpu.memory_space<vmem>>, vector<1x128xf32>
    %add3A_19 = vector.broadcast %get3A_18 : vector<1x128xf32> to vector<3200x128xf32>
    %add3A_20 = arith.addf %add3A, %add3A_19 : vector<3200x128xf32>
    %slice3A_21 = vector.extract_strided_slice %get3A_1 {offsets = [0, 64], sizes = [3200, 64], strides = [1, 1]} : vector<3200x128xi32> to vector<3200x64xi32>
    %shift_left3A_22 = arith.constant 16 : i32
    %shift_left3A_23 = vector.broadcast %shift_left3A_22 : i32 to vector<3200x64xi32>
    %shift_left3A_24 = arith.shli %slice3A_21, %shift_left3A_23 : vector<3200x64xi32>
    %bitcast_convert_type3A_25 = tpu.bitcast %shift_left3A_24 : vector<3200x64xi32> -> vector<3200x64xf32>
    %and3A_26 = arith.constant -65536 : i32
    %and3A_27 = vector.broadcast %and3A_26 : i32 to vector<3200x64xi32>
    %and3A_28 = arith.andi %slice3A_21, %and3A_27 : vector<3200x64xi32>
    %bitcast_convert_type3A_29 = tpu.bitcast %and3A_28 : vector<3200x64xi32> -> vector<3200x64xf32>
    %get3A_30 = arith.constant 0 : index
    %get3A_31 = arith.constant 0 : index
    %get3A_32 = vector.load %arg2[%get3A_30, %get3A_31] : memref<64x128xf32, #tpu.memory_space<vmem>>, vector<64x128xf32>
    %dot_general3A_33 = arith.constant dense<0.000000e+00> : vector<3200x128xf32>
    %dot_general3A_34 = tpu.matmul %bitcast_convert_type3A_25, %get3A_32, %dot_general3A_33 {dimension_numbers = #tpu.dot_dimension_numbers<[1], [0], [0], [1], [0, 0, 1, 1], [], []>, transpose_lhs_hint = false} : vector<3200x64xf32>, vector<64x128xf32>, vector<3200x128xf32> -> vector<3200x128xf32>
    %get3A_35 = arith.constant 0 : index
    %get3A_36 = arith.constant 0 : index
    %get3A_37 = vector.load %arg3[%get3A_35, %get3A_36] : memref<64x128xf32, #tpu.memory_space<vmem>>, vector<64x128xf32>
    %dot_general3A_38 = arith.constant dense<0.000000e+00> : vector<3200x128xf32>
    %dot_general3A_39 = tpu.matmul %bitcast_convert_type3A_29, %get3A_37, %dot_general3A_38 {dimension_numbers = #tpu.dot_dimension_numbers<[1], [0], [0], [1], [0, 0, 1, 1], [], []>, transpose_lhs_hint = false} : vector<3200x64xf32>, vector<64x128xf32>, vector<3200x128xf32> -> vector<3200x128xf32>
    %add3A_40 = arith.addf %dot_general3A_34, %dot_general3A_39 : vector<3200x128xf32>
    %get3A_41 = arith.constant 0 : index
    %get3A_42 = arith.constant 0 : index
    %get3A_43 = vector.load %arg4[%get3A_41, %get3A_42] : memref<1x128xf32, #tpu.memory_space<vmem>>, vector<1x128xf32>
    %add3A_44 = vector.broadcast %get3A_43 : vector<1x128xf32> to vector<3200x128xf32>
    %add3A_45 = arith.addf %add3A_40, %add3A_44 : vector<3200x128xf32>
    %get3A_46 = arith.constant 0 : index
    %get3A_47 = arith.constant 0 : index
    %get3A_48 = vector.load %arg5[%get3A_46, %get3A_47] : memref<3200x128xf32, #tpu.memory_space<vmem>>, vector<3200x128xf32>
    %swap3A = arith.constant 0 : index
    %swap3A_49 = arith.constant 0 : index
    %swap3A_50 = vector.load %arg8[%swap3A, %swap3A_49] : memref<6400x128xf32, #tpu.memory_space<vmem>>, vector<3200x128xf32>
    tpu.vector_store %arg8[%swap3A, %swap3A_49], %add3A_20 {strides = array<i32>} : memref<6400x128xf32, #tpu.memory_space<vmem>>, vector<3200x128xf32>,
    %swap3A_51 = arith.constant 3200 : index
    %swap3A_52 = arith.constant 0 : index
    %swap3A_53 = vector.load %arg8[%swap3A_51, %swap3A_52] : memref<6400x128xf32, #tpu.memory_space<vmem>>, vector<3200x128xf32>
    tpu.vector_store %arg8[%swap3A_51, %swap3A_52], %add3A_45 {strides = array<i32>} : memref<6400x128xf32, #tpu.memory_space<vmem>>, vector<3200x128xf32>,
    %add3A_54 = arith.addf %add3A_20, %get3A_48 : vector<3200x128xf32>
    %swap3A_55 = arith.constant 0 : index
    %swap3A_56 = arith.constant 0 : index
    %swap3A_57 = vector.load %arg9[%swap3A_55, %swap3A_56] : memref<6400x128xf32, #tpu.memory_space<vmem>>, vector<3200x128xf32>
    tpu.vector_store %arg9[%swap3A_55, %swap3A_56], %add3A_54 {strides = array<i32>} : memref<6400x128xf32, #tpu.memory_space<vmem>>, vector<3200x128xf32>,
    %add3A_58 = arith.addf %add3A_45, %get3A_48 : vector<3200x128xf32>
    %swap3A_59 = arith.constant 3200 : index
    %swap3A_60 = arith.constant 0 : index
    %swap3A_61 = vector.load %arg9[%swap3A_59, %swap3A_60] : memref<6400x128xf32, #tpu.memory_space<vmem>>, vector<3200x128xf32>
    tpu.vector_store %arg9[%swap3A_59, %swap3A_60], %add3A_58 {strides = array<i32>} : memref<6400x128xf32, #tpu.memory_space<vmem>>, vector<3200x128xf32>,
    return
  }
  func.func @transform_0(%arg0: i32) -> (i32, i32) {
    %c0_i32 = arith.constant 0 : i32
    %c0_i32_0 = arith.constant 0 : i32
    return %arg0, %c0_i32 : i32, i32
  }
  func.func @transform_1(%arg0: i32) -> (i32, i32) {
    %c0_i32 = arith.constant 0 : i32
    %c0_i32_0 = arith.constant 0 : i32
    %c0_i32_1 = arith.constant 0 : i32
    return %c0_i32, %c0_i32_0 : i32, i32
  }
  func.func @transform_2(%arg0: i32) -> (i32, i32) {
    %c0_i32 = arith.constant 0 : i32
    %c0_i32_0 = arith.constant 0 : i32
    %c0_i32_1 = arith.constant 0 : i32
    return %c0_i32, %c0_i32_0 : i32, i32
  }
  func.func @transform_3(%arg0: i32) -> (i32, i32) {
    %c0_i32 = arith.constant 0 : i32
    %c0_i32_0 = arith.constant 0 : i32
    %c0_i32_1 = arith.constant 0 : i32
    return %c0_i32, %c0_i32_0 : i32, i32
  }
  func.func @transform_4(%arg0: i32) -> (i32, i32) {
    %c0_i32 = arith.constant 0 : i32
    %c0_i32_0 = arith.constant 0 : i32
    %c0_i32_1 = arith.constant 0 : i32
    return %c0_i32, %c0_i32_0 : i32, i32
  }
  func.func @transform_7(%arg0: i32) -> (i32, i32) {
    %add3A = arith.constant 32 : i32
    %add3A_0 = arith.addi %arg0, %add3A : i32
    %c0_i32 = arith.constant 0 : i32
    %c0_i32_1 = arith.constant 0 : i32
    return %add3A_0, %c0_i32 : i32, i32
  }
  func.func @transform_8(%arg0: i32) -> (i32, i32) {
    %add3A = arith.constant 32 : i32
    %add3A_0 = arith.addi %arg0, %add3A : i32
    %c0_i32 = arith.constant 0 : i32
    %c0_i32_1 = arith.constant 0 : i32
    return %add3A_0, %c0_i32 : i32, i32
  }
}

module attributes {stable_mosaic.version = 14 : i64} {
  func.func @_tc_body_next(%arg0: i32, %arg1: memref<3200x128xi32, #tpu.memory_space<vmem>>, %arg2: memref<64x128xf32, #tpu.memory_space<vmem>>, %arg3: memref<64x128xf32, #tpu.memory_space<vmem>>, %arg4: memref<1x128xf32, #tpu.memory_space<vmem>>, %arg5: memref<3200x128xf32, #tpu.memory_space<vmem>>, %arg6: memref<819200x128xf32, #tpu.memory_space<any>>, %arg7: memref<819200x128xf32, #tpu.memory_space<any>>, %arg8: memref<6400x128xf32, #tpu.memory_space<vmem>>, %arg9: memref<6400x128xf32, #tpu.memory_space<vmem>>) attributes {dimension_semantics = [#tpu.dimension_semantics<arbitrary>], iteration_bounds = array<i64: 32>, scalar_prefetch = 0 : i64, scratch_operands = 0 : i64, tpu.core_type = #tpu.core_type<tc>, window_params = [{transform_indices = @transform_0, window_bounds = array<i64: 3200, 128>}, {pipeline_mode = #tpu.pipeline_mode<synchronous>, transform_indices = @transform_1, window_bounds = array<i64: 64, 128>}, {pipeline_mode = #tpu.pipeline_mode<synchronous>, transform_indices = @transform_2, window_bounds = array<i64: 64, 128>}, {pipeline_mode = #tpu.pipeline_mode<synchronous>, transform_indices = @transform_3, window_bounds = array<i64: 1, 128>}, {pipeline_mode = #tpu.pipeline_mode<synchronous>, transform_indices = @transform_4, window_bounds = array<i64: 3200, 128>}, {}, {}, {transform_indices = @transform_7, window_bounds = array<i64: 6400, 128>}, {transform_indices = @transform_8, window_bounds = array<i64: 6400, 128>}]} {
    %get3A = arith.constant 0 : index
    %get3A_0 = arith.constant 0 : index
    %get3A_1 = vector.load %arg1[%get3A, %get3A_0] : memref<3200x128xi32, #tpu.memory_space<vmem>>, vector<3200x128xi32>
    %slice3A = vector.extract_strided_slice %get3A_1 {offsets = [0, 0], sizes = [3200, 64], strides = [1, 1]} : vector<3200x128xi32> to vector<3200x64xi32>
    %shift_left3A = arith.constant 16 : i32
    %shift_left3A_2 = vector.broadcast %shift_left3A : i32 to vector<3200x64xi32>
    %shift_left3A_3 = arith.shli %slice3A, %shift_left3A_2 : vector<3200x64xi32>
    %bitcast_convert_type3A = tpu.bitcast %shift_left3A_3 : vector<3200x64xi32> -> vector<3200x64xf32>
    %and3A = arith.constant -65536 : i32
    %and3A_4 = vector.broadcast %and3A : i32 to vector<3200x64xi32>
    %and3A_5 = arith.andi %slice3A, %and3A_4 : vector<3200x64xi32>
    %bitcast_convert_type3A_6 = tpu.bitcast %and3A_5 : vector<3200x64xi32> -> vector<3200x64xf32>
    %get3A_7 = arith.constant 0 : index
    %get3A_8 = arith.constant 0 : index
    %get3A_9 = vector.load %arg2[%get3A_7, %get3A_8] : memref<64x128xf32, #tpu.memory_space<vmem>>, vector<64x128xf32>
    %dot_general3A = arith.constant dense<0.000000e+00> : vector<3200x128xf32>
    %dot_general3A_10 = tpu.matmul %bitcast_convert_type3A, %get3A_9, %dot_general3A {dimension_numbers = #tpu.dot_dimension_numbers<[1], [0], [0], [1], [0, 0, 1, 1], [], []>, transpose_lhs_hint = false} : vector<3200x64xf32>, vector<64x128xf32>, vector<3200x128xf32> -> vector<3200x128xf32>
    %get3A_11 = arith.constant 0 : index
    %get3A_12 = arith.constant 0 : index
    %get3A_13 = vector.load %arg3[%get3A_11, %get3A_12] : memref<64x128xf32, #tpu.memory_space<vmem>>, vector<64x128xf32>
    %dot_general3A_14 = arith.constant dense<0.000000e+00> : vector<3200x128xf32>
    %dot_general3A_15 = tpu.matmul %bitcast_convert_type3A_6, %get3A_13, %dot_general3A_14 {dimension_numbers = #tpu.dot_dimension_numbers<[1], [0], [0], [1], [0, 0, 1, 1], [], []>, transpose_lhs_hint = false} : vector<3200x64xf32>, vector<64x128xf32>, vector<3200x128xf32> -> vector<3200x128xf32>
    %add3A = arith.addf %dot_general3A_10, %dot_general3A_15 : vector<3200x128xf32>
    %get3A_16 = arith.constant 0 : index
    %get3A_17 = arith.constant 0 : index
    %get3A_18 = vector.load %arg4[%get3A_16, %get3A_17] : memref<1x128xf32, #tpu.memory_space<vmem>>, vector<1x128xf32>
    %add3A_19 = vector.broadcast %get3A_18 : vector<1x128xf32> to vector<3200x128xf32>
    %add3A_20 = arith.addf %add3A, %add3A_19 : vector<3200x128xf32>
    %slice3A_21 = vector.extract_strided_slice %get3A_1 {offsets = [0, 64], sizes = [3200, 64], strides = [1, 1]} : vector<3200x128xi32> to vector<3200x64xi32>
    %shift_left3A_22 = arith.constant 16 : i32
    %shift_left3A_23 = vector.broadcast %shift_left3A_22 : i32 to vector<3200x64xi32>
    %shift_left3A_24 = arith.shli %slice3A_21, %shift_left3A_23 : vector<3200x64xi32>
    %bitcast_convert_type3A_25 = tpu.bitcast %shift_left3A_24 : vector<3200x64xi32> -> vector<3200x64xf32>
    %and3A_26 = arith.constant -65536 : i32
    %and3A_27 = vector.broadcast %and3A_26 : i32 to vector<3200x64xi32>
    %and3A_28 = arith.andi %slice3A_21, %and3A_27 : vector<3200x64xi32>
    %bitcast_convert_type3A_29 = tpu.bitcast %and3A_28 : vector<3200x64xi32> -> vector<3200x64xf32>
    %get3A_30 = arith.constant 0 : index
    %get3A_31 = arith.constant 0 : index
    %get3A_32 = vector.load %arg2[%get3A_30, %get3A_31] : memref<64x128xf32, #tpu.memory_space<vmem>>, vector<64x128xf32>
    %dot_general3A_33 = arith.constant dense<0.000000e+00> : vector<3200x128xf32>
    %dot_general3A_34 = tpu.matmul %bitcast_convert_type3A_25, %get3A_32, %dot_general3A_33 {dimension_numbers = #tpu.dot_dimension_numbers<[1], [0], [0], [1], [0, 0, 1, 1], [], []>, transpose_lhs_hint = false} : vector<3200x64xf32>, vector<64x128xf32>, vector<3200x128xf32> -> vector<3200x128xf32>
    %get3A_35 = arith.constant 0 : index
    %get3A_36 = arith.constant 0 : index
    %get3A_37 = vector.load %arg3[%get3A_35, %get3A_36] : memref<64x128xf32, #tpu.memory_space<vmem>>, vector<64x128xf32>
    %dot_general3A_38 = arith.constant dense<0.000000e+00> : vector<3200x128xf32>
    %dot_general3A_39 = tpu.matmul %bitcast_convert_type3A_29, %get3A_37, %dot_general3A_38 {dimension_numbers = #tpu.dot_dimension_numbers<[1], [0], [0], [1], [0, 0, 1, 1], [], []>, transpose_lhs_hint = false} : vector<3200x64xf32>, vector<64x128xf32>, vector<3200x128xf32> -> vector<3200x128xf32>
    %add3A_40 = arith.addf %dot_general3A_34, %dot_general3A_39 : vector<3200x128xf32>
    %get3A_41 = arith.constant 0 : index
    %get3A_42 = arith.constant 0 : index
    %get3A_43 = vector.load %arg4[%get3A_41, %get3A_42] : memref<1x128xf32, #tpu.memory_space<vmem>>, vector<1x128xf32>
    %add3A_44 = vector.broadcast %get3A_43 : vector<1x128xf32> to vector<3200x128xf32>
    %add3A_45 = arith.addf %add3A_40, %add3A_44 : vector<3200x128xf32>
    %get3A_46 = arith.constant 0 : index
    %get3A_47 = arith.constant 0 : index
    %get3A_48 = vector.load %arg5[%get3A_46, %get3A_47] : memref<3200x128xf32, #tpu.memory_space<vmem>>, vector<3200x128xf32>
    %swap3A = arith.constant 0 : index
    %swap3A_49 = arith.constant 0 : index
    %swap3A_50 = vector.load %arg8[%swap3A, %swap3A_49] : memref<6400x128xf32, #tpu.memory_space<vmem>>, vector<3200x128xf32>
    tpu.vector_store %arg8[%swap3A, %swap3A_49], %add3A_20 {strides = array<i32>} : memref<6400x128xf32, #tpu.memory_space<vmem>>, vector<3200x128xf32>,
    %swap3A_51 = arith.constant 3200 : index
    %swap3A_52 = arith.constant 0 : index
    %swap3A_53 = vector.load %arg8[%swap3A_51, %swap3A_52] : memref<6400x128xf32, #tpu.memory_space<vmem>>, vector<3200x128xf32>
    tpu.vector_store %arg8[%swap3A_51, %swap3A_52], %add3A_45 {strides = array<i32>} : memref<6400x128xf32, #tpu.memory_space<vmem>>, vector<3200x128xf32>,
    %add3A_54 = arith.addf %add3A_20, %get3A_48 : vector<3200x128xf32>
    %swap3A_55 = arith.constant 0 : index
    %swap3A_56 = arith.constant 0 : index
    %swap3A_57 = vector.load %arg9[%swap3A_55, %swap3A_56] : memref<6400x128xf32, #tpu.memory_space<vmem>>, vector<3200x128xf32>
    tpu.vector_store %arg9[%swap3A_55, %swap3A_56], %add3A_54 {strides = array<i32>} : memref<6400x128xf32, #tpu.memory_space<vmem>>, vector<3200x128xf32>,
    %add3A_58 = arith.addf %add3A_45, %get3A_48 : vector<3200x128xf32>
    %swap3A_59 = arith.constant 3200 : index
    %swap3A_60 = arith.constant 0 : index
    %swap3A_61 = vector.load %arg9[%swap3A_59, %swap3A_60] : memref<6400x128xf32, #tpu.memory_space<vmem>>, vector<3200x128xf32>
    tpu.vector_store %arg9[%swap3A_59, %swap3A_60], %add3A_58 {strides = array<i32>} : memref<6400x128xf32, #tpu.memory_space<vmem>>, vector<3200x128xf32>,
    return
  }
  func.func @transform_0(%arg0: i32) -> (i32, i32) {
    %c0_i32 = arith.constant 0 : i32
    %c0_i32_0 = arith.constant 0 : i32
    return %arg0, %c0_i32 : i32, i32
  }
  func.func @transform_1(%arg0: i32) -> (i32, i32) {
    %c0_i32 = arith.constant 0 : i32
    %c0_i32_0 = arith.constant 0 : i32
    %c0_i32_1 = arith.constant 0 : i32
    return %c0_i32, %c0_i32_0 : i32, i32
  }
  func.func @transform_2(%arg0: i32) -> (i32, i32) {
    %c0_i32 = arith.constant 0 : i32
    %c0_i32_0 = arith.constant 0 : i32
    %c0_i32_1 = arith.constant 0 : i32
    return %c0_i32, %c0_i32_0 : i32, i32
  }
  func.func @transform_3(%arg0: i32) -> (i32, i32) {
    %c0_i32 = arith.constant 0 : i32
    %c0_i32_0 = arith.constant 0 : i32
    %c0_i32_1 = arith.constant 0 : i32
    return %c0_i32, %c0_i32_0 : i32, i32
  }
  func.func @transform_4(%arg0: i32) -> (i32, i32) {
    %c0_i32 = arith.constant 0 : i32
    %c0_i32_0 = arith.constant 0 : i32
    %c0_i32_1 = arith.constant 0 : i32
    return %c0_i32, %c0_i32_0 : i32, i32
  }
  func.func @transform_7(%arg0: i32) -> (i32, i32) {
    %add3A = arith.constant 64 : i32
    %add3A_0 = arith.addi %arg0, %add3A : i32
    %c0_i32 = arith.constant 0 : i32
    %c0_i32_1 = arith.constant 0 : i32
    return %add3A_0, %c0_i32 : i32, i32
  }
  func.func @transform_8(%arg0: i32) -> (i32, i32) {
    %add3A = arith.constant 64 : i32
    %add3A_0 = arith.addi %arg0, %add3A : i32
    %c0_i32 = arith.constant 0 : i32
    %c0_i32_1 = arith.constant 0 : i32
    return %add3A_0, %c0_i32 : i32, i32
  }
}

module attributes {stable_mosaic.version = 14 : i64} {
  func.func @_tc_body_next(%arg0: i32, %arg1: memref<3200x128xi32, #tpu.memory_space<vmem>>, %arg2: memref<64x128xf32, #tpu.memory_space<vmem>>, %arg3: memref<64x128xf32, #tpu.memory_space<vmem>>, %arg4: memref<1x128xf32, #tpu.memory_space<vmem>>, %arg5: memref<3200x128xf32, #tpu.memory_space<vmem>>, %arg6: memref<819200x128xf32, #tpu.memory_space<any>>, %arg7: memref<819200x128xf32, #tpu.memory_space<any>>, %arg8: memref<6400x128xf32, #tpu.memory_space<vmem>>, %arg9: memref<6400x128xf32, #tpu.memory_space<vmem>>) attributes {dimension_semantics = [#tpu.dimension_semantics<arbitrary>], iteration_bounds = array<i64: 32>, scalar_prefetch = 0 : i64, scratch_operands = 0 : i64, tpu.core_type = #tpu.core_type<tc>, window_params = [{transform_indices = @transform_0, window_bounds = array<i64: 3200, 128>}, {pipeline_mode = #tpu.pipeline_mode<synchronous>, transform_indices = @transform_1, window_bounds = array<i64: 64, 128>}, {pipeline_mode = #tpu.pipeline_mode<synchronous>, transform_indices = @transform_2, window_bounds = array<i64: 64, 128>}, {pipeline_mode = #tpu.pipeline_mode<synchronous>, transform_indices = @transform_3, window_bounds = array<i64: 1, 128>}, {pipeline_mode = #tpu.pipeline_mode<synchronous>, transform_indices = @transform_4, window_bounds = array<i64: 3200, 128>}, {}, {}, {transform_indices = @transform_7, window_bounds = array<i64: 6400, 128>}, {transform_indices = @transform_8, window_bounds = array<i64: 6400, 128>}]} {
    %get3A = arith.constant 0 : index
    %get3A_0 = arith.constant 0 : index
    %get3A_1 = vector.load %arg1[%get3A, %get3A_0] : memref<3200x128xi32, #tpu.memory_space<vmem>>, vector<3200x128xi32>
    %slice3A = vector.extract_strided_slice %get3A_1 {offsets = [0, 0], sizes = [3200, 64], strides = [1, 1]} : vector<3200x128xi32> to vector<3200x64xi32>
    %shift_left3A = arith.constant 16 : i32
    %shift_left3A_2 = vector.broadcast %shift_left3A : i32 to vector<3200x64xi32>
    %shift_left3A_3 = arith.shli %slice3A, %shift_left3A_2 : vector<3200x64xi32>
    %bitcast_convert_type3A = tpu.bitcast %shift_left3A_3 : vector<3200x64xi32> -> vector<3200x64xf32>
    %and3A = arith.constant -65536 : i32
    %and3A_4 = vector.broadcast %and3A : i32 to vector<3200x64xi32>
    %and3A_5 = arith.andi %slice3A, %and3A_4 : vector<3200x64xi32>
    %bitcast_convert_type3A_6 = tpu.bitcast %and3A_5 : vector<3200x64xi32> -> vector<3200x64xf32>
    %get3A_7 = arith.constant 0 : index
    %get3A_8 = arith.constant 0 : index
    %get3A_9 = vector.load %arg2[%get3A_7, %get3A_8] : memref<64x128xf32, #tpu.memory_space<vmem>>, vector<64x128xf32>
    %dot_general3A = arith.constant dense<0.000000e+00> : vector<3200x128xf32>
    %dot_general3A_10 = tpu.matmul %bitcast_convert_type3A, %get3A_9, %dot_general3A {dimension_numbers = #tpu.dot_dimension_numbers<[1], [0], [0], [1], [0, 0, 1, 1], [], []>, transpose_lhs_hint = false} : vector<3200x64xf32>, vector<64x128xf32>, vector<3200x128xf32> -> vector<3200x128xf32>
    %get3A_11 = arith.constant 0 : index
    %get3A_12 = arith.constant 0 : index
    %get3A_13 = vector.load %arg3[%get3A_11, %get3A_12] : memref<64x128xf32, #tpu.memory_space<vmem>>, vector<64x128xf32>
    %dot_general3A_14 = arith.constant dense<0.000000e+00> : vector<3200x128xf32>
    %dot_general3A_15 = tpu.matmul %bitcast_convert_type3A_6, %get3A_13, %dot_general3A_14 {dimension_numbers = #tpu.dot_dimension_numbers<[1], [0], [0], [1], [0, 0, 1, 1], [], []>, transpose_lhs_hint = false} : vector<3200x64xf32>, vector<64x128xf32>, vector<3200x128xf32> -> vector<3200x128xf32>
    %add3A = arith.addf %dot_general3A_10, %dot_general3A_15 : vector<3200x128xf32>
    %get3A_16 = arith.constant 0 : index
    %get3A_17 = arith.constant 0 : index
    %get3A_18 = vector.load %arg4[%get3A_16, %get3A_17] : memref<1x128xf32, #tpu.memory_space<vmem>>, vector<1x128xf32>
    %add3A_19 = vector.broadcast %get3A_18 : vector<1x128xf32> to vector<3200x128xf32>
    %add3A_20 = arith.addf %add3A, %add3A_19 : vector<3200x128xf32>
    %slice3A_21 = vector.extract_strided_slice %get3A_1 {offsets = [0, 64], sizes = [3200, 64], strides = [1, 1]} : vector<3200x128xi32> to vector<3200x64xi32>
    %shift_left3A_22 = arith.constant 16 : i32
    %shift_left3A_23 = vector.broadcast %shift_left3A_22 : i32 to vector<3200x64xi32>
    %shift_left3A_24 = arith.shli %slice3A_21, %shift_left3A_23 : vector<3200x64xi32>
    %bitcast_convert_type3A_25 = tpu.bitcast %shift_left3A_24 : vector<3200x64xi32> -> vector<3200x64xf32>
    %and3A_26 = arith.constant -65536 : i32
    %and3A_27 = vector.broadcast %and3A_26 : i32 to vector<3200x64xi32>
    %and3A_28 = arith.andi %slice3A_21, %and3A_27 : vector<3200x64xi32>
    %bitcast_convert_type3A_29 = tpu.bitcast %and3A_28 : vector<3200x64xi32> -> vector<3200x64xf32>
    %get3A_30 = arith.constant 0 : index
    %get3A_31 = arith.constant 0 : index
    %get3A_32 = vector.load %arg2[%get3A_30, %get3A_31] : memref<64x128xf32, #tpu.memory_space<vmem>>, vector<64x128xf32>
    %dot_general3A_33 = arith.constant dense<0.000000e+00> : vector<3200x128xf32>
    %dot_general3A_34 = tpu.matmul %bitcast_convert_type3A_25, %get3A_32, %dot_general3A_33 {dimension_numbers = #tpu.dot_dimension_numbers<[1], [0], [0], [1], [0, 0, 1, 1], [], []>, transpose_lhs_hint = false} : vector<3200x64xf32>, vector<64x128xf32>, vector<3200x128xf32> -> vector<3200x128xf32>
    %get3A_35 = arith.constant 0 : index
    %get3A_36 = arith.constant 0 : index
    %get3A_37 = vector.load %arg3[%get3A_35, %get3A_36] : memref<64x128xf32, #tpu.memory_space<vmem>>, vector<64x128xf32>
    %dot_general3A_38 = arith.constant dense<0.000000e+00> : vector<3200x128xf32>
    %dot_general3A_39 = tpu.matmul %bitcast_convert_type3A_29, %get3A_37, %dot_general3A_38 {dimension_numbers = #tpu.dot_dimension_numbers<[1], [0], [0], [1], [0, 0, 1, 1], [], []>, transpose_lhs_hint = false} : vector<3200x64xf32>, vector<64x128xf32>, vector<3200x128xf32> -> vector<3200x128xf32>
    %add3A_40 = arith.addf %dot_general3A_34, %dot_general3A_39 : vector<3200x128xf32>
    %get3A_41 = arith.constant 0 : index
    %get3A_42 = arith.constant 0 : index
    %get3A_43 = vector.load %arg4[%get3A_41, %get3A_42] : memref<1x128xf32, #tpu.memory_space<vmem>>, vector<1x128xf32>
    %add3A_44 = vector.broadcast %get3A_43 : vector<1x128xf32> to vector<3200x128xf32>
    %add3A_45 = arith.addf %add3A_40, %add3A_44 : vector<3200x128xf32>
    %get3A_46 = arith.constant 0 : index
    %get3A_47 = arith.constant 0 : index
    %get3A_48 = vector.load %arg5[%get3A_46, %get3A_47] : memref<3200x128xf32, #tpu.memory_space<vmem>>, vector<3200x128xf32>
    %swap3A = arith.constant 0 : index
    %swap3A_49 = arith.constant 0 : index
    %swap3A_50 = vector.load %arg8[%swap3A, %swap3A_49] : memref<6400x128xf32, #tpu.memory_space<vmem>>, vector<3200x128xf32>
    tpu.vector_store %arg8[%swap3A, %swap3A_49], %add3A_20 {strides = array<i32>} : memref<6400x128xf32, #tpu.memory_space<vmem>>, vector<3200x128xf32>,
    %swap3A_51 = arith.constant 3200 : index
    %swap3A_52 = arith.constant 0 : index
    %swap3A_53 = vector.load %arg8[%swap3A_51, %swap3A_52] : memref<6400x128xf32, #tpu.memory_space<vmem>>, vector<3200x128xf32>
    tpu.vector_store %arg8[%swap3A_51, %swap3A_52], %add3A_45 {strides = array<i32>} : memref<6400x128xf32, #tpu.memory_space<vmem>>, vector<3200x128xf32>,
    %add3A_54 = arith.addf %add3A_20, %get3A_48 : vector<3200x128xf32>
    %swap3A_55 = arith.constant 0 : index
    %swap3A_56 = arith.constant 0 : index
    %swap3A_57 = vector.load %arg9[%swap3A_55, %swap3A_56] : memref<6400x128xf32, #tpu.memory_space<vmem>>, vector<3200x128xf32>
    tpu.vector_store %arg9[%swap3A_55, %swap3A_56], %add3A_54 {strides = array<i32>} : memref<6400x128xf32, #tpu.memory_space<vmem>>, vector<3200x128xf32>,
    %add3A_58 = arith.addf %add3A_45, %get3A_48 : vector<3200x128xf32>
    %swap3A_59 = arith.constant 3200 : index
    %swap3A_60 = arith.constant 0 : index
    %swap3A_61 = vector.load %arg9[%swap3A_59, %swap3A_60] : memref<6400x128xf32, #tpu.memory_space<vmem>>, vector<3200x128xf32>
    tpu.vector_store %arg9[%swap3A_59, %swap3A_60], %add3A_58 {strides = array<i32>} : memref<6400x128xf32, #tpu.memory_space<vmem>>, vector<3200x128xf32>,
    return
  }
  func.func @transform_0(%arg0: i32) -> (i32, i32) {
    %c0_i32 = arith.constant 0 : i32
    %c0_i32_0 = arith.constant 0 : i32
    return %arg0, %c0_i32 : i32, i32
  }
  func.func @transform_1(%arg0: i32) -> (i32, i32) {
    %c0_i32 = arith.constant 0 : i32
    %c0_i32_0 = arith.constant 0 : i32
    %c0_i32_1 = arith.constant 0 : i32
    return %c0_i32, %c0_i32_0 : i32, i32
  }
  func.func @transform_2(%arg0: i32) -> (i32, i32) {
    %c0_i32 = arith.constant 0 : i32
    %c0_i32_0 = arith.constant 0 : i32
    %c0_i32_1 = arith.constant 0 : i32
    return %c0_i32, %c0_i32_0 : i32, i32
  }
  func.func @transform_3(%arg0: i32) -> (i32, i32) {
    %c0_i32 = arith.constant 0 : i32
    %c0_i32_0 = arith.constant 0 : i32
    %c0_i32_1 = arith.constant 0 : i32
    return %c0_i32, %c0_i32_0 : i32, i32
  }
  func.func @transform_4(%arg0: i32) -> (i32, i32) {
    %c0_i32 = arith.constant 0 : i32
    %c0_i32_0 = arith.constant 0 : i32
    %c0_i32_1 = arith.constant 0 : i32
    return %c0_i32, %c0_i32_0 : i32, i32
  }
  func.func @transform_7(%arg0: i32) -> (i32, i32) {
    %add3A = arith.constant 96 : i32
    %add3A_0 = arith.addi %arg0, %add3A : i32
    %c0_i32 = arith.constant 0 : i32
    %c0_i32_1 = arith.constant 0 : i32
    return %add3A_0, %c0_i32 : i32, i32
  }
  func.func @transform_8(%arg0: i32) -> (i32, i32) {
    %add3A = arith.constant 96 : i32
    %add3A_0 = arith.addi %arg0, %add3A : i32
    %c0_i32 = arith.constant 0 : i32
    %c0_i32_1 = arith.constant 0 : i32
    return %add3A_0, %c0_i32 : i32, i32
  }
}

</mosaic_0001>

<sc_bundles>
// kernel: kernel.12.cloned.1.call-start
scs
__scs_entry_jumppad:
0x0: {  	(pc) =	sbr.rel $0x88, $3  }
0x1: {  	(tag) =	ssettag $0x0;
	lr =	simm.s32 $0x1  }
0x2: {  	[smem:$0x3F9B] =	sst lr;
	_ =	strace $0xD0000000  }
0x3: {  	_ = 	snop  }
0x4: {  	_ = 	snop  }
0x5: {  	_ = 	snop  }
0x6: {  	_ = 	snop  }
0x7: {  	_ = 	snop  }
__scs_overlays_trampoline_lowered:
0x8: {  	[smem:$0x3FAA] =	sst s0  }
0x9: {  	[smem:$0x3FAB] =	sst s1  }
0xa: {  	[smem:$0x3FAC] =	sst s2  }
0xb: {  	[smem:$0x3FAD] =	sst s3  }
0xc: {  	[smem:$0x3FAE] =	sst s4  }
0xd: {  	[smem:$0x3FAF] =	sst s5  }
0xe: {  	[smem:$0x3FB0] =	sst s6  }
0xf: {  	[smem:$0x3FB1] =	sst s7  }
0x10: {  	[smem:$0x3FB2] =	sst s8  }
0x11: {  	[smem:$0x3FB3] =	sst s9;
	s0 =	simm.s32 @!p0 $0x0  }
0x12: {  	s1 =	sld [smem:$0x3F99];
	s0 =	simm.s32 @p0 $0x1  }
0x13: {  	[smem:$0x3FB4] =	sst s0;
	s0 =	simm.s32 @!p1 $0x0  }
0x14: {  	s2 =	sld [smem:$0x3F98];
	s0 =	simm.s32 @p1 $0x1  }
0x15: {  	[smem:$0x3FB5] =	sst s0;
	s0 =	simm.s32 @!p2 $0x0  }
0x16: {  	s3 =	sld [smem:$0x3FDB];
	s0 =	simm.s32 @p2 $0x1  }
0x17: {  	s4 =	simm.s32 $0x1BF5;
	[smem:$0x3FB7] =	sst s0  }
0x18: {  	s0 =	sld [smem:$0x3F9A];
	_ =	swait.ge [sflag:s4], $0x0  }
0x19: {  	s7 =	sld [smem:$0x3F9B]  }
0x1a: {  	s8 =	sadd.s32 $0xFFFFE003, lr  }
0x1b: {  	s9 =	sadd.s32 $0xFFFFFEF7, lr;
	s5 =	simm.s32 $0xFFFFFFFF;
	p2 =	slt.u32 s8, $0xFFFFF086  }
0x1c: {  	p1 =	slt.u32 s9, $0xF7A;
	s5 =	simm.s32 @!p2 $0x0  }
0x1d: {  	s5 =	simm.s32 @p1 $0x1;
	p0 =	seq.s32 s7, s2  }
0x1e: {  	s7 =	smul.u32 @!p0 $0xF7A, s2;
	p2 =	seq.s32 @!p0 s5, $0x0  }
0x1f: {  	s9 =	smul.u32 $0xF7A, s1;
	s8 =	simm.s32 @!p0 $0x1BF5;
	p2 =	por !p2, p0  }
0x20: {  	[sflag:s8] =	ssyncset.s32 @!p0 $0xFFFFF086;
	s6 =	sadd.s32 @!p0 s3, s7;
	s7 =	simm.s32 @!p0 $0x108  }
0x21: {  	s3 =	sadd.s32 s3, s9;
	s6 =	sadd.s32 @!p0 $0x88, s6;
	s7 =	simm.s32 @p2 $0x1082  }
0x22: {  	[simem:s7], [sflag:s8] =	dma.local @!p0 [hbm:s6], $0xF7A  }
0x23: {  	s9 =	sor.u32 $0xD0000000, s2;
	s6 =	simm.s32 $0x108;
	_ =	swait.ge @!p0 [sflag:s8], $0x0  }
0x24: {  	s3 =	sadd.s32 $0x88, s3;
	s6 =	simm.s32 @!p1 $0x1082;
	[sflag:s4] =	ssyncset.s32 $0xFFFFF086  }
0x25: {  	[simem:s6], [sflag:s4] =	dma.local [hbm:s3], $0xF7A  }
0x26: {  	[smem:$0x3F9B] =	sst s1;
	(tag) =	ssettag s2;
	_ =	strace s9  }
0x27: {  	s1 =	sld [smem:$0x3FAB]  }
0x28: {  	s2 =	sld [smem:$0x3FAC]  }
0x29: {  	s4 =	sld [smem:$0x3FAE]  }
0x2a: {  	p0 =	seq.s32 s5, $0x0;
	s5 =	sld [smem:$0x3FAF]  }
0x2b: {  	s6 =	sld [smem:$0x3FB0]  }
0x2c: {  	s7 =	sld [smem:$0x3FB1]  }
0x2d: {  	s3 =	simm.s32 $0x108;
	s8 =	sld [smem:$0x3FB2]  }
0x2e: {  	s3 =	simm.s32 @!p0 $0x1082;
	s9 =	sld [smem:$0x3FB3]  }
0x2f: {  	lr =	sadd.s32 s0, s3;
	s0 =	sld [smem:$0x3FAA]  }
0x30: {  	s3 =	sld [smem:$0x3FAD]  }
0x31: {  	[smem:$0x3FB6] =	sst s10  }
0x32: {  	s10 =	sld [smem:$0x3FB4];
	_ =	sdelay $0x3  }
0x33: {  	p0 =	seq.s32 s10, $0x1;
	s10 =	sld [smem:$0x3FB6];
	_ =	sdelay $0x3  }
0x34: {  	[smem:$0x3FB6] =	sst s10  }
0x35: {  	s10 =	sld [smem:$0x3FB5];
	_ =	sdelay $0x3  }
0x36: {  	p1 =	seq.s32 s10, $0x1;
	s10 =	sld [smem:$0x3FB6];
	_ =	sdelay $0x3  }
0x37: {  	[smem:$0x3FB6] =	sst s10  }
0x38: {  	s10 =	sld [smem:$0x3FB7]  }
0x39: {  	_ = 	snop;
	(pc) =	sbr.ind lr, $3  }
0x3a: {  	_ = 	snop  }
0x3b: {  	_ = 	snop  }
0x3c: {  	p2 =	seq.s32 s10, $0x1;
	s10 =	sld [smem:$0x3FB6]  }
0x3d: {  	_ =	shalt  }
0x3e: {  	_ =	shalt  }
0x3f: {  	_ =	shalt  }
0x40: {  	_ =	shalt  }
0x41: {  	_ =	shalt  }
0x42: {  	_ =	shalt  }
0x43: {  	_ =	shalt  }
0x44: {  	_ =	shalt  }
0x45: {  	_ =	shalt  }
0x46: {  	_ =	shalt  }
0x47: {  	_ =	shalt  }
0x48: {  	_ =	shalt  }
0x49: {  	_ =	shalt  }
0x4a: {  	_ =	shalt  }
0x4b: {  	_ =	shalt  }
0x4c: {  	_ =	shalt  }
0x4d: {  	_ =	shalt  }
0x4e: {  	_ =	shalt  }
0x4f: {  	_ =	shalt  }
0x50: {  	_ =	shalt  }
0x51: {  	_ =	shalt  }
0x52: {  	_ =	shalt  }
0x53: {  	_ =	shalt  }
0x54: {  	_ =	shalt  }
0x55: {  	_ =	shalt  }
0x56: {  	_ =	shalt  }
0x57: {  	_ =	shalt  }
0x58: {  	_ =	shalt  }
0x59: {  	_ =	shalt  }
0x5a: {  	_ =	shalt  }
0x5b: {  	_ =	shalt  }
0x5c: {  	_ =	shalt  }
0x5d: {  	_ =	shalt  }
0x5e: {  	_ =	shalt  }
0x5f: {  	_ =	shalt  }
0x60: {  	_ =	shalt  }
0x61: {  	_ =	shalt  }
0x62: {  	_ =	shalt  }
0x63: {  	_ =	shalt  }
0x64: {  	_ =	shalt  }
0x65: {  	_ =	shalt  }
0x66: {  	_ =	shalt  }
0x67: {  	_ =	shalt  }
0x68: {  	_ =	shalt  }
0x69: {  	_ =	shalt  }
0x6a: {  	_ =	shalt  }
0x6b: {  	_ =	shalt  }
0x6c: {  	_ =	shalt  }
0x6d: {  	_ =	shalt  }
0x6e: {  	_ =	shalt  }
0x6f: {  	_ =	shalt  }
0x70: {  	_ =	shalt  }
0x71: {  	_ =	shalt  }
0x72: {  	_ =	shalt  }
0x73: {  	_ =	shalt  }
0x74: {  	_ =	shalt  }
0x75: {  	_ =	shalt  }
0x76: {  	_ =	shalt  }
0x77: {  	_ =	shalt  }
0x78: {  	_ =	shalt  }
0x79: {  	_ =	shalt  }
0x7a: {  	_ =	shalt  }
0x7b: {  	_ =	shalt  }
0x7c: {  	_ =	shalt  }
0x7d: {  	_ =	shalt  }
0x7e: {  	_ =	shalt  }
0x7f: {  	_ =	shalt  }
0x80: {  	_ =	shalt  }
0x81: {  	_ =	shalt  }
0x82: {  	_ =	shalt  }
0x83: {  	_ =	shalt  }
0x84: {  	_ =	shalt  }
0x85: {  	_ =	shalt  }
0x86: {  	_ =	shalt  }
0x87: {  	_ =	shalt  }
.Lfunc_end0:
.L_simem_size_0:
called_computation_lowered:
.L_overlay_start_0:
0x88: {  	s2 =	sld [smem:$0x3FD9]  }
0x89: {  	s3 =	sld [smem:$0x3FFE];
	_ =	sdelay $0x1  }
0x8a: {  	s1 =	srdreg.scid  }
0x8b: {  	s0 =	sand.u32 $0x1, s1  }
0x8c: {  	s14 =	sshll.u32 s0, $0xA;
	s2 =	sadd.s32 s3, s2  }
0x8d: {  	s2 =	sadd.s32 s2, s14  }
0x8e: {  	[smem:$0x3FC2] =	sst s2  }
0x8f: {  	_ = 	snop  }
0x90: {  	s2 =	sld [smem:$0x3FD0];
	_ =	sdelay $0x2  }
0x91: {  	s15 =	simm.s32 $0xD;
	s4 =	simm.s32 $0x10  }
0x92: {  	[smem:s4], [sflag:s15] =	dma.local [hbm:s2], $0x1  }
0x93: {  	_ =	swait.eq [sflag:s15], $0x1  }
0x94: {  	[sflag:s15] =	ssyncset.done $0x0  }
0x95: {  	s16 =	sld [smem:$0x10];
	[sflag:s15] =	ssyncadd.s32 $0xFFFFFFFF  }
0x96: {  	s17 =	sld [smem:$0x11];
	(tm) =	ssettm $0x1  }
0x97: {  	s18 =	sld [smem:$0x3FFB];
	_ =	sdelay $0x3  }
0x98: {  	_ =	strace s18  }
0x99: {  	s4 =	sld [smem:$0x3FFC];
	_ =	sdelay $0x3  }
0x9a: {  	_ =	strace s4  }
0x9b: {  	s4 =	sld [smem:$0x3FFD];
	_ =	sdelay $0x3  }
0x9c: {  	_ =	strace s4  }
0x9d: {  	_ =	strace $0x8FFFFFFF  }
0x9e: {  	s19 =	sld [smem:$0x3FDB];
	_ =	sdelay $0x1  }
0x9f: {  	s5 =	simm.s32 $_scs_section_size  }
0xa0: {  	s6 =	simm.s32 $_size__tile_overlayer_lowered;
	s7 =	simm.s32 $_tile_overlayer_lowered  }
0xa1: {  	s22 =	simm.s32 $0x1BFF;
	s21 =	sshll.u32 s7, $0x1;
	s4 =	sadd.s32 s5, s19  }
0xa2: {  	s8 =	simm.s32 $0x0;
	s20 =	sshll.u32 s6, $0x1;
	s6 =	sadd.s32 s21, s4  }
0xa3: {  	[timem:s8], [sflag:s22] =	dma.local [hbm:s6], s20  }
0xa4: {  	_ =	swait.ge [sflag:s22], s20  }
0xa5: {  	s5 =	ssub.s32 $0x0, s20;
	[sflag:s22] =	ssyncset.done $0x0  }
0xa6: {  	[sflag:s22] =	ssyncadd.s32 s5;
	_ =	sdelay $0x1  }
0xa7: {  	s23 =	simm.s32 $0x1B8B  }
0xa8: {  	_ =	swait.ge [sflag:s23], $0x1  }
0xa9: {  	[sflag:s23] =	ssyncset.done $0x0  }
0xaa: {  	s25 =	simm.s32 $0x1B8E;
	s24 =	sld [smem:$0x3FFE];
	[sflag:s23] =	ssyncadd.s32 $0xFFFFFFFF  }
0xab: {  	s26 =	simm.s32 $execute0_lowered;
	[smem:$0x3FD2] =	sst s25  }
0xac: {  	s6 =	sshll.u32 s26, $0x1;
	_ =	strace $0x80000046;
	[dreg:$0x1] =	wrdreg $0xFFFFFFFF  }
0xad: {  	s28 =	simm.s32 $_size_execute0_lowered;
	s4 =	sadd.s32 s4, s6;
	[dreg:$0x0] =	wrdreg $0x0  }
0xae: {  	s6 =	sshll.u32 s28, $0x1;
	[dreg:$0x2] =	wrdreg s4  }
0xaf: {  	[dreg:$0x3] =	wrdreg s6  }
0xb0: {  	[dreg:$0x4] =	wrdreg $0xC0  }
0xb1: {  	_ =	task [dreg:s8], $0x5FFFF  }
0xb2: {  	[dreg:$0x1] =	wrdreg $0xFFFFFFFF  }
0xb3: {  	[dreg:$0x0] =	wrdreg $0x60  }
0xb4: {  	[dreg:$0x2] =	wrdreg s17  }
0xb5: {  	[dreg:$0x3] =	wrdreg s16  }
0xb6: {  	[dreg:$0x4] =	wrdreg s24  }
0xb7: {  	[dreg:$0x5] =	wrdreg $0x9  }
0xb8: {  	_ =	task.clear_ibuf [dreg:s8], $0x6FFFF;
	_ =	strace $0x90000046  }
0xb9: {  	s29 =	simm.s32 $0x9;
	_ =	strace $0x80000048  }
0xba: {  	_ =	swait.ge [sflag:s29], $0x1  }
0xbb: {  	[sflag:s29] =	ssyncadd.s32 $0xFFFFFFFF  }
0xbc: {  	_ =	strace $0x90000048  }
0xbd: {  	_ =	sfence  }
0xbe: {  	s30 =	sld [smem:$0x0];
	_ =	sdelay $0x2  }
0xbf: {  	s31 =	sshll.u32 s1, $0xD;
	s1 =	sshrl.u32 s1, $0x2  }
0xc0: {  	s3 =	sand.u32 $0x4000, s31;
	s1 =	sadd.s32 s1, s30  }
0xc1: {  	s0 =	sor.u32 s3, s0;
	s1 =	sshll.u32 s1, $0x11  }
0xc2: {  	s0 =	sor.u32 s1, s0  }
0xc3: {  	s0 =	sadd.s32 $0x8F2B, s0  }
0xc4: {  	[sflag:s0] =	ssyncadd.remote.s32 $0x1  }
0xc5: {  	_ =	sfence.sel $0xFFFF  }
0xc6: {  	[dreg:$0x0] =	wrdreg $0xFFFFFFFF;
	(pc) =	sbr.abs _section_cstart, $3  }
0xc7: {  	[dreg:$0x1] =	wrdreg $0xFFFFFFFF  }
0xc8: {  	_ =	task.clear_ibuf [dreg:s8], $0x2FFFF;
	_ =	strace $0x9FFFFFFF  }
0xc9: {  	(tm) =	ssettm $0x7FFFFFFF  }
tec
execute0_lowered:
.L_overlay_start_1:
0x0: {  	(tag) =	ssettag $0x1  }
0x1: {  	s7 =	rddreg [dreg:$0x0]  }
0x2: {  	s6 =	rddreg [dreg:$0x1]  }
0x3: {  	s4 =	rddreg [dreg:$0x2];
	s2 =	simm.s32 $0x0;
	s3 =	srdreg.scid  }
0x4: {  	s1 =	stileid.u32;
	s24 =	simm.s32 $0x1500;
	s25 =	simm.s32 $0x300  }
0x5: {  	s26 =	simm.s32 $0x6500;
	s28 =	simm.s32 $0x100;
	s29 =	simm.s32 $0x2500  }
0x6: {  	s30 =	simm.s32 $0x380;
	[smem:$0x7FF] =	sst s2;
	s5 =	sadd.s32 $0x478200, s4  }
0x7: {  	s31 =	simm.s32 $0x7500;
	_ =	strace $0x80000047;
	[dreg:$0x4] =	wrdreg s5  }
0x8: {  	s11 =	simm.s32 $0x180;
	s13 =	simm.s32 $0x3500;
	[dreg:$0x6] =	wrdreg s24  }
0x9: {  	s12 =	simm.s32 $0x5500;
	s14 =	simm.s32 $0x8500;
	[dreg:$0x7] =	wrdreg s25  }
0xa: {  	s15 =	simm.s32 $0x200;
	s16 =	simm.s32 $0x4500;
	[dreg:$0x8] =	wrdreg s26  }
0xb: {  	s17 =	simm.s32 $0x480;
	s18 =	simm.s32 $0x9500;
	[dreg:$0x9] =	wrdreg s28  }
0xc: {  	s19 =	simm.s32 $0x1;
	s20 =	simm.s32 $0x20;
	[dreg:$0xa] =	wrdreg s29  }
0xd: {  	s8 =	sand.u32 $0x1, s3;
	s21 =	sshll.u32 s1, $0x1;
	[dreg:$0xb] =	wrdreg s30  }
0xe: {  	s23 =	smul.u32 $0x640, s1;
	s3 =	sor.u32 s8, s21;
	[dreg:$0xc] =	wrdreg s31  }
0xf: {  	s9 =	ssub.s32 $0x2, s8;
	s8 =	smul.u32 $0x320, s8;
	[dreg:$0xd] =	wrdreg s11  }
0x10: {  	s11 =	simm.s32 $0x500;
	[dreg:$0xe] =	wrdreg s13;
	s13 =	simm.s32 $0x400  }
0x11: {  	s21 =	simm.s32 $0x0;
	s10 =	smul.u32 $0xC80, s3;
	s3 =	sadd.s32 $0x98200, s4  }
0x12: {  	s22 =	sshrl.u32 s9, $0x1;
	s4 =	sadd.s32 $0x28200, s4;
	s6 =	sadd.s32 s23, s6  }
0x13: {  	s7 =	sadd.s32 s23, s7;
	s5 =	ssub.s32 s9, s22;
	s6 =	sadd.s32 s8, s6  }
0x14: {  	s7 =	sadd.s32 s8, s7;
	s8 =	simm.s32 $0x2;
	s9 =	simm.s32 $0x280  }
0x15: {  	[dreg:$0x5] =	wrdreg s10;
	s5 =	smax.u32 s5, $0x1;
	s10 =	simm.s32 $0x80  }
.LBB2_1:
0x16: {  	[tilespmem:s2], [sflag:$0x2] =	stream.linear.gather [hbm4b:s7+s2], $0x280, $0x38;
	[tilespmem:$0xA500] =	vst v63  }
0x17: {  	_ =	swait.ge [sflag:s8], $0x280  }
0x18: {  	[sflag:s8] =	ssyncset.done $0x0  }
0x19: {  	[sflag:s8] =	ssyncadd.s32 $0xFFFFFD80  }
0x1a: {  	[tilespmem:s9], [sflag:$0x2] =	stream.linear.gather [hbm4b:s6+s2], $0x280, $0x38;
	[tilespmem:$0xA500] =	vst v63  }
0x1b: {  	_ =	swait.ge [sflag:s8], $0x280  }
0x1c: {  	s22 =	rddreg [dreg:$0xe]  }
0x1d: {  	s23 =	rddreg [dreg:$0x6];
	[sflag:s8] =	ssyncset.done $0x0  }
0x1e: {  	s24 =	rddreg [dreg:$0x8];
	[sflag:s8] =	ssyncadd.s32 $0xFFFFFD80  }
0x1f: {  	[tilespmem:s11], [sflag:$0x1] =	stream.indirect.gather [hbm4b:s3+s10], $0x20, s2, s10, $0xb8;
	[tilespmem:$0xA500] =	vst v63  }
0x20: {  	s25 =	rddreg [dreg:$0xa]  }
0x21: {  	[tilespmem:s12], [sflag:$0x1] =	stream.indirect.gather [hbm4b:s4+s10], $0x20, s9, s10, $0xb8;
	[tilespmem:$0xA500] =	vst v63  }
0x22: {  	s26 =	rddreg [dreg:$0xc]  }
0x23: {  	[tilespmem:s23], [sflag:$0x1] =	stream.indirect.gather [hbm4b:s3+s10], $0x20, s10, s10, $0xb8;
	[tilespmem:$0xA500] =	vst v63  }
0x24: {  	s28 =	rddreg [dreg:$0x7]  }
0x25: {  	[tilespmem:s24], [sflag:$0x1] =	stream.indirect.gather [hbm4b:s4+s10], $0x20, s28, s10, $0xb8;
	[tilespmem:$0xA500] =	vst v63  }
0x26: {  	s31 =	rddreg [dreg:$0x9]  }
0x27: {  	[tilespmem:s25], [sflag:$0x1] =	stream.indirect.gather [hbm4b:s3+s10], $0x20, s31, s10, $0xb8;
	[tilespmem:$0xA500] =	vst v63  }
0x28: {  	s0 =	rddreg [dreg:$0xb]  }
0x29: {  	[tilespmem:s26], [sflag:$0x1] =	stream.indirect.gather [hbm4b:s4+s10], $0x20, s0, s10, $0xb8;
	[tilespmem:$0xA500] =	vst v63  }
0x2a: {  	s28 =	rddreg [dreg:$0xd]  }
0x2b: {  	[tilespmem:s22], [sflag:$0x1] =	stream.indirect.gather [hbm4b:s3+s10], $0x20, s28, s10, $0xb8;
	[tilespmem:$0xA500] =	vst v63  }
0x2c: {  	_ = 	snop  }
0x2d: {  	[tilespmem:s14], [sflag:$0x1] =	stream.indirect.gather [hbm4b:s4+s10], $0x20, s13, s10, $0xb8;
	[tilespmem:$0xA500] =	vst v63  }
0x2e: {  	_ = 	snop  }
0x2f: {  	[tilespmem:s16], [sflag:$0x1] =	stream.indirect.gather [hbm4b:s3+s10], $0x20, s15, s10, $0xb8;
	[tilespmem:$0xA500] =	vst v63  }
0x30: {  	_ = 	snop  }
0x31: {  	[tilespmem:s18], [sflag:$0x1] =	stream.indirect.gather [hbm4b:s4+s10], $0x20, s17, s10, $0xb8;
	[tilespmem:$0xA500] =	vst v63  }
0x32: {  	_ =	swait.ge [sflag:s19], $0x1000  }
0x33: {  	[sflag:s19] =	ssyncset.done $0x0  }
0x34: {  	[sflag:s19] =	ssyncadd.s32 $0xFFFFF000  }
0x35: {  	_ =	swait.ge [sflag:s19], $0x1000  }
0x36: {  	[sflag:s19] =	ssyncset.done $0x0  }
0x37: {  	[sflag:s19] =	ssyncadd.s32 $0xFFFFF000  }
0x38: {  	_ =	swait.ge [sflag:s19], $0x1000  }
0x39: {  	[sflag:s19] =	ssyncset.done $0x0  }
0x3a: {  	[sflag:s19] =	ssyncadd.s32 $0xFFFFF000  }
0x3b: {  	_ =	swait.ge [sflag:s19], $0x1000  }
0x3c: {  	[sflag:s19] =	ssyncset.done $0x0  }
0x3d: {  	[sflag:s19] =	ssyncadd.s32 $0xFFFFF000  }
0x3e: {  	_ =	swait.ge [sflag:s19], $0x1000  }
0x3f: {  	[sflag:s19] =	ssyncset.done $0x0  }
0x40: {  	[sflag:s19] =	ssyncadd.s32 $0xFFFFF000  }
0x41: {  	_ =	swait.ge [sflag:s19], $0x1000  }
0x42: {  	[sflag:s19] =	ssyncset.done $0x0  }
0x43: {  	[sflag:s19] =	ssyncadd.s32 $0xFFFFF000  }
0x44: {  	_ =	swait.ge [sflag:s19], $0x1000  }
0x45: {  	[sflag:s19] =	ssyncset.done $0x0  }
0x46: {  	[sflag:s19] =	ssyncadd.s32 $0xFFFFF000  }
0x47: {  	_ =	swait.ge [sflag:s19], $0x1000  }
0x48: {  	[sflag:s19] =	ssyncset.done $0x0  }
0x49: {  	[sflag:s19] =	ssyncadd.s32 $0xFFFFF000  }
0x4a: {  	_ =	swait.ge [sflag:s19], $0x1000  }
0x4b: {  	s29 =	simm.s32 $0xFFFFFFFB;
	[sflag:s19] =	ssyncset.done $0x0  }
0x4c: {  	s22 =	smin.u32 s2, s29;
	[sflag:s19] =	ssyncadd.s32 $0xFFFFF000  }
0x4d: {  	s22 =	smul.u32 $0x280, s22;
	_ =	swait.ge [sflag:s19], $0x1000  }
0x4e: {  	s30 =	rddreg [dreg:$0x5]  }
0x4f: {  	p0 =	por $0x0, $0x0;
	s23 =	simm.s32 $0x40;
	s22 =	sadd.s32 s30, s22  }
0x50: {  	s23 =	simm.s32 @!p0 $0x4;
	s22 =	sshll.u32 s22, $0x7  }
0x51: {  	s22 =	sor.u32 s23, s22  }
0x52: {  	s31 =	rddreg [dreg:$0x4];
	[sflag:s19] =	ssyncset.done $0x0;
	s22 =	sshrl.u32 s22, $0x3  }
0x53: {  	[sflag:s19] =	ssyncadd.s32 $0xFFFFF000;
	s22 =	sadd.s32 s31, s22  }
0x54: {  	[hbm4b:s22+s20] =	stream.strided.scatter [tilespmem:s11], [sflag:$0x2], $0x5000, s10, s20, $0x38;
	[tilespmem:$0xA500] =	vst v63  }
0x55: {  	_ =	swait.ge [sflag:s8], $0x5000  }
0x56: {  	[sflag:s8] =	ssyncset.done $0x0  }
0x57: {  	s22 =	sadd.s32 $0x4, s22;
	[sflag:s8] =	ssyncadd.s32 $0xFFFFB000  }
0x58: {  	[hbm4b:s22+s20] =	stream.strided.scatter [tilespmem:s12], [sflag:$0x2], $0x5000, s10, s20, $0x38;
	[tilespmem:$0xA500] =	vst v63  }
0x59: {  	s24 =	smov.u32 s7;
	s23 =	smov.u32 s6;
	s22 =	simm.s32 $0x1  }
.LBB2_2:
0x5a: {  	_ =	swait.ge [sflag:s8], $0x5000  }
0x5b: {  	[sflag:s8] =	ssyncset.done $0x0  }
0x5c: {  	s24 =	sadd.s32 $0x50, s24;
	[sflag:s8] =	ssyncadd.s32 $0xFFFFB000  }
0x5d: {  	[tilespmem:s2], [sflag:$0x2] =	stream.linear.gather [hbm4b:s24+s2], $0x280, $0x38;
	[tilespmem:$0xA500] =	vst v63  }
0x5e: {  	_ =	swait.ge [sflag:s8], $0x280  }
0x5f: {  	[sflag:s8] =	ssyncset.done $0x0  }
0x60: {  	s23 =	sadd.s32 $0x50, s23;
	[sflag:s8] =	ssyncadd.s32 $0xFFFFFD80  }
0x61: {  	[tilespmem:s9], [sflag:$0x2] =	stream.linear.gather [hbm4b:s23+s2], $0x280, $0x38;
	[tilespmem:$0xA500] =	vst v63  }
0x62: {  	_ =	swait.ge [sflag:s8], $0x280  }
0x63: {  	s26 =	rddreg [dreg:$0xe]  }
0x64: {  	[sflag:s8] =	ssyncset.done $0x0;
	s28 =	rddreg [dreg:$0x6]  }
0x65: {  	s29 =	rddreg [dreg:$0x8];
	[sflag:s8] =	ssyncadd.s32 $0xFFFFFD80  }
0x66: {  	[tilespmem:s11], [sflag:$0x1] =	stream.indirect.gather [hbm4b:s3+s10], $0x20, s2, s10, $0xb8;
	[tilespmem:$0xA500] =	vst v63  }
0x67: {  	s30 =	rddreg [dreg:$0xa]  }
0x68: {  	[tilespmem:s12], [sflag:$0x1] =	stream.indirect.gather [hbm4b:s4+s10], $0x20, s9, s10, $0xb8;
	[tilespmem:$0xA500] =	vst v63  }
0x69: {  	s31 =	rddreg [dreg:$0xc]  }
0x6a: {  	[tilespmem:s28], [sflag:$0x1] =	stream.indirect.gather [hbm4b:s3+s10], $0x20, s10, s10, $0xb8;
	[tilespmem:$0xA500] =	vst v63  }
0x6b: {  	s0 =	rddreg [dreg:$0x7]  }
0x6c: {  	[tilespmem:s29], [sflag:$0x1] =	stream.indirect.gather [hbm4b:s4+s10], $0x20, s0, s10, $0xb8;
	[tilespmem:$0xA500] =	vst v63  }
0x6d: {  	s28 =	rddreg [dreg:$0x9]  }
0x6e: {  	[tilespmem:s30], [sflag:$0x1] =	stream.indirect.gather [hbm4b:s3+s10], $0x20, s28, s10, $0xb8;
	[tilespmem:$0xA500] =	vst v63  }
0x6f: {  	s29 =	rddreg [dreg:$0xb]  }
0x70: {  	[tilespmem:s31], [sflag:$0x1] =	stream.indirect.gather [hbm4b:s4+s10], $0x20, s29, s10, $0xb8;
	[tilespmem:$0xA500] =	vst v63  }
0x71: {  	s30 =	rddreg [dreg:$0xd]  }
0x72: {  	[tilespmem:s26], [sflag:$0x1] =	stream.indirect.gather [hbm4b:s3+s10], $0x20, s30, s10, $0xb8;
	[tilespmem:$0xA500] =	vst v63  }
0x73: {  	_ = 	snop  }
0x74: {  	[tilespmem:s14], [sflag:$0x1] =	stream.indirect.gather [hbm4b:s4+s10], $0x20, s13, s10, $0xb8;
	[tilespmem:$0xA500] =	vst v63  }
0x75: {  	_ = 	snop  }
0x76: {  	[tilespmem:s16], [sflag:$0x1] =	stream.indirect.gather [hbm4b:s3+s10], $0x20, s15, s10, $0xb8;
	[tilespmem:$0xA500] =	vst v63  }
0x77: {  	_ = 	snop  }
0x78: {  	[tilespmem:s18], [sflag:$0x1] =	stream.indirect.gather [hbm4b:s4+s10], $0x20, s17, s10, $0xb8;
	[tilespmem:$0xA500] =	vst v63  }
0x79: {  	_ =	swait.ge [sflag:s19], $0x1000  }
0x7a: {  	[sflag:s19] =	ssyncset.done $0x0  }
0x7b: {  	[sflag:s19] =	ssyncadd.s32 $0xFFFFF000  }
0x7c: {  	_ =	swait.ge [sflag:s19], $0x1000  }
0x7d: {  	[sflag:s19] =	ssyncset.done $0x0  }
0x7e: {  	[sflag:s19] =	ssyncadd.s32 $0xFFFFF000  }
0x7f: {  	_ =	swait.ge [sflag:s19], $0x1000  }
0x80: {  	[sflag:s19] =	ssyncset.done $0x0  }
0x81: {  	[sflag:s19] =	ssyncadd.s32 $0xFFFFF000  }
0x82: {  	_ =	swait.ge [sflag:s19], $0x1000  }
0x83: {  	[sflag:s19] =	ssyncset.done $0x0  }
0x84: {  	[sflag:s19] =	ssyncadd.s32 $0xFFFFF000  }
0x85: {  	_ =	swait.ge [sflag:s19], $0x1000  }
0x86: {  	[sflag:s19] =	ssyncset.done $0x0  }
0x87: {  	[sflag:s19] =	ssyncadd.s32 $0xFFFFF000  }
0x88: {  	_ =	swait.ge [sflag:s19], $0x1000  }
0x89: {  	[sflag:s19] =	ssyncset.done $0x0  }
0x8a: {  	[sflag:s19] =	ssyncadd.s32 $0xFFFFF000  }
0x8b: {  	_ =	swait.ge [sflag:s19], $0x1000  }
0x8c: {  	[sflag:s19] =	ssyncset.done $0x0  }
0x8d: {  	[sflag:s19] =	ssyncadd.s32 $0xFFFFF000  }
0x8e: {  	_ =	swait.ge [sflag:s19], $0x1000  }
0x8f: {  	[sflag:s19] =	ssyncset.done $0x0  }
0x90: {  	[sflag:s19] =	ssyncadd.s32 $0xFFFFF000  }
0x91: {  	s25 =	smov.u32 s22;
	_ =	swait.ge [sflag:s19], $0x1000  }
0x92: {  	s29 =	sadd.s32 $0xFFFFFFFB, s25;
	[sflag:s19] =	ssyncset.done $0x0  }
0x93: {  	s0 =	smin.u32 s25, s29;
	[sflag:s19] =	ssyncadd.s32 $0xFFFFF000  }
0x94: {  	s0 =	smul.u32 $0x280, s0;
	_ =	swait.ge [sflag:s19], $0x1000  }
0x95: {  	s30 =	rddreg [dreg:$0x5]  }
0x96: {  	p1 =	sgt.u32 s25, $0x4;
	s25 =	simm.s32 $0x40;
	s0 =	sadd.s32 s30, s0  }
0x97: {  	s25 =	simm.s32 @!p1 $0x4;
	s0 =	sshll.u32 s0, $0x7  }
0x98: {  	s0 =	sor.u32 s25, s0  }
0x99: {  	s31 =	rddreg [dreg:$0x4];
	[sflag:s19] =	ssyncset.done $0x0;
	s0 =	sshrl.u32 s0, $0x3  }
0x9a: {  	p0 =	sne.s32 s22, $0x9;
	[sflag:s19] =	ssyncadd.s32 $0xFFFFF000;
	s0 =	sadd.s32 s31, s0  }
0x9b: {  	[hbm4b:s0+s20] =	stream.strided.scatter [tilespmem:s11], [sflag:$0x2], $0x5000, s10, s20, $0x38;
	[tilespmem:$0xA500] =	vst v63  }
.Ltmp0:
0x9c: {  	_ = 	snop;
	(pc) =	sbr.rel @p0 .LBB2_2-.Ltmp0, $4  }
0x9d: {  	_ =	swait.ge [sflag:s8], $0x5000  }
0x9e: {  	[sflag:s8] =	ssyncset.done $0x0  }
0x9f: {  	s22 =	sadd.s32 $0x1, s22;
	s0 =	sadd.s32 $0x4, s0;
	[sflag:s8] =	ssyncadd.s32 $0xFFFFB000  }
0xa0: {  	[hbm4b:s0+s20] =	stream.strided.scatter [tilespmem:s12], [sflag:$0x2], $0x5000, s10, s20, $0x38;
	[tilespmem:$0xA500] =	vst v63  }
0xa1: {  	s21 =	sadd.s32 $0x1, s21  }
0xa2: {  	p0 =	sne.s32 s21, s5  }
.Ltmp1:
0xa3: {  	_ = 	snop;
	(pc) =	sbr.rel @p0 .LBB2_1-.Ltmp1, $4  }
0xa4: {  	_ = 	snop  }
0xa5: {  	_ =	swait.ge [sflag:s8], $0x5000  }
0xa6: {  	[sflag:s8] =	ssyncset.done $0x0  }
0xa7: {  	[sflag:s8] =	ssyncadd.s32 $0xFFFFB000  }
0xa8: {  	_ =	sfence.sel $0x180000  }
0xa9: {  	[bflag:$0x0] =	sbarrier.arrive $0xFFFF  }
0xaa: {  	_ =	strace $0x90000047  }
0xab: {  	[bflag:$0x2] =	sbarrier.arrive $0xFFFF  }
0xac: {  	p0 =	sne.s32 s1, $0x0;
	s0 =	rddreg [dreg:$0x3]  }
0xad: {  	s0 =	sadd.s32 @!p0 $0x100000, s0  }
0xae: {  	[sflag:s0] =	ssyncadd.tile.s32 @!p0 $0x1;
	_ =	shalt  }
.Lfunc_end2:
_tile_overlayer_lowered:
.L_overlay_start_2:
0xaf: {  	(tag) =	ssettag $0x2  }
0xb0: {  	s0 =	rddreg [dreg:$0x0];
	s2 =	stileid.u32  }
0xb1: {  	s1 =	rddreg [dreg:$0x1];
	p0 =	sne.s32 s2, $0x0  }
0xb2: {  	s3 =	rddreg [dreg:$0x2];
	[bflag:$0x3] =	sbarrier.arrive $0xFFFF;
	s2 =	simm.s32 @!p0 $0x1C02  }
0xb3: {  	[timem:s3], [sflag:s2] =	dma.local @!p0 [hbm:s0], s1  }
0xb4: {  	s0 =	simm.s32 @!p0 $0x2  }
0xb5: {  	_ =	swait.ge @!p0 [sflag:s0], s1  }
0xb6: {  	s1 =	ssub.s32 @!p0 $0x0, s1;
	[sflag:s0] =	ssyncset.done @!p0 $0x0  }
0xb7: {  	[sflag:s0] =	ssyncadd.s32 @!p0 s1  }
0xb8: {  	[bflag:$0x3] =	sbarrier.arrive $0xFFFF  }
0xb9: {  	_ =	shalt  }

// kernel: kernel.15.cloned.1.call-start
scs
__scs_entry_jumppad:
0x0: {  	(pc) =	sbr.rel $0x88, $3  }
0x1: {  	(tag) =	ssettag $0x0;
	lr =	simm.s32 $0x1  }
0x2: {  	[smem:$0x3F9B] =	sst lr;
	_ =	strace $0xD0000000  }
0x3: {  	_ = 	snop  }
0x4: {  	_ = 	snop  }
0x5: {  	_ = 	snop  }
0x6: {  	_ = 	snop  }
0x7: {  	_ = 	snop  }
__scs_overlays_trampoline_lowered:
0x8: {  	[smem:$0x3FAA] =	sst s0  }
0x9: {  	[smem:$0x3FAB] =	sst s1  }
0xa: {  	[smem:$0x3FAC] =	sst s2  }
0xb: {  	[smem:$0x3FAD] =	sst s3  }
0xc: {  	[smem:$0x3FAE] =	sst s4  }
0xd: {  	[smem:$0x3FAF] =	sst s5  }
0xe: {  	[smem:$0x3FB0] =	sst s6  }
0xf: {  	[smem:$0x3FB1] =	sst s7  }
0x10: {  	[smem:$0x3FB2] =	sst s8  }
0x11: {  	[smem:$0x3FB3] =	sst s9;
	s0 =	simm.s32 @!p0 $0x0  }
0x12: {  	s1 =	sld [smem:$0x3F99];
	s0 =	simm.s32 @p0 $0x1  }
0x13: {  	[smem:$0x3FB4] =	sst s0;
	s0 =	simm.s32 @!p1 $0x0  }
0x14: {  	s2 =	sld [smem:$0x3F98];
	s0 =	simm.s32 @p1 $0x1  }
0x15: {  	[smem:$0x3FB5] =	sst s0;
	s0 =	simm.s32 @!p2 $0x0  }
0x16: {  	s3 =	sld [smem:$0x3FDB];
	s0 =	simm.s32 @p2 $0x1  }
0x17: {  	s4 =	simm.s32 $0x1BF5;
	[smem:$0x3FB7] =	sst s0  }
0x18: {  	s0 =	sld [smem:$0x3F9A];
	_ =	swait.ge [sflag:s4], $0x0  }
0x19: {  	s7 =	sld [smem:$0x3F9B]  }
0x1a: {  	s8 =	sadd.s32 $0xFFFFE003, lr  }
0x1b: {  	s9 =	sadd.s32 $0xFFFFFEF7, lr;
	s5 =	simm.s32 $0xFFFFFFFF;
	p2 =	slt.u32 s8, $0xFFFFF086  }
0x1c: {  	p1 =	slt.u32 s9, $0xF7A;
	s5 =	simm.s32 @!p2 $0x0  }
0x1d: {  	s5 =	simm.s32 @p1 $0x1;
	p0 =	seq.s32 s7, s2  }
0x1e: {  	s7 =	smul.u32 @!p0 $0xF7A, s2;
	p2 =	seq.s32 @!p0 s5, $0x0  }
0x1f: {  	s9 =	smul.u32 $0xF7A, s1;
	s8 =	simm.s32 @!p0 $0x1BF5;
	p2 =	por !p2, p0  }
0x20: {  	[sflag:s8] =	ssyncset.s32 @!p0 $0xFFFFF086;
	s6 =	sadd.s32 @!p0 s3, s7;
	s7 =	simm.s32 @!p0 $0x108  }
0x21: {  	s3 =	sadd.s32 s3, s9;
	s6 =	sadd.s32 @!p0 $0x88, s6;
	s7 =	simm.s32 @p2 $0x1082  }
0x22: {  	[simem:s7], [sflag:s8] =	dma.local @!p0 [hbm:s6], $0xF7A  }
0x23: {  	s9 =	sor.u32 $0xD0000000, s2;
	s6 =	simm.s32 $0x108;
	_ =	swait.ge @!p0 [sflag:s8], $0x0  }
0x24: {  	s3 =	sadd.s32 $0x88, s3;
	s6 =	simm.s32 @!p1 $0x1082;
	[sflag:s4] =	ssyncset.s32 $0xFFFFF086  }
0x25: {  	[simem:s6], [sflag:s4] =	dma.local [hbm:s3], $0xF7A  }
0x26: {  	[smem:$0x3F9B] =	sst s1;
	(tag) =	ssettag s2;
	_ =	strace s9  }
0x27: {  	s1 =	sld [smem:$0x3FAB]  }
0x28: {  	s2 =	sld [smem:$0x3FAC]  }
0x29: {  	s4 =	sld [smem:$0x3FAE]  }
0x2a: {  	p0 =	seq.s32 s5, $0x0;
	s5 =	sld [smem:$0x3FAF]  }
0x2b: {  	s6 =	sld [smem:$0x3FB0]  }
0x2c: {  	s7 =	sld [smem:$0x3FB1]  }
0x2d: {  	s3 =	simm.s32 $0x108;
	s8 =	sld [smem:$0x3FB2]  }
0x2e: {  	s3 =	simm.s32 @!p0 $0x1082;
	s9 =	sld [smem:$0x3FB3]  }
0x2f: {  	lr =	sadd.s32 s0, s3;
	s0 =	sld [smem:$0x3FAA]  }
0x30: {  	s3 =	sld [smem:$0x3FAD]  }
0x31: {  	[smem:$0x3FB6] =	sst s10  }
0x32: {  	s10 =	sld [smem:$0x3FB4];
	_ =	sdelay $0x3  }
0x33: {  	p0 =	seq.s32 s10, $0x1;
	s10 =	sld [smem:$0x3FB6];
	_ =	sdelay $0x3  }
0x34: {  	[smem:$0x3FB6] =	sst s10  }
0x35: {  	s10 =	sld [smem:$0x3FB5];
	_ =	sdelay $0x3  }
0x36: {  	p1 =	seq.s32 s10, $0x1;
	s10 =	sld [smem:$0x3FB6];
	_ =	sdelay $0x3  }
0x37: {  	[smem:$0x3FB6] =	sst s10  }
0x38: {  	s10 =	sld [smem:$0x3FB7]  }
0x39: {  	_ = 	snop;
	(pc) =	sbr.ind lr, $3  }
0x3a: {  	_ = 	snop  }
0x3b: {  	_ = 	snop  }
0x3c: {  	p2 =	seq.s32 s10, $0x1;
	s10 =	sld [smem:$0x3FB6]  }
0x3d: {  	_ =	shalt  }
0x3e: {  	_ =	shalt  }
0x3f: {  	_ =	shalt  }
0x40: {  	_ =	shalt  }
0x41: {  	_ =	shalt  }
0x42: {  	_ =	shalt  }
0x43: {  	_ =	shalt  }
0x44: {  	_ =	shalt  }
0x45: {  	_ =	shalt  }
0x46: {  	_ =	shalt  }
0x47: {  	_ =	shalt  }
0x48: {  	_ =	shalt  }
0x49: {  	_ =	shalt  }
0x4a: {  	_ =	shalt  }
0x4b: {  	_ =	shalt  }
0x4c: {  	_ =	shalt  }
0x4d: {  	_ =	shalt  }
0x4e: {  	_ =	shalt  }
0x4f: {  	_ =	shalt  }
0x50: {  	_ =	shalt  }
0x51: {  	_ =	shalt  }
0x52: {  	_ =	shalt  }
0x53: {  	_ =	shalt  }
0x54: {  	_ =	shalt  }
0x55: {  	_ =	shalt  }
0x56: {  	_ =	shalt  }
0x57: {  	_ =	shalt  }
0x58: {  	_ =	shalt  }
0x59: {  	_ =	shalt  }
0x5a: {  	_ =	shalt  }
0x5b: {  	_ =	shalt  }
0x5c: {  	_ =	shalt  }
0x5d: {  	_ =	shalt  }
0x5e: {  	_ =	shalt  }
0x5f: {  	_ =	shalt  }
0x60: {  	_ =	shalt  }
0x61: {  	_ =	shalt  }
0x62: {  	_ =	shalt  }
0x63: {  	_ =	shalt  }
0x64: {  	_ =	shalt  }
0x65: {  	_ =	shalt  }
0x66: {  	_ =	shalt  }
0x67: {  	_ =	shalt  }
0x68: {  	_ =	shalt  }
0x69: {  	_ =	shalt  }
0x6a: {  	_ =	shalt  }
0x6b: {  	_ =	shalt  }
0x6c: {  	_ =	shalt  }
0x6d: {  	_ =	shalt  }
0x6e: {  	_ =	shalt  }
0x6f: {  	_ =	shalt  }
0x70: {  	_ =	shalt  }
0x71: {  	_ =	shalt  }
0x72: {  	_ =	shalt  }
0x73: {  	_ =	shalt  }
0x74: {  	_ =	shalt  }
0x75: {  	_ =	shalt  }
0x76: {  	_ =	shalt  }
0x77: {  	_ =	shalt  }
0x78: {  	_ =	shalt  }
0x79: {  	_ =	shalt  }
0x7a: {  	_ =	shalt  }
0x7b: {  	_ =	shalt  }
0x7c: {  	_ =	shalt  }
0x7d: {  	_ =	shalt  }
0x7e: {  	_ =	shalt  }
0x7f: {  	_ =	shalt  }
0x80: {  	_ =	shalt  }
0x81: {  	_ =	shalt  }
0x82: {  	_ =	shalt  }
0x83: {  	_ =	shalt  }
0x84: {  	_ =	shalt  }
0x85: {  	_ =	shalt  }
0x86: {  	_ =	shalt  }
0x87: {  	_ =	shalt  }
.Lfunc_end0:
.L_simem_size_0:
called_computation.1_lowered:
.L_overlay_start_0:
0x88: {  	s2 =	sld [smem:$0x3FD9]  }
0x89: {  	s3 =	sld [smem:$0x3FFE];
	_ =	sdelay $0x1  }
0x8a: {  	s1 =	srdreg.scid  }
0x8b: {  	s0 =	sand.u32 $0x1, s1  }
0x8c: {  	s17 =	sshll.u32 s0, $0xA;
	s2 =	sadd.s32 s3, s2  }
0x8d: {  	s2 =	sadd.s32 s2, s17  }
0x8e: {  	[smem:$0x3FC2] =	sst s2  }
0x8f: {  	_ = 	snop  }
0x90: {  	(tm) =	ssettm $0x1  }
0x91: {  	s18 =	sld [smem:$0x3FFB];
	_ =	sdelay $0x3  }
0x92: {  	_ =	strace s18  }
0x93: {  	s2 =	sld [smem:$0x3FFC];
	_ =	sdelay $0x3  }
0x94: {  	_ =	strace s2  }
0x95: {  	s2 =	sld [smem:$0x3FFD];
	_ =	sdelay $0x3  }
0x96: {  	_ =	strace s2  }
0x97: {  	_ =	strace $0x8FFFFFFF  }
0x98: {  	s19 =	sld [smem:$0x3FDB];
	_ =	sdelay $0x1  }
0x99: {  	s20 =	simm.s32 $_scs_section_size  }
0x9a: {  	s4 =	simm.s32 $_size__tile_overlayer_lowered;
	s5 =	simm.s32 $_tile_overlayer_lowered  }
0x9b: {  	s6 =	simm.s32 $0x1BFF;
	s21 =	sshll.u32 s5, $0x1;
	s3 =	sadd.s32 s20, s19  }
0x9c: {  	s22 =	simm.s32 $0x0;
	s4 =	sshll.u32 s4, $0x1;
	s5 =	sadd.s32 s21, s3  }
0x9d: {  	[timem:s22], [sflag:s6] =	dma.local [hbm:s5], s4  }
0x9e: {  	_ =	swait.ge [sflag:s6], s4  }
0x9f: {  	s4 =	ssub.s32 $0x0, s4;
	[sflag:s6] =	ssyncset.done $0x0  }
0xa0: {  	[sflag:s6] =	ssyncadd.s32 s4;
	_ =	sdelay $0x1  }
0xa1: {  	s23 =	simm.s32 $0x1B8B  }
0xa2: {  	_ =	swait.ge [sflag:s23], $0x1  }
0xa3: {  	[sflag:s23] =	ssyncset.done $0x0  }
0xa4: {  	[sflag:s23] =	ssyncadd.s32 $0xFFFFFFFF  }
0xa5: {  	s4 =	sld [smem:$0x0]  }
0xa6: {  	s5 =	sand.u32 $0xFFFFFFFE, s1  }
0xa7: {  	p0 =	sne.s32 s1, s5  }
0xa8: {  	s5 =	sshll.u32 @p0 s5, $0xE  }
0xa9: {  	s5 =	sadd.s32 @p0 $0x11B8D, s5;
	s6 =	sshll.u32 @p0 s4, $0x11  }
0xaa: {  	s5 =	sor.u32 @p0 s6, s5  }
0xab: {  	[sflag:s5] =	ssyncadd.remote.s32 @p0 $0x1;
	_ =	sdelay $0x1  }
0xac: {  	s5 =	simm.s32 @p0 $0x1B8D  }
0xad: {  	_ =	swait.eq @p0 [sflag:s5], $0x1  }
0xae: {  	[sflag:s5] =	ssyncadd.s32 @p0 $0xFFFFFFFF  }
0xaf: {  	s6 =	sshll.u32 @!p0 s1, $0xE  }
0xb0: {  	s6 =	sor.u32 @!p0 $0x4000, s6;
	s5 =	simm.s32 @!p0 $0x1B8D  }
0xb1: {  	s4 =	sshll.u32 @!p0 s4, $0x11;
	s6 =	sadd.s32 @!p0 $0x11B8D, s6;
	_ =	swait.eq @!p0 [sflag:s5], $0x1  }
0xb2: {  	s4 =	sor.u32 @!p0 s4, s6;
	[sflag:s5] =	ssyncadd.s32 @!p0 $0xFFFFFFFF  }
0xb3: {  	s25 =	simm.s32 $0x1B8E;
	s24 =	sld [smem:$0x3FFE];
	[sflag:s4] =	ssyncadd.remote.s32 @!p0 $0x1  }
0xb4: {  	s26 =	simm.s32 $execute0_lowered;
	[smem:$0x3FD2] =	sst s25  }
0xb5: {  	s5 =	sshll.u32 s26, $0x1;
	_ =	strace $0x80000049;
	[dreg:$0x1] =	wrdreg $0xFFFFFFFF  }
0xb6: {  	s28 =	simm.s32 $_size_execute0_lowered;
	s3 =	sadd.s32 s3, s5;
	[dreg:$0x0] =	wrdreg $0x0  }
0xb7: {  	s5 =	sshll.u32 s28, $0x1;
	[dreg:$0x2] =	wrdreg s3  }
0xb8: {  	[dreg:$0x3] =	wrdreg s5  }
0xb9: {  	[dreg:$0x4] =	wrdreg $0xC0  }
0xba: {  	_ =	task [dreg:s22], $0x5FFFF  }
0xbb: {  	[dreg:$0x1] =	wrdreg $0xFFFFFFFF  }
0xbc: {  	[dreg:$0x0] =	wrdreg $0x60  }
0xbd: {  	[dreg:$0x2] =	wrdreg s24  }
0xbe: {  	[dreg:$0x3] =	wrdreg $0xA  }
0xbf: {  	_ =	task.clear_ibuf [dreg:s22], $0x4FFFF;
	_ =	strace $0x90000049  }
0xc0: {  	s29 =	simm.s32 $0xA;
	_ =	strace $0x8000004B  }
0xc1: {  	_ =	swait.ge [sflag:s29], $0x1  }
0xc2: {  	[sflag:s29] =	ssyncadd.s32 $0xFFFFFFFF  }
0xc3: {  	_ =	strace $0x9000004B  }
0xc4: {  	_ =	sfence  }
0xc5: {  	s30 =	sld [smem:$0x0];
	_ =	sdelay $0x2  }
0xc6: {  	s31 =	sshll.u32 s1, $0xD;
	s1 =	sshrl.u32 s1, $0x2  }
0xc7: {  	s4 =	sand.u32 $0x4000, s31;
	s1 =	sadd.s32 s1, s30  }
0xc8: {  	s0 =	sor.u32 s4, s0;
	s1 =	sshll.u32 s1, $0x11  }
0xc9: {  	s0 =	sor.u32 s1, s0  }
0xca: {  	s0 =	sadd.s32 $0x8F2B, s0  }
0xcb: {  	[sflag:s0] =	ssyncadd.remote.s32 $0x1  }
0xcc: {  	_ =	sfence.sel $0xFFFF  }
0xcd: {  	[dreg:$0x0] =	wrdreg $0xFFFFFFFF;
	(pc) =	sbr.abs _section_cstart, $3  }
0xce: {  	[dreg:$0x1] =	wrdreg $0xFFFFFFFF  }
0xcf: {  	_ =	task.clear_ibuf [dreg:s22], $0x2FFFF;
	_ =	strace $0x9FFFFFFF  }
0xd0: {  	(tm) =	ssettm $0x7FFFFFFF  }
0xd1: {  	_ =	shalt  }
tec
execute0_lowered:
.L_overlay_start_1:
0x0: {  	(tag) =	ssettag $0x1  }
0x1: {  	s4 =	rddreg [dreg:$0x0];
	s2 =	simm.s32 $0x0;
	s1 =	stileid.u32  }
0x2: {  	s5 =	srdreg.scid;
	s24 =	simm.s32 $0x1500;
	s26 =	simm.s32 $0x300  }
0x3: {  	s28 =	simm.s32 $0x6500;
	s29 =	simm.s32 $0x100;
	s30 =	simm.s32 $0x2500  }
0x4: {  	s31 =	simm.s32 $0x380;
	s10 =	simm.s32 $0x7500;
	s11 =	simm.s32 $0x180  }
0x5: {  	s13 =	simm.s32 $0x3500;
	[smem:$0x7FF] =	sst s2;
	s8 =	sadd.s32 $0x608200, s4  }
0x6: {  	s12 =	simm.s32 $0x5500;
	_ =	strace $0x8000004A;
	[dreg:$0x2] =	wrdreg s8  }
0x7: {  	s14 =	simm.s32 $0x8500;
	s15 =	simm.s32 $0x200;
	[dreg:$0x4] =	wrdreg s24  }
0x8: {  	s16 =	simm.s32 $0x4500;
	s17 =	simm.s32 $0x480;
	[dreg:$0x5] =	wrdreg s26  }
0x9: {  	s18 =	simm.s32 $0x9500;
	s19 =	simm.s32 $0x1;
	[dreg:$0x6] =	wrdreg s28  }
0xa: {  	s20 =	simm.s32 $0x20;
	s21 =	simm.s32 $0x0;
	[dreg:$0x7] =	wrdreg s29  }
0xb: {  	s5 =	sand.u32 $0x1, s5;
	s6 =	sshll.u32 s1, $0x1;
	[dreg:$0x8] =	wrdreg s30  }
0xc: {  	s3 =	smul.u32 $0x640, s1;
	s6 =	sor.u32 s5, s6;
	[dreg:$0x9] =	wrdreg s31  }
0xd: {  	s9 =	ssub.s32 $0x2, s5;
	s25 =	smul.u32 $0x320, s5;
	[dreg:$0xa] =	wrdreg s10  }
0xe: {  	s10 =	simm.s32 $0x80;
	[dreg:$0xb] =	wrdreg s11;
	s11 =	simm.s32 $0x500  }
0xf: {  	[dreg:$0xc] =	wrdreg s13;
	s13 =	simm.s32 $0x400;
	s7 =	sadd.s32 s3, s4  }
0x10: {  	s3 =	sadd.s32 $0x98200, s4;
	s6 =	smul.u32 $0xC80, s6;
	s23 =	sshrl.u32 s9, $0x1  }
0x11: {  	s4 =	sadd.s32 $0x28200, s4;
	s8 =	ssub.s32 s9, s23;
	s7 =	sadd.s32 s25, s7  }
0x12: {  	s9 =	simm.s32 $0x280;
	[dreg:$0x3] =	wrdreg s6;
	s5 =	smax.u32 s8, $0x1  }
0x13: {  	s6 =	sadd.s32 $0x15600, s7;
	s7 =	sadd.s32 $0x2A00, s7;
	s8 =	simm.s32 $0x2  }
.LBB2_1:
0x14: {  	[tilespmem:s2], [sflag:$0x2] =	stream.linear.gather [hbm4b:s7+s2], $0x280, $0x38;
	[tilespmem:$0xA500] =	vst v63  }
0x15: {  	_ =	swait.ge [sflag:s8], $0x280  }
0x16: {  	[sflag:s8] =	ssyncset.done $0x0  }
0x17: {  	[sflag:s8] =	ssyncadd.s32 $0xFFFFFD80  }
0x18: {  	[tilespmem:s9], [sflag:$0x2] =	stream.linear.gather [hbm4b:s6+s2], $0x280, $0x38;
	[tilespmem:$0xA500] =	vst v63  }
0x19: {  	_ =	swait.ge [sflag:s8], $0x280  }
0x1a: {  	s22 =	rddreg [dreg:$0xc]  }
0x1b: {  	s23 =	rddreg [dreg:$0x4];
	[sflag:s8] =	ssyncset.done $0x0  }
0x1c: {  	s24 =	rddreg [dreg:$0x6];
	[sflag:s8] =	ssyncadd.s32 $0xFFFFFD80  }
0x1d: {  	[tilespmem:s11], [sflag:$0x1] =	stream.indirect.gather [hbm4b:s3+s10], $0x20, s2, s10, $0xb8;
	[tilespmem:$0xA500] =	vst v63  }
0x1e: {  	s25 =	rddreg [dreg:$0x8]  }
0x1f: {  	[tilespmem:s12], [sflag:$0x1] =	stream.indirect.gather [hbm4b:s4+s10], $0x20, s9, s10, $0xb8;
	[tilespmem:$0xA500] =	vst v63  }
0x20: {  	s26 =	rddreg [dreg:$0xa]  }
0x21: {  	[tilespmem:s23], [sflag:$0x1] =	stream.indirect.gather [hbm4b:s3+s10], $0x20, s10, s10, $0xb8;
	[tilespmem:$0xA500] =	vst v63  }
0x22: {  	s28 =	rddreg [dreg:$0x5]  }
0x23: {  	[tilespmem:s24], [sflag:$0x1] =	stream.indirect.gather [hbm4b:s4+s10], $0x20, s28, s10, $0xb8;
	[tilespmem:$0xA500] =	vst v63  }
0x24: {  	s31 =	rddreg [dreg:$0x7]  }
0x25: {  	[tilespmem:s25], [sflag:$0x1] =	stream.indirect.gather [hbm4b:s3+s10], $0x20, s31, s10, $0xb8;
	[tilespmem:$0xA500] =	vst v63  }
0x26: {  	s0 =	rddreg [dreg:$0x9]  }
0x27: {  	[tilespmem:s26], [sflag:$0x1] =	stream.indirect.gather [hbm4b:s4+s10], $0x20, s0, s10, $0xb8;
	[tilespmem:$0xA500] =	vst v63  }
0x28: {  	s28 =	rddreg [dreg:$0xb]  }
0x29: {  	[tilespmem:s22], [sflag:$0x1] =	stream.indirect.gather [hbm4b:s3+s10], $0x20, s28, s10, $0xb8;
	[tilespmem:$0xA500] =	vst v63  }
0x2a: {  	_ = 	snop  }
0x2b: {  	[tilespmem:s14], [sflag:$0x1] =	stream.indirect.gather [hbm4b:s4+s10], $0x20, s13, s10, $0xb8;
	[tilespmem:$0xA500] =	vst v63  }
0x2c: {  	_ = 	snop  }
0x2d: {  	[tilespmem:s16], [sflag:$0x1] =	stream.indirect.gather [hbm4b:s3+s10], $0x20, s15, s10, $0xb8;
	[tilespmem:$0xA500] =	vst v63  }
0x2e: {  	_ = 	snop  }
0x2f: {  	[tilespmem:s18], [sflag:$0x1] =	stream.indirect.gather [hbm4b:s4+s10], $0x20, s17, s10, $0xb8;
	[tilespmem:$0xA500] =	vst v63  }
0x30: {  	_ =	swait.ge [sflag:s19], $0x1000  }
0x31: {  	[sflag:s19] =	ssyncset.done $0x0  }
0x32: {  	[sflag:s19] =	ssyncadd.s32 $0xFFFFF000  }
0x33: {  	_ =	swait.ge [sflag:s19], $0x1000  }
0x34: {  	[sflag:s19] =	ssyncset.done $0x0  }
0x35: {  	[sflag:s19] =	ssyncadd.s32 $0xFFFFF000  }
0x36: {  	_ =	swait.ge [sflag:s19], $0x1000  }
0x37: {  	[sflag:s19] =	ssyncset.done $0x0  }
0x38: {  	[sflag:s19] =	ssyncadd.s32 $0xFFFFF000  }
0x39: {  	_ =	swait.ge [sflag:s19], $0x1000  }
0x3a: {  	[sflag:s19] =	ssyncset.done $0x0  }
0x3b: {  	[sflag:s19] =	ssyncadd.s32 $0xFFFFF000  }
0x3c: {  	_ =	swait.ge [sflag:s19], $0x1000  }
0x3d: {  	[sflag:s19] =	ssyncset.done $0x0  }
0x3e: {  	[sflag:s19] =	ssyncadd.s32 $0xFFFFF000  }
0x3f: {  	_ =	swait.ge [sflag:s19], $0x1000  }
0x40: {  	[sflag:s19] =	ssyncset.done $0x0  }
0x41: {  	[sflag:s19] =	ssyncadd.s32 $0xFFFFF000  }
0x42: {  	_ =	swait.ge [sflag:s19], $0x1000  }
0x43: {  	[sflag:s19] =	ssyncset.done $0x0  }
0x44: {  	[sflag:s19] =	ssyncadd.s32 $0xFFFFF000  }
0x45: {  	_ =	swait.ge [sflag:s19], $0x1000  }
0x46: {  	[sflag:s19] =	ssyncset.done $0x0  }
0x47: {  	[sflag:s19] =	ssyncadd.s32 $0xFFFFF000  }
0x48: {  	_ =	swait.ge [sflag:s19], $0x1000  }
0x49: {  	s29 =	simm.s32 $0xFFFFFFFB;
	[sflag:s19] =	ssyncset.done $0x0  }
0x4a: {  	s22 =	smin.u32 s2, s29;
	[sflag:s19] =	ssyncadd.s32 $0xFFFFF000  }
0x4b: {  	s22 =	smul.u32 $0x280, s22;
	_ =	swait.ge [sflag:s19], $0x1000  }
0x4c: {  	s30 =	rddreg [dreg:$0x3]  }
0x4d: {  	p0 =	por $0x0, $0x0;
	s23 =	simm.s32 $0x40;
	s22 =	sadd.s32 s30, s22  }
0x4e: {  	s23 =	simm.s32 @!p0 $0x4;
	s22 =	sshll.u32 s22, $0x7  }
0x4f: {  	s22 =	sor.u32 s23, s22  }
0x50: {  	s31 =	rddreg [dreg:$0x2];
	[sflag:s19] =	ssyncset.done $0x0;
	s22 =	sshrl.u32 s22, $0x3  }
0x51: {  	[sflag:s19] =	ssyncadd.s32 $0xFFFFF000;
	s22 =	sadd.s32 s31, s22  }
0x52: {  	[hbm4b:s22+s20] =	stream.strided.scatter [tilespmem:s11], [sflag:$0x2], $0x5000, s10, s20, $0x38;
	[tilespmem:$0xA500] =	vst v63  }
0x53: {  	_ =	swait.ge [sflag:s8], $0x5000  }
0x54: {  	[sflag:s8] =	ssyncset.done $0x0  }
0x55: {  	s22 =	sadd.s32 $0x4, s22;
	[sflag:s8] =	ssyncadd.s32 $0xFFFFB000  }
0x56: {  	[hbm4b:s22+s20] =	stream.strided.scatter [tilespmem:s12], [sflag:$0x2], $0x5000, s10, s20, $0x38;
	[tilespmem:$0xA500] =	vst v63  }
0x57: {  	s24 =	smov.u32 s7;
	s23 =	smov.u32 s6;
	s22 =	simm.s32 $0x1  }
.LBB2_2:
0x58: {  	_ =	swait.ge [sflag:s8], $0x5000  }
0x59: {  	[sflag:s8] =	ssyncset.done $0x0  }
0x5a: {  	s24 =	sadd.s32 $0x50, s24;
	[sflag:s8] =	ssyncadd.s32 $0xFFFFB000  }
0x5b: {  	[tilespmem:s2], [sflag:$0x2] =	stream.linear.gather [hbm4b:s24+s2], $0x280, $0x38;
	[tilespmem:$0xA500] =	vst v63  }
0x5c: {  	_ =	swait.ge [sflag:s8], $0x280  }
0x5d: {  	[sflag:s8] =	ssyncset.done $0x0  }
0x5e: {  	s23 =	sadd.s32 $0x50, s23;
	[sflag:s8] =	ssyncadd.s32 $0xFFFFFD80  }
0x5f: {  	[tilespmem:s9], [sflag:$0x2] =	stream.linear.gather [hbm4b:s23+s2], $0x280, $0x38;
	[tilespmem:$0xA500] =	vst v63  }
0x60: {  	_ =	swait.ge [sflag:s8], $0x280  }
0x61: {  	s26 =	rddreg [dreg:$0xc]  }
0x62: {  	[sflag:s8] =	ssyncset.done $0x0;
	s28 =	rddreg [dreg:$0x4]  }
0x63: {  	s29 =	rddreg [dreg:$0x6];
	[sflag:s8] =	ssyncadd.s32 $0xFFFFFD80  }
0x64: {  	[tilespmem:s11], [sflag:$0x1] =	stream.indirect.gather [hbm4b:s3+s10], $0x20, s2, s10, $0xb8;
	[tilespmem:$0xA500] =	vst v63  }
0x65: {  	s30 =	rddreg [dreg:$0x8]  }
0x66: {  	[tilespmem:s12], [sflag:$0x1] =	stream.indirect.gather [hbm4b:s4+s10], $0x20, s9, s10, $0xb8;
	[tilespmem:$0xA500] =	vst v63  }
0x67: {  	s31 =	rddreg [dreg:$0xa]  }
0x68: {  	[tilespmem:s28], [sflag:$0x1] =	stream.indirect.gather [hbm4b:s3+s10], $0x20, s10, s10, $0xb8;
	[tilespmem:$0xA500] =	vst v63  }
0x69: {  	s0 =	rddreg [dreg:$0x5]  }
0x6a: {  	[tilespmem:s29], [sflag:$0x1] =	stream.indirect.gather [hbm4b:s4+s10], $0x20, s0, s10, $0xb8;
	[tilespmem:$0xA500] =	vst v63  }
0x6b: {  	s28 =	rddreg [dreg:$0x7]  }
0x6c: {  	[tilespmem:s30], [sflag:$0x1] =	stream.indirect.gather [hbm4b:s3+s10], $0x20, s28, s10, $0xb8;
	[tilespmem:$0xA500] =	vst v63  }
0x6d: {  	s29 =	rddreg [dreg:$0x9]  }
0x6e: {  	[tilespmem:s31], [sflag:$0x1] =	stream.indirect.gather [hbm4b:s4+s10], $0x20, s29, s10, $0xb8;
	[tilespmem:$0xA500] =	vst v63  }
0x6f: {  	s30 =	rddreg [dreg:$0xb]  }
0x70: {  	[tilespmem:s26], [sflag:$0x1] =	stream.indirect.gather [hbm4b:s3+s10], $0x20, s30, s10, $0xb8;
	[tilespmem:$0xA500] =	vst v63  }
0x71: {  	_ = 	snop  }
0x72: {  	[tilespmem:s14], [sflag:$0x1] =	stream.indirect.gather [hbm4b:s4+s10], $0x20, s13, s10, $0xb8;
	[tilespmem:$0xA500] =	vst v63  }
0x73: {  	_ = 	snop  }
0x74: {  	[tilespmem:s16], [sflag:$0x1] =	stream.indirect.gather [hbm4b:s3+s10], $0x20, s15, s10, $0xb8;
	[tilespmem:$0xA500] =	vst v63  }
0x75: {  	_ = 	snop  }
0x76: {  	[tilespmem:s18], [sflag:$0x1] =	stream.indirect.gather [hbm4b:s4+s10], $0x20, s17, s10, $0xb8;
	[tilespmem:$0xA500] =	vst v63  }
0x77: {  	_ =	swait.ge [sflag:s19], $0x1000  }
0x78: {  	[sflag:s19] =	ssyncset.done $0x0  }
0x79: {  	[sflag:s19] =	ssyncadd.s32 $0xFFFFF000  }
0x7a: {  	_ =	swait.ge [sflag:s19], $0x1000  }
0x7b: {  	[sflag:s19] =	ssyncset.done $0x0  }
0x7c: {  	[sflag:s19] =	ssyncadd.s32 $0xFFFFF000  }
0x7d: {  	_ =	swait.ge [sflag:s19], $0x1000  }
0x7e: {  	[sflag:s19] =	ssyncset.done $0x0  }
0x7f: {  	[sflag:s19] =	ssyncadd.s32 $0xFFFFF000  }
0x80: {  	_ =	swait.ge [sflag:s19], $0x1000  }
0x81: {  	[sflag:s19] =	ssyncset.done $0x0  }
0x82: {  	[sflag:s19] =	ssyncadd.s32 $0xFFFFF000  }
0x83: {  	_ =	swait.ge [sflag:s19], $0x1000  }
0x84: {  	[sflag:s19] =	ssyncset.done $0x0  }
0x85: {  	[sflag:s19] =	ssyncadd.s32 $0xFFFFF000  }
0x86: {  	_ =	swait.ge [sflag:s19], $0x1000  }
0x87: {  	[sflag:s19] =	ssyncset.done $0x0  }
0x88: {  	[sflag:s19] =	ssyncadd.s32 $0xFFFFF000  }
0x89: {  	_ =	swait.ge [sflag:s19], $0x1000  }
0x8a: {  	[sflag:s19] =	ssyncset.done $0x0  }
0x8b: {  	[sflag:s19] =	ssyncadd.s32 $0xFFFFF000  }
0x8c: {  	_ =	swait.ge [sflag:s19], $0x1000  }
0x8d: {  	[sflag:s19] =	ssyncset.done $0x0  }
0x8e: {  	[sflag:s19] =	ssyncadd.s32 $0xFFFFF000  }
0x8f: {  	s25 =	smov.u32 s22;
	_ =	swait.ge [sflag:s19], $0x1000  }
0x90: {  	s29 =	sadd.s32 $0xFFFFFFFB, s25;
	[sflag:s19] =	ssyncset.done $0x0  }
0x91: {  	s0 =	smin.u32 s25, s29;
	[sflag:s19] =	ssyncadd.s32 $0xFFFFF000  }
0x92: {  	s0 =	smul.u32 $0x280, s0;
	_ =	swait.ge [sflag:s19], $0x1000  }
0x93: {  	s30 =	rddreg [dreg:$0x3]  }
0x94: {  	p1 =	sgt.u32 s25, $0x4;
	s25 =	simm.s32 $0x40;
	s0 =	sadd.s32 s30, s0  }
0x95: {  	s25 =	simm.s32 @!p1 $0x4;
	s0 =	sshll.u32 s0, $0x7  }
0x96: {  	s0 =	sor.u32 s25, s0  }
0x97: {  	s31 =	rddreg [dreg:$0x2];
	[sflag:s19] =	ssyncset.done $0x0;
	s0 =	sshrl.u32 s0, $0x3  }
0x98: {  	p0 =	sne.s32 s22, $0x9;
	[sflag:s19] =	ssyncadd.s32 $0xFFFFF000;
	s0 =	sadd.s32 s31, s0  }
0x99: {  	[hbm4b:s0+s20] =	stream.strided.scatter [tilespmem:s11], [sflag:$0x2], $0x5000, s10, s20, $0x38;
	[tilespmem:$0xA500] =	vst v63  }
.Ltmp0:
0x9a: {  	_ = 	snop;
	(pc) =	sbr.rel @p0 .LBB2_2-.Ltmp0, $4  }
0x9b: {  	_ =	swait.ge [sflag:s8], $0x5000  }
0x9c: {  	[sflag:s8] =	ssyncset.done $0x0  }
0x9d: {  	s22 =	sadd.s32 $0x1, s22;
	s0 =	sadd.s32 $0x4, s0;
	[sflag:s8] =	ssyncadd.s32 $0xFFFFB000  }
0x9e: {  	[hbm4b:s0+s20] =	stream.strided.scatter [tilespmem:s12], [sflag:$0x2], $0x5000, s10, s20, $0x38;
	[tilespmem:$0xA500] =	vst v63  }
0x9f: {  	s21 =	sadd.s32 $0x1, s21  }
0xa0: {  	p0 =	sne.s32 s21, s5  }
.Ltmp1:
0xa1: {  	_ = 	snop;
	(pc) =	sbr.rel @p0 .LBB2_1-.Ltmp1, $4  }
0xa2: {  	_ = 	snop  }
0xa3: {  	_ =	swait.ge [sflag:s8], $0x5000  }
0xa4: {  	[sflag:s8] =	ssyncset.done $0x0  }
0xa5: {  	[sflag:s8] =	ssyncadd.s32 $0xFFFFB000  }
0xa6: {  	_ =	sfence.sel $0x180000  }
0xa7: {  	[bflag:$0x0] =	sbarrier.arrive $0xFFFF  }
0xa8: {  	_ =	strace $0x9000004A  }
0xa9: {  	[bflag:$0x2] =	sbarrier.arrive $0xFFFF  }
0xaa: {  	p0 =	sne.s32 s1, $0x0;
	s0 =	rddreg [dreg:$0x1]  }
0xab: {  	s0 =	sadd.s32 @!p0 $0x100000, s0  }
0xac: {  	[sflag:s0] =	ssyncadd.tile.s32 @!p0 $0x1;
	_ =	shalt  }
.Lfunc_end2:
_tile_overlayer_lowered:
.L_overlay_start_2:
0xad: {  	(tag) =	ssettag $0x2  }
0xae: {  	s0 =	rddreg [dreg:$0x0];
	s2 =	stileid.u32  }
0xaf: {  	s1 =	rddreg [dreg:$0x1];
	p0 =	sne.s32 s2, $0x0  }
0xb0: {  	s3 =	rddreg [dreg:$0x2];
	[bflag:$0x3] =	sbarrier.arrive $0xFFFF;
	s2 =	simm.s32 @!p0 $0x1C02  }
0xb1: {  	[timem:s3], [sflag:s2] =	dma.local @!p0 [hbm:s0], s1  }
0xb2: {  	s0 =	simm.s32 @!p0 $0x2  }
0xb3: {  	_ =	swait.ge @!p0 [sflag:s0], s1  }
0xb4: {  	s1 =	ssub.s32 @!p0 $0x0, s1;
	[sflag:s0] =	ssyncset.done @!p0 $0x0  }
0xb5: {  	[sflag:s0] =	ssyncadd.s32 @!p0 s1  }
0xb6: {  	[bflag:$0x3] =	sbarrier.arrive $0xFFFF  }
0xb7: {  	_ =	shalt  }

// kernel: kernel.18.cloned.1.call-start
scs
__scs_entry_jumppad:
0x0: {  	(pc) =	sbr.rel $0x88, $3  }
0x1: {  	(tag) =	ssettag $0x0;
	lr =	simm.s32 $0x1  }
0x2: {  	[smem:$0x3F9B] =	sst lr;
	_ =	strace $0xD0000000  }
0x3: {  	_ = 	snop  }
0x4: {  	_ = 	snop  }
0x5: {  	_ = 	snop  }
0x6: {  	_ = 	snop  }
0x7: {  	_ = 	snop  }
__scs_overlays_trampoline_lowered:
0x8: {  	[smem:$0x3FAA] =	sst s0  }
0x9: {  	[smem:$0x3FAB] =	sst s1  }
0xa: {  	[smem:$0x3FAC] =	sst s2  }
0xb: {  	[smem:$0x3FAD] =	sst s3  }
0xc: {  	[smem:$0x3FAE] =	sst s4  }
0xd: {  	[smem:$0x3FAF] =	sst s5  }
0xe: {  	[smem:$0x3FB0] =	sst s6  }
0xf: {  	[smem:$0x3FB1] =	sst s7  }
0x10: {  	[smem:$0x3FB2] =	sst s8  }
0x11: {  	[smem:$0x3FB3] =	sst s9;
	s0 =	simm.s32 @!p0 $0x0  }
0x12: {  	s1 =	sld [smem:$0x3F99];
	s0 =	simm.s32 @p0 $0x1  }
0x13: {  	[smem:$0x3FB4] =	sst s0;
	s0 =	simm.s32 @!p1 $0x0  }
0x14: {  	s2 =	sld [smem:$0x3F98];
	s0 =	simm.s32 @p1 $0x1  }
0x15: {  	[smem:$0x3FB5] =	sst s0;
	s0 =	simm.s32 @!p2 $0x0  }
0x16: {  	s3 =	sld [smem:$0x3FDB];
	s0 =	simm.s32 @p2 $0x1  }
0x17: {  	s4 =	simm.s32 $0x1BF5;
	[smem:$0x3FB7] =	sst s0  }
0x18: {  	s0 =	sld [smem:$0x3F9A];
	_ =	swait.ge [sflag:s4], $0x0  }
0x19: {  	s7 =	sld [smem:$0x3F9B]  }
0x1a: {  	s8 =	sadd.s32 $0xFFFFE003, lr  }
0x1b: {  	s9 =	sadd.s32 $0xFFFFFEF7, lr;
	s5 =	simm.s32 $0xFFFFFFFF;
	p2 =	slt.u32 s8, $0xFFFFF086  }
0x1c: {  	p1 =	slt.u32 s9, $0xF7A;
	s5 =	simm.s32 @!p2 $0x0  }
0x1d: {  	s5 =	simm.s32 @p1 $0x1;
	p0 =	seq.s32 s7, s2  }
0x1e: {  	s7 =	smul.u32 @!p0 $0xF7A, s2;
	p2 =	seq.s32 @!p0 s5, $0x0  }
0x1f: {  	s9 =	smul.u32 $0xF7A, s1;
	s8 =	simm.s32 @!p0 $0x1BF5;
	p2 =	por !p2, p0  }
0x20: {  	[sflag:s8] =	ssyncset.s32 @!p0 $0xFFFFF086;
	s6 =	sadd.s32 @!p0 s3, s7;
	s7 =	simm.s32 @!p0 $0x108  }
0x21: {  	s3 =	sadd.s32 s3, s9;
	s6 =	sadd.s32 @!p0 $0x88, s6;
	s7 =	simm.s32 @p2 $0x1082  }
0x22: {  	[simem:s7], [sflag:s8] =	dma.local @!p0 [hbm:s6], $0xF7A  }
0x23: {  	s9 =	sor.u32 $0xD0000000, s2;
	s6 =	simm.s32 $0x108;
	_ =	swait.ge @!p0 [sflag:s8], $0x0  }
0x24: {  	s3 =	sadd.s32 $0x88, s3;
	s6 =	simm.s32 @!p1 $0x1082;
	[sflag:s4] =	ssyncset.s32 $0xFFFFF086  }
0x25: {  	[simem:s6], [sflag:s4] =	dma.local [hbm:s3], $0xF7A  }
0x26: {  	[smem:$0x3F9B] =	sst s1;
	(tag) =	ssettag s2;
	_ =	strace s9  }
0x27: {  	s1 =	sld [smem:$0x3FAB]  }
0x28: {  	s2 =	sld [smem:$0x3FAC]  }
0x29: {  	s4 =	sld [smem:$0x3FAE]  }
0x2a: {  	p0 =	seq.s32 s5, $0x0;
	s5 =	sld [smem:$0x3FAF]  }
0x2b: {  	s6 =	sld [smem:$0x3FB0]  }
0x2c: {  	s7 =	sld [smem:$0x3FB1]  }
0x2d: {  	s3 =	simm.s32 $0x108;
	s8 =	sld [smem:$0x3FB2]  }
0x2e: {  	s3 =	simm.s32 @!p0 $0x1082;
	s9 =	sld [smem:$0x3FB3]  }
0x2f: {  	lr =	sadd.s32 s0, s3;
	s0 =	sld [smem:$0x3FAA]  }
0x30: {  	s3 =	sld [smem:$0x3FAD]  }
0x31: {  	[smem:$0x3FB6] =	sst s10  }
0x32: {  	s10 =	sld [smem:$0x3FB4];
	_ =	sdelay $0x3  }
0x33: {  	p0 =	seq.s32 s10, $0x1;
	s10 =	sld [smem:$0x3FB6];
	_ =	sdelay $0x3  }
0x34: {  	[smem:$0x3FB6] =	sst s10  }
0x35: {  	s10 =	sld [smem:$0x3FB5];
	_ =	sdelay $0x3  }
0x36: {  	p1 =	seq.s32 s10, $0x1;
	s10 =	sld [smem:$0x3FB6];
	_ =	sdelay $0x3  }
0x37: {  	[smem:$0x3FB6] =	sst s10  }
0x38: {  	s10 =	sld [smem:$0x3FB7]  }
0x39: {  	_ = 	snop;
	(pc) =	sbr.ind lr, $3  }
0x3a: {  	_ = 	snop  }
0x3b: {  	_ = 	snop  }
0x3c: {  	p2 =	seq.s32 s10, $0x1;
	s10 =	sld [smem:$0x3FB6]  }
0x3d: {  	_ =	shalt  }
0x3e: {  	_ =	shalt  }
0x3f: {  	_ =	shalt  }
0x40: {  	_ =	shalt  }
0x41: {  	_ =	shalt  }
0x42: {  	_ =	shalt  }
0x43: {  	_ =	shalt  }
0x44: {  	_ =	shalt  }
0x45: {  	_ =	shalt  }
0x46: {  	_ =	shalt  }
0x47: {  	_ =	shalt  }
0x48: {  	_ =	shalt  }
0x49: {  	_ =	shalt  }
0x4a: {  	_ =	shalt  }
0x4b: {  	_ =	shalt  }
0x4c: {  	_ =	shalt  }
0x4d: {  	_ =	shalt  }
0x4e: {  	_ =	shalt  }
0x4f: {  	_ =	shalt  }
0x50: {  	_ =	shalt  }
0x51: {  	_ =	shalt  }
0x52: {  	_ =	shalt  }
0x53: {  	_ =	shalt  }
0x54: {  	_ =	shalt  }
0x55: {  	_ =	shalt  }
0x56: {  	_ =	shalt  }
0x57: {  	_ =	shalt  }
0x58: {  	_ =	shalt  }
0x59: {  	_ =	shalt  }
0x5a: {  	_ =	shalt  }
0x5b: {  	_ =	shalt  }
0x5c: {  	_ =	shalt  }
0x5d: {  	_ =	shalt  }
0x5e: {  	_ =	shalt  }
0x5f: {  	_ =	shalt  }
0x60: {  	_ =	shalt  }
0x61: {  	_ =	shalt  }
0x62: {  	_ =	shalt  }
0x63: {  	_ =	shalt  }
0x64: {  	_ =	shalt  }
0x65: {  	_ =	shalt  }
0x66: {  	_ =	shalt  }
0x67: {  	_ =	shalt  }
0x68: {  	_ =	shalt  }
0x69: {  	_ =	shalt  }
0x6a: {  	_ =	shalt  }
0x6b: {  	_ =	shalt  }
0x6c: {  	_ =	shalt  }
0x6d: {  	_ =	shalt  }
0x6e: {  	_ =	shalt  }
0x6f: {  	_ =	shalt  }
0x70: {  	_ =	shalt  }
0x71: {  	_ =	shalt  }
0x72: {  	_ =	shalt  }
0x73: {  	_ =	shalt  }
0x74: {  	_ =	shalt  }
0x75: {  	_ =	shalt  }
0x76: {  	_ =	shalt  }
0x77: {  	_ =	shalt  }
0x78: {  	_ =	shalt  }
0x79: {  	_ =	shalt  }
0x7a: {  	_ =	shalt  }
0x7b: {  	_ =	shalt  }
0x7c: {  	_ =	shalt  }
0x7d: {  	_ =	shalt  }
0x7e: {  	_ =	shalt  }
0x7f: {  	_ =	shalt  }
0x80: {  	_ =	shalt  }
0x81: {  	_ =	shalt  }
0x82: {  	_ =	shalt  }
0x83: {  	_ =	shalt  }
0x84: {  	_ =	shalt  }
0x85: {  	_ =	shalt  }
0x86: {  	_ =	shalt  }
0x87: {  	_ =	shalt  }
.Lfunc_end0:
.L_simem_size_0:
called_computation.2_lowered:
.L_overlay_start_0:
0x88: {  	s2 =	sld [smem:$0x3FD9]  }
0x89: {  	s3 =	sld [smem:$0x3FFE];
	_ =	sdelay $0x1  }
0x8a: {  	s1 =	srdreg.scid  }
0x8b: {  	s0 =	sand.u32 $0x1, s1  }
0x8c: {  	s17 =	sshll.u32 s0, $0xA;
	s2 =	sadd.s32 s3, s2  }
0x8d: {  	s2 =	sadd.s32 s2, s17  }
0x8e: {  	[smem:$0x3FC2] =	sst s2  }
0x8f: {  	_ = 	snop  }
0x90: {  	(tm) =	ssettm $0x1  }
0x91: {  	s18 =	sld [smem:$0x3FFB];
	_ =	sdelay $0x3  }
0x92: {  	_ =	strace s18  }
0x93: {  	s2 =	sld [smem:$0x3FFC];
	_ =	sdelay $0x3  }
0x94: {  	_ =	strace s2  }
0x95: {  	s2 =	sld [smem:$0x3FFD];
	_ =	sdelay $0x3  }
0x96: {  	_ =	strace s2  }
0x97: {  	_ =	strace $0x8FFFFFFF  }
0x98: {  	s19 =	sld [smem:$0x3FDB];
	_ =	sdelay $0x1  }
0x99: {  	s20 =	simm.s32 $_scs_section_size  }
0x9a: {  	s4 =	simm.s32 $_size__tile_overlayer_lowered;
	s5 =	simm.s32 $_tile_overlayer_lowered  }
0x9b: {  	s6 =	simm.s32 $0x1BFF;
	s21 =	sshll.u32 s5, $0x1;
	s3 =	sadd.s32 s20, s19  }
0x9c: {  	s22 =	simm.s32 $0x0;
	s4 =	sshll.u32 s4, $0x1;
	s5 =	sadd.s32 s21, s3  }
0x9d: {  	[timem:s22], [sflag:s6] =	dma.local [hbm:s5], s4  }
0x9e: {  	_ =	swait.ge [sflag:s6], s4  }
0x9f: {  	s4 =	ssub.s32 $0x0, s4;
	[sflag:s6] =	ssyncset.done $0x0  }
0xa0: {  	[sflag:s6] =	ssyncadd.s32 s4;
	_ =	sdelay $0x1  }
0xa1: {  	s23 =	simm.s32 $0x1B8B  }
0xa2: {  	_ =	swait.ge [sflag:s23], $0x1  }
0xa3: {  	[sflag:s23] =	ssyncset.done $0x0  }
0xa4: {  	[sflag:s23] =	ssyncadd.s32 $0xFFFFFFFF  }
0xa5: {  	s4 =	sld [smem:$0x0]  }
0xa6: {  	s5 =	sand.u32 $0xFFFFFFFE, s1  }
0xa7: {  	p0 =	sne.s32 s1, s5  }
0xa8: {  	s5 =	sshll.u32 @p0 s5, $0xE  }
0xa9: {  	s5 =	sadd.s32 @p0 $0x11B8D, s5;
	s6 =	sshll.u32 @p0 s4, $0x11  }
0xaa: {  	s5 =	sor.u32 @p0 s6, s5  }
0xab: {  	[sflag:s5] =	ssyncadd.remote.s32 @p0 $0x1;
	_ =	sdelay $0x1  }
0xac: {  	s5 =	simm.s32 @p0 $0x1B8D  }
0xad: {  	_ =	swait.eq @p0 [sflag:s5], $0x1  }
0xae: {  	[sflag:s5] =	ssyncadd.s32 @p0 $0xFFFFFFFF  }
0xaf: {  	s6 =	sshll.u32 @!p0 s1, $0xE  }
0xb0: {  	s6 =	sor.u32 @!p0 $0x4000, s6;
	s5 =	simm.s32 @!p0 $0x1B8D  }
0xb1: {  	s4 =	sshll.u32 @!p0 s4, $0x11;
	s6 =	sadd.s32 @!p0 $0x11B8D, s6;
	_ =	swait.eq @!p0 [sflag:s5], $0x1  }
0xb2: {  	s4 =	sor.u32 @!p0 s4, s6;
	[sflag:s5] =	ssyncadd.s32 @!p0 $0xFFFFFFFF  }
0xb3: {  	s25 =	simm.s32 $0x1B8E;
	s24 =	sld [smem:$0x3FFE];
	[sflag:s4] =	ssyncadd.remote.s32 @!p0 $0x1  }
0xb4: {  	s26 =	simm.s32 $execute0_lowered;
	[smem:$0x3FD2] =	sst s25  }
0xb5: {  	s5 =	sshll.u32 s26, $0x1;
	_ =	strace $0x8000004C;
	[dreg:$0x1] =	wrdreg $0xFFFFFFFF  }
0xb6: {  	s28 =	simm.s32 $_size_execute0_lowered;
	s3 =	sadd.s32 s3, s5;
	[dreg:$0x0] =	wrdreg $0x0  }
0xb7: {  	s5 =	sshll.u32 s28, $0x1;
	[dreg:$0x2] =	wrdreg s3  }
0xb8: {  	[dreg:$0x3] =	wrdreg s5  }
0xb9: {  	[dreg:$0x4] =	wrdreg $0xC0  }
0xba: {  	_ =	task [dreg:s22], $0x5FFFF  }
0xbb: {  	[dreg:$0x1] =	wrdreg $0xFFFFFFFF  }
0xbc: {  	[dreg:$0x0] =	wrdreg $0x60  }
0xbd: {  	[dreg:$0x2] =	wrdreg s24  }
0xbe: {  	[dreg:$0x3] =	wrdreg $0xB  }
0xbf: {  	_ =	task.clear_ibuf [dreg:s22], $0x4FFFF;
	_ =	strace $0x9000004C  }
0xc0: {  	s29 =	simm.s32 $0xB;
	_ =	strace $0x8000004E  }
0xc1: {  	_ =	swait.ge [sflag:s29], $0x1  }
0xc2: {  	[sflag:s29] =	ssyncadd.s32 $0xFFFFFFFF  }
0xc3: {  	_ =	strace $0x9000004E  }
0xc4: {  	_ =	sfence  }
0xc5: {  	s30 =	sld [smem:$0x0];
	_ =	sdelay $0x2  }
0xc6: {  	s31 =	sshll.u32 s1, $0xD;
	s1 =	sshrl.u32 s1, $0x2  }
0xc7: {  	s4 =	sand.u32 $0x4000, s31;
	s1 =	sadd.s32 s1, s30  }
0xc8: {  	s0 =	sor.u32 s4, s0;
	s1 =	sshll.u32 s1, $0x11  }
0xc9: {  	s0 =	sor.u32 s1, s0  }
0xca: {  	s0 =	sadd.s32 $0x8F2B, s0  }
0xcb: {  	[sflag:s0] =	ssyncadd.remote.s32 $0x1  }
0xcc: {  	_ =	sfence.sel $0xFFFF  }
0xcd: {  	[dreg:$0x0] =	wrdreg $0xFFFFFFFF;
	(pc) =	sbr.abs _section_cstart, $3  }
0xce: {  	[dreg:$0x1] =	wrdreg $0xFFFFFFFF  }
0xcf: {  	_ =	task.clear_ibuf [dreg:s22], $0x2FFFF;
	_ =	strace $0x9FFFFFFF  }
0xd0: {  	(tm) =	ssettm $0x7FFFFFFF  }
0xd1: {  	_ =	shalt  }
tec
execute0_lowered:
.L_overlay_start_1:
0x0: {  	(tag) =	ssettag $0x1  }
0x1: {  	s4 =	rddreg [dreg:$0x0];
	s2 =	simm.s32 $0x0;
	s1 =	stileid.u32  }
0x2: {  	s5 =	srdreg.scid;
	s24 =	simm.s32 $0x1500;
	s26 =	simm.s32 $0x300  }
0x3: {  	s28 =	simm.s32 $0x6500;
	s29 =	simm.s32 $0x100;
	s30 =	simm.s32 $0x2500  }
0x4: {  	s31 =	simm.s32 $0x380;
	s10 =	simm.s32 $0x7500;
	s11 =	simm.s32 $0x180  }
0x5: {  	s13 =	simm.s32 $0x3500;
	[smem:$0x7FF] =	sst s2;
	s8 =	sadd.s32 $0x798200, s4  }
0x6: {  	s12 =	simm.s32 $0x5500;
	_ =	strace $0x8000004D;
	[dreg:$0x2] =	wrdreg s8  }
0x7: {  	s14 =	simm.s32 $0x8500;
	s15 =	simm.s32 $0x200;
	[dreg:$0x4] =	wrdreg s24  }
0x8: {  	s16 =	simm.s32 $0x4500;
	s17 =	simm.s32 $0x480;
	[dreg:$0x5] =	wrdreg s26  }
0x9: {  	s18 =	simm.s32 $0x9500;
	s19 =	simm.s32 $0x1;
	[dreg:$0x6] =	wrdreg s28  }
0xa: {  	s20 =	simm.s32 $0x20;
	s21 =	simm.s32 $0x0;
	[dreg:$0x7] =	wrdreg s29  }
0xb: {  	s5 =	sand.u32 $0x1, s5;
	s6 =	sshll.u32 s1, $0x1;
	[dreg:$0x8] =	wrdreg s30  }
0xc: {  	s3 =	smul.u32 $0x640, s1;
	s6 =	sor.u32 s5, s6;
	[dreg:$0x9] =	wrdreg s31  }
0xd: {  	s9 =	ssub.s32 $0x2, s5;
	s25 =	smul.u32 $0x320, s5;
	[dreg:$0xa] =	wrdreg s10  }
0xe: {  	s10 =	simm.s32 $0x80;
	[dreg:$0xb] =	wrdreg s11;
	s11 =	simm.s32 $0x500  }
0xf: {  	[dreg:$0xc] =	wrdreg s13;
	s13 =	simm.s32 $0x400;
	s7 =	sadd.s32 s3, s4  }
0x10: {  	s3 =	sadd.s32 $0x98200, s4;
	s6 =	smul.u32 $0xC80, s6;
	s23 =	sshrl.u32 s9, $0x1  }
0x11: {  	s4 =	sadd.s32 $0x28200, s4;
	s8 =	ssub.s32 s9, s23;
	s7 =	sadd.s32 s25, s7  }
0x12: {  	s9 =	simm.s32 $0x280;
	[dreg:$0x3] =	wrdreg s6;
	s5 =	smax.u32 s8, $0x1  }
0x13: {  	s6 =	sadd.s32 $0x1BA00, s7;
	s7 =	sadd.s32 $0x8E00, s7;
	s8 =	simm.s32 $0x2  }
.LBB2_1:
0x14: {  	[tilespmem:s2], [sflag:$0x2] =	stream.linear.gather [hbm4b:s7+s2], $0x280, $0x38;
	[tilespmem:$0xA500] =	vst v63  }
0x15: {  	_ =	swait.ge [sflag:s8], $0x280  }
0x16: {  	[sflag:s8] =	ssyncset.done $0x0  }
0x17: {  	[sflag:s8] =	ssyncadd.s32 $0xFFFFFD80  }
0x18: {  	[tilespmem:s9], [sflag:$0x2] =	stream.linear.gather [hbm4b:s6+s2], $0x280, $0x38;
	[tilespmem:$0xA500] =	vst v63  }
0x19: {  	_ =	swait.ge [sflag:s8], $0x280  }
0x1a: {  	s22 =	rddreg [dreg:$0xc]  }
0x1b: {  	s23 =	rddreg [dreg:$0x4];
	[sflag:s8] =	ssyncset.done $0x0  }
0x1c: {  	s24 =	rddreg [dreg:$0x6];
	[sflag:s8] =	ssyncadd.s32 $0xFFFFFD80  }
0x1d: {  	[tilespmem:s11], [sflag:$0x1] =	stream.indirect.gather [hbm4b:s3+s10], $0x20, s2, s10, $0xb8;
	[tilespmem:$0xA500] =	vst v63  }
0x1e: {  	s25 =	rddreg [dreg:$0x8]  }
0x1f: {  	[tilespmem:s12], [sflag:$0x1] =	stream.indirect.gather [hbm4b:s4+s10], $0x20, s9, s10, $0xb8;
	[tilespmem:$0xA500] =	vst v63  }
0x20: {  	s26 =	rddreg [dreg:$0xa]  }
0x21: {  	[tilespmem:s23], [sflag:$0x1] =	stream.indirect.gather [hbm4b:s3+s10], $0x20, s10, s10, $0xb8;
	[tilespmem:$0xA500] =	vst v63  }
0x22: {  	s28 =	rddreg [dreg:$0x5]  }
0x23: {  	[tilespmem:s24], [sflag:$0x1] =	stream.indirect.gather [hbm4b:s4+s10], $0x20, s28, s10, $0xb8;
	[tilespmem:$0xA500] =	vst v63  }
0x24: {  	s31 =	rddreg [dreg:$0x7]  }
0x25: {  	[tilespmem:s25], [sflag:$0x1] =	stream.indirect.gather [hbm4b:s3+s10], $0x20, s31, s10, $0xb8;
	[tilespmem:$0xA500] =	vst v63  }
0x26: {  	s0 =	rddreg [dreg:$0x9]  }
0x27: {  	[tilespmem:s26], [sflag:$0x1] =	stream.indirect.gather [hbm4b:s4+s10], $0x20, s0, s10, $0xb8;
	[tilespmem:$0xA500] =	vst v63  }
0x28: {  	s28 =	rddreg [dreg:$0xb]  }
0x29: {  	[tilespmem:s22], [sflag:$0x1] =	stream.indirect.gather [hbm4b:s3+s10], $0x20, s28, s10, $0xb8;
	[tilespmem:$0xA500] =	vst v63  }
0x2a: {  	_ = 	snop  }
0x2b: {  	[tilespmem:s14], [sflag:$0x1] =	stream.indirect.gather [hbm4b:s4+s10], $0x20, s13, s10, $0xb8;
	[tilespmem:$0xA500] =	vst v63  }
0x2c: {  	_ = 	snop  }
0x2d: {  	[tilespmem:s16], [sflag:$0x1] =	stream.indirect.gather [hbm4b:s3+s10], $0x20, s15, s10, $0xb8;
	[tilespmem:$0xA500] =	vst v63  }
0x2e: {  	_ = 	snop  }
0x2f: {  	[tilespmem:s18], [sflag:$0x1] =	stream.indirect.gather [hbm4b:s4+s10], $0x20, s17, s10, $0xb8;
	[tilespmem:$0xA500] =	vst v63  }
0x30: {  	_ =	swait.ge [sflag:s19], $0x1000  }
0x31: {  	[sflag:s19] =	ssyncset.done $0x0  }
0x32: {  	[sflag:s19] =	ssyncadd.s32 $0xFFFFF000  }
0x33: {  	_ =	swait.ge [sflag:s19], $0x1000  }
0x34: {  	[sflag:s19] =	ssyncset.done $0x0  }
0x35: {  	[sflag:s19] =	ssyncadd.s32 $0xFFFFF000  }
0x36: {  	_ =	swait.ge [sflag:s19], $0x1000  }
0x37: {  	[sflag:s19] =	ssyncset.done $0x0  }
0x38: {  	[sflag:s19] =	ssyncadd.s32 $0xFFFFF000  }
0x39: {  	_ =	swait.ge [sflag:s19], $0x1000  }
0x3a: {  	[sflag:s19] =	ssyncset.done $0x0  }
0x3b: {  	[sflag:s19] =	ssyncadd.s32 $0xFFFFF000  }
0x3c: {  	_ =	swait.ge [sflag:s19], $0x1000  }
0x3d: {  	[sflag:s19] =	ssyncset.done $0x0  }
0x3e: {  	[sflag:s19] =	ssyncadd.s32 $0xFFFFF000  }
0x3f: {  	_ =	swait.ge [sflag:s19], $0x1000  }
0x40: {  	[sflag:s19] =	ssyncset.done $0x0  }
0x41: {  	[sflag:s19] =	ssyncadd.s32 $0xFFFFF000  }
0x42: {  	_ =	swait.ge [sflag:s19], $0x1000  }
0x43: {  	[sflag:s19] =	ssyncset.done $0x0  }
0x44: {  	[sflag:s19] =	ssyncadd.s32 $0xFFFFF000  }
0x45: {  	_ =	swait.ge [sflag:s19], $0x1000  }
0x46: {  	[sflag:s19] =	ssyncset.done $0x0  }
0x47: {  	[sflag:s19] =	ssyncadd.s32 $0xFFFFF000  }
0x48: {  	_ =	swait.ge [sflag:s19], $0x1000  }
0x49: {  	s29 =	simm.s32 $0xFFFFFFFB;
	[sflag:s19] =	ssyncset.done $0x0  }
0x4a: {  	s22 =	smin.u32 s2, s29;
	[sflag:s19] =	ssyncadd.s32 $0xFFFFF000  }
0x4b: {  	s22 =	smul.u32 $0x280, s22;
	_ =	swait.ge [sflag:s19], $0x1000  }
0x4c: {  	s30 =	rddreg [dreg:$0x3]  }
0x4d: {  	p0 =	por $0x0, $0x0;
	s23 =	simm.s32 $0x40;
	s22 =	sadd.s32 s30, s22  }
0x4e: {  	s23 =	simm.s32 @!p0 $0x4;
	s22 =	sshll.u32 s22, $0x7  }
0x4f: {  	s22 =	sor.u32 s23, s22  }
0x50: {  	s31 =	rddreg [dreg:$0x2];
	[sflag:s19] =	ssyncset.done $0x0;
	s22 =	sshrl.u32 s22, $0x3  }
0x51: {  	[sflag:s19] =	ssyncadd.s32 $0xFFFFF000;
	s22 =	sadd.s32 s31, s22  }
0x52: {  	[hbm4b:s22+s20] =	stream.strided.scatter [tilespmem:s11], [sflag:$0x2], $0x5000, s10, s20, $0x38;
	[tilespmem:$0xA500] =	vst v63  }
0x53: {  	_ =	swait.ge [sflag:s8], $0x5000  }
0x54: {  	[sflag:s8] =	ssyncset.done $0x0  }
0x55: {  	s22 =	sadd.s32 $0x4, s22;
	[sflag:s8] =	ssyncadd.s32 $0xFFFFB000  }
0x56: {  	[hbm4b:s22+s20] =	stream.strided.scatter [tilespmem:s12], [sflag:$0x2], $0x5000, s10, s20, $0x38;
	[tilespmem:$0xA500] =	vst v63  }
0x57: {  	s24 =	smov.u32 s7;
	s23 =	smov.u32 s6;
	s22 =	simm.s32 $0x1  }
.LBB2_2:
0x58: {  	_ =	swait.ge [sflag:s8], $0x5000  }
0x59: {  	[sflag:s8] =	ssyncset.done $0x0  }
0x5a: {  	s24 =	sadd.s32 $0x50, s24;
	[sflag:s8] =	ssyncadd.s32 $0xFFFFB000  }
0x5b: {  	[tilespmem:s2], [sflag:$0x2] =	stream.linear.gather [hbm4b:s24+s2], $0x280, $0x38;
	[tilespmem:$0xA500] =	vst v63  }
0x5c: {  	_ =	swait.ge [sflag:s8], $0x280  }
0x5d: {  	[sflag:s8] =	ssyncset.done $0x0  }
0x5e: {  	s23 =	sadd.s32 $0x50, s23;
	[sflag:s8] =	ssyncadd.s32 $0xFFFFFD80  }
0x5f: {  	[tilespmem:s9], [sflag:$0x2] =	stream.linear.gather [hbm4b:s23+s2], $0x280, $0x38;
	[tilespmem:$0xA500] =	vst v63  }
0x60: {  	_ =	swait.ge [sflag:s8], $0x280  }
0x61: {  	s26 =	rddreg [dreg:$0xc]  }
0x62: {  	[sflag:s8] =	ssyncset.done $0x0;
	s28 =	rddreg [dreg:$0x4]  }
0x63: {  	s29 =	rddreg [dreg:$0x6];
	[sflag:s8] =	ssyncadd.s32 $0xFFFFFD80  }
0x64: {  	[tilespmem:s11], [sflag:$0x1] =	stream.indirect.gather [hbm4b:s3+s10], $0x20, s2, s10, $0xb8;
	[tilespmem:$0xA500] =	vst v63  }
0x65: {  	s30 =	rddreg [dreg:$0x8]  }
0x66: {  	[tilespmem:s12], [sflag:$0x1] =	stream.indirect.gather [hbm4b:s4+s10], $0x20, s9, s10, $0xb8;
	[tilespmem:$0xA500] =	vst v63  }
0x67: {  	s31 =	rddreg [dreg:$0xa]  }
0x68: {  	[tilespmem:s28], [sflag:$0x1] =	stream.indirect.gather [hbm4b:s3+s10], $0x20, s10, s10, $0xb8;
	[tilespmem:$0xA500] =	vst v63  }
0x69: {  	s0 =	rddreg [dreg:$0x5]  }
0x6a: {  	[tilespmem:s29], [sflag:$0x1] =	stream.indirect.gather [hbm4b:s4+s10], $0x20, s0, s10, $0xb8;
	[tilespmem:$0xA500] =	vst v63  }
0x6b: {  	s28 =	rddreg [dreg:$0x7]  }
0x6c: {  	[tilespmem:s30], [sflag:$0x1] =	stream.indirect.gather [hbm4b:s3+s10], $0x20, s28, s10, $0xb8;
	[tilespmem:$0xA500] =	vst v63  }
0x6d: {  	s29 =	rddreg [dreg:$0x9]  }
0x6e: {  	[tilespmem:s31], [sflag:$0x1] =	stream.indirect.gather [hbm4b:s4+s10], $0x20, s29, s10, $0xb8;
	[tilespmem:$0xA500] =	vst v63  }
0x6f: {  	s30 =	rddreg [dreg:$0xb]  }
0x70: {  	[tilespmem:s26], [sflag:$0x1] =	stream.indirect.gather [hbm4b:s3+s10], $0x20, s30, s10, $0xb8;
	[tilespmem:$0xA500] =	vst v63  }
0x71: {  	_ = 	snop  }
0x72: {  	[tilespmem:s14], [sflag:$0x1] =	stream.indirect.gather [hbm4b:s4+s10], $0x20, s13, s10, $0xb8;
	[tilespmem:$0xA500] =	vst v63  }
0x73: {  	_ = 	snop  }
0x74: {  	[tilespmem:s16], [sflag:$0x1] =	stream.indirect.gather [hbm4b:s3+s10], $0x20, s15, s10, $0xb8;
	[tilespmem:$0xA500] =	vst v63  }
0x75: {  	_ = 	snop  }
0x76: {  	[tilespmem:s18], [sflag:$0x1] =	stream.indirect.gather [hbm4b:s4+s10], $0x20, s17, s10, $0xb8;
	[tilespmem:$0xA500] =	vst v63  }
0x77: {  	_ =	swait.ge [sflag:s19], $0x1000  }
0x78: {  	[sflag:s19] =	ssyncset.done $0x0  }
0x79: {  	[sflag:s19] =	ssyncadd.s32 $0xFFFFF000  }
0x7a: {  	_ =	swait.ge [sflag:s19], $0x1000  }
0x7b: {  	[sflag:s19] =	ssyncset.done $0x0  }
0x7c: {  	[sflag:s19] =	ssyncadd.s32 $0xFFFFF000  }
0x7d: {  	_ =	swait.ge [sflag:s19], $0x1000  }
0x7e: {  	[sflag:s19] =	ssyncset.done $0x0  }
0x7f: {  	[sflag:s19] =	ssyncadd.s32 $0xFFFFF000  }
0x80: {  	_ =	swait.ge [sflag:s19], $0x1000  }
0x81: {  	[sflag:s19] =	ssyncset.done $0x0  }
0x82: {  	[sflag:s19] =	ssyncadd.s32 $0xFFFFF000  }
0x83: {  	_ =	swait.ge [sflag:s19], $0x1000  }
0x84: {  	[sflag:s19] =	ssyncset.done $0x0  }
0x85: {  	[sflag:s19] =	ssyncadd.s32 $0xFFFFF000  }
0x86: {  	_ =	swait.ge [sflag:s19], $0x1000  }
0x87: {  	[sflag:s19] =	ssyncset.done $0x0  }
0x88: {  	[sflag:s19] =	ssyncadd.s32 $0xFFFFF000  }
0x89: {  	_ =	swait.ge [sflag:s19], $0x1000  }
0x8a: {  	[sflag:s19] =	ssyncset.done $0x0  }
0x8b: {  	[sflag:s19] =	ssyncadd.s32 $0xFFFFF000  }
0x8c: {  	_ =	swait.ge [sflag:s19], $0x1000  }
0x8d: {  	[sflag:s19] =	ssyncset.done $0x0  }
0x8e: {  	[sflag:s19] =	ssyncadd.s32 $0xFFFFF000  }
0x8f: {  	s25 =	smov.u32 s22;
	_ =	swait.ge [sflag:s19], $0x1000  }
0x90: {  	s29 =	sadd.s32 $0xFFFFFFFB, s25;
	[sflag:s19] =	ssyncset.done $0x0  }
0x91: {  	s0 =	smin.u32 s25, s29;
	[sflag:s19] =	ssyncadd.s32 $0xFFFFF000  }
0x92: {  	s0 =	smul.u32 $0x280, s0;
	_ =	swait.ge [sflag:s19], $0x1000  }
0x93: {  	s30 =	rddreg [dreg:$0x3]  }
0x94: {  	p1 =	sgt.u32 s25, $0x4;
	s25 =	simm.s32 $0x40;
	s0 =	sadd.s32 s30, s0  }
0x95: {  	s25 =	simm.s32 @!p1 $0x4;
	s0 =	sshll.u32 s0, $0x7  }
0x96: {  	s0 =	sor.u32 s25, s0  }
0x97: {  	s31 =	rddreg [dreg:$0x2];
	[sflag:s19] =	ssyncset.done $0x0;
	s0 =	sshrl.u32 s0, $0x3  }
0x98: {  	p0 =	sne.s32 s22, $0x9;
	[sflag:s19] =	ssyncadd.s32 $0xFFFFF000;
	s0 =	sadd.s32 s31, s0  }
0x99: {  	[hbm4b:s0+s20] =	stream.strided.scatter [tilespmem:s11], [sflag:$0x2], $0x5000, s10, s20, $0x38;
	[tilespmem:$0xA500] =	vst v63  }
.Ltmp0:
0x9a: {  	_ = 	snop;
	(pc) =	sbr.rel @p0 .LBB2_2-.Ltmp0, $4  }
0x9b: {  	_ =	swait.ge [sflag:s8], $0x5000  }
0x9c: {  	[sflag:s8] =	ssyncset.done $0x0  }
0x9d: {  	s22 =	sadd.s32 $0x1, s22;
	s0 =	sadd.s32 $0x4, s0;
	[sflag:s8] =	ssyncadd.s32 $0xFFFFB000  }
0x9e: {  	[hbm4b:s0+s20] =	stream.strided.scatter [tilespmem:s12], [sflag:$0x2], $0x5000, s10, s20, $0x38;
	[tilespmem:$0xA500] =	vst v63  }
0x9f: {  	s21 =	sadd.s32 $0x1, s21  }
0xa0: {  	p0 =	sne.s32 s21, s5  }
.Ltmp1:
0xa1: {  	_ = 	snop;
	(pc) =	sbr.rel @p0 .LBB2_1-.Ltmp1, $4  }
0xa2: {  	_ = 	snop  }
0xa3: {  	_ =	swait.ge [sflag:s8], $0x5000  }
0xa4: {  	[sflag:s8] =	ssyncset.done $0x0  }
0xa5: {  	[sflag:s8] =	ssyncadd.s32 $0xFFFFB000  }
0xa6: {  	_ =	sfence.sel $0x180000  }
0xa7: {  	[bflag:$0x0] =	sbarrier.arrive $0xFFFF  }
0xa8: {  	_ =	strace $0x9000004D  }
0xa9: {  	[bflag:$0x2] =	sbarrier.arrive $0xFFFF  }
0xaa: {  	p0 =	sne.s32 s1, $0x0;
	s0 =	rddreg [dreg:$0x1]  }
0xab: {  	s0 =	sadd.s32 @!p0 $0x100000, s0  }
0xac: {  	[sflag:s0] =	ssyncadd.tile.s32 @!p0 $0x1;
	_ =	shalt  }
.Lfunc_end2:
_tile_overlayer_lowered:
.L_overlay_start_2:
0xad: {  	(tag) =	ssettag $0x2  }
0xae: {  	s0 =	rddreg [dreg:$0x0];
	s2 =	stileid.u32  }
0xaf: {  	s1 =	rddreg [dreg:$0x1];
	p0 =	sne.s32 s2, $0x0  }
0xb0: {  	s3 =	rddreg [dreg:$0x2];
	[bflag:$0x3] =	sbarrier.arrive $0xFFFF;
	s2 =	simm.s32 @!p0 $0x1C02  }
0xb1: {  	[timem:s3], [sflag:s2] =	dma.local @!p0 [hbm:s0], s1  }
0xb2: {  	s0 =	simm.s32 @!p0 $0x2  }
0xb3: {  	_ =	swait.ge @!p0 [sflag:s0], s1  }
0xb4: {  	s1 =	ssub.s32 @!p0 $0x0, s1;
	[sflag:s0] =	ssyncset.done @!p0 $0x0  }
0xb5: {  	[sflag:s0] =	ssyncadd.s32 @!p0 s1  }
0xb6: {  	[bflag:$0x3] =	sbarrier.arrive $0xFFFF  }
0xb7: {  	_ =	shalt  }

// kernel: kernel.21.cloned.1.call-start
scs
__scs_entry_jumppad:
0x0: {  	(pc) =	sbr.rel $0x88, $3  }
0x1: {  	(tag) =	ssettag $0x0;
	lr =	simm.s32 $0x1  }
0x2: {  	[smem:$0x3F9B] =	sst lr;
	_ =	strace $0xD0000000  }
0x3: {  	_ = 	snop  }
0x4: {  	_ = 	snop  }
0x5: {  	_ = 	snop  }
0x6: {  	_ = 	snop  }
0x7: {  	_ = 	snop  }
__scs_overlays_trampoline_lowered:
0x8: {  	[smem:$0x3FAA] =	sst s0  }
0x9: {  	[smem:$0x3FAB] =	sst s1  }
0xa: {  	[smem:$0x3FAC] =	sst s2  }
0xb: {  	[smem:$0x3FAD] =	sst s3  }
0xc: {  	[smem:$0x3FAE] =	sst s4  }
0xd: {  	[smem:$0x3FAF] =	sst s5  }
0xe: {  	[smem:$0x3FB0] =	sst s6  }
0xf: {  	[smem:$0x3FB1] =	sst s7  }
0x10: {  	[smem:$0x3FB2] =	sst s8  }
0x11: {  	[smem:$0x3FB3] =	sst s9;
	s0 =	simm.s32 @!p0 $0x0  }
0x12: {  	s1 =	sld [smem:$0x3F99];
	s0 =	simm.s32 @p0 $0x1  }
0x13: {  	[smem:$0x3FB4] =	sst s0;
	s0 =	simm.s32 @!p1 $0x0  }
0x14: {  	s2 =	sld [smem:$0x3F98];
	s0 =	simm.s32 @p1 $0x1  }
0x15: {  	[smem:$0x3FB5] =	sst s0;
	s0 =	simm.s32 @!p2 $0x0  }
0x16: {  	s3 =	sld [smem:$0x3FDB];
	s0 =	simm.s32 @p2 $0x1  }
0x17: {  	s4 =	simm.s32 $0x1BF5;
	[smem:$0x3FB7] =	sst s0  }
0x18: {  	s0 =	sld [smem:$0x3F9A];
	_ =	swait.ge [sflag:s4], $0x0  }
0x19: {  	s7 =	sld [smem:$0x3F9B]  }
0x1a: {  	s8 =	sadd.s32 $0xFFFFE003, lr  }
0x1b: {  	s9 =	sadd.s32 $0xFFFFFEF7, lr;
	s5 =	simm.s32 $0xFFFFFFFF;
	p2 =	slt.u32 s8, $0xFFFFF086  }
0x1c: {  	p1 =	slt.u32 s9, $0xF7A;
	s5 =	simm.s32 @!p2 $0x0  }
0x1d: {  	s5 =	simm.s32 @p1 $0x1;
	p0 =	seq.s32 s7, s2  }
0x1e: {  	s7 =	smul.u32 @!p0 $0xF7A, s2;
	p2 =	seq.s32 @!p0 s5, $0x0  }
0x1f: {  	s9 =	smul.u32 $0xF7A, s1;
	s8 =	simm.s32 @!p0 $0x1BF5;
	p2 =	por !p2, p0  }
0x20: {  	[sflag:s8] =	ssyncset.s32 @!p0 $0xFFFFF086;
	s6 =	sadd.s32 @!p0 s3, s7;
	s7 =	simm.s32 @!p0 $0x108  }
0x21: {  	s3 =	sadd.s32 s3, s9;
	s6 =	sadd.s32 @!p0 $0x88, s6;
	s7 =	simm.s32 @p2 $0x1082  }
0x22: {  	[simem:s7], [sflag:s8] =	dma.local @!p0 [hbm:s6], $0xF7A  }
0x23: {  	s9 =	sor.u32 $0xD0000000, s2;
	s6 =	simm.s32 $0x108;
	_ =	swait.ge @!p0 [sflag:s8], $0x0  }
0x24: {  	s3 =	sadd.s32 $0x88, s3;
	s6 =	simm.s32 @!p1 $0x1082;
	[sflag:s4] =	ssyncset.s32 $0xFFFFF086  }
0x25: {  	[simem:s6], [sflag:s4] =	dma.local [hbm:s3], $0xF7A  }
0x26: {  	[smem:$0x3F9B] =	sst s1;
	(tag) =	ssettag s2;
	_ =	strace s9  }
0x27: {  	s1 =	sld [smem:$0x3FAB]  }
0x28: {  	s2 =	sld [smem:$0x3FAC]  }
0x29: {  	s4 =	sld [smem:$0x3FAE]  }
0x2a: {  	p0 =	seq.s32 s5, $0x0;
	s5 =	sld [smem:$0x3FAF]  }
0x2b: {  	s6 =	sld [smem:$0x3FB0]  }
0x2c: {  	s7 =	sld [smem:$0x3FB1]  }
0x2d: {  	s3 =	simm.s32 $0x108;
	s8 =	sld [smem:$0x3FB2]  }
0x2e: {  	s3 =	simm.s32 @!p0 $0x1082;
	s9 =	sld [smem:$0x3FB3]  }
0x2f: {  	lr =	sadd.s32 s0, s3;
	s0 =	sld [smem:$0x3FAA]  }
0x30: {  	s3 =	sld [smem:$0x3FAD]  }
0x31: {  	[smem:$0x3FB6] =	sst s10  }
0x32: {  	s10 =	sld [smem:$0x3FB4];
	_ =	sdelay $0x3  }
0x33: {  	p0 =	seq.s32 s10, $0x1;
	s10 =	sld [smem:$0x3FB6];
	_ =	sdelay $0x3  }
0x34: {  	[smem:$0x3FB6] =	sst s10  }
0x35: {  	s10 =	sld [smem:$0x3FB5];
	_ =	sdelay $0x3  }
0x36: {  	p1 =	seq.s32 s10, $0x1;
	s10 =	sld [smem:$0x3FB6];
	_ =	sdelay $0x3  }
0x37: {  	[smem:$0x3FB6] =	sst s10  }
0x38: {  	s10 =	sld [smem:$0x3FB7]  }
0x39: {  	_ = 	snop;
	(pc) =	sbr.ind lr, $3  }
0x3a: {  	_ = 	snop  }
0x3b: {  	_ = 	snop  }
0x3c: {  	p2 =	seq.s32 s10, $0x1;
	s10 =	sld [smem:$0x3FB6]  }
0x3d: {  	_ =	shalt  }
0x3e: {  	_ =	shalt  }
0x3f: {  	_ =	shalt  }
0x40: {  	_ =	shalt  }
0x41: {  	_ =	shalt  }
0x42: {  	_ =	shalt  }
0x43: {  	_ =	shalt  }
0x44: {  	_ =	shalt  }
0x45: {  	_ =	shalt  }
0x46: {  	_ =	shalt  }
0x47: {  	_ =	shalt  }
0x48: {  	_ =	shalt  }
0x49: {  	_ =	shalt  }
0x4a: {  	_ =	shalt  }
0x4b: {  	_ =	shalt  }
0x4c: {  	_ =	shalt  }
0x4d: {  	_ =	shalt  }
0x4e: {  	_ =	shalt  }
0x4f: {  	_ =	shalt  }
0x50: {  	_ =	shalt  }
0x51: {  	_ =	shalt  }
0x52: {  	_ =	shalt  }
0x53: {  	_ =	shalt  }
0x54: {  	_ =	shalt  }
0x55: {  	_ =	shalt  }
0x56: {  	_ =	shalt  }
0x57: {  	_ =	shalt  }
0x58: {  	_ =	shalt  }
0x59: {  	_ =	shalt  }
0x5a: {  	_ =	shalt  }
0x5b: {  	_ =	shalt  }
0x5c: {  	_ =	shalt  }
0x5d: {  	_ =	shalt  }
0x5e: {  	_ =	shalt  }
0x5f: {  	_ =	shalt  }
0x60: {  	_ =	shalt  }
0x61: {  	_ =	shalt  }
0x62: {  	_ =	shalt  }
0x63: {  	_ =	shalt  }
0x64: {  	_ =	shalt  }
0x65: {  	_ =	shalt  }
0x66: {  	_ =	shalt  }
0x67: {  	_ =	shalt  }
0x68: {  	_ =	shalt  }
0x69: {  	_ =	shalt  }
0x6a: {  	_ =	shalt  }
0x6b: {  	_ =	shalt  }
0x6c: {  	_ =	shalt  }
0x6d: {  	_ =	shalt  }
0x6e: {  	_ =	shalt  }
0x6f: {  	_ =	shalt  }
0x70: {  	_ =	shalt  }
0x71: {  	_ =	shalt  }
0x72: {  	_ =	shalt  }
0x73: {  	_ =	shalt  }
0x74: {  	_ =	shalt  }
0x75: {  	_ =	shalt  }
0x76: {  	_ =	shalt  }
0x77: {  	_ =	shalt  }
0x78: {  	_ =	shalt  }
0x79: {  	_ =	shalt  }
0x7a: {  	_ =	shalt  }
0x7b: {  	_ =	shalt  }
0x7c: {  	_ =	shalt  }
0x7d: {  	_ =	shalt  }
0x7e: {  	_ =	shalt  }
0x7f: {  	_ =	shalt  }
0x80: {  	_ =	shalt  }
0x81: {  	_ =	shalt  }
0x82: {  	_ =	shalt  }
0x83: {  	_ =	shalt  }
0x84: {  	_ =	shalt  }
0x85: {  	_ =	shalt  }
0x86: {  	_ =	shalt  }
0x87: {  	_ =	shalt  }
.Lfunc_end0:
.L_simem_size_0:
called_computation.3_lowered:
.L_overlay_start_0:
0x88: {  	s2 =	sld [smem:$0x3FD9]  }
0x89: {  	s3 =	sld [smem:$0x3FFE];
	_ =	sdelay $0x1  }
0x8a: {  	s1 =	srdreg.scid  }
0x8b: {  	s0 =	sand.u32 $0x1, s1  }
0x8c: {  	s17 =	sshll.u32 s0, $0xA;
	s2 =	sadd.s32 s3, s2  }
0x8d: {  	s2 =	sadd.s32 s2, s17  }
0x8e: {  	[smem:$0x3FC2] =	sst s2  }
0x8f: {  	_ = 	snop  }
0x90: {  	(tm) =	ssettm $0x1  }
0x91: {  	s18 =	sld [smem:$0x3FFB];
	_ =	sdelay $0x3  }
0x92: {  	_ =	strace s18  }
0x93: {  	s2 =	sld [smem:$0x3FFC];
	_ =	sdelay $0x3  }
0x94: {  	_ =	strace s2  }
0x95: {  	s2 =	sld [smem:$0x3FFD];
	_ =	sdelay $0x3  }
0x96: {  	_ =	strace s2  }
0x97: {  	_ =	strace $0x8FFFFFFF  }
0x98: {  	s19 =	sld [smem:$0x3FDB];
	_ =	sdelay $0x1  }
0x99: {  	s20 =	simm.s32 $_scs_section_size  }
0x9a: {  	s4 =	simm.s32 $_size__tile_overlayer_lowered;
	s5 =	simm.s32 $_tile_overlayer_lowered  }
0x9b: {  	s6 =	simm.s32 $0x1BFF;
	s21 =	sshll.u32 s5, $0x1;
	s3 =	sadd.s32 s20, s19  }
0x9c: {  	s22 =	simm.s32 $0x0;
	s4 =	sshll.u32 s4, $0x1;
	s5 =	sadd.s32 s21, s3  }
0x9d: {  	[timem:s22], [sflag:s6] =	dma.local [hbm:s5], s4  }
0x9e: {  	_ =	swait.ge [sflag:s6], s4  }
0x9f: {  	s4 =	ssub.s32 $0x0, s4;
	[sflag:s6] =	ssyncset.done $0x0  }
0xa0: {  	[sflag:s6] =	ssyncadd.s32 s4;
	_ =	sdelay $0x1  }
0xa1: {  	s23 =	simm.s32 $0x1B8B  }
0xa2: {  	_ =	swait.ge [sflag:s23], $0x1  }
0xa3: {  	[sflag:s23] =	ssyncset.done $0x0  }
0xa4: {  	[sflag:s23] =	ssyncadd.s32 $0xFFFFFFFF  }
0xa5: {  	s4 =	sld [smem:$0x0]  }
0xa6: {  	s5 =	sand.u32 $0xFFFFFFFE, s1  }
0xa7: {  	p0 =	sne.s32 s1, s5  }
0xa8: {  	s5 =	sshll.u32 @p0 s5, $0xE  }
0xa9: {  	s5 =	sadd.s32 @p0 $0x11B8D, s5;
	s6 =	sshll.u32 @p0 s4, $0x11  }
0xaa: {  	s5 =	sor.u32 @p0 s6, s5  }
0xab: {  	[sflag:s5] =	ssyncadd.remote.s32 @p0 $0x1;
	_ =	sdelay $0x1  }
0xac: {  	s5 =	simm.s32 @p0 $0x1B8D  }
0xad: {  	_ =	swait.eq @p0 [sflag:s5], $0x1  }
0xae: {  	[sflag:s5] =	ssyncadd.s32 @p0 $0xFFFFFFFF  }
0xaf: {  	s6 =	sshll.u32 @!p0 s1, $0xE  }
0xb0: {  	s6 =	sor.u32 @!p0 $0x4000, s6;
	s5 =	simm.s32 @!p0 $0x1B8D  }
0xb1: {  	s4 =	sshll.u32 @!p0 s4, $0x11;
	s6 =	sadd.s32 @!p0 $0x11B8D, s6;
	_ =	swait.eq @!p0 [sflag:s5], $0x1  }
0xb2: {  	s4 =	sor.u32 @!p0 s4, s6;
	[sflag:s5] =	ssyncadd.s32 @!p0 $0xFFFFFFFF  }
0xb3: {  	s25 =	simm.s32 $0x1B8E;
	s24 =	sld [smem:$0x3FFE];
	[sflag:s4] =	ssyncadd.remote.s32 @!p0 $0x1  }
0xb4: {  	s26 =	simm.s32 $execute0_lowered;
	[smem:$0x3FD2] =	sst s25  }
0xb5: {  	s5 =	sshll.u32 s26, $0x1;
	_ =	strace $0x8000004F;
	[dreg:$0x1] =	wrdreg $0xFFFFFFFF  }
0xb6: {  	s28 =	simm.s32 $_size_execute0_lowered;
	s3 =	sadd.s32 s3, s5;
	[dreg:$0x0] =	wrdreg $0x0  }
0xb7: {  	s5 =	sshll.u32 s28, $0x1;
	[dreg:$0x2] =	wrdreg s3  }
0xb8: {  	[dreg:$0x3] =	wrdreg s5  }
0xb9: {  	[dreg:$0x4] =	wrdreg $0xC0  }
0xba: {  	_ =	task [dreg:s22], $0x5FFFF  }
0xbb: {  	[dreg:$0x1] =	wrdreg $0xFFFFFFFF  }
0xbc: {  	[dreg:$0x0] =	wrdreg $0x60  }
0xbd: {  	[dreg:$0x2] =	wrdreg s24  }
0xbe: {  	[dreg:$0x3] =	wrdreg $0xC  }
0xbf: {  	_ =	task.clear_ibuf [dreg:s22], $0x4FFFF;
	_ =	strace $0x9000004F  }
0xc0: {  	s29 =	simm.s32 $0xC;
	_ =	strace $0x80000051  }
0xc1: {  	_ =	swait.ge [sflag:s29], $0x1  }
0xc2: {  	[sflag:s29] =	ssyncadd.s32 $0xFFFFFFFF  }
0xc3: {  	_ =	strace $0x90000051  }
0xc4: {  	_ =	sfence  }
0xc5: {  	s30 =	sld [smem:$0x0];
	_ =	sdelay $0x2  }
0xc6: {  	s31 =	sshll.u32 s1, $0xD;
	s1 =	sshrl.u32 s1, $0x2  }
0xc7: {  	s4 =	sand.u32 $0x4000, s31;
	s1 =	sadd.s32 s1, s30  }
0xc8: {  	s0 =	sor.u32 s4, s0;
	s1 =	sshll.u32 s1, $0x11  }
0xc9: {  	s0 =	sor.u32 s1, s0  }
0xca: {  	s0 =	sadd.s32 $0x8F2B, s0  }
0xcb: {  	[sflag:s0] =	ssyncadd.remote.s32 $0x1  }
0xcc: {  	_ =	sfence.sel $0xFFFF  }
0xcd: {  	[dreg:$0x0] =	wrdreg $0xFFFFFFFF;
	(pc) =	sbr.abs _section_cstart, $3  }
0xce: {  	[dreg:$0x1] =	wrdreg $0xFFFFFFFF  }
0xcf: {  	_ =	task.clear_ibuf [dreg:s22], $0x2FFFF;
	_ =	strace $0x9FFFFFFF  }
0xd0: {  	(tm) =	ssettm $0x7FFFFFFF  }
0xd1: {  	_ =	shalt  }
tec
execute0_lowered:
.L_overlay_start_1:
0x0: {  	(tag) =	ssettag $0x1  }
0x1: {  	s4 =	rddreg [dreg:$0x0];
	s2 =	simm.s32 $0x0;
	s1 =	stileid.u32  }
0x2: {  	s5 =	srdreg.scid;
	s24 =	simm.s32 $0x1500;
	s26 =	simm.s32 $0x300  }
0x3: {  	s28 =	simm.s32 $0x6500;
	s29 =	simm.s32 $0x100;
	s30 =	simm.s32 $0x2500  }
0x4: {  	s31 =	simm.s32 $0x380;
	s10 =	simm.s32 $0x7500;
	s11 =	simm.s32 $0x180  }
0x5: {  	s13 =	simm.s32 $0x3500;
	[smem:$0x7FF] =	sst s2;
	s8 =	sadd.s32 $0x928200, s4  }
0x6: {  	s12 =	simm.s32 $0x5500;
	_ =	strace $0x80000050;
	[dreg:$0x2] =	wrdreg s8  }
0x7: {  	s14 =	simm.s32 $0x8500;
	s15 =	simm.s32 $0x200;
	[dreg:$0x4] =	wrdreg s24  }
0x8: {  	s16 =	simm.s32 $0x4500;
	s17 =	simm.s32 $0x480;
	[dreg:$0x5] =	wrdreg s26  }
0x9: {  	s18 =	simm.s32 $0x9500;
	s19 =	simm.s32 $0x1;
	[dreg:$0x6] =	wrdreg s28  }
0xa: {  	s20 =	simm.s32 $0x20;
	s21 =	simm.s32 $0x0;
	[dreg:$0x7] =	wrdreg s29  }
0xb: {  	s5 =	sand.u32 $0x1, s5;
	s6 =	sshll.u32 s1, $0x1;
	[dreg:$0x8] =	wrdreg s30  }
0xc: {  	s3 =	smul.u32 $0x640, s1;
	s6 =	sor.u32 s5, s6;
	[dreg:$0x9] =	wrdreg s31  }
0xd: {  	s9 =	ssub.s32 $0x2, s5;
	s25 =	smul.u32 $0x320, s5;
	[dreg:$0xa] =	wrdreg s10  }
0xe: {  	s10 =	simm.s32 $0x80;
	[dreg:$0xb] =	wrdreg s11;
	s11 =	simm.s32 $0x500  }
0xf: {  	[dreg:$0xc] =	wrdreg s13;
	s13 =	simm.s32 $0x400;
	s7 =	sadd.s32 s3, s4  }
0x10: {  	s3 =	sadd.s32 $0x98200, s4;
	s6 =	smul.u32 $0xC80, s6;
	s23 =	sshrl.u32 s9, $0x1  }
0x11: {  	s4 =	sadd.s32 $0x28200, s4;
	s8 =	ssub.s32 s9, s23;
	s7 =	sadd.s32 s25, s7  }
0x12: {  	s9 =	simm.s32 $0x280;
	[dreg:$0x3] =	wrdreg s6;
	s5 =	smax.u32 s8, $0x1  }
0x13: {  	s6 =	sadd.s32 $0x21E00, s7;
	s7 =	sadd.s32 $0xF200, s7;
	s8 =	simm.s32 $0x2  }
.LBB2_1:
0x14: {  	[tilespmem:s2], [sflag:$0x2] =	stream.linear.gather [hbm4b:s7+s2], $0x280, $0x38;
	[tilespmem:$0xA500] =	vst v63  }
0x15: {  	_ =	swait.ge [sflag:s8], $0x280  }
0x16: {  	[sflag:s8] =	ssyncset.done $0x0  }
0x17: {  	[sflag:s8] =	ssyncadd.s32 $0xFFFFFD80  }
0x18: {  	[tilespmem:s9], [sflag:$0x2] =	stream.linear.gather [hbm4b:s6+s2], $0x280, $0x38;
	[tilespmem:$0xA500] =	vst v63  }
0x19: {  	_ =	swait.ge [sflag:s8], $0x280  }
0x1a: {  	s22 =	rddreg [dreg:$0xc]  }
0x1b: {  	s23 =	rddreg [dreg:$0x4];
	[sflag:s8] =	ssyncset.done $0x0  }
0x1c: {  	s24 =	rddreg [dreg:$0x6];
	[sflag:s8] =	ssyncadd.s32 $0xFFFFFD80  }
0x1d: {  	[tilespmem:s11], [sflag:$0x1] =	stream.indirect.gather [hbm4b:s3+s10], $0x20, s2, s10, $0xb8;
	[tilespmem:$0xA500] =	vst v63  }
0x1e: {  	s25 =	rddreg [dreg:$0x8]  }
0x1f: {  	[tilespmem:s12], [sflag:$0x1] =	stream.indirect.gather [hbm4b:s4+s10], $0x20, s9, s10, $0xb8;
	[tilespmem:$0xA500] =	vst v63  }
0x20: {  	s26 =	rddreg [dreg:$0xa]  }
0x21: {  	[tilespmem:s23], [sflag:$0x1] =	stream.indirect.gather [hbm4b:s3+s10], $0x20, s10, s10, $0xb8;
	[tilespmem:$0xA500] =	vst v63  }
0x22: {  	s28 =	rddreg [dreg:$0x5]  }
0x23: {  	[tilespmem:s24], [sflag:$0x1] =	stream.indirect.gather [hbm4b:s4+s10], $0x20, s28, s10, $0xb8;
	[tilespmem:$0xA500] =	vst v63  }
0x24: {  	s31 =	rddreg [dreg:$0x7]  }
0x25: {  	[tilespmem:s25], [sflag:$0x1] =	stream.indirect.gather [hbm4b:s3+s10], $0x20, s31, s10, $0xb8;
	[tilespmem:$0xA500] =	vst v63  }
0x26: {  	s0 =	rddreg [dreg:$0x9]  }
0x27: {  	[tilespmem:s26], [sflag:$0x1] =	stream.indirect.gather [hbm4b:s4+s10], $0x20, s0, s10, $0xb8;
	[tilespmem:$0xA500] =	vst v63  }
0x28: {  	s28 =	rddreg [dreg:$0xb]  }
0x29: {  	[tilespmem:s22], [sflag:$0x1] =	stream.indirect.gather [hbm4b:s3+s10], $0x20, s28, s10, $0xb8;
	[tilespmem:$0xA500] =	vst v63  }
0x2a: {  	_ = 	snop  }
0x2b: {  	[tilespmem:s14], [sflag:$0x1] =	stream.indirect.gather [hbm4b:s4+s10], $0x20, s13, s10, $0xb8;
	[tilespmem:$0xA500] =	vst v63  }
0x2c: {  	_ = 	snop  }
0x2d: {  	[tilespmem:s16], [sflag:$0x1] =	stream.indirect.gather [hbm4b:s3+s10], $0x20, s15, s10, $0xb8;
	[tilespmem:$0xA500] =	vst v63  }
0x2e: {  	_ = 	snop  }
0x2f: {  	[tilespmem:s18], [sflag:$0x1] =	stream.indirect.gather [hbm4b:s4+s10], $0x20, s17, s10, $0xb8;
	[tilespmem:$0xA500] =	vst v63  }
0x30: {  	_ =	swait.ge [sflag:s19], $0x1000  }
0x31: {  	[sflag:s19] =	ssyncset.done $0x0  }
0x32: {  	[sflag:s19] =	ssyncadd.s32 $0xFFFFF000  }
0x33: {  	_ =	swait.ge [sflag:s19], $0x1000  }
0x34: {  	[sflag:s19] =	ssyncset.done $0x0  }
0x35: {  	[sflag:s19] =	ssyncadd.s32 $0xFFFFF000  }
0x36: {  	_ =	swait.ge [sflag:s19], $0x1000  }
0x37: {  	[sflag:s19] =	ssyncset.done $0x0  }
0x38: {  	[sflag:s19] =	ssyncadd.s32 $0xFFFFF000  }
0x39: {  	_ =	swait.ge [sflag:s19], $0x1000  }
0x3a: {  	[sflag:s19] =	ssyncset.done $0x0  }
0x3b: {  	[sflag:s19] =	ssyncadd.s32 $0xFFFFF000  }
0x3c: {  	_ =	swait.ge [sflag:s19], $0x1000  }
0x3d: {  	[sflag:s19] =	ssyncset.done $0x0  }
0x3e: {  	[sflag:s19] =	ssyncadd.s32 $0xFFFFF000  }
0x3f: {  	_ =	swait.ge [sflag:s19], $0x1000  }
0x40: {  	[sflag:s19] =	ssyncset.done $0x0  }
0x41: {  	[sflag:s19] =	ssyncadd.s32 $0xFFFFF000  }
0x42: {  	_ =	swait.ge [sflag:s19], $0x1000  }
0x43: {  	[sflag:s19] =	ssyncset.done $0x0  }
0x44: {  	[sflag:s19] =	ssyncadd.s32 $0xFFFFF000  }
0x45: {  	_ =	swait.ge [sflag:s19], $0x1000  }
0x46: {  	[sflag:s19] =	ssyncset.done $0x0  }
0x47: {  	[sflag:s19] =	ssyncadd.s32 $0xFFFFF000  }
0x48: {  	_ =	swait.ge [sflag:s19], $0x1000  }
0x49: {  	s29 =	simm.s32 $0xFFFFFFFB;
	[sflag:s19] =	ssyncset.done $0x0  }
0x4a: {  	s22 =	smin.u32 s2, s29;
	[sflag:s19] =	ssyncadd.s32 $0xFFFFF000  }
0x4b: {  	s22 =	smul.u32 $0x280, s22;
	_ =	swait.ge [sflag:s19], $0x1000  }
0x4c: {  	s30 =	rddreg [dreg:$0x3]  }
0x4d: {  	p0 =	por $0x0, $0x0;
	s23 =	simm.s32 $0x40;
	s22 =	sadd.s32 s30, s22  }
0x4e: {  	s23 =	simm.s32 @!p0 $0x4;
	s22 =	sshll.u32 s22, $0x7  }
0x4f: {  	s22 =	sor.u32 s23, s22  }
0x50: {  	s31 =	rddreg [dreg:$0x2];
	[sflag:s19] =	ssyncset.done $0x0;
	s22 =	sshrl.u32 s22, $0x3  }
0x51: {  	[sflag:s19] =	ssyncadd.s32 $0xFFFFF000;
	s22 =	sadd.s32 s31, s22  }
0x52: {  	[hbm4b:s22+s20] =	stream.strided.scatter [tilespmem:s11], [sflag:$0x2], $0x5000, s10, s20, $0x38;
	[tilespmem:$0xA500] =	vst v63  }
0x53: {  	_ =	swait.ge [sflag:s8], $0x5000  }
0x54: {  	[sflag:s8] =	ssyncset.done $0x0  }
0x55: {  	s22 =	sadd.s32 $0x4, s22;
	[sflag:s8] =	ssyncadd.s32 $0xFFFFB000  }
0x56: {  	[hbm4b:s22+s20] =	stream.strided.scatter [tilespmem:s12], [sflag:$0x2], $0x5000, s10, s20, $0x38;
	[tilespmem:$0xA500] =	vst v63  }
0x57: {  	s24 =	smov.u32 s7;
	s23 =	smov.u32 s6;
	s22 =	simm.s32 $0x1  }
.LBB2_2:
0x58: {  	_ =	swait.ge [sflag:s8], $0x5000  }
0x59: {  	[sflag:s8] =	ssyncset.done $0x0  }
0x5a: {  	s24 =	sadd.s32 $0x50, s24;
	[sflag:s8] =	ssyncadd.s32 $0xFFFFB000  }
0x5b: {  	[tilespmem:s2], [sflag:$0x2] =	stream.linear.gather [hbm4b:s24+s2], $0x280, $0x38;
	[tilespmem:$0xA500] =	vst v63  }
0x5c: {  	_ =	swait.ge [sflag:s8], $0x280  }
0x5d: {  	[sflag:s8] =	ssyncset.done $0x0  }
0x5e: {  	s23 =	sadd.s32 $0x50, s23;
	[sflag:s8] =	ssyncadd.s32 $0xFFFFFD80  }
0x5f: {  	[tilespmem:s9], [sflag:$0x2] =	stream.linear.gather [hbm4b:s23+s2], $0x280, $0x38;
	[tilespmem:$0xA500] =	vst v63  }
0x60: {  	_ =	swait.ge [sflag:s8], $0x280  }
0x61: {  	s26 =	rddreg [dreg:$0xc]  }
0x62: {  	[sflag:s8] =	ssyncset.done $0x0;
	s28 =	rddreg [dreg:$0x4]  }
0x63: {  	s29 =	rddreg [dreg:$0x6];
	[sflag:s8] =	ssyncadd.s32 $0xFFFFFD80  }
0x64: {  	[tilespmem:s11], [sflag:$0x1] =	stream.indirect.gather [hbm4b:s3+s10], $0x20, s2, s10, $0xb8;
	[tilespmem:$0xA500] =	vst v63  }
0x65: {  	s30 =	rddreg [dreg:$0x8]  }
0x66: {  	[tilespmem:s12], [sflag:$0x1] =	stream.indirect.gather [hbm4b:s4+s10], $0x20, s9, s10, $0xb8;
	[tilespmem:$0xA500] =	vst v63  }
0x67: {  	s31 =	rddreg [dreg:$0xa]  }
0x68: {  	[tilespmem:s28], [sflag:$0x1] =	stream.indirect.gather [hbm4b:s3+s10], $0x20, s10, s10, $0xb8;
	[tilespmem:$0xA500] =	vst v63  }
0x69: {  	s0 =	rddreg [dreg:$0x5]  }
0x6a: {  	[tilespmem:s29], [sflag:$0x1] =	stream.indirect.gather [hbm4b:s4+s10], $0x20, s0, s10, $0xb8;
	[tilespmem:$0xA500] =	vst v63  }
0x6b: {  	s28 =	rddreg [dreg:$0x7]  }
0x6c: {  	[tilespmem:s30], [sflag:$0x1] =	stream.indirect.gather [hbm4b:s3+s10], $0x20, s28, s10, $0xb8;
	[tilespmem:$0xA500] =	vst v63  }
0x6d: {  	s29 =	rddreg [dreg:$0x9]  }
0x6e: {  	[tilespmem:s31], [sflag:$0x1] =	stream.indirect.gather [hbm4b:s4+s10], $0x20, s29, s10, $0xb8;
	[tilespmem:$0xA500] =	vst v63  }
0x6f: {  	s30 =	rddreg [dreg:$0xb]  }
0x70: {  	[tilespmem:s26], [sflag:$0x1] =	stream.indirect.gather [hbm4b:s3+s10], $0x20, s30, s10, $0xb8;
	[tilespmem:$0xA500] =	vst v63  }
0x71: {  	_ = 	snop  }
0x72: {  	[tilespmem:s14], [sflag:$0x1] =	stream.indirect.gather [hbm4b:s4+s10], $0x20, s13, s10, $0xb8;
	[tilespmem:$0xA500] =	vst v63  }
0x73: {  	_ = 	snop  }
0x74: {  	[tilespmem:s16], [sflag:$0x1] =	stream.indirect.gather [hbm4b:s3+s10], $0x20, s15, s10, $0xb8;
	[tilespmem:$0xA500] =	vst v63  }
0x75: {  	_ = 	snop  }
0x76: {  	[tilespmem:s18], [sflag:$0x1] =	stream.indirect.gather [hbm4b:s4+s10], $0x20, s17, s10, $0xb8;
	[tilespmem:$0xA500] =	vst v63  }
0x77: {  	_ =	swait.ge [sflag:s19], $0x1000  }
0x78: {  	[sflag:s19] =	ssyncset.done $0x0  }
0x79: {  	[sflag:s19] =	ssyncadd.s32 $0xFFFFF000  }
0x7a: {  	_ =	swait.ge [sflag:s19], $0x1000  }
0x7b: {  	[sflag:s19] =	ssyncset.done $0x0  }
0x7c: {  	[sflag:s19] =	ssyncadd.s32 $0xFFFFF000  }
0x7d: {  	_ =	swait.ge [sflag:s19], $0x1000  }
0x7e: {  	[sflag:s19] =	ssyncset.done $0x0  }
0x7f: {  	[sflag:s19] =	ssyncadd.s32 $0xFFFFF000  }
0x80: {  	_ =	swait.ge [sflag:s19], $0x1000  }
0x81: {  	[sflag:s19] =	ssyncset.done $0x0  }
0x82: {  	[sflag:s19] =	ssyncadd.s32 $0xFFFFF000  }
0x83: {  	_ =	swait.ge [sflag:s19], $0x1000  }
0x84: {  	[sflag:s19] =	ssyncset.done $0x0  }
0x85: {  	[sflag:s19] =	ssyncadd.s32 $0xFFFFF000  }
0x86: {  	_ =	swait.ge [sflag:s19], $0x1000  }
0x87: {  	[sflag:s19] =	ssyncset.done $0x0  }
0x88: {  	[sflag:s19] =	ssyncadd.s32 $0xFFFFF000  }
0x89: {  	_ =	swait.ge [sflag:s19], $0x1000  }
0x8a: {  	[sflag:s19] =	ssyncset.done $0x0  }
0x8b: {  	[sflag:s19] =	ssyncadd.s32 $0xFFFFF000  }
0x8c: {  	_ =	swait.ge [sflag:s19], $0x1000  }
0x8d: {  	[sflag:s19] =	ssyncset.done $0x0  }
0x8e: {  	[sflag:s19] =	ssyncadd.s32 $0xFFFFF000  }
0x8f: {  	s25 =	smov.u32 s22;
	_ =	swait.ge [sflag:s19], $0x1000  }
0x90: {  	s29 =	sadd.s32 $0xFFFFFFFB, s25;
	[sflag:s19] =	ssyncset.done $0x0  }
0x91: {  	s0 =	smin.u32 s25, s29;
	[sflag:s19] =	ssyncadd.s32 $0xFFFFF000  }
0x92: {  	s0 =	smul.u32 $0x280, s0;
	_ =	swait.ge [sflag:s19], $0x1000  }
0x93: {  	s30 =	rddreg [dreg:$0x3]  }
0x94: {  	p1 =	sgt.u32 s25, $0x4;
	s25 =	simm.s32 $0x40;
	s0 =	sadd.s32 s30, s0  }
0x95: {  	s25 =	simm.s32 @!p1 $0x4;
	s0 =	sshll.u32 s0, $0x7  }
0x96: {  	s0 =	sor.u32 s25, s0  }
0x97: {  	s31 =	rddreg [dreg:$0x2];
	[sflag:s19] =	ssyncset.done $0x0;
	s0 =	sshrl.u32 s0, $0x3  }
0x98: {  	p0 =	sne.s32 s22, $0x9;
	[sflag:s19] =	ssyncadd.s32 $0xFFFFF000;
	s0 =	sadd.s32 s31, s0  }
0x99: {  	[hbm4b:s0+s20] =	stream.strided.scatter [tilespmem:s11], [sflag:$0x2], $0x5000, s10, s20, $0x38;
	[tilespmem:$0xA500] =	vst v63  }
.Ltmp0:
0x9a: {  	_ = 	snop;
	(pc) =	sbr.rel @p0 .LBB2_2-.Ltmp0, $4  }
0x9b: {  	_ =	swait.ge [sflag:s8], $0x5000  }
0x9c: {  	[sflag:s8] =	ssyncset.done $0x0  }
0x9d: {  	s22 =	sadd.s32 $0x1, s22;
	s0 =	sadd.s32 $0x4, s0;
	[sflag:s8] =	ssyncadd.s32 $0xFFFFB000  }
0x9e: {  	[hbm4b:s0+s20] =	stream.strided.scatter [tilespmem:s12], [sflag:$0x2], $0x5000, s10, s20, $0x38;
	[tilespmem:$0xA500] =	vst v63  }
0x9f: {  	s21 =	sadd.s32 $0x1, s21  }
0xa0: {  	p0 =	sne.s32 s21, s5  }
.Ltmp1:
0xa1: {  	_ = 	snop;
	(pc) =	sbr.rel @p0 .LBB2_1-.Ltmp1, $4  }
0xa2: {  	_ = 	snop  }
0xa3: {  	_ =	swait.ge [sflag:s8], $0x5000  }
0xa4: {  	[sflag:s8] =	ssyncset.done $0x0  }
0xa5: {  	[sflag:s8] =	ssyncadd.s32 $0xFFFFB000  }
0xa6: {  	_ =	sfence.sel $0x180000  }
0xa7: {  	[bflag:$0x0] =	sbarrier.arrive $0xFFFF  }
0xa8: {  	_ =	strace $0x90000050  }
0xa9: {  	[bflag:$0x2] =	sbarrier.arrive $0xFFFF  }
0xaa: {  	p0 =	sne.s32 s1, $0x0;
	s0 =	rddreg [dreg:$0x1]  }
0xab: {  	s0 =	sadd.s32 @!p0 $0x100000, s0  }
0xac: {  	[sflag:s0] =	ssyncadd.tile.s32 @!p0 $0x1;
	_ =	shalt  }
.Lfunc_end2:
_tile_overlayer_lowered:
.L_overlay_start_2:
0xad: {  	(tag) =	ssettag $0x2  }
0xae: {  	s0 =	rddreg [dreg:$0x0];
	s2 =	stileid.u32  }
0xaf: {  	s1 =	rddreg [dreg:$0x1];
	p0 =	sne.s32 s2, $0x0  }
0xb0: {  	s3 =	rddreg [dreg:$0x2];
	[bflag:$0x3] =	sbarrier.arrive $0xFFFF;
	s2 =	simm.s32 @!p0 $0x1C02  }
0xb1: {  	[timem:s3], [sflag:s2] =	dma.local @!p0 [hbm:s0], s1  }
0xb2: {  	s0 =	simm.s32 @!p0 $0x2  }
0xb3: {  	_ =	swait.ge @!p0 [sflag:s0], s1  }
0xb4: {  	s1 =	ssub.s32 @!p0 $0x0, s1;
	[sflag:s0] =	ssyncset.done @!p0 $0x0  }
0xb5: {  	[sflag:s0] =	ssyncadd.s32 @!p0 s1  }
0xb6: {  	[bflag:$0x3] =	sbarrier.arrive $0xFFFF  }
0xb7: {  	_ =	shalt  }

</sc_bundles>
